<compile_context>
chip_gen: v7x
topology: tpu7x:2x2x1
jax: 0.10.2.dev20260603
libtpu: 0.0.44.dev20260713+nightly
codegen_flags: <defaults>
</compile_context>

<pallas_src>
import functools

import jax
import jax.numpy as jnp
from jax import lax
from jax.experimental import pallas as pl
from jax.experimental.pallas import tpu as pltpu
from jax.experimental.pallas import tpu_sc as plsc

B, M, D, OUT = 4096, 16384, 128, 1
BBLK = 256
MCHUNK = 2048
NCH = M // MCHUNK
R = C = 128
SCALE = D ** -0.5

_F32 = jnp.float32


def _dot(a, b, dims):
    return lax.dot_general(a, b, (dims, ((), ())),
                           preferred_element_type=_F32)


_NSTEP = B // BBLK

def _sort_stages():
    st = []
    k = 2
    while k <= M:
        d = k // 2
        while d >= 1:
            st.append((k, d))
            d //= 2
        k *= 2
    return st

_STAGES = _sort_stages()
_SPS = -(-len(_STAGES) // (_NSTEP - 1))


def _iota_j():
    r = lax.broadcasted_iota(jnp.int32, (R, C), 0)
    c = lax.broadcasted_iota(jnp.int32, (R, C), 1)
    return r * C + c


def _lex_gt(k1, i1, k2, i2):
    return (k1 > k2) | ((k1 == k2) & (i1 > i2))


def _age_key(age_ref):
    u = lax.bitcast_convert_type(age_ref[...], jnp.int32)
    return u ^ (lax.shift_right_arithmetic(u, 31) & jnp.int32(0x7FFFFFFF))


def _attn_body(x_ref, mem_ref, wq_ref, bq_ref, wk_ref, bk_ref,
               wv_ref, bv_ref, wc1_ref, wc2_ref, bc_ref,
               attn_ref, logit_ref, k_ref, v_ref):
    @pl.when(pl.program_id(0) == 0)
    def _project_kv():
        for i in range(NCH):
            mc = mem_ref[pl.ds(i * MCHUNK, MCHUNK), :]
            k_ref[pl.ds(i * MCHUNK, MCHUNK), :] = (
                _dot(mc, wk_ref[...], ((1,), (0,)))
                + bk_ref[...]).astype(jnp.bfloat16)
            v_ref[pl.ds(i * MCHUNK, MCHUNK), :] = (
                _dot(mc, wv_ref[...], ((1,), (0,)))
                + bv_ref[...]).astype(jnp.bfloat16)

    x = x_ref[...]
    q = ((_dot(x, wq_ref[...], ((1,), (0,))) + bq_ref[...])
         * SCALE).astype(jnp.bfloat16)

    m = jnp.full((BBLK, 1), -jnp.inf, dtype=_F32)
    l = jnp.zeros((BBLK, 1), dtype=_F32)
    chunk_m = []
    for i in range(NCH):
        kc = k_ref[pl.ds(i * MCHUNK, MCHUNK), :]
        s = _dot(q, kc, ((1,), (1,)))
        cm = jnp.max(s, axis=1, keepdims=True)
        mn = jnp.maximum(m, cm)
        p = jnp.exp(s - mn)
        attn_ref[:, pl.ds(i * MCHUNK, MCHUNK)] = p
        l = l * jnp.exp(m - mn) + jnp.sum(p, axis=1, keepdims=True)
        m = mn
        chunk_m.append(mn)

    inv = 1.0 / l
    acc = jnp.zeros((BBLK, D), dtype=_F32)
    for i in range(NCH):
        scale = jnp.exp(chunk_m[i] - m) * inv
        p = attn_ref[:, pl.ds(i * MCHUNK, MCHUNK)] * scale
        attn_ref[:, pl.ds(i * MCHUNK, MCHUNK)] = p
        acc = acc + _dot(p.astype(jnp.bfloat16),
                         v_ref[pl.ds(i * MCHUNK, MCHUNK), :],
                         ((1,), (0,)))

    logit_ref[...] = (_dot(x, wc1_ref[...], ((1,), (0,)))
                      + _dot(acc, wc2_ref[...], ((1,), (0,)))
                      + bc_ref[...])


def _make_attn(interpret=False):
    return pl.pallas_call(
        _attn_body,
        grid=(B // BBLK,),
        in_specs=[
            pl.BlockSpec((BBLK, D), lambda i: (i, 0)),
            pl.BlockSpec((M, D), lambda i: (0, 0)),
            pl.BlockSpec((D, D), lambda i: (0, 0)),
            pl.BlockSpec((1, D), lambda i: (0, 0)),
            pl.BlockSpec((D, D), lambda i: (0, 0)),
            pl.BlockSpec((1, D), lambda i: (0, 0)),
            pl.BlockSpec((D, D), lambda i: (0, 0)),
            pl.BlockSpec((1, D), lambda i: (0, 0)),
            pl.BlockSpec((D, OUT), lambda i: (0, 0)),
            pl.BlockSpec((D, OUT), lambda i: (0, 0)),
            pl.BlockSpec((1, OUT), lambda i: (0, 0)),
        ],
        out_specs=[
            pl.BlockSpec((BBLK, M), lambda i: (i, 0)),
            pl.BlockSpec((BBLK, OUT), lambda i: (i, 0)),
        ],
        out_shape=[
            jax.ShapeDtypeStruct((B, M), _F32),
            jax.ShapeDtypeStruct((B, OUT), _F32),
        ],
        scratch_shapes=[
            pltpu.VMEM((M, D), jnp.bfloat16),
            pltpu.VMEM((M, D), jnp.bfloat16),
        ],
        compiler_params=pltpu.CompilerParams(
            dimension_semantics=("arbitrary",),
            vmem_limit_bytes=110 * 1024 * 1024),
        interpret=interpret,
    )


def _sort_body(age_ref, perm_ref, nage_ref):
    key = _age_key(age_ref)
    j = _iota_j()
    idx = j
    for (k, d) in _STAGES:
        if d < C:
            axis, s = 1, d
        else:
            axis, s = 0, d // C
        sz = (R if axis == 0 else C)
        bit = (j & d) != 0
        asc = (j & k) == 0
        pk = jnp.where(bit, pltpu.roll(key, s, axis),
                       pltpu.roll(key, sz - s, axis))
        pi = jnp.where(bit, pltpu.roll(idx, s, axis),
                       pltpu.roll(idx, sz - s, axis))
        keep = _lex_gt(key, idx, pk, pi) == (bit == asc)
        key = jnp.where(keep, key, pk)
        idx = jnp.where(keep, idx, pi)

    perm_ref[...] = idx
    tk = lax.slice(key, (B // C - 1, C - 1), (B // C, C))
    ti = lax.slice(idx, (B // C - 1, C - 1), (B // C, C))
    ok = _age_key(age_ref)
    sel = (ok < tk) | ((ok == tk) & (j <= ti))
    age = age_ref[...]
    nage_ref[...] = jnp.where(sel, jnp.max(age) + 1.0, age)


def _make_sort(interpret=False):
    return pl.pallas_call(
        _sort_body,
        out_shape=[
            jax.ShapeDtypeStruct((R, C), jnp.int32),
            jax.ShapeDtypeStruct((R, C), _F32),
        ],
        interpret=interpret,
    )


_SC_NC, _SC_NS = 2, 16
_NW = _SC_NC * _SC_NS
_RPW = M // _NW
_CHUNK = 128


def _scatter_body(x_hbm, mem_hbm, perm_hbm, out_hbm, idx_v, buf, sem):
    wid = lax.axis_index("s") * _SC_NC + lax.axis_index("c")
    for cc in range(_RPW // _CHUNK):
        row = wid * (_RPW // _CHUNK) + cc
        base = row * _CHUNK
        pltpu.sync_copy(perm_hbm.at[row], idx_v)

        @pl.when(base < B)
        def _():
            pltpu.sync_copy(x_hbm.at[pl.ds(base, _CHUNK)], buf)

        @pl.when(base >= B)
        def _():
            pltpu.async_copy(mem_hbm.at[idx_v], buf, sem).wait()

        pltpu.async_copy(buf, out_hbm.at[idx_v], sem).wait()


def _make_scatter():
    mesh = plsc.VectorSubcoreMesh(core_axis_name="c", subcore_axis_name="s")
    return functools.partial(
        pl.kernel,
        out_type=jax.ShapeDtypeStruct((M, D), _F32),
        mesh=mesh,
        scratch_types=[
            pltpu.VMEM((_CHUNK,), jnp.int32),
            pltpu.VMEM((_CHUNK, D), _F32),
            pltpu.SemaphoreType.DMA,
        ],
    )(_scatter_body)


def kernel(x, memory, memory_age, Wq, bq, Wk, bk, Wv, bv, Wc, bc):
    perm, nage = _make_sort()(memory_age.reshape(R, C))
    new_memory = _make_scatter()(x, memory, perm)
    attn, logits = _make_attn()(
        x, memory, Wq, bq.reshape(1, D), Wk, bk.reshape(1, D),
        Wv, bv.reshape(1, D), Wc[:D], Wc[D:], bc.reshape(1, OUT))
    new_age = nage.reshape(M)
    return logits, attn, new_memory, new_age

# --- scband reference (transcript-rebuilt; emitter-appended) ---
"""Pipeline reference for scband-memory-augmented-detector-35553739276341 (READ-ONLY COPY).

The authoritative reference and input builder live on the scoring server;
editing this copy changes nothing except your own understanding.
"""

import jax, jax.numpy as jnp
import numpy as np

B, M, D, OUT = 4096, 16384, 128, 1


def setup_inputs(seed: int = 0) -> dict:
    key = jax.random.key(seed)
    ks = jax.random.split(key, 10)
    sc = 1.0 / np.sqrt(D)
    inp = {}
    inp["x"] = jax.random.normal(ks[0], (B, D), dtype=jnp.float32)
    # buffers: episodic memory starts non-trivially filled so read-attention is meaningful
    inp["memory"] = jax.random.normal(ks[1], (M, D), dtype=jnp.float32) * 0.02
    inp["memory_age"] = jax.random.uniform(ks[2], (M,), dtype=jnp.float32)
    # query/key/value nets (nn.Linear(D, D)); stored as [in, out] so y = x @ W + b
    inp["Wq"] = jax.random.normal(ks[3], (D, D), dtype=jnp.float32) * sc
    inp["bq"] = jnp.zeros((D,), dtype=jnp.float32)
    inp["Wk"] = jax.random.normal(ks[4], (D, D), dtype=jnp.float32) * sc
    inp["bk"] = jnp.zeros((D,), dtype=jnp.float32)
    inp["Wv"] = jax.random.normal(ks[5], (D, D), dtype=jnp.float32) * sc
    inp["bv"] = jnp.zeros((D,), dtype=jnp.float32)
    # classifier over concat fusion: Linear(2*D, OUT)
    inp["Wc"] = jax.random.normal(ks[6], (2 * D, OUT), dtype=jnp.float32) * (1.0 / np.sqrt(2 * D))
    inp["bc"] = jnp.zeros((OUT,), dtype=jnp.float32)
    return inp


def reference(x, memory, memory_age, Wq, bq, Wk, bk, Wv, bv, Wc, bc):
    # feature_extractor is abstract in the torch class; treat inputs as already-extracted
    # features raw_x = x (identity feature extractor).
    # --- EpisodicMemory.read_memory ---
    q = x @ Wq + bq
    k = memory @ Wk + bk
    v = memory @ Wv + bv
    scores = (q @ k.T) / jnp.sqrt(jnp.float32(D))
    attn = jax.nn.softmax(scores, axis=-1)  # [B, M]
    retrieved = attn @ v  # [B, D]
    # --- fuse_with_memory (concat) + classifier ---
    fused = jnp.concatenate([x, retrieved], axis=1)  # [B, 2D]
    logits = fused @ Wc + bc  # [B, OUT]
    # --- EpisodicMemory.write_memory (no-grad LRU scatter-overwrite) ---
    # lru_indices = smallest-B entries of memory_age (torch topk largest=False)
    _, lru_indices = jax.lax.top_k(-memory_age, B)
    new_memory = memory.at[lru_indices].set(x)
    new_age = memory_age.at[lru_indices].set(memory_age.max() + 1.0)
    return (logits, attn, new_memory, new_age)

if __name__ == "__main__":
    import jax
    _d = setup_inputs()
    print(jax.jit(kernel)(*tuple(_d.values())))

</pallas_src>

<mosaic_0001>
#map = affine_map<(d0, d1) -> (0, 0)>
module attributes {stable_mosaic.version = 14 : i64} {
  func.func @_scatter_body(%arg0: i32, %arg1: i32, %arg2: memref<4096x128xf32, #tpu.memory_space<hbm>>, %arg3: memref<16384x128xf32, #tpu.memory_space<hbm>>, %arg4: memref<128x128xi32, #tpu.memory_space<hbm>>, %arg5: memref<16384x128xf32, #tpu.memory_space<hbm>>, %arg6: memref<128xi32, #tpu.memory_space<vmem>>, %arg7: memref<128x128xf32, #tpu.memory_space<vmem>>, %arg8: memref<!tpu.dma_semaphore, #tpu.memory_space<semaphore_mem>>) attributes {dimension_semantics = [#tpu.dimension_semantics<core_parallel>, #tpu.dimension_semantics<subcore_parallel>], iteration_bounds = array<i64: 2, 16>, scalar_prefetch = 0 : i64, scratch_operands = 3 : i64, tpu.core_type = #tpu.core_type<sc_vector_subcore>, window_params = [{transform_indices = #map}, {transform_indices = #map}, {transform_indices = #map}, {transform_indices = #map}]} {
    %mul3A = arith.constant 2 : i32
    %mul3A_0 = arith.muli %arg1, %mul3A : i32
    %add3A = arith.addi %mul3A_0, %arg0 : i32
    %mul3A_1 = arith.constant 4 : i32
    %mul3A_2 = arith.muli %add3A, %mul3A_1 : i32
    %add3A_3 = arith.constant 0 : i32
    %add3A_4 = arith.addi %mul3A_2, %add3A_3 : i32
    %mul3A_5 = arith.constant 128 : i32
    %mul3A_6 = arith.muli %add3A_4, %mul3A_5 : i32
    "tpu.region"() ({
      %run_scoped3A = tpu.sem_alloc : memref<!tpu.dma_semaphore, #tpu.memory_space<semaphore_mem>>
      %dma_start3A_83 = arith.constant 0 : i32
      %dma_start3A_84 = tpu.memref_slice %arg4[%add3A_4, %dma_start3A_83] : memref<128x128xi32, #tpu.memory_space<hbm>> -> memref<1x128xi32, #tpu.memory_space<hbm>>
      %dma_start3A_85 = tpu.memref_squeeze %dma_start3A_84 : memref<1x128xi32, #tpu.memory_space<hbm>> -> memref<128xi32, #tpu.memory_space<hbm>>
      %dma_start3A_86 = arith.constant 0 : i32
      %dma_start3A_87 = tpu.memref_slice %arg4[%add3A_4, %dma_start3A_86] : memref<128x128xi32, #tpu.memory_space<hbm>> -> memref<1x128xi32, #tpu.memory_space<hbm>>
      %dma_start3A_88 = tpu.memref_squeeze %dma_start3A_87 : memref<1x128xi32, #tpu.memory_space<hbm>> -> memref<128xi32, #tpu.memory_space<hbm>>
      tpu.enqueue_dma source(%dma_start3A_88 : memref<128xi32, #tpu.memory_space<hbm>>) target(%arg6 : memref<128xi32, #tpu.memory_space<vmem>>) target_semaphore(%run_scoped3A : memref<!tpu.dma_semaphore, #tpu.memory_space<semaphore_mem>>)
      %dma_wait3A_89 = arith.constant 0 : i32
      %dma_wait3A_90 = tpu.memref_slice %arg4[%add3A_4, %dma_wait3A_89] : memref<128x128xi32, #tpu.memory_space<hbm>> -> memref<1x128xi32, #tpu.memory_space<hbm>>
      %dma_wait3A_91 = tpu.memref_squeeze %dma_wait3A_90 : memref<1x128xi32, #tpu.memory_space<hbm>> -> memref<128xi32, #tpu.memory_space<hbm>>
      %dma_wait3A_92 = arith.constant 0 : i32
      %dma_wait3A_93 = tpu.memref_slice %arg4[%add3A_4, %dma_wait3A_92] : memref<128x128xi32, #tpu.memory_space<hbm>> -> memref<1x128xi32, #tpu.memory_space<hbm>>
      %dma_wait3A_94 = tpu.memref_squeeze %dma_wait3A_93 : memref<1x128xi32, #tpu.memory_space<hbm>> -> memref<128xi32, #tpu.memory_space<hbm>>
      tpu.wait_dma2 semaphore(%run_scoped3A : memref<!tpu.dma_semaphore, #tpu.memory_space<semaphore_mem>>) src(%dma_wait3A_94 : memref<128xi32, #tpu.memory_space<hbm>>) dst(%arg6 : memref<128xi32, #tpu.memory_space<vmem>>)
      tpu.yield
    }) : () -> ()
    %lt3A = arith.constant 4096 : i32
    %lt3A_7 = arith.cmpi slt, %mul3A_6, %lt3A : i32
    %convert_element_type3A = arith.extui %lt3A_7 : i1 to i32
    %cond3A = arith.constant 0 : i32
    %cond3A_8 = arith.cmpi ne, %convert_element_type3A, %cond3A : i32
    scf.if %cond3A_8 {
      "tpu.region"() ({
        %run_scoped3A = tpu.sem_alloc : memref<!tpu.dma_semaphore, #tpu.memory_space<semaphore_mem>>
        %dma_start3A_83 = arith.constant 0 : i32
        %dma_start3A_84 = tpu.memref_slice %arg2[%mul3A_6, %dma_start3A_83] : memref<4096x128xf32, #tpu.memory_space<hbm>> -> memref<128x128xf32, #tpu.memory_space<hbm>>
        %dma_start3A_85 = arith.constant 0 : i32
        %dma_start3A_86 = tpu.memref_slice %arg2[%mul3A_6, %dma_start3A_85] : memref<4096x128xf32, #tpu.memory_space<hbm>> -> memref<128x128xf32, #tpu.memory_space<hbm>>
        tpu.enqueue_dma source(%dma_start3A_86 : memref<128x128xf32, #tpu.memory_space<hbm>>) target(%arg7 : memref<128x128xf32, #tpu.memory_space<vmem>>) target_semaphore(%run_scoped3A : memref<!tpu.dma_semaphore, #tpu.memory_space<semaphore_mem>>)
        %dma_wait3A_87 = arith.constant 0 : i32
        %dma_wait3A_88 = tpu.memref_slice %arg2[%mul3A_6, %dma_wait3A_87] : memref<4096x128xf32, #tpu.memory_space<hbm>> -> memref<128x128xf32, #tpu.memory_space<hbm>>
        %dma_wait3A_89 = arith.constant 0 : i32
        %dma_wait3A_90 = tpu.memref_slice %arg2[%mul3A_6, %dma_wait3A_89] : memref<4096x128xf32, #tpu.memory_space<hbm>> -> memref<128x128xf32, #tpu.memory_space<hbm>>
        tpu.wait_dma2 semaphore(%run_scoped3A : memref<!tpu.dma_semaphore, #tpu.memory_space<semaphore_mem>>) src(%dma_wait3A_90 : memref<128x128xf32, #tpu.memory_space<hbm>>) dst(%arg7 : memref<128x128xf32, #tpu.memory_space<vmem>>)
        tpu.yield
      }) : () -> ()
    } else {
    }
    %ge3A = arith.constant 4096 : i32
    %ge3A_9 = arith.cmpi sge, %mul3A_6, %ge3A : i32
    %convert_element_type3A_10 = arith.extui %ge3A_9 : i1 to i32
    %cond3A_11 = arith.constant 0 : i32
    %cond3A_12 = arith.cmpi ne, %convert_element_type3A_10, %cond3A_11 : i32
    scf.if %cond3A_12 {
      %dma_start3A_83 = arith.constant 0 : i32
      %dma_start3A_84 = arith.constant 0 : i32
      %dma_start3A_85 = tpu.memref_slice %arg3[%dma_start3A_83, %dma_start3A_84] : memref<16384x128xf32, #tpu.memory_space<hbm>> -> memref<16384x128xf32, #tpu.memory_space<hbm>>
      tpu.enqueue_indirect_dma source(%dma_start3A_85 : memref<16384x128xf32, #tpu.memory_space<hbm>>) target(%arg7 : memref<128x128xf32, #tpu.memory_space<vmem>>) offsets(%arg6 : memref<128xi32, #tpu.memory_space<vmem>>) semaphore(%arg8 : memref<!tpu.dma_semaphore, #tpu.memory_space<semaphore_mem>>)
      %dma_wait3A_86 = arith.constant 0 : i32
      %dma_wait3A_87 = arith.constant 0 : i32
      %dma_wait3A_88 = tpu.memref_slice %arg3[%dma_wait3A_86, %dma_wait3A_87] : memref<16384x128xf32, #tpu.memory_space<hbm>> -> memref<16384x128xf32, #tpu.memory_space<hbm>>
      tpu.wait_indirect_dma semaphore(%arg8 : memref<!tpu.dma_semaphore, #tpu.memory_space<semaphore_mem>>) src(%dma_wait3A_88 : memref<16384x128xf32, #tpu.memory_space<hbm>>) dst(%arg7 : memref<128x128xf32, #tpu.memory_space<vmem>>)
    } else {
    }
    %dma_start3A = arith.constant 0 : i32
    %dma_start3A_13 = arith.constant 0 : i32
    %dma_start3A_14 = tpu.memref_slice %arg5[%dma_start3A, %dma_start3A_13] : memref<16384x128xf32, #tpu.memory_space<hbm>> -> memref<16384x128xf32, #tpu.memory_space<hbm>>
    tpu.enqueue_indirect_dma source(%arg7 : memref<128x128xf32, #tpu.memory_space<vmem>>) target(%dma_start3A_14 : memref<16384x128xf32, #tpu.memory_space<hbm>>) offsets(%arg6 : memref<128xi32, #tpu.memory_space<vmem>>) semaphore(%arg8 : memref<!tpu.dma_semaphore, #tpu.memory_space<semaphore_mem>>)
    %dma_wait3A = arith.constant 0 : i32
    %dma_wait3A_15 = arith.constant 0 : i32
    %dma_wait3A_16 = tpu.memref_slice %arg5[%dma_wait3A, %dma_wait3A_15] : memref<16384x128xf32, #tpu.memory_space<hbm>> -> memref<16384x128xf32, #tpu.memory_space<hbm>>
    tpu.wait_indirect_dma semaphore(%arg8 : memref<!tpu.dma_semaphore, #tpu.memory_space<semaphore_mem>>) src(%arg7 : memref<128x128xf32, #tpu.memory_space<vmem>>) dst(%dma_wait3A_16 : memref<16384x128xf32, #tpu.memory_space<hbm>>)
    %mul3A_17 = arith.constant 4 : i32
    %mul3A_18 = arith.muli %add3A, %mul3A_17 : i32
    %add3A_19 = arith.constant 1 : i32
    %add3A_20 = arith.addi %mul3A_18, %add3A_19 : i32
    %mul3A_21 = arith.constant 128 : i32
    %mul3A_22 = arith.muli %add3A_20, %mul3A_21 : i32
    "tpu.region"() ({
      %run_scoped3A = tpu.sem_alloc : memref<!tpu.dma_semaphore, #tpu.memory_space<semaphore_mem>>
      %dma_start3A_83 = arith.constant 0 : i32
      %dma_start3A_84 = tpu.memref_slice %arg4[%add3A_20, %dma_start3A_83] : memref<128x128xi32, #tpu.memory_space<hbm>> -> memref<1x128xi32, #tpu.memory_space<hbm>>
      %dma_start3A_85 = tpu.memref_squeeze %dma_start3A_84 : memref<1x128xi32, #tpu.memory_space<hbm>> -> memref<128xi32, #tpu.memory_space<hbm>>
      %dma_start3A_86 = arith.constant 0 : i32
      %dma_start3A_87 = tpu.memref_slice %arg4[%add3A_20, %dma_start3A_86] : memref<128x128xi32, #tpu.memory_space<hbm>> -> memref<1x128xi32, #tpu.memory_space<hbm>>
      %dma_start3A_88 = tpu.memref_squeeze %dma_start3A_87 : memref<1x128xi32, #tpu.memory_space<hbm>> -> memref<128xi32, #tpu.memory_space<hbm>>
      tpu.enqueue_dma source(%dma_start3A_88 : memref<128xi32, #tpu.memory_space<hbm>>) target(%arg6 : memref<128xi32, #tpu.memory_space<vmem>>) target_semaphore(%run_scoped3A : memref<!tpu.dma_semaphore, #tpu.memory_space<semaphore_mem>>)
      %dma_wait3A_89 = arith.constant 0 : i32
      %dma_wait3A_90 = tpu.memref_slice %arg4[%add3A_20, %dma_wait3A_89] : memref<128x128xi32, #tpu.memory_space<hbm>> -> memref<1x128xi32, #tpu.memory_space<hbm>>
      %dma_wait3A_91 = tpu.memref_squeeze %dma_wait3A_90 : memref<1x128xi32, #tpu.memory_space<hbm>> -> memref<128xi32, #tpu.memory_space<hbm>>
      %dma_wait3A_92 = arith.constant 0 : i32
      %dma_wait3A_93 = tpu.memref_slice %arg4[%add3A_20, %dma_wait3A_92] : memref<128x128xi32, #tpu.memory_space<hbm>> -> memref<1x128xi32, #tpu.memory_space<hbm>>
      %dma_wait3A_94 = tpu.memref_squeeze %dma_wait3A_93 : memref<1x128xi32, #tpu.memory_space<hbm>> -> memref<128xi32, #tpu.memory_space<hbm>>
      tpu.wait_dma2 semaphore(%run_scoped3A : memref<!tpu.dma_semaphore, #tpu.memory_space<semaphore_mem>>) src(%dma_wait3A_94 : memref<128xi32, #tpu.memory_space<hbm>>) dst(%arg6 : memref<128xi32, #tpu.memory_space<vmem>>)
      tpu.yield
    }) : () -> ()
    %lt3A_23 = arith.constant 4096 : i32
    %lt3A_24 = arith.cmpi slt, %mul3A_22, %lt3A_23 : i32
    %convert_element_type3A_25 = arith.extui %lt3A_24 : i1 to i32
    %cond3A_26 = arith.constant 0 : i32
    %cond3A_27 = arith.cmpi ne, %convert_element_type3A_25, %cond3A_26 : i32
    scf.if %cond3A_27 {
      "tpu.region"() ({
        %run_scoped3A = tpu.sem_alloc : memref<!tpu.dma_semaphore, #tpu.memory_space<semaphore_mem>>
        %dma_start3A_83 = arith.constant 0 : i32
        %dma_start3A_84 = tpu.memref_slice %arg2[%mul3A_22, %dma_start3A_83] : memref<4096x128xf32, #tpu.memory_space<hbm>> -> memref<128x128xf32, #tpu.memory_space<hbm>>
        %dma_start3A_85 = arith.constant 0 : i32
        %dma_start3A_86 = tpu.memref_slice %arg2[%mul3A_22, %dma_start3A_85] : memref<4096x128xf32, #tpu.memory_space<hbm>> -> memref<128x128xf32, #tpu.memory_space<hbm>>
        tpu.enqueue_dma source(%dma_start3A_86 : memref<128x128xf32, #tpu.memory_space<hbm>>) target(%arg7 : memref<128x128xf32, #tpu.memory_space<vmem>>) target_semaphore(%run_scoped3A : memref<!tpu.dma_semaphore, #tpu.memory_space<semaphore_mem>>)
        %dma_wait3A_87 = arith.constant 0 : i32
        %dma_wait3A_88 = tpu.memref_slice %arg2[%mul3A_22, %dma_wait3A_87] : memref<4096x128xf32, #tpu.memory_space<hbm>> -> memref<128x128xf32, #tpu.memory_space<hbm>>
        %dma_wait3A_89 = arith.constant 0 : i32
        %dma_wait3A_90 = tpu.memref_slice %arg2[%mul3A_22, %dma_wait3A_89] : memref<4096x128xf32, #tpu.memory_space<hbm>> -> memref<128x128xf32, #tpu.memory_space<hbm>>
        tpu.wait_dma2 semaphore(%run_scoped3A : memref<!tpu.dma_semaphore, #tpu.memory_space<semaphore_mem>>) src(%dma_wait3A_90 : memref<128x128xf32, #tpu.memory_space<hbm>>) dst(%arg7 : memref<128x128xf32, #tpu.memory_space<vmem>>)
        tpu.yield
      }) : () -> ()
    } else {
    }
    %ge3A_28 = arith.constant 4096 : i32
    %ge3A_29 = arith.cmpi sge, %mul3A_22, %ge3A_28 : i32
    %convert_element_type3A_30 = arith.extui %ge3A_29 : i1 to i32
    %cond3A_31 = arith.constant 0 : i32
    %cond3A_32 = arith.cmpi ne, %convert_element_type3A_30, %cond3A_31 : i32
    scf.if %cond3A_32 {
      %dma_start3A_83 = arith.constant 0 : i32
      %dma_start3A_84 = arith.constant 0 : i32
      %dma_start3A_85 = tpu.memref_slice %arg3[%dma_start3A_83, %dma_start3A_84] : memref<16384x128xf32, #tpu.memory_space<hbm>> -> memref<16384x128xf32, #tpu.memory_space<hbm>>
      tpu.enqueue_indirect_dma source(%dma_start3A_85 : memref<16384x128xf32, #tpu.memory_space<hbm>>) target(%arg7 : memref<128x128xf32, #tpu.memory_space<vmem>>) offsets(%arg6 : memref<128xi32, #tpu.memory_space<vmem>>) semaphore(%arg8 : memref<!tpu.dma_semaphore, #tpu.memory_space<semaphore_mem>>)
      %dma_wait3A_86 = arith.constant 0 : i32
      %dma_wait3A_87 = arith.constant 0 : i32
      %dma_wait3A_88 = tpu.memref_slice %arg3[%dma_wait3A_86, %dma_wait3A_87] : memref<16384x128xf32, #tpu.memory_space<hbm>> -> memref<16384x128xf32, #tpu.memory_space<hbm>>
      tpu.wait_indirect_dma semaphore(%arg8 : memref<!tpu.dma_semaphore, #tpu.memory_space<semaphore_mem>>) src(%dma_wait3A_88 : memref<16384x128xf32, #tpu.memory_space<hbm>>) dst(%arg7 : memref<128x128xf32, #tpu.memory_space<vmem>>)
    } else {
    }
    %dma_start3A_33 = arith.constant 0 : i32
    %dma_start3A_34 = arith.constant 0 : i32
    %dma_start3A_35 = tpu.memref_slice %arg5[%dma_start3A_33, %dma_start3A_34] : memref<16384x128xf32, #tpu.memory_space<hbm>> -> memref<16384x128xf32, #tpu.memory_space<hbm>>
    tpu.enqueue_indirect_dma source(%arg7 : memref<128x128xf32, #tpu.memory_space<vmem>>) target(%dma_start3A_35 : memref<16384x128xf32, #tpu.memory_space<hbm>>) offsets(%arg6 : memref<128xi32, #tpu.memory_space<vmem>>) semaphore(%arg8 : memref<!tpu.dma_semaphore, #tpu.memory_space<semaphore_mem>>)
    %dma_wait3A_36 = arith.constant 0 : i32
    %dma_wait3A_37 = arith.constant 0 : i32
    %dma_wait3A_38 = tpu.memref_slice %arg5[%dma_wait3A_36, %dma_wait3A_37] : memref<16384x128xf32, #tpu.memory_space<hbm>> -> memref<16384x128xf32, #tpu.memory_space<hbm>>
    tpu.wait_indirect_dma semaphore(%arg8 : memref<!tpu.dma_semaphore, #tpu.memory_space<semaphore_mem>>) src(%arg7 : memref<128x128xf32, #tpu.memory_space<vmem>>) dst(%dma_wait3A_38 : memref<16384x128xf32, #tpu.memory_space<hbm>>)
    %mul3A_39 = arith.constant 4 : i32
    %mul3A_40 = arith.muli %add3A, %mul3A_39 : i32
    %add3A_41 = arith.constant 2 : i32
    %add3A_42 = arith.addi %mul3A_40, %add3A_41 : i32
    %mul3A_43 = arith.constant 128 : i32
    %mul3A_44 = arith.muli %add3A_42, %mul3A_43 : i32
    "tpu.region"() ({
      %run_scoped3A = tpu.sem_alloc : memref<!tpu.dma_semaphore, #tpu.memory_space<semaphore_mem>>
      %dma_start3A_83 = arith.constant 0 : i32
      %dma_start3A_84 = tpu.memref_slice %arg4[%add3A_42, %dma_start3A_83] : memref<128x128xi32, #tpu.memory_space<hbm>> -> memref<1x128xi32, #tpu.memory_space<hbm>>
      %dma_start3A_85 = tpu.memref_squeeze %dma_start3A_84 : memref<1x128xi32, #tpu.memory_space<hbm>> -> memref<128xi32, #tpu.memory_space<hbm>>
      %dma_start3A_86 = arith.constant 0 : i32
      %dma_start3A_87 = tpu.memref_slice %arg4[%add3A_42, %dma_start3A_86] : memref<128x128xi32, #tpu.memory_space<hbm>> -> memref<1x128xi32, #tpu.memory_space<hbm>>
      %dma_start3A_88 = tpu.memref_squeeze %dma_start3A_87 : memref<1x128xi32, #tpu.memory_space<hbm>> -> memref<128xi32, #tpu.memory_space<hbm>>
      tpu.enqueue_dma source(%dma_start3A_88 : memref<128xi32, #tpu.memory_space<hbm>>) target(%arg6 : memref<128xi32, #tpu.memory_space<vmem>>) target_semaphore(%run_scoped3A : memref<!tpu.dma_semaphore, #tpu.memory_space<semaphore_mem>>)
      %dma_wait3A_89 = arith.constant 0 : i32
      %dma_wait3A_90 = tpu.memref_slice %arg4[%add3A_42, %dma_wait3A_89] : memref<128x128xi32, #tpu.memory_space<hbm>> -> memref<1x128xi32, #tpu.memory_space<hbm>>
      %dma_wait3A_91 = tpu.memref_squeeze %dma_wait3A_90 : memref<1x128xi32, #tpu.memory_space<hbm>> -> memref<128xi32, #tpu.memory_space<hbm>>
      %dma_wait3A_92 = arith.constant 0 : i32
      %dma_wait3A_93 = tpu.memref_slice %arg4[%add3A_42, %dma_wait3A_92] : memref<128x128xi32, #tpu.memory_space<hbm>> -> memref<1x128xi32, #tpu.memory_space<hbm>>
      %dma_wait3A_94 = tpu.memref_squeeze %dma_wait3A_93 : memref<1x128xi32, #tpu.memory_space<hbm>> -> memref<128xi32, #tpu.memory_space<hbm>>
      tpu.wait_dma2 semaphore(%run_scoped3A : memref<!tpu.dma_semaphore, #tpu.memory_space<semaphore_mem>>) src(%dma_wait3A_94 : memref<128xi32, #tpu.memory_space<hbm>>) dst(%arg6 : memref<128xi32, #tpu.memory_space<vmem>>)
      tpu.yield
    }) : () -> ()
    %lt3A_45 = arith.constant 4096 : i32
    %lt3A_46 = arith.cmpi slt, %mul3A_44, %lt3A_45 : i32
    %convert_element_type3A_47 = arith.extui %lt3A_46 : i1 to i32
    %cond3A_48 = arith.constant 0 : i32
    %cond3A_49 = arith.cmpi ne, %convert_element_type3A_47, %cond3A_48 : i32
    scf.if %cond3A_49 {
      "tpu.region"() ({
        %run_scoped3A = tpu.sem_alloc : memref<!tpu.dma_semaphore, #tpu.memory_space<semaphore_mem>>
        %dma_start3A_83 = arith.constant 0 : i32
        %dma_start3A_84 = tpu.memref_slice %arg2[%mul3A_44, %dma_start3A_83] : memref<4096x128xf32, #tpu.memory_space<hbm>> -> memref<128x128xf32, #tpu.memory_space<hbm>>
        %dma_start3A_85 = arith.constant 0 : i32
        %dma_start3A_86 = tpu.memref_slice %arg2[%mul3A_44, %dma_start3A_85] : memref<4096x128xf32, #tpu.memory_space<hbm>> -> memref<128x128xf32, #tpu.memory_space<hbm>>
        tpu.enqueue_dma source(%dma_start3A_86 : memref<128x128xf32, #tpu.memory_space<hbm>>) target(%arg7 : memref<128x128xf32, #tpu.memory_space<vmem>>) target_semaphore(%run_scoped3A : memref<!tpu.dma_semaphore, #tpu.memory_space<semaphore_mem>>)
        %dma_wait3A_87 = arith.constant 0 : i32
        %dma_wait3A_88 = tpu.memref_slice %arg2[%mul3A_44, %dma_wait3A_87] : memref<4096x128xf32, #tpu.memory_space<hbm>> -> memref<128x128xf32, #tpu.memory_space<hbm>>
        %dma_wait3A_89 = arith.constant 0 : i32
        %dma_wait3A_90 = tpu.memref_slice %arg2[%mul3A_44, %dma_wait3A_89] : memref<4096x128xf32, #tpu.memory_space<hbm>> -> memref<128x128xf32, #tpu.memory_space<hbm>>
        tpu.wait_dma2 semaphore(%run_scoped3A : memref<!tpu.dma_semaphore, #tpu.memory_space<semaphore_mem>>) src(%dma_wait3A_90 : memref<128x128xf32, #tpu.memory_space<hbm>>) dst(%arg7 : memref<128x128xf32, #tpu.memory_space<vmem>>)
        tpu.yield
      }) : () -> ()
    } else {
    }
    %ge3A_50 = arith.constant 4096 : i32
    %ge3A_51 = arith.cmpi sge, %mul3A_44, %ge3A_50 : i32
    %convert_element_type3A_52 = arith.extui %ge3A_51 : i1 to i32
    %cond3A_53 = arith.constant 0 : i32
    %cond3A_54 = arith.cmpi ne, %convert_element_type3A_52, %cond3A_53 : i32
    scf.if %cond3A_54 {
      %dma_start3A_83 = arith.constant 0 : i32
      %dma_start3A_84 = arith.constant 0 : i32
      %dma_start3A_85 = tpu.memref_slice %arg3[%dma_start3A_83, %dma_start3A_84] : memref<16384x128xf32, #tpu.memory_space<hbm>> -> memref<16384x128xf32, #tpu.memory_space<hbm>>
      tpu.enqueue_indirect_dma source(%dma_start3A_85 : memref<16384x128xf32, #tpu.memory_space<hbm>>) target(%arg7 : memref<128x128xf32, #tpu.memory_space<vmem>>) offsets(%arg6 : memref<128xi32, #tpu.memory_space<vmem>>) semaphore(%arg8 : memref<!tpu.dma_semaphore, #tpu.memory_space<semaphore_mem>>)
      %dma_wait3A_86 = arith.constant 0 : i32
      %dma_wait3A_87 = arith.constant 0 : i32
      %dma_wait3A_88 = tpu.memref_slice %arg3[%dma_wait3A_86, %dma_wait3A_87] : memref<16384x128xf32, #tpu.memory_space<hbm>> -> memref<16384x128xf32, #tpu.memory_space<hbm>>
      tpu.wait_indirect_dma semaphore(%arg8 : memref<!tpu.dma_semaphore, #tpu.memory_space<semaphore_mem>>) src(%dma_wait3A_88 : memref<16384x128xf32, #tpu.memory_space<hbm>>) dst(%arg7 : memref<128x128xf32, #tpu.memory_space<vmem>>)
    } else {
    }
    %dma_start3A_55 = arith.constant 0 : i32
    %dma_start3A_56 = arith.constant 0 : i32
    %dma_start3A_57 = tpu.memref_slice %arg5[%dma_start3A_55, %dma_start3A_56] : memref<16384x128xf32, #tpu.memory_space<hbm>> -> memref<16384x128xf32, #tpu.memory_space<hbm>>
    tpu.enqueue_indirect_dma source(%arg7 : memref<128x128xf32, #tpu.memory_space<vmem>>) target(%dma_start3A_57 : memref<16384x128xf32, #tpu.memory_space<hbm>>) offsets(%arg6 : memref<128xi32, #tpu.memory_space<vmem>>) semaphore(%arg8 : memref<!tpu.dma_semaphore, #tpu.memory_space<semaphore_mem>>)
    %dma_wait3A_58 = arith.constant 0 : i32
    %dma_wait3A_59 = arith.constant 0 : i32
    %dma_wait3A_60 = tpu.memref_slice %arg5[%dma_wait3A_58, %dma_wait3A_59] : memref<16384x128xf32, #tpu.memory_space<hbm>> -> memref<16384x128xf32, #tpu.memory_space<hbm>>
    tpu.wait_indirect_dma semaphore(%arg8 : memref<!tpu.dma_semaphore, #tpu.memory_space<semaphore_mem>>) src(%arg7 : memref<128x128xf32, #tpu.memory_space<vmem>>) dst(%dma_wait3A_60 : memref<16384x128xf32, #tpu.memory_space<hbm>>)
    %mul3A_61 = arith.constant 4 : i32
    %mul3A_62 = arith.muli %add3A, %mul3A_61 : i32
    %add3A_63 = arith.constant 3 : i32
    %add3A_64 = arith.addi %mul3A_62, %add3A_63 : i32
    %mul3A_65 = arith.constant 128 : i32
    %mul3A_66 = arith.muli %add3A_64, %mul3A_65 : i32
    "tpu.region"() ({
      %run_scoped3A = tpu.sem_alloc : memref<!tpu.dma_semaphore, #tpu.memory_space<semaphore_mem>>
      %dma_start3A_83 = arith.constant 0 : i32
      %dma_start3A_84 = tpu.memref_slice %arg4[%add3A_64, %dma_start3A_83] : memref<128x128xi32, #tpu.memory_space<hbm>> -> memref<1x128xi32, #tpu.memory_space<hbm>>
      %dma_start3A_85 = tpu.memref_squeeze %dma_start3A_84 : memref<1x128xi32, #tpu.memory_space<hbm>> -> memref<128xi32, #tpu.memory_space<hbm>>
      %dma_start3A_86 = arith.constant 0 : i32
      %dma_start3A_87 = tpu.memref_slice %arg4[%add3A_64, %dma_start3A_86] : memref<128x128xi32, #tpu.memory_space<hbm>> -> memref<1x128xi32, #tpu.memory_space<hbm>>
      %dma_start3A_88 = tpu.memref_squeeze %dma_start3A_87 : memref<1x128xi32, #tpu.memory_space<hbm>> -> memref<128xi32, #tpu.memory_space<hbm>>
      tpu.enqueue_dma source(%dma_start3A_88 : memref<128xi32, #tpu.memory_space<hbm>>) target(%arg6 : memref<128xi32, #tpu.memory_space<vmem>>) target_semaphore(%run_scoped3A : memref<!tpu.dma_semaphore, #tpu.memory_space<semaphore_mem>>)
      %dma_wait3A_89 = arith.constant 0 : i32
      %dma_wait3A_90 = tpu.memref_slice %arg4[%add3A_64, %dma_wait3A_89] : memref<128x128xi32, #tpu.memory_space<hbm>> -> memref<1x128xi32, #tpu.memory_space<hbm>>
      %dma_wait3A_91 = tpu.memref_squeeze %dma_wait3A_90 : memref<1x128xi32, #tpu.memory_space<hbm>> -> memref<128xi32, #tpu.memory_space<hbm>>
      %dma_wait3A_92 = arith.constant 0 : i32
      %dma_wait3A_93 = tpu.memref_slice %arg4[%add3A_64, %dma_wait3A_92] : memref<128x128xi32, #tpu.memory_space<hbm>> -> memref<1x128xi32, #tpu.memory_space<hbm>>
      %dma_wait3A_94 = tpu.memref_squeeze %dma_wait3A_93 : memref<1x128xi32, #tpu.memory_space<hbm>> -> memref<128xi32, #tpu.memory_space<hbm>>
      tpu.wait_dma2 semaphore(%run_scoped3A : memref<!tpu.dma_semaphore, #tpu.memory_space<semaphore_mem>>) src(%dma_wait3A_94 : memref<128xi32, #tpu.memory_space<hbm>>) dst(%arg6 : memref<128xi32, #tpu.memory_space<vmem>>)
      tpu.yield
    }) : () -> ()
    %lt3A_67 = arith.constant 4096 : i32
    %lt3A_68 = arith.cmpi slt, %mul3A_66, %lt3A_67 : i32
    %convert_element_type3A_69 = arith.extui %lt3A_68 : i1 to i32
    %cond3A_70 = arith.constant 0 : i32
    %cond3A_71 = arith.cmpi ne, %convert_element_type3A_69, %cond3A_70 : i32
    scf.if %cond3A_71 {
      "tpu.region"() ({
        %run_scoped3A = tpu.sem_alloc : memref<!tpu.dma_semaphore, #tpu.memory_space<semaphore_mem>>
        %dma_start3A_83 = arith.constant 0 : i32
        %dma_start3A_84 = tpu.memref_slice %arg2[%mul3A_66, %dma_start3A_83] : memref<4096x128xf32, #tpu.memory_space<hbm>> -> memref<128x128xf32, #tpu.memory_space<hbm>>
        %dma_start3A_85 = arith.constant 0 : i32
        %dma_start3A_86 = tpu.memref_slice %arg2[%mul3A_66, %dma_start3A_85] : memref<4096x128xf32, #tpu.memory_space<hbm>> -> memref<128x128xf32, #tpu.memory_space<hbm>>
        tpu.enqueue_dma source(%dma_start3A_86 : memref<128x128xf32, #tpu.memory_space<hbm>>) target(%arg7 : memref<128x128xf32, #tpu.memory_space<vmem>>) target_semaphore(%run_scoped3A : memref<!tpu.dma_semaphore, #tpu.memory_space<semaphore_mem>>)
        %dma_wait3A_87 = arith.constant 0 : i32
        %dma_wait3A_88 = tpu.memref_slice %arg2[%mul3A_66, %dma_wait3A_87] : memref<4096x128xf32, #tpu.memory_space<hbm>> -> memref<128x128xf32, #tpu.memory_space<hbm>>
        %dma_wait3A_89 = arith.constant 0 : i32
        %dma_wait3A_90 = tpu.memref_slice %arg2[%mul3A_66, %dma_wait3A_89] : memref<4096x128xf32, #tpu.memory_space<hbm>> -> memref<128x128xf32, #tpu.memory_space<hbm>>
        tpu.wait_dma2 semaphore(%run_scoped3A : memref<!tpu.dma_semaphore, #tpu.memory_space<semaphore_mem>>) src(%dma_wait3A_90 : memref<128x128xf32, #tpu.memory_space<hbm>>) dst(%arg7 : memref<128x128xf32, #tpu.memory_space<vmem>>)
        tpu.yield
      }) : () -> ()
    } else {
    }
    %ge3A_72 = arith.constant 4096 : i32
    %ge3A_73 = arith.cmpi sge, %mul3A_66, %ge3A_72 : i32
    %convert_element_type3A_74 = arith.extui %ge3A_73 : i1 to i32
    %cond3A_75 = arith.constant 0 : i32
    %cond3A_76 = arith.cmpi ne, %convert_element_type3A_74, %cond3A_75 : i32
    scf.if %cond3A_76 {
      %dma_start3A_83 = arith.constant 0 : i32
      %dma_start3A_84 = arith.constant 0 : i32
      %dma_start3A_85 = tpu.memref_slice %arg3[%dma_start3A_83, %dma_start3A_84] : memref<16384x128xf32, #tpu.memory_space<hbm>> -> memref<16384x128xf32, #tpu.memory_space<hbm>>
      tpu.enqueue_indirect_dma source(%dma_start3A_85 : memref<16384x128xf32, #tpu.memory_space<hbm>>) target(%arg7 : memref<128x128xf32, #tpu.memory_space<vmem>>) offsets(%arg6 : memref<128xi32, #tpu.memory_space<vmem>>) semaphore(%arg8 : memref<!tpu.dma_semaphore, #tpu.memory_space<semaphore_mem>>)
      %dma_wait3A_86 = arith.constant 0 : i32
      %dma_wait3A_87 = arith.constant 0 : i32
      %dma_wait3A_88 = tpu.memref_slice %arg3[%dma_wait3A_86, %dma_wait3A_87] : memref<16384x128xf32, #tpu.memory_space<hbm>> -> memref<16384x128xf32, #tpu.memory_space<hbm>>
      tpu.wait_indirect_dma semaphore(%arg8 : memref<!tpu.dma_semaphore, #tpu.memory_space<semaphore_mem>>) src(%dma_wait3A_88 : memref<16384x128xf32, #tpu.memory_space<hbm>>) dst(%arg7 : memref<128x128xf32, #tpu.memory_space<vmem>>)
    } else {
    }
    %dma_start3A_77 = arith.constant 0 : i32
    %dma_start3A_78 = arith.constant 0 : i32
    %dma_start3A_79 = tpu.memref_slice %arg5[%dma_start3A_77, %dma_start3A_78] : memref<16384x128xf32, #tpu.memory_space<hbm>> -> memref<16384x128xf32, #tpu.memory_space<hbm>>
    tpu.enqueue_indirect_dma source(%arg7 : memref<128x128xf32, #tpu.memory_space<vmem>>) target(%dma_start3A_79 : memref<16384x128xf32, #tpu.memory_space<hbm>>) offsets(%arg6 : memref<128xi32, #tpu.memory_space<vmem>>) semaphore(%arg8 : memref<!tpu.dma_semaphore, #tpu.memory_space<semaphore_mem>>)
    %dma_wait3A_80 = arith.constant 0 : i32
    %dma_wait3A_81 = arith.constant 0 : i32
    %dma_wait3A_82 = tpu.memref_slice %arg5[%dma_wait3A_80, %dma_wait3A_81] : memref<16384x128xf32, #tpu.memory_space<hbm>> -> memref<16384x128xf32, #tpu.memory_space<hbm>>
    tpu.wait_indirect_dma semaphore(%arg8 : memref<!tpu.dma_semaphore, #tpu.memory_space<semaphore_mem>>) src(%arg7 : memref<128x128xf32, #tpu.memory_space<vmem>>) dst(%dma_wait3A_82 : memref<16384x128xf32, #tpu.memory_space<hbm>>)
    return
  }
}

module attributes {stable_mosaic.version = 14 : i64} {
  func.func @_attn_body(%arg0: i32, %arg1: memref<256x128xf32, #tpu.memory_space<vmem>>, %arg2: memref<16384x128xf32, #tpu.memory_space<vmem>>, %arg3: memref<128x128xf32, #tpu.memory_space<vmem>>, %arg4: memref<1x128xf32, #tpu.memory_space<vmem>>, %arg5: memref<128x128xf32, #tpu.memory_space<vmem>>, %arg6: memref<1x128xf32, #tpu.memory_space<vmem>>, %arg7: memref<128x128xf32, #tpu.memory_space<vmem>>, %arg8: memref<1x128xf32, #tpu.memory_space<vmem>>, %arg9: memref<128x1xf32, #tpu.memory_space<vmem>>, %arg10: memref<128x1xf32, #tpu.memory_space<vmem>>, %arg11: memref<1x1xf32, #tpu.memory_space<vmem>>, %arg12: memref<256x16384xf32, #tpu.memory_space<vmem>>, %arg13: memref<256x1xf32, #tpu.memory_space<vmem>>, %arg14: memref<16384x128xbf16, #tpu.memory_space<vmem>>, %arg15: memref<16384x128xbf16, #tpu.memory_space<vmem>>) attributes {dimension_semantics = [#tpu.dimension_semantics<arbitrary>], iteration_bounds = array<i64: 16>, scalar_prefetch = 0 : i64, scratch_operands = 2 : i64, tpu.core_type = #tpu.core_type<tc>, window_params = [{transform_indices = @transform_0, window_bounds = array<i64: 256, 128>}, {pipeline_mode = #tpu.pipeline_mode<synchronous>, transform_indices = @transform_1, window_bounds = array<i64: 16384, 128>}, {pipeline_mode = #tpu.pipeline_mode<synchronous>, transform_indices = @transform_2, window_bounds = array<i64: 128, 128>}, {pipeline_mode = #tpu.pipeline_mode<synchronous>, transform_indices = @transform_3, window_bounds = array<i64: 1, 128>}, {pipeline_mode = #tpu.pipeline_mode<synchronous>, transform_indices = @transform_4, window_bounds = array<i64: 128, 128>}, {pipeline_mode = #tpu.pipeline_mode<synchronous>, transform_indices = @transform_5, window_bounds = array<i64: 1, 128>}, {pipeline_mode = #tpu.pipeline_mode<synchronous>, transform_indices = @transform_6, window_bounds = array<i64: 128, 128>}, {pipeline_mode = #tpu.pipeline_mode<synchronous>, transform_indices = @transform_7, window_bounds = array<i64: 1, 128>}, {pipeline_mode = #tpu.pipeline_mode<synchronous>, transform_indices = @transform_8, window_bounds = array<i64: 128, 1>}, {pipeline_mode = #tpu.pipeline_mode<synchronous>, transform_indices = @transform_9, window_bounds = array<i64: 128, 1>}, {pipeline_mode = #tpu.pipeline_mode<synchronous>, transform_indices = @transform_10, window_bounds = array<i64: 1, 1>}, {transform_indices = @transform_11, window_bounds = array<i64: 256, 16384>}, {transform_indices = @transform_12, window_bounds = array<i64: 256, 1>}]} {
    %eq3A = arith.constant 0 : i32
    %eq3A_0 = arith.cmpi eq, %arg0, %eq3A : i32
    %convert_element_type3A = arith.extui %eq3A_0 : i1 to i32
    %cond3A = arith.constant 0 : i32
    %cond3A_1 = arith.cmpi ne, %convert_element_type3A, %cond3A : i32
    scf.if %cond3A_1 {
      %get3A_355 = arith.constant 0 : index
      %get3A_356 = arith.constant 0 : index
      %get3A_357 = vector.load %arg2[%get3A_355, %get3A_356] : memref<16384x128xf32, #tpu.memory_space<vmem>>, vector<2048x128xf32>
      %get3A_358 = arith.constant 0 : index
      %get3A_359 = arith.constant 0 : index
      %get3A_360 = vector.load %arg5[%get3A_358, %get3A_359] : memref<128x128xf32, #tpu.memory_space<vmem>>, vector<128x128xf32>
      %dot_general3A_361 = arith.constant dense<0.000000e+00> : vector<2048x128xf32>
      %dot_general3A_362 = tpu.matmul %get3A_357, %get3A_360, %dot_general3A_361 {dimension_numbers = #tpu.dot_dimension_numbers<[1], [0], [0], [1], [0, 0, 1, 1], [], []>, transpose_lhs_hint = false} : vector<2048x128xf32>, vector<128x128xf32>, vector<2048x128xf32> -> vector<2048x128xf32>
      %get3A_363 = arith.constant 0 : index
      %get3A_364 = arith.constant 0 : index
      %get3A_365 = vector.load %arg6[%get3A_363, %get3A_364] : memref<1x128xf32, #tpu.memory_space<vmem>>, vector<1x128xf32>
      %add3A_366 = vector.broadcast %get3A_365 : vector<1x128xf32> to vector<2048x128xf32>
      %add3A_367 = arith.addf %dot_general3A_362, %add3A_366 : vector<2048x128xf32>
      %convert_element_type3A_368 = arith.truncf %add3A_367 : vector<2048x128xf32> to vector<2048x128xbf16>
      %swap3A_369 = arith.constant 0 : index
      %swap3A_370 = arith.constant 0 : index
      %swap3A_371 = vector.load %arg14[%swap3A_369, %swap3A_370] : memref<16384x128xbf16, #tpu.memory_space<vmem>>, vector<2048x128xbf16>
      tpu.vector_store %arg14[%swap3A_369, %swap3A_370], %convert_element_type3A_368 {strides = array<i32>} : memref<16384x128xbf16, #tpu.memory_space<vmem>>, vector<2048x128xbf16>,
      %get3A_372 = arith.constant 0 : index
      %get3A_373 = arith.constant 0 : index
      %get3A_374 = vector.load %arg7[%get3A_372, %get3A_373] : memref<128x128xf32, #tpu.memory_space<vmem>>, vector<128x128xf32>
      %dot_general3A_375 = arith.constant dense<0.000000e+00> : vector<2048x128xf32>
      %dot_general3A_376 = tpu.matmul %get3A_357, %get3A_374, %dot_general3A_375 {dimension_numbers = #tpu.dot_dimension_numbers<[1], [0], [0], [1], [0, 0, 1, 1], [], []>, transpose_lhs_hint = false} : vector<2048x128xf32>, vector<128x128xf32>, vector<2048x128xf32> -> vector<2048x128xf32>
      %get3A_377 = arith.constant 0 : index
      %get3A_378 = arith.constant 0 : index
      %get3A_379 = vector.load %arg8[%get3A_377, %get3A_378] : memref<1x128xf32, #tpu.memory_space<vmem>>, vector<1x128xf32>
      %add3A_380 = vector.broadcast %get3A_379 : vector<1x128xf32> to vector<2048x128xf32>
      %add3A_381 = arith.addf %dot_general3A_376, %add3A_380 : vector<2048x128xf32>
      %convert_element_type3A_382 = arith.truncf %add3A_381 : vector<2048x128xf32> to vector<2048x128xbf16>
      %swap3A_383 = arith.constant 0 : index
      %swap3A_384 = arith.constant 0 : index
      %swap3A_385 = vector.load %arg15[%swap3A_383, %swap3A_384] : memref<16384x128xbf16, #tpu.memory_space<vmem>>, vector<2048x128xbf16>
      tpu.vector_store %arg15[%swap3A_383, %swap3A_384], %convert_element_type3A_382 {strides = array<i32>} : memref<16384x128xbf16, #tpu.memory_space<vmem>>, vector<2048x128xbf16>,
      %get3A_386 = arith.constant 2048 : index
      %get3A_387 = arith.constant 0 : index
      %get3A_388 = vector.load %arg2[%get3A_386, %get3A_387] : memref<16384x128xf32, #tpu.memory_space<vmem>>, vector<2048x128xf32>
      %get3A_389 = arith.constant 0 : index
      %get3A_390 = arith.constant 0 : index
      %get3A_391 = vector.load %arg5[%get3A_389, %get3A_390] : memref<128x128xf32, #tpu.memory_space<vmem>>, vector<128x128xf32>
      %dot_general3A_392 = arith.constant dense<0.000000e+00> : vector<2048x128xf32>
      %dot_general3A_393 = tpu.matmul %get3A_388, %get3A_391, %dot_general3A_392 {dimension_numbers = #tpu.dot_dimension_numbers<[1], [0], [0], [1], [0, 0, 1, 1], [], []>, transpose_lhs_hint = false} : vector<2048x128xf32>, vector<128x128xf32>, vector<2048x128xf32> -> vector<2048x128xf32>
      %get3A_394 = arith.constant 0 : index
      %get3A_395 = arith.constant 0 : index
      %get3A_396 = vector.load %arg6[%get3A_394, %get3A_395] : memref<1x128xf32, #tpu.memory_space<vmem>>, vector<1x128xf32>
      %add3A_397 = vector.broadcast %get3A_396 : vector<1x128xf32> to vector<2048x128xf32>
      %add3A_398 = arith.addf %dot_general3A_393, %add3A_397 : vector<2048x128xf32>
      %convert_element_type3A_399 = arith.truncf %add3A_398 : vector<2048x128xf32> to vector<2048x128xbf16>
      %swap3A_400 = arith.constant 2048 : index
      %swap3A_401 = arith.constant 0 : index
      %swap3A_402 = vector.load %arg14[%swap3A_400, %swap3A_401] : memref<16384x128xbf16, #tpu.memory_space<vmem>>, vector<2048x128xbf16>
      tpu.vector_store %arg14[%swap3A_400, %swap3A_401], %convert_element_type3A_399 {strides = array<i32>} : memref<16384x128xbf16, #tpu.memory_space<vmem>>, vector<2048x128xbf16>,
      %get3A_403 = arith.constant 0 : index
      %get3A_404 = arith.constant 0 : index
      %get3A_405 = vector.load %arg7[%get3A_403, %get3A_404] : memref<128x128xf32, #tpu.memory_space<vmem>>, vector<128x128xf32>
      %dot_general3A_406 = arith.constant dense<0.000000e+00> : vector<2048x128xf32>
      %dot_general3A_407 = tpu.matmul %get3A_388, %get3A_405, %dot_general3A_406 {dimension_numbers = #tpu.dot_dimension_numbers<[1], [0], [0], [1], [0, 0, 1, 1], [], []>, transpose_lhs_hint = false} : vector<2048x128xf32>, vector<128x128xf32>, vector<2048x128xf32> -> vector<2048x128xf32>
      %get3A_408 = arith.constant 0 : index
      %get3A_409 = arith.constant 0 : index
      %get3A_410 = vector.load %arg8[%get3A_408, %get3A_409] : memref<1x128xf32, #tpu.memory_space<vmem>>, vector<1x128xf32>
      %add3A_411 = vector.broadcast %get3A_410 : vector<1x128xf32> to vector<2048x128xf32>
      %add3A_412 = arith.addf %dot_general3A_407, %add3A_411 : vector<2048x128xf32>
      %convert_element_type3A_413 = arith.truncf %add3A_412 : vector<2048x128xf32> to vector<2048x128xbf16>
      %swap3A_414 = arith.constant 2048 : index
      %swap3A_415 = arith.constant 0 : index
      %swap3A_416 = vector.load %arg15[%swap3A_414, %swap3A_415] : memref<16384x128xbf16, #tpu.memory_space<vmem>>, vector<2048x128xbf16>
      tpu.vector_store %arg15[%swap3A_414, %swap3A_415], %convert_element_type3A_413 {strides = array<i32>} : memref<16384x128xbf16, #tpu.memory_space<vmem>>, vector<2048x128xbf16>,
      %get3A_417 = arith.constant 4096 : index
      %get3A_418 = arith.constant 0 : index
      %get3A_419 = vector.load %arg2[%get3A_417, %get3A_418] : memref<16384x128xf32, #tpu.memory_space<vmem>>, vector<2048x128xf32>
      %get3A_420 = arith.constant 0 : index
      %get3A_421 = arith.constant 0 : index
      %get3A_422 = vector.load %arg5[%get3A_420, %get3A_421] : memref<128x128xf32, #tpu.memory_space<vmem>>, vector<128x128xf32>
      %dot_general3A_423 = arith.constant dense<0.000000e+00> : vector<2048x128xf32>
      %dot_general3A_424 = tpu.matmul %get3A_419, %get3A_422, %dot_general3A_423 {dimension_numbers = #tpu.dot_dimension_numbers<[1], [0], [0], [1], [0, 0, 1, 1], [], []>, transpose_lhs_hint = false} : vector<2048x128xf32>, vector<128x128xf32>, vector<2048x128xf32> -> vector<2048x128xf32>
      %get3A_425 = arith.constant 0 : index
      %get3A_426 = arith.constant 0 : index
      %get3A_427 = vector.load %arg6[%get3A_425, %get3A_426] : memref<1x128xf32, #tpu.memory_space<vmem>>, vector<1x128xf32>
      %add3A_428 = vector.broadcast %get3A_427 : vector<1x128xf32> to vector<2048x128xf32>
      %add3A_429 = arith.addf %dot_general3A_424, %add3A_428 : vector<2048x128xf32>
      %convert_element_type3A_430 = arith.truncf %add3A_429 : vector<2048x128xf32> to vector<2048x128xbf16>
      %swap3A_431 = arith.constant 4096 : index
      %swap3A_432 = arith.constant 0 : index
      %swap3A_433 = vector.load %arg14[%swap3A_431, %swap3A_432] : memref<16384x128xbf16, #tpu.memory_space<vmem>>, vector<2048x128xbf16>
      tpu.vector_store %arg14[%swap3A_431, %swap3A_432], %convert_element_type3A_430 {strides = array<i32>} : memref<16384x128xbf16, #tpu.memory_space<vmem>>, vector<2048x128xbf16>,
      %get3A_434 = arith.constant 0 : index
      %get3A_435 = arith.constant 0 : index
      %get3A_436 = vector.load %arg7[%get3A_434, %get3A_435] : memref<128x128xf32, #tpu.memory_space<vmem>>, vector<128x128xf32>
      %dot_general3A_437 = arith.constant dense<0.000000e+00> : vector<2048x128xf32>
      %dot_general3A_438 = tpu.matmul %get3A_419, %get3A_436, %dot_general3A_437 {dimension_numbers = #tpu.dot_dimension_numbers<[1], [0], [0], [1], [0, 0, 1, 1], [], []>, transpose_lhs_hint = false} : vector<2048x128xf32>, vector<128x128xf32>, vector<2048x128xf32> -> vector<2048x128xf32>
      %get3A_439 = arith.constant 0 : index
      %get3A_440 = arith.constant 0 : index
      %get3A_441 = vector.load %arg8[%get3A_439, %get3A_440] : memref<1x128xf32, #tpu.memory_space<vmem>>, vector<1x128xf32>
      %add3A_442 = vector.broadcast %get3A_441 : vector<1x128xf32> to vector<2048x128xf32>
      %add3A_443 = arith.addf %dot_general3A_438, %add3A_442 : vector<2048x128xf32>
      %convert_element_type3A_444 = arith.truncf %add3A_443 : vector<2048x128xf32> to vector<2048x128xbf16>
      %swap3A_445 = arith.constant 4096 : index
      %swap3A_446 = arith.constant 0 : index
      %swap3A_447 = vector.load %arg15[%swap3A_445, %swap3A_446] : memref<16384x128xbf16, #tpu.memory_space<vmem>>, vector<2048x128xbf16>
      tpu.vector_store %arg15[%swap3A_445, %swap3A_446], %convert_element_type3A_444 {strides = array<i32>} : memref<16384x128xbf16, #tpu.memory_space<vmem>>, vector<2048x128xbf16>,
      %get3A_448 = arith.constant 6144 : index
      %get3A_449 = arith.constant 0 : index
      %get3A_450 = vector.load %arg2[%get3A_448, %get3A_449] : memref<16384x128xf32, #tpu.memory_space<vmem>>, vector<2048x128xf32>
      %get3A_451 = arith.constant 0 : index
      %get3A_452 = arith.constant 0 : index
      %get3A_453 = vector.load %arg5[%get3A_451, %get3A_452] : memref<128x128xf32, #tpu.memory_space<vmem>>, vector<128x128xf32>
      %dot_general3A_454 = arith.constant dense<0.000000e+00> : vector<2048x128xf32>
      %dot_general3A_455 = tpu.matmul %get3A_450, %get3A_453, %dot_general3A_454 {dimension_numbers = #tpu.dot_dimension_numbers<[1], [0], [0], [1], [0, 0, 1, 1], [], []>, transpose_lhs_hint = false} : vector<2048x128xf32>, vector<128x128xf32>, vector<2048x128xf32> -> vector<2048x128xf32>
      %get3A_456 = arith.constant 0 : index
      %get3A_457 = arith.constant 0 : index
      %get3A_458 = vector.load %arg6[%get3A_456, %get3A_457] : memref<1x128xf32, #tpu.memory_space<vmem>>, vector<1x128xf32>
      %add3A_459 = vector.broadcast %get3A_458 : vector<1x128xf32> to vector<2048x128xf32>
      %add3A_460 = arith.addf %dot_general3A_455, %add3A_459 : vector<2048x128xf32>
      %convert_element_type3A_461 = arith.truncf %add3A_460 : vector<2048x128xf32> to vector<2048x128xbf16>
      %swap3A_462 = arith.constant 6144 : index
      %swap3A_463 = arith.constant 0 : index
      %swap3A_464 = vector.load %arg14[%swap3A_462, %swap3A_463] : memref<16384x128xbf16, #tpu.memory_space<vmem>>, vector<2048x128xbf16>
      tpu.vector_store %arg14[%swap3A_462, %swap3A_463], %convert_element_type3A_461 {strides = array<i32>} : memref<16384x128xbf16, #tpu.memory_space<vmem>>, vector<2048x128xbf16>,
      %get3A_465 = arith.constant 0 : index
      %get3A_466 = arith.constant 0 : index
      %get3A_467 = vector.load %arg7[%get3A_465, %get3A_466] : memref<128x128xf32, #tpu.memory_space<vmem>>, vector<128x128xf32>
      %dot_general3A_468 = arith.constant dense<0.000000e+00> : vector<2048x128xf32>
      %dot_general3A_469 = tpu.matmul %get3A_450, %get3A_467, %dot_general3A_468 {dimension_numbers = #tpu.dot_dimension_numbers<[1], [0], [0], [1], [0, 0, 1, 1], [], []>, transpose_lhs_hint = false} : vector<2048x128xf32>, vector<128x128xf32>, vector<2048x128xf32> -> vector<2048x128xf32>
      %get3A_470 = arith.constant 0 : index
      %get3A_471 = arith.constant 0 : index
      %get3A_472 = vector.load %arg8[%get3A_470, %get3A_471] : memref<1x128xf32, #tpu.memory_space<vmem>>, vector<1x128xf32>
      %add3A_473 = vector.broadcast %get3A_472 : vector<1x128xf32> to vector<2048x128xf32>
      %add3A_474 = arith.addf %dot_general3A_469, %add3A_473 : vector<2048x128xf32>
      %convert_element_type3A_475 = arith.truncf %add3A_474 : vector<2048x128xf32> to vector<2048x128xbf16>
      %swap3A_476 = arith.constant 6144 : index
      %swap3A_477 = arith.constant 0 : index
      %swap3A_478 = vector.load %arg15[%swap3A_476, %swap3A_477] : memref<16384x128xbf16, #tpu.memory_space<vmem>>, vector<2048x128xbf16>
      tpu.vector_store %arg15[%swap3A_476, %swap3A_477], %convert_element_type3A_475 {strides = array<i32>} : memref<16384x128xbf16, #tpu.memory_space<vmem>>, vector<2048x128xbf16>,
      %get3A_479 = arith.constant 8192 : index
      %get3A_480 = arith.constant 0 : index
      %get3A_481 = vector.load %arg2[%get3A_479, %get3A_480] : memref<16384x128xf32, #tpu.memory_space<vmem>>, vector<2048x128xf32>
      %get3A_482 = arith.constant 0 : index
      %get3A_483 = arith.constant 0 : index
      %get3A_484 = vector.load %arg5[%get3A_482, %get3A_483] : memref<128x128xf32, #tpu.memory_space<vmem>>, vector<128x128xf32>
      %dot_general3A_485 = arith.constant dense<0.000000e+00> : vector<2048x128xf32>
      %dot_general3A_486 = tpu.matmul %get3A_481, %get3A_484, %dot_general3A_485 {dimension_numbers = #tpu.dot_dimension_numbers<[1], [0], [0], [1], [0, 0, 1, 1], [], []>, transpose_lhs_hint = false} : vector<2048x128xf32>, vector<128x128xf32>, vector<2048x128xf32> -> vector<2048x128xf32>
      %get3A_487 = arith.constant 0 : index
      %get3A_488 = arith.constant 0 : index
      %get3A_489 = vector.load %arg6[%get3A_487, %get3A_488] : memref<1x128xf32, #tpu.memory_space<vmem>>, vector<1x128xf32>
      %add3A_490 = vector.broadcast %get3A_489 : vector<1x128xf32> to vector<2048x128xf32>
      %add3A_491 = arith.addf %dot_general3A_486, %add3A_490 : vector<2048x128xf32>
      %convert_element_type3A_492 = arith.truncf %add3A_491 : vector<2048x128xf32> to vector<2048x128xbf16>
      %swap3A_493 = arith.constant 8192 : index
      %swap3A_494 = arith.constant 0 : index
      %swap3A_495 = vector.load %arg14[%swap3A_493, %swap3A_494] : memref<16384x128xbf16, #tpu.memory_space<vmem>>, vector<2048x128xbf16>
      tpu.vector_store %arg14[%swap3A_493, %swap3A_494], %convert_element_type3A_492 {strides = array<i32>} : memref<16384x128xbf16, #tpu.memory_space<vmem>>, vector<2048x128xbf16>,
      %get3A_496 = arith.constant 0 : index
      %get3A_497 = arith.constant 0 : index
      %get3A_498 = vector.load %arg7[%get3A_496, %get3A_497] : memref<128x128xf32, #tpu.memory_space<vmem>>, vector<128x128xf32>
      %dot_general3A_499 = arith.constant dense<0.000000e+00> : vector<2048x128xf32>
      %dot_general3A_500 = tpu.matmul %get3A_481, %get3A_498, %dot_general3A_499 {dimension_numbers = #tpu.dot_dimension_numbers<[1], [0], [0], [1], [0, 0, 1, 1], [], []>, transpose_lhs_hint = false} : vector<2048x128xf32>, vector<128x128xf32>, vector<2048x128xf32> -> vector<2048x128xf32>
      %get3A_501 = arith.constant 0 : index
      %get3A_502 = arith.constant 0 : index
      %get3A_503 = vector.load %arg8[%get3A_501, %get3A_502] : memref<1x128xf32, #tpu.memory_space<vmem>>, vector<1x128xf32>
      %add3A_504 = vector.broadcast %get3A_503 : vector<1x128xf32> to vector<2048x128xf32>
      %add3A_505 = arith.addf %dot_general3A_500, %add3A_504 : vector<2048x128xf32>
      %convert_element_type3A_506 = arith.truncf %add3A_505 : vector<2048x128xf32> to vector<2048x128xbf16>
      %swap3A_507 = arith.constant 8192 : index
      %swap3A_508 = arith.constant 0 : index
      %swap3A_509 = vector.load %arg15[%swap3A_507, %swap3A_508] : memref<16384x128xbf16, #tpu.memory_space<vmem>>, vector<2048x128xbf16>
      tpu.vector_store %arg15[%swap3A_507, %swap3A_508], %convert_element_type3A_506 {strides = array<i32>} : memref<16384x128xbf16, #tpu.memory_space<vmem>>, vector<2048x128xbf16>,
      %get3A_510 = arith.constant 10240 : index
      %get3A_511 = arith.constant 0 : index
      %get3A_512 = vector.load %arg2[%get3A_510, %get3A_511] : memref<16384x128xf32, #tpu.memory_space<vmem>>, vector<2048x128xf32>
      %get3A_513 = arith.constant 0 : index
      %get3A_514 = arith.constant 0 : index
      %get3A_515 = vector.load %arg5[%get3A_513, %get3A_514] : memref<128x128xf32, #tpu.memory_space<vmem>>, vector<128x128xf32>
      %dot_general3A_516 = arith.constant dense<0.000000e+00> : vector<2048x128xf32>
      %dot_general3A_517 = tpu.matmul %get3A_512, %get3A_515, %dot_general3A_516 {dimension_numbers = #tpu.dot_dimension_numbers<[1], [0], [0], [1], [0, 0, 1, 1], [], []>, transpose_lhs_hint = false} : vector<2048x128xf32>, vector<128x128xf32>, vector<2048x128xf32> -> vector<2048x128xf32>
      %get3A_518 = arith.constant 0 : index
      %get3A_519 = arith.constant 0 : index
      %get3A_520 = vector.load %arg6[%get3A_518, %get3A_519] : memref<1x128xf32, #tpu.memory_space<vmem>>, vector<1x128xf32>
      %add3A_521 = vector.broadcast %get3A_520 : vector<1x128xf32> to vector<2048x128xf32>
      %add3A_522 = arith.addf %dot_general3A_517, %add3A_521 : vector<2048x128xf32>
      %convert_element_type3A_523 = arith.truncf %add3A_522 : vector<2048x128xf32> to vector<2048x128xbf16>
      %swap3A_524 = arith.constant 10240 : index
      %swap3A_525 = arith.constant 0 : index
      %swap3A_526 = vector.load %arg14[%swap3A_524, %swap3A_525] : memref<16384x128xbf16, #tpu.memory_space<vmem>>, vector<2048x128xbf16>
      tpu.vector_store %arg14[%swap3A_524, %swap3A_525], %convert_element_type3A_523 {strides = array<i32>} : memref<16384x128xbf16, #tpu.memory_space<vmem>>, vector<2048x128xbf16>,
      %get3A_527 = arith.constant 0 : index
      %get3A_528 = arith.constant 0 : index
      %get3A_529 = vector.load %arg7[%get3A_527, %get3A_528] : memref<128x128xf32, #tpu.memory_space<vmem>>, vector<128x128xf32>
      %dot_general3A_530 = arith.constant dense<0.000000e+00> : vector<2048x128xf32>
      %dot_general3A_531 = tpu.matmul %get3A_512, %get3A_529, %dot_general3A_530 {dimension_numbers = #tpu.dot_dimension_numbers<[1], [0], [0], [1], [0, 0, 1, 1], [], []>, transpose_lhs_hint = false} : vector<2048x128xf32>, vector<128x128xf32>, vector<2048x128xf32> -> vector<2048x128xf32>
      %get3A_532 = arith.constant 0 : index
      %get3A_533 = arith.constant 0 : index
      %get3A_534 = vector.load %arg8[%get3A_532, %get3A_533] : memref<1x128xf32, #tpu.memory_space<vmem>>, vector<1x128xf32>
      %add3A_535 = vector.broadcast %get3A_534 : vector<1x128xf32> to vector<2048x128xf32>
      %add3A_536 = arith.addf %dot_general3A_531, %add3A_535 : vector<2048x128xf32>
      %convert_element_type3A_537 = arith.truncf %add3A_536 : vector<2048x128xf32> to vector<2048x128xbf16>
      %swap3A_538 = arith.constant 10240 : index
      %swap3A_539 = arith.constant 0 : index
      %swap3A_540 = vector.load %arg15[%swap3A_538, %swap3A_539] : memref<16384x128xbf16, #tpu.memory_space<vmem>>, vector<2048x128xbf16>
      tpu.vector_store %arg15[%swap3A_538, %swap3A_539], %convert_element_type3A_537 {strides = array<i32>} : memref<16384x128xbf16, #tpu.memory_space<vmem>>, vector<2048x128xbf16>,
      %get3A_541 = arith.constant 12288 : index
      %get3A_542 = arith.constant 0 : index
      %get3A_543 = vector.load %arg2[%get3A_541, %get3A_542] : memref<16384x128xf32, #tpu.memory_space<vmem>>, vector<2048x128xf32>
      %get3A_544 = arith.constant 0 : index
      %get3A_545 = arith.constant 0 : index
      %get3A_546 = vector.load %arg5[%get3A_544, %get3A_545] : memref<128x128xf32, #tpu.memory_space<vmem>>, vector<128x128xf32>
      %dot_general3A_547 = arith.constant dense<0.000000e+00> : vector<2048x128xf32>
      %dot_general3A_548 = tpu.matmul %get3A_543, %get3A_546, %dot_general3A_547 {dimension_numbers = #tpu.dot_dimension_numbers<[1], [0], [0], [1], [0, 0, 1, 1], [], []>, transpose_lhs_hint = false} : vector<2048x128xf32>, vector<128x128xf32>, vector<2048x128xf32> -> vector<2048x128xf32>
      %get3A_549 = arith.constant 0 : index
      %get3A_550 = arith.constant 0 : index
      %get3A_551 = vector.load %arg6[%get3A_549, %get3A_550] : memref<1x128xf32, #tpu.memory_space<vmem>>, vector<1x128xf32>
      %add3A_552 = vector.broadcast %get3A_551 : vector<1x128xf32> to vector<2048x128xf32>
      %add3A_553 = arith.addf %dot_general3A_548, %add3A_552 : vector<2048x128xf32>
      %convert_element_type3A_554 = arith.truncf %add3A_553 : vector<2048x128xf32> to vector<2048x128xbf16>
      %swap3A_555 = arith.constant 12288 : index
      %swap3A_556 = arith.constant 0 : index
      %swap3A_557 = vector.load %arg14[%swap3A_555, %swap3A_556] : memref<16384x128xbf16, #tpu.memory_space<vmem>>, vector<2048x128xbf16>
      tpu.vector_store %arg14[%swap3A_555, %swap3A_556], %convert_element_type3A_554 {strides = array<i32>} : memref<16384x128xbf16, #tpu.memory_space<vmem>>, vector<2048x128xbf16>,
      %get3A_558 = arith.constant 0 : index
      %get3A_559 = arith.constant 0 : index
      %get3A_560 = vector.load %arg7[%get3A_558, %get3A_559] : memref<128x128xf32, #tpu.memory_space<vmem>>, vector<128x128xf32>
      %dot_general3A_561 = arith.constant dense<0.000000e+00> : vector<2048x128xf32>
      %dot_general3A_562 = tpu.matmul %get3A_543, %get3A_560, %dot_general3A_561 {dimension_numbers = #tpu.dot_dimension_numbers<[1], [0], [0], [1], [0, 0, 1, 1], [], []>, transpose_lhs_hint = false} : vector<2048x128xf32>, vector<128x128xf32>, vector<2048x128xf32> -> vector<2048x128xf32>
      %get3A_563 = arith.constant 0 : index
      %get3A_564 = arith.constant 0 : index
      %get3A_565 = vector.load %arg8[%get3A_563, %get3A_564] : memref<1x128xf32, #tpu.memory_space<vmem>>, vector<1x128xf32>
      %add3A_566 = vector.broadcast %get3A_565 : vector<1x128xf32> to vector<2048x128xf32>
      %add3A_567 = arith.addf %dot_general3A_562, %add3A_566 : vector<2048x128xf32>
      %convert_element_type3A_568 = arith.truncf %add3A_567 : vector<2048x128xf32> to vector<2048x128xbf16>
      %swap3A_569 = arith.constant 12288 : index
      %swap3A_570 = arith.constant 0 : index
      %swap3A_571 = vector.load %arg15[%swap3A_569, %swap3A_570] : memref<16384x128xbf16, #tpu.memory_space<vmem>>, vector<2048x128xbf16>
      tpu.vector_store %arg15[%swap3A_569, %swap3A_570], %convert_element_type3A_568 {strides = array<i32>} : memref<16384x128xbf16, #tpu.memory_space<vmem>>, vector<2048x128xbf16>,
      %get3A_572 = arith.constant 14336 : index
      %get3A_573 = arith.constant 0 : index
      %get3A_574 = vector.load %arg2[%get3A_572, %get3A_573] : memref<16384x128xf32, #tpu.memory_space<vmem>>, vector<2048x128xf32>
      %get3A_575 = arith.constant 0 : index
      %get3A_576 = arith.constant 0 : index
      %get3A_577 = vector.load %arg5[%get3A_575, %get3A_576] : memref<128x128xf32, #tpu.memory_space<vmem>>, vector<128x128xf32>
      %dot_general3A_578 = arith.constant dense<0.000000e+00> : vector<2048x128xf32>
      %dot_general3A_579 = tpu.matmul %get3A_574, %get3A_577, %dot_general3A_578 {dimension_numbers = #tpu.dot_dimension_numbers<[1], [0], [0], [1], [0, 0, 1, 1], [], []>, transpose_lhs_hint = false} : vector<2048x128xf32>, vector<128x128xf32>, vector<2048x128xf32> -> vector<2048x128xf32>
      %get3A_580 = arith.constant 0 : index
      %get3A_581 = arith.constant 0 : index
      %get3A_582 = vector.load %arg6[%get3A_580, %get3A_581] : memref<1x128xf32, #tpu.memory_space<vmem>>, vector<1x128xf32>
      %add3A_583 = vector.broadcast %get3A_582 : vector<1x128xf32> to vector<2048x128xf32>
      %add3A_584 = arith.addf %dot_general3A_579, %add3A_583 : vector<2048x128xf32>
      %convert_element_type3A_585 = arith.truncf %add3A_584 : vector<2048x128xf32> to vector<2048x128xbf16>
      %swap3A_586 = arith.constant 14336 : index
      %swap3A_587 = arith.constant 0 : index
      %swap3A_588 = vector.load %arg14[%swap3A_586, %swap3A_587] : memref<16384x128xbf16, #tpu.memory_space<vmem>>, vector<2048x128xbf16>
      tpu.vector_store %arg14[%swap3A_586, %swap3A_587], %convert_element_type3A_585 {strides = array<i32>} : memref<16384x128xbf16, #tpu.memory_space<vmem>>, vector<2048x128xbf16>,
      %get3A_589 = arith.constant 0 : index
      %get3A_590 = arith.constant 0 : index
      %get3A_591 = vector.load %arg7[%get3A_589, %get3A_590] : memref<128x128xf32, #tpu.memory_space<vmem>>, vector<128x128xf32>
      %dot_general3A_592 = arith.constant dense<0.000000e+00> : vector<2048x128xf32>
      %dot_general3A_593 = tpu.matmul %get3A_574, %get3A_591, %dot_general3A_592 {dimension_numbers = #tpu.dot_dimension_numbers<[1], [0], [0], [1], [0, 0, 1, 1], [], []>, transpose_lhs_hint = false} : vector<2048x128xf32>, vector<128x128xf32>, vector<2048x128xf32> -> vector<2048x128xf32>
      %get3A_594 = arith.constant 0 : index
      %get3A_595 = arith.constant 0 : index
      %get3A_596 = vector.load %arg8[%get3A_594, %get3A_595] : memref<1x128xf32, #tpu.memory_space<vmem>>, vector<1x128xf32>
      %add3A_597 = vector.broadcast %get3A_596 : vector<1x128xf32> to vector<2048x128xf32>
      %add3A_598 = arith.addf %dot_general3A_593, %add3A_597 : vector<2048x128xf32>
      %convert_element_type3A_599 = arith.truncf %add3A_598 : vector<2048x128xf32> to vector<2048x128xbf16>
      %swap3A_600 = arith.constant 14336 : index
      %swap3A_601 = arith.constant 0 : index
      %swap3A_602 = vector.load %arg15[%swap3A_600, %swap3A_601] : memref<16384x128xbf16, #tpu.memory_space<vmem>>, vector<2048x128xbf16>
      tpu.vector_store %arg15[%swap3A_600, %swap3A_601], %convert_element_type3A_599 {strides = array<i32>} : memref<16384x128xbf16, #tpu.memory_space<vmem>>, vector<2048x128xbf16>,
    } else {
    }
    %get3A = arith.constant 0 : index
    %get3A_2 = arith.constant 0 : index
    %get3A_3 = vector.load %arg1[%get3A, %get3A_2] : memref<256x128xf32, #tpu.memory_space<vmem>>, vector<256x128xf32>
    %get3A_4 = arith.constant 0 : index
    %get3A_5 = arith.constant 0 : index
    %get3A_6 = vector.load %arg3[%get3A_4, %get3A_5] : memref<128x128xf32, #tpu.memory_space<vmem>>, vector<128x128xf32>
    %dot_general3A = arith.constant dense<0.000000e+00> : vector<256x128xf32>
    %dot_general3A_7 = tpu.matmul %get3A_3, %get3A_6, %dot_general3A {dimension_numbers = #tpu.dot_dimension_numbers<[1], [0], [0], [1], [0, 0, 1, 1], [], []>, transpose_lhs_hint = false} : vector<256x128xf32>, vector<128x128xf32>, vector<256x128xf32> -> vector<256x128xf32>
    %get3A_8 = arith.constant 0 : index
    %get3A_9 = arith.constant 0 : index
    %get3A_10 = vector.load %arg4[%get3A_8, %get3A_9] : memref<1x128xf32, #tpu.memory_space<vmem>>, vector<1x128xf32>
    %add3A = vector.broadcast %get3A_10 : vector<1x128xf32> to vector<256x128xf32>
    %add3A_11 = arith.addf %dot_general3A_7, %add3A : vector<256x128xf32>
    %mul3A = arith.constant 0.0883883461 : f32
    %mul3A_12 = vector.broadcast %mul3A : f32 to vector<256x128xf32>
    %mul3A_13 = arith.mulf %add3A_11, %mul3A_12 : vector<256x128xf32>
    %convert_element_type3A_14 = arith.truncf %mul3A_13 : vector<256x128xf32> to vector<256x128xbf16>
    %broadcast_in_dim3A = arith.constant 0xFF800000 : f32
    %broadcast_in_dim3A_15 = vector.broadcast %broadcast_in_dim3A : f32 to vector<256x1xf32>
    %broadcast_in_dim3A_16 = arith.constant 0.000000e+00 : f32
    %broadcast_in_dim3A_17 = vector.broadcast %broadcast_in_dim3A_16 : f32 to vector<256x1xf32>
    %get3A_18 = arith.constant 0 : index
    %get3A_19 = arith.constant 0 : index
    %get3A_20 = vector.load %arg14[%get3A_18, %get3A_19] : memref<16384x128xbf16, #tpu.memory_space<vmem>>, vector<2048x128xbf16>
    %dot_general3A_21 = arith.constant dense<0.000000e+00> : vector<256x2048xf32>
    %dot_general3A_22 = tpu.matmul %convert_element_type3A_14, %get3A_20, %dot_general3A_21 {dimension_numbers = #tpu.dot_dimension_numbers<[1], [1], [0], [0], [0, 0, 1, 0], [], []>, transpose_lhs_hint = false} : vector<256x128xbf16>, vector<2048x128xbf16>, vector<256x2048xf32> -> vector<256x2048xf32>
    %reduce_max3A = arith.constant dense<0xFF800000> : vector<256xf32>
    %reduce_max3A_23 = vector.multi_reduction <maximumf>, %dot_general3A_22, %reduce_max3A [1] : vector<256x2048xf32> to vector<256xf32>
    %broadcast_in_dim3A_24 = vector.shape_cast %reduce_max3A_23 : vector<256xf32> to vector<256x1xf32>
    %max3A = arith.maximumf %broadcast_in_dim3A_15, %broadcast_in_dim3A_24 : vector<256x1xf32>
    %sub3A = vector.broadcast %max3A : vector<256x1xf32> to vector<256x2048xf32>
    %sub3A_25 = arith.subf %dot_general3A_22, %sub3A : vector<256x2048xf32>
    %exp3A = math.exp %sub3A_25 : vector<256x2048xf32>
    %swap3A = arith.constant 0 : index
    %swap3A_26 = arith.constant 0 : index
    %swap3A_27 = vector.load %arg12[%swap3A, %swap3A_26] : memref<256x16384xf32, #tpu.memory_space<vmem>>, vector<256x2048xf32>
    tpu.vector_store %arg12[%swap3A, %swap3A_26], %exp3A {strides = array<i32>} : memref<256x16384xf32, #tpu.memory_space<vmem>>, vector<256x2048xf32>,
    %sub3A_28 = arith.subf %broadcast_in_dim3A_15, %max3A : vector<256x1xf32>
    %exp3A_29 = math.exp %sub3A_28 : vector<256x1xf32>
    %mul3A_30 = arith.mulf %broadcast_in_dim3A_17, %exp3A_29 : vector<256x1xf32>
    %reduce_sum3A = arith.constant dense<0.000000e+00> : vector<256xf32>
    %reduce_sum3A_31 = vector.multi_reduction <add>, %exp3A, %reduce_sum3A [1] : vector<256x2048xf32> to vector<256xf32>
    %broadcast_in_dim3A_32 = vector.shape_cast %reduce_sum3A_31 : vector<256xf32> to vector<256x1xf32>
    %add3A_33 = arith.addf %mul3A_30, %broadcast_in_dim3A_32 : vector<256x1xf32>
    %get3A_34 = arith.constant 2048 : index
    %get3A_35 = arith.constant 0 : index
    %get3A_36 = vector.load %arg14[%get3A_34, %get3A_35] : memref<16384x128xbf16, #tpu.memory_space<vmem>>, vector<2048x128xbf16>
    %dot_general3A_37 = arith.constant dense<0.000000e+00> : vector<256x2048xf32>
    %dot_general3A_38 = tpu.matmul %convert_element_type3A_14, %get3A_36, %dot_general3A_37 {dimension_numbers = #tpu.dot_dimension_numbers<[1], [1], [0], [0], [0, 0, 1, 0], [], []>, transpose_lhs_hint = false} : vector<256x128xbf16>, vector<2048x128xbf16>, vector<256x2048xf32> -> vector<256x2048xf32>
    %reduce_max3A_39 = arith.constant dense<0xFF800000> : vector<256xf32>
    %reduce_max3A_40 = vector.multi_reduction <maximumf>, %dot_general3A_38, %reduce_max3A_39 [1] : vector<256x2048xf32> to vector<256xf32>
    %broadcast_in_dim3A_41 = vector.shape_cast %reduce_max3A_40 : vector<256xf32> to vector<256x1xf32>
    %max3A_42 = arith.maximumf %max3A, %broadcast_in_dim3A_41 : vector<256x1xf32>
    %sub3A_43 = vector.broadcast %max3A_42 : vector<256x1xf32> to vector<256x2048xf32>
    %sub3A_44 = arith.subf %dot_general3A_38, %sub3A_43 : vector<256x2048xf32>
    %exp3A_45 = math.exp %sub3A_44 : vector<256x2048xf32>
    %swap3A_46 = arith.constant 0 : index
    %swap3A_47 = arith.constant 2048 : index
    %swap3A_48 = vector.load %arg12[%swap3A_46, %swap3A_47] : memref<256x16384xf32, #tpu.memory_space<vmem>>, vector<256x2048xf32>
    tpu.vector_store %arg12[%swap3A_46, %swap3A_47], %exp3A_45 {strides = array<i32>} : memref<256x16384xf32, #tpu.memory_space<vmem>>, vector<256x2048xf32>,
    %sub3A_49 = arith.subf %max3A, %max3A_42 : vector<256x1xf32>
    %exp3A_50 = math.exp %sub3A_49 : vector<256x1xf32>
    %mul3A_51 = arith.mulf %add3A_33, %exp3A_50 : vector<256x1xf32>
    %reduce_sum3A_52 = arith.constant dense<0.000000e+00> : vector<256xf32>
    %reduce_sum3A_53 = vector.multi_reduction <add>, %exp3A_45, %reduce_sum3A_52 [1] : vector<256x2048xf32> to vector<256xf32>
    %broadcast_in_dim3A_54 = vector.shape_cast %reduce_sum3A_53 : vector<256xf32> to vector<256x1xf32>
    %add3A_55 = arith.addf %mul3A_51, %broadcast_in_dim3A_54 : vector<256x1xf32>
    %get3A_56 = arith.constant 4096 : index
    %get3A_57 = arith.constant 0 : index
    %get3A_58 = vector.load %arg14[%get3A_56, %get3A_57] : memref<16384x128xbf16, #tpu.memory_space<vmem>>, vector<2048x128xbf16>
    %dot_general3A_59 = arith.constant dense<0.000000e+00> : vector<256x2048xf32>
    %dot_general3A_60 = tpu.matmul %convert_element_type3A_14, %get3A_58, %dot_general3A_59 {dimension_numbers = #tpu.dot_dimension_numbers<[1], [1], [0], [0], [0, 0, 1, 0], [], []>, transpose_lhs_hint = false} : vector<256x128xbf16>, vector<2048x128xbf16>, vector<256x2048xf32> -> vector<256x2048xf32>
    %reduce_max3A_61 = arith.constant dense<0xFF800000> : vector<256xf32>
    %reduce_max3A_62 = vector.multi_reduction <maximumf>, %dot_general3A_60, %reduce_max3A_61 [1] : vector<256x2048xf32> to vector<256xf32>
    %broadcast_in_dim3A_63 = vector.shape_cast %reduce_max3A_62 : vector<256xf32> to vector<256x1xf32>
    %max3A_64 = arith.maximumf %max3A_42, %broadcast_in_dim3A_63 : vector<256x1xf32>
    %sub3A_65 = vector.broadcast %max3A_64 : vector<256x1xf32> to vector<256x2048xf32>
    %sub3A_66 = arith.subf %dot_general3A_60, %sub3A_65 : vector<256x2048xf32>
    %exp3A_67 = math.exp %sub3A_66 : vector<256x2048xf32>
    %swap3A_68 = arith.constant 0 : index
    %swap3A_69 = arith.constant 4096 : index
    %swap3A_70 = vector.load %arg12[%swap3A_68, %swap3A_69] : memref<256x16384xf32, #tpu.memory_space<vmem>>, vector<256x2048xf32>
    tpu.vector_store %arg12[%swap3A_68, %swap3A_69], %exp3A_67 {strides = array<i32>} : memref<256x16384xf32, #tpu.memory_space<vmem>>, vector<256x2048xf32>,
    %sub3A_71 = arith.subf %max3A_42, %max3A_64 : vector<256x1xf32>
    %exp3A_72 = math.exp %sub3A_71 : vector<256x1xf32>
    %mul3A_73 = arith.mulf %add3A_55, %exp3A_72 : vector<256x1xf32>
    %reduce_sum3A_74 = arith.constant dense<0.000000e+00> : vector<256xf32>
    %reduce_sum3A_75 = vector.multi_reduction <add>, %exp3A_67, %reduce_sum3A_74 [1] : vector<256x2048xf32> to vector<256xf32>
    %broadcast_in_dim3A_76 = vector.shape_cast %reduce_sum3A_75 : vector<256xf32> to vector<256x1xf32>
    %add3A_77 = arith.addf %mul3A_73, %broadcast_in_dim3A_76 : vector<256x1xf32>
    %get3A_78 = arith.constant 6144 : index
    %get3A_79 = arith.constant 0 : index
    %get3A_80 = vector.load %arg14[%get3A_78, %get3A_79] : memref<16384x128xbf16, #tpu.memory_space<vmem>>, vector<2048x128xbf16>
    %dot_general3A_81 = arith.constant dense<0.000000e+00> : vector<256x2048xf32>
    %dot_general3A_82 = tpu.matmul %convert_element_type3A_14, %get3A_80, %dot_general3A_81 {dimension_numbers = #tpu.dot_dimension_numbers<[1], [1], [0], [0], [0, 0, 1, 0], [], []>, transpose_lhs_hint = false} : vector<256x128xbf16>, vector<2048x128xbf16>, vector<256x2048xf32> -> vector<256x2048xf32>
    %reduce_max3A_83 = arith.constant dense<0xFF800000> : vector<256xf32>
    %reduce_max3A_84 = vector.multi_reduction <maximumf>, %dot_general3A_82, %reduce_max3A_83 [1] : vector<256x2048xf32> to vector<256xf32>
    %broadcast_in_dim3A_85 = vector.shape_cast %reduce_max3A_84 : vector<256xf32> to vector<256x1xf32>
    %max3A_86 = arith.maximumf %max3A_64, %broadcast_in_dim3A_85 : vector<256x1xf32>
    %sub3A_87 = vector.broadcast %max3A_86 : vector<256x1xf32> to vector<256x2048xf32>
    %sub3A_88 = arith.subf %dot_general3A_82, %sub3A_87 : vector<256x2048xf32>
    %exp3A_89 = math.exp %sub3A_88 : vector<256x2048xf32>
    %swap3A_90 = arith.constant 0 : index
    %swap3A_91 = arith.constant 6144 : index
    %swap3A_92 = vector.load %arg12[%swap3A_90, %swap3A_91] : memref<256x16384xf32, #tpu.memory_space<vmem>>, vector<256x2048xf32>
    tpu.vector_store %arg12[%swap3A_90, %swap3A_91], %exp3A_89 {strides = array<i32>} : memref<256x16384xf32, #tpu.memory_space<vmem>>, vector<256x2048xf32>,
    %sub3A_93 = arith.subf %max3A_64, %max3A_86 : vector<256x1xf32>
    %exp3A_94 = math.exp %sub3A_93 : vector<256x1xf32>
    %mul3A_95 = arith.mulf %add3A_77, %exp3A_94 : vector<256x1xf32>
    %reduce_sum3A_96 = arith.constant dense<0.000000e+00> : vector<256xf32>
    %reduce_sum3A_97 = vector.multi_reduction <add>, %exp3A_89, %reduce_sum3A_96 [1] : vector<256x2048xf32> to vector<256xf32>
    %broadcast_in_dim3A_98 = vector.shape_cast %reduce_sum3A_97 : vector<256xf32> to vector<256x1xf32>
    %add3A_99 = arith.addf %mul3A_95, %broadcast_in_dim3A_98 : vector<256x1xf32>
    %get3A_100 = arith.constant 8192 : index
    %get3A_101 = arith.constant 0 : index
    %get3A_102 = vector.load %arg14[%get3A_100, %get3A_101] : memref<16384x128xbf16, #tpu.memory_space<vmem>>, vector<2048x128xbf16>
    %dot_general3A_103 = arith.constant dense<0.000000e+00> : vector<256x2048xf32>
    %dot_general3A_104 = tpu.matmul %convert_element_type3A_14, %get3A_102, %dot_general3A_103 {dimension_numbers = #tpu.dot_dimension_numbers<[1], [1], [0], [0], [0, 0, 1, 0], [], []>, transpose_lhs_hint = false} : vector<256x128xbf16>, vector<2048x128xbf16>, vector<256x2048xf32> -> vector<256x2048xf32>
    %reduce_max3A_105 = arith.constant dense<0xFF800000> : vector<256xf32>
    %reduce_max3A_106 = vector.multi_reduction <maximumf>, %dot_general3A_104, %reduce_max3A_105 [1] : vector<256x2048xf32> to vector<256xf32>
    %broadcast_in_dim3A_107 = vector.shape_cast %reduce_max3A_106 : vector<256xf32> to vector<256x1xf32>
    %max3A_108 = arith.maximumf %max3A_86, %broadcast_in_dim3A_107 : vector<256x1xf32>
    %sub3A_109 = vector.broadcast %max3A_108 : vector<256x1xf32> to vector<256x2048xf32>
    %sub3A_110 = arith.subf %dot_general3A_104, %sub3A_109 : vector<256x2048xf32>
    %exp3A_111 = math.exp %sub3A_110 : vector<256x2048xf32>
    %swap3A_112 = arith.constant 0 : index
    %swap3A_113 = arith.constant 8192 : index
    %swap3A_114 = vector.load %arg12[%swap3A_112, %swap3A_113] : memref<256x16384xf32, #tpu.memory_space<vmem>>, vector<256x2048xf32>
    tpu.vector_store %arg12[%swap3A_112, %swap3A_113], %exp3A_111 {strides = array<i32>} : memref<256x16384xf32, #tpu.memory_space<vmem>>, vector<256x2048xf32>,
    %sub3A_115 = arith.subf %max3A_86, %max3A_108 : vector<256x1xf32>
    %exp3A_116 = math.exp %sub3A_115 : vector<256x1xf32>
    %mul3A_117 = arith.mulf %add3A_99, %exp3A_116 : vector<256x1xf32>
    %reduce_sum3A_118 = arith.constant dense<0.000000e+00> : vector<256xf32>
    %reduce_sum3A_119 = vector.multi_reduction <add>, %exp3A_111, %reduce_sum3A_118 [1] : vector<256x2048xf32> to vector<256xf32>
    %broadcast_in_dim3A_120 = vector.shape_cast %reduce_sum3A_119 : vector<256xf32> to vector<256x1xf32>
    %add3A_121 = arith.addf %mul3A_117, %broadcast_in_dim3A_120 : vector<256x1xf32>
    %get3A_122 = arith.constant 10240 : index
    %get3A_123 = arith.constant 0 : index
    %get3A_124 = vector.load %arg14[%get3A_122, %get3A_123] : memref<16384x128xbf16, #tpu.memory_space<vmem>>, vector<2048x128xbf16>
    %dot_general3A_125 = arith.constant dense<0.000000e+00> : vector<256x2048xf32>
    %dot_general3A_126 = tpu.matmul %convert_element_type3A_14, %get3A_124, %dot_general3A_125 {dimension_numbers = #tpu.dot_dimension_numbers<[1], [1], [0], [0], [0, 0, 1, 0], [], []>, transpose_lhs_hint = false} : vector<256x128xbf16>, vector<2048x128xbf16>, vector<256x2048xf32> -> vector<256x2048xf32>
    %reduce_max3A_127 = arith.constant dense<0xFF800000> : vector<256xf32>
    %reduce_max3A_128 = vector.multi_reduction <maximumf>, %dot_general3A_126, %reduce_max3A_127 [1] : vector<256x2048xf32> to vector<256xf32>
    %broadcast_in_dim3A_129 = vector.shape_cast %reduce_max3A_128 : vector<256xf32> to vector<256x1xf32>
    %max3A_130 = arith.maximumf %max3A_108, %broadcast_in_dim3A_129 : vector<256x1xf32>
    %sub3A_131 = vector.broadcast %max3A_130 : vector<256x1xf32> to vector<256x2048xf32>
    %sub3A_132 = arith.subf %dot_general3A_126, %sub3A_131 : vector<256x2048xf32>
    %exp3A_133 = math.exp %sub3A_132 : vector<256x2048xf32>
    %swap3A_134 = arith.constant 0 : index
    %swap3A_135 = arith.constant 10240 : index
    %swap3A_136 = vector.load %arg12[%swap3A_134, %swap3A_135] : memref<256x16384xf32, #tpu.memory_space<vmem>>, vector<256x2048xf32>
    tpu.vector_store %arg12[%swap3A_134, %swap3A_135], %exp3A_133 {strides = array<i32>} : memref<256x16384xf32, #tpu.memory_space<vmem>>, vector<256x2048xf32>,
    %sub3A_137 = arith.subf %max3A_108, %max3A_130 : vector<256x1xf32>
    %exp3A_138 = math.exp %sub3A_137 : vector<256x1xf32>
    %mul3A_139 = arith.mulf %add3A_121, %exp3A_138 : vector<256x1xf32>
    %reduce_sum3A_140 = arith.constant dense<0.000000e+00> : vector<256xf32>
    %reduce_sum3A_141 = vector.multi_reduction <add>, %exp3A_133, %reduce_sum3A_140 [1] : vector<256x2048xf32> to vector<256xf32>
    %broadcast_in_dim3A_142 = vector.shape_cast %reduce_sum3A_141 : vector<256xf32> to vector<256x1xf32>
    %add3A_143 = arith.addf %mul3A_139, %broadcast_in_dim3A_142 : vector<256x1xf32>
    %get3A_144 = arith.constant 12288 : index
    %get3A_145 = arith.constant 0 : index
    %get3A_146 = vector.load %arg14[%get3A_144, %get3A_145] : memref<16384x128xbf16, #tpu.memory_space<vmem>>, vector<2048x128xbf16>
    %dot_general3A_147 = arith.constant dense<0.000000e+00> : vector<256x2048xf32>
    %dot_general3A_148 = tpu.matmul %convert_element_type3A_14, %get3A_146, %dot_general3A_147 {dimension_numbers = #tpu.dot_dimension_numbers<[1], [1], [0], [0], [0, 0, 1, 0], [], []>, transpose_lhs_hint = false} : vector<256x128xbf16>, vector<2048x128xbf16>, vector<256x2048xf32> -> vector<256x2048xf32>
    %reduce_max3A_149 = arith.constant dense<0xFF800000> : vector<256xf32>
    %reduce_max3A_150 = vector.multi_reduction <maximumf>, %dot_general3A_148, %reduce_max3A_149 [1] : vector<256x2048xf32> to vector<256xf32>
    %broadcast_in_dim3A_151 = vector.shape_cast %reduce_max3A_150 : vector<256xf32> to vector<256x1xf32>
    %max3A_152 = arith.maximumf %max3A_130, %broadcast_in_dim3A_151 : vector<256x1xf32>
    %sub3A_153 = vector.broadcast %max3A_152 : vector<256x1xf32> to vector<256x2048xf32>
    %sub3A_154 = arith.subf %dot_general3A_148, %sub3A_153 : vector<256x2048xf32>
    %exp3A_155 = math.exp %sub3A_154 : vector<256x2048xf32>
    %swap3A_156 = arith.constant 0 : index
    %swap3A_157 = arith.constant 12288 : index
    %swap3A_158 = vector.load %arg12[%swap3A_156, %swap3A_157] : memref<256x16384xf32, #tpu.memory_space<vmem>>, vector<256x2048xf32>
    tpu.vector_store %arg12[%swap3A_156, %swap3A_157], %exp3A_155 {strides = array<i32>} : memref<256x16384xf32, #tpu.memory_space<vmem>>, vector<256x2048xf32>,
    %sub3A_159 = arith.subf %max3A_130, %max3A_152 : vector<256x1xf32>
    %exp3A_160 = math.exp %sub3A_159 : vector<256x1xf32>
    %mul3A_161 = arith.mulf %add3A_143, %exp3A_160 : vector<256x1xf32>
    %reduce_sum3A_162 = arith.constant dense<0.000000e+00> : vector<256xf32>
    %reduce_sum3A_163 = vector.multi_reduction <add>, %exp3A_155, %reduce_sum3A_162 [1] : vector<256x2048xf32> to vector<256xf32>
    %broadcast_in_dim3A_164 = vector.shape_cast %reduce_sum3A_163 : vector<256xf32> to vector<256x1xf32>
    %add3A_165 = arith.addf %mul3A_161, %broadcast_in_dim3A_164 : vector<256x1xf32>
    %get3A_166 = arith.constant 14336 : index
    %get3A_167 = arith.constant 0 : index
    %get3A_168 = vector.load %arg14[%get3A_166, %get3A_167] : memref<16384x128xbf16, #tpu.memory_space<vmem>>, vector<2048x128xbf16>
    %dot_general3A_169 = arith.constant dense<0.000000e+00> : vector<256x2048xf32>
    %dot_general3A_170 = tpu.matmul %convert_element_type3A_14, %get3A_168, %dot_general3A_169 {dimension_numbers = #tpu.dot_dimension_numbers<[1], [1], [0], [0], [0, 0, 1, 0], [], []>, transpose_lhs_hint = false} : vector<256x128xbf16>, vector<2048x128xbf16>, vector<256x2048xf32> -> vector<256x2048xf32>
    %reduce_max3A_171 = arith.constant dense<0xFF800000> : vector<256xf32>
    %reduce_max3A_172 = vector.multi_reduction <maximumf>, %dot_general3A_170, %reduce_max3A_171 [1] : vector<256x2048xf32> to vector<256xf32>
    %broadcast_in_dim3A_173 = vector.shape_cast %reduce_max3A_172 : vector<256xf32> to vector<256x1xf32>
    %max3A_174 = arith.maximumf %max3A_152, %broadcast_in_dim3A_173 : vector<256x1xf32>
    %sub3A_175 = vector.broadcast %max3A_174 : vector<256x1xf32> to vector<256x2048xf32>
    %sub3A_176 = arith.subf %dot_general3A_170, %sub3A_175 : vector<256x2048xf32>
    %exp3A_177 = math.exp %sub3A_176 : vector<256x2048xf32>
    %swap3A_178 = arith.constant 0 : index
    %swap3A_179 = arith.constant 14336 : index
    %swap3A_180 = vector.load %arg12[%swap3A_178, %swap3A_179] : memref<256x16384xf32, #tpu.memory_space<vmem>>, vector<256x2048xf32>
    tpu.vector_store %arg12[%swap3A_178, %swap3A_179], %exp3A_177 {strides = array<i32>} : memref<256x16384xf32, #tpu.memory_space<vmem>>, vector<256x2048xf32>,
    %sub3A_181 = arith.subf %max3A_152, %max3A_174 : vector<256x1xf32>
    %exp3A_182 = math.exp %sub3A_181 : vector<256x1xf32>
    %mul3A_183 = arith.mulf %add3A_165, %exp3A_182 : vector<256x1xf32>
    %reduce_sum3A_184 = arith.constant dense<0.000000e+00> : vector<256xf32>
    %reduce_sum3A_185 = vector.multi_reduction <add>, %exp3A_177, %reduce_sum3A_184 [1] : vector<256x2048xf32> to vector<256xf32>
    %broadcast_in_dim3A_186 = vector.shape_cast %reduce_sum3A_185 : vector<256xf32> to vector<256x1xf32>
    %add3A_187 = arith.addf %mul3A_183, %broadcast_in_dim3A_186 : vector<256x1xf32>
    %div3A = arith.constant 1.000000e+00 : f32
    %div3A_188 = vector.broadcast %div3A : f32 to vector<256x1xf32>
    %div3A_189 = arith.divf %div3A_188, %add3A_187 : vector<256x1xf32>
    %broadcast_in_dim3A_190 = arith.constant 0.000000e+00 : f32
    %broadcast_in_dim3A_191 = vector.broadcast %broadcast_in_dim3A_190 : f32 to vector<256x128xf32>
    %sub3A_192 = arith.subf %max3A, %max3A_174 : vector<256x1xf32>
    %exp3A_193 = math.exp %sub3A_192 : vector<256x1xf32>
    %mul3A_194 = arith.mulf %exp3A_193, %div3A_189 : vector<256x1xf32>
    %get3A_195 = arith.constant 0 : index
    %get3A_196 = arith.constant 0 : index
    %get3A_197 = vector.load %arg12[%get3A_195, %get3A_196] : memref<256x16384xf32, #tpu.memory_space<vmem>>, vector<256x2048xf32>
    %mul3A_198 = vector.broadcast %mul3A_194 : vector<256x1xf32> to vector<256x2048xf32>
    %mul3A_199 = arith.mulf %get3A_197, %mul3A_198 : vector<256x2048xf32>
    %swap3A_200 = arith.constant 0 : index
    %swap3A_201 = arith.constant 0 : index
    %swap3A_202 = vector.load %arg12[%swap3A_200, %swap3A_201] : memref<256x16384xf32, #tpu.memory_space<vmem>>, vector<256x2048xf32>
    tpu.vector_store %arg12[%swap3A_200, %swap3A_201], %mul3A_199 {strides = array<i32>} : memref<256x16384xf32, #tpu.memory_space<vmem>>, vector<256x2048xf32>,
    %convert_element_type3A_203 = arith.truncf %mul3A_199 : vector<256x2048xf32> to vector<256x2048xbf16>
    %get3A_204 = arith.constant 0 : index
    %get3A_205 = arith.constant 0 : index
    %get3A_206 = vector.load %arg15[%get3A_204, %get3A_205] : memref<16384x128xbf16, #tpu.memory_space<vmem>>, vector<2048x128xbf16>
    %dot_general3A_207 = arith.constant dense<0.000000e+00> : vector<256x128xf32>
    %dot_general3A_208 = tpu.matmul %convert_element_type3A_203, %get3A_206, %dot_general3A_207 {dimension_numbers = #tpu.dot_dimension_numbers<[1], [0], [0], [1], [0, 0, 1, 1], [], []>, transpose_lhs_hint = false} : vector<256x2048xbf16>, vector<2048x128xbf16>, vector<256x128xf32> -> vector<256x128xf32>
    %add3A_209 = arith.addf %broadcast_in_dim3A_191, %dot_general3A_208 : vector<256x128xf32>
    %sub3A_210 = arith.subf %max3A_42, %max3A_174 : vector<256x1xf32>
    %exp3A_211 = math.exp %sub3A_210 : vector<256x1xf32>
    %mul3A_212 = arith.mulf %exp3A_211, %div3A_189 : vector<256x1xf32>
    %get3A_213 = arith.constant 0 : index
    %get3A_214 = arith.constant 2048 : index
    %get3A_215 = vector.load %arg12[%get3A_213, %get3A_214] : memref<256x16384xf32, #tpu.memory_space<vmem>>, vector<256x2048xf32>
    %mul3A_216 = vector.broadcast %mul3A_212 : vector<256x1xf32> to vector<256x2048xf32>
    %mul3A_217 = arith.mulf %get3A_215, %mul3A_216 : vector<256x2048xf32>
    %swap3A_218 = arith.constant 0 : index
    %swap3A_219 = arith.constant 2048 : index
    %swap3A_220 = vector.load %arg12[%swap3A_218, %swap3A_219] : memref<256x16384xf32, #tpu.memory_space<vmem>>, vector<256x2048xf32>
    tpu.vector_store %arg12[%swap3A_218, %swap3A_219], %mul3A_217 {strides = array<i32>} : memref<256x16384xf32, #tpu.memory_space<vmem>>, vector<256x2048xf32>,
    %convert_element_type3A_221 = arith.truncf %mul3A_217 : vector<256x2048xf32> to vector<256x2048xbf16>
    %get3A_222 = arith.constant 2048 : index
    %get3A_223 = arith.constant 0 : index
    %get3A_224 = vector.load %arg15[%get3A_222, %get3A_223] : memref<16384x128xbf16, #tpu.memory_space<vmem>>, vector<2048x128xbf16>
    %dot_general3A_225 = arith.constant dense<0.000000e+00> : vector<256x128xf32>
    %dot_general3A_226 = tpu.matmul %convert_element_type3A_221, %get3A_224, %dot_general3A_225 {dimension_numbers = #tpu.dot_dimension_numbers<[1], [0], [0], [1], [0, 0, 1, 1], [], []>, transpose_lhs_hint = false} : vector<256x2048xbf16>, vector<2048x128xbf16>, vector<256x128xf32> -> vector<256x128xf32>
    %add3A_227 = arith.addf %add3A_209, %dot_general3A_226 : vector<256x128xf32>
    %sub3A_228 = arith.subf %max3A_64, %max3A_174 : vector<256x1xf32>
    %exp3A_229 = math.exp %sub3A_228 : vector<256x1xf32>
    %mul3A_230 = arith.mulf %exp3A_229, %div3A_189 : vector<256x1xf32>
    %get3A_231 = arith.constant 0 : index
    %get3A_232 = arith.constant 4096 : index
    %get3A_233 = vector.load %arg12[%get3A_231, %get3A_232] : memref<256x16384xf32, #tpu.memory_space<vmem>>, vector<256x2048xf32>
    %mul3A_234 = vector.broadcast %mul3A_230 : vector<256x1xf32> to vector<256x2048xf32>
    %mul3A_235 = arith.mulf %get3A_233, %mul3A_234 : vector<256x2048xf32>
    %swap3A_236 = arith.constant 0 : index
    %swap3A_237 = arith.constant 4096 : index
    %swap3A_238 = vector.load %arg12[%swap3A_236, %swap3A_237] : memref<256x16384xf32, #tpu.memory_space<vmem>>, vector<256x2048xf32>
    tpu.vector_store %arg12[%swap3A_236, %swap3A_237], %mul3A_235 {strides = array<i32>} : memref<256x16384xf32, #tpu.memory_space<vmem>>, vector<256x2048xf32>,
    %convert_element_type3A_239 = arith.truncf %mul3A_235 : vector<256x2048xf32> to vector<256x2048xbf16>
    %get3A_240 = arith.constant 4096 : index
    %get3A_241 = arith.constant 0 : index
    %get3A_242 = vector.load %arg15[%get3A_240, %get3A_241] : memref<16384x128xbf16, #tpu.memory_space<vmem>>, vector<2048x128xbf16>
    %dot_general3A_243 = arith.constant dense<0.000000e+00> : vector<256x128xf32>
    %dot_general3A_244 = tpu.matmul %convert_element_type3A_239, %get3A_242, %dot_general3A_243 {dimension_numbers = #tpu.dot_dimension_numbers<[1], [0], [0], [1], [0, 0, 1, 1], [], []>, transpose_lhs_hint = false} : vector<256x2048xbf16>, vector<2048x128xbf16>, vector<256x128xf32> -> vector<256x128xf32>
    %add3A_245 = arith.addf %add3A_227, %dot_general3A_244 : vector<256x128xf32>
    %sub3A_246 = arith.subf %max3A_86, %max3A_174 : vector<256x1xf32>
    %exp3A_247 = math.exp %sub3A_246 : vector<256x1xf32>
    %mul3A_248 = arith.mulf %exp3A_247, %div3A_189 : vector<256x1xf32>
    %get3A_249 = arith.constant 0 : index
    %get3A_250 = arith.constant 6144 : index
    %get3A_251 = vector.load %arg12[%get3A_249, %get3A_250] : memref<256x16384xf32, #tpu.memory_space<vmem>>, vector<256x2048xf32>
    %mul3A_252 = vector.broadcast %mul3A_248 : vector<256x1xf32> to vector<256x2048xf32>
    %mul3A_253 = arith.mulf %get3A_251, %mul3A_252 : vector<256x2048xf32>
    %swap3A_254 = arith.constant 0 : index
    %swap3A_255 = arith.constant 6144 : index
    %swap3A_256 = vector.load %arg12[%swap3A_254, %swap3A_255] : memref<256x16384xf32, #tpu.memory_space<vmem>>, vector<256x2048xf32>
    tpu.vector_store %arg12[%swap3A_254, %swap3A_255], %mul3A_253 {strides = array<i32>} : memref<256x16384xf32, #tpu.memory_space<vmem>>, vector<256x2048xf32>,
    %convert_element_type3A_257 = arith.truncf %mul3A_253 : vector<256x2048xf32> to vector<256x2048xbf16>
    %get3A_258 = arith.constant 6144 : index
    %get3A_259 = arith.constant 0 : index
    %get3A_260 = vector.load %arg15[%get3A_258, %get3A_259] : memref<16384x128xbf16, #tpu.memory_space<vmem>>, vector<2048x128xbf16>
    %dot_general3A_261 = arith.constant dense<0.000000e+00> : vector<256x128xf32>
    %dot_general3A_262 = tpu.matmul %convert_element_type3A_257, %get3A_260, %dot_general3A_261 {dimension_numbers = #tpu.dot_dimension_numbers<[1], [0], [0], [1], [0, 0, 1, 1], [], []>, transpose_lhs_hint = false} : vector<256x2048xbf16>, vector<2048x128xbf16>, vector<256x128xf32> -> vector<256x128xf32>
    %add3A_263 = arith.addf %add3A_245, %dot_general3A_262 : vector<256x128xf32>
    %sub3A_264 = arith.subf %max3A_108, %max3A_174 : vector<256x1xf32>
    %exp3A_265 = math.exp %sub3A_264 : vector<256x1xf32>
    %mul3A_266 = arith.mulf %exp3A_265, %div3A_189 : vector<256x1xf32>
    %get3A_267 = arith.constant 0 : index
    %get3A_268 = arith.constant 8192 : index
    %get3A_269 = vector.load %arg12[%get3A_267, %get3A_268] : memref<256x16384xf32, #tpu.memory_space<vmem>>, vector<256x2048xf32>
    %mul3A_270 = vector.broadcast %mul3A_266 : vector<256x1xf32> to vector<256x2048xf32>
    %mul3A_271 = arith.mulf %get3A_269, %mul3A_270 : vector<256x2048xf32>
    %swap3A_272 = arith.constant 0 : index
    %swap3A_273 = arith.constant 8192 : index
    %swap3A_274 = vector.load %arg12[%swap3A_272, %swap3A_273] : memref<256x16384xf32, #tpu.memory_space<vmem>>, vector<256x2048xf32>
    tpu.vector_store %arg12[%swap3A_272, %swap3A_273], %mul3A_271 {strides = array<i32>} : memref<256x16384xf32, #tpu.memory_space<vmem>>, vector<256x2048xf32>,
    %convert_element_type3A_275 = arith.truncf %mul3A_271 : vector<256x2048xf32> to vector<256x2048xbf16>
    %get3A_276 = arith.constant 8192 : index
    %get3A_277 = arith.constant 0 : index
    %get3A_278 = vector.load %arg15[%get3A_276, %get3A_277] : memref<16384x128xbf16, #tpu.memory_space<vmem>>, vector<2048x128xbf16>
    %dot_general3A_279 = arith.constant dense<0.000000e+00> : vector<256x128xf32>
    %dot_general3A_280 = tpu.matmul %convert_element_type3A_275, %get3A_278, %dot_general3A_279 {dimension_numbers = #tpu.dot_dimension_numbers<[1], [0], [0], [1], [0, 0, 1, 1], [], []>, transpose_lhs_hint = false} : vector<256x2048xbf16>, vector<2048x128xbf16>, vector<256x128xf32> -> vector<256x128xf32>
    %add3A_281 = arith.addf %add3A_263, %dot_general3A_280 : vector<256x128xf32>
    %sub3A_282 = arith.subf %max3A_130, %max3A_174 : vector<256x1xf32>
    %exp3A_283 = math.exp %sub3A_282 : vector<256x1xf32>
    %mul3A_284 = arith.mulf %exp3A_283, %div3A_189 : vector<256x1xf32>
    %get3A_285 = arith.constant 0 : index
    %get3A_286 = arith.constant 10240 : index
    %get3A_287 = vector.load %arg12[%get3A_285, %get3A_286] : memref<256x16384xf32, #tpu.memory_space<vmem>>, vector<256x2048xf32>
    %mul3A_288 = vector.broadcast %mul3A_284 : vector<256x1xf32> to vector<256x2048xf32>
    %mul3A_289 = arith.mulf %get3A_287, %mul3A_288 : vector<256x2048xf32>
    %swap3A_290 = arith.constant 0 : index
    %swap3A_291 = arith.constant 10240 : index
    %swap3A_292 = vector.load %arg12[%swap3A_290, %swap3A_291] : memref<256x16384xf32, #tpu.memory_space<vmem>>, vector<256x2048xf32>
    tpu.vector_store %arg12[%swap3A_290, %swap3A_291], %mul3A_289 {strides = array<i32>} : memref<256x16384xf32, #tpu.memory_space<vmem>>, vector<256x2048xf32>,
    %convert_element_type3A_293 = arith.truncf %mul3A_289 : vector<256x2048xf32> to vector<256x2048xbf16>
    %get3A_294 = arith.constant 10240 : index
    %get3A_295 = arith.constant 0 : index
    %get3A_296 = vector.load %arg15[%get3A_294, %get3A_295] : memref<16384x128xbf16, #tpu.memory_space<vmem>>, vector<2048x128xbf16>
    %dot_general3A_297 = arith.constant dense<0.000000e+00> : vector<256x128xf32>
    %dot_general3A_298 = tpu.matmul %convert_element_type3A_293, %get3A_296, %dot_general3A_297 {dimension_numbers = #tpu.dot_dimension_numbers<[1], [0], [0], [1], [0, 0, 1, 1], [], []>, transpose_lhs_hint = false} : vector<256x2048xbf16>, vector<2048x128xbf16>, vector<256x128xf32> -> vector<256x128xf32>
    %add3A_299 = arith.addf %add3A_281, %dot_general3A_298 : vector<256x128xf32>
    %sub3A_300 = arith.subf %max3A_152, %max3A_174 : vector<256x1xf32>
    %exp3A_301 = math.exp %sub3A_300 : vector<256x1xf32>
    %mul3A_302 = arith.mulf %exp3A_301, %div3A_189 : vector<256x1xf32>
    %get3A_303 = arith.constant 0 : index
    %get3A_304 = arith.constant 12288 : index
    %get3A_305 = vector.load %arg12[%get3A_303, %get3A_304] : memref<256x16384xf32, #tpu.memory_space<vmem>>, vector<256x2048xf32>
    %mul3A_306 = vector.broadcast %mul3A_302 : vector<256x1xf32> to vector<256x2048xf32>
    %mul3A_307 = arith.mulf %get3A_305, %mul3A_306 : vector<256x2048xf32>
    %swap3A_308 = arith.constant 0 : index
    %swap3A_309 = arith.constant 12288 : index
    %swap3A_310 = vector.load %arg12[%swap3A_308, %swap3A_309] : memref<256x16384xf32, #tpu.memory_space<vmem>>, vector<256x2048xf32>
    tpu.vector_store %arg12[%swap3A_308, %swap3A_309], %mul3A_307 {strides = array<i32>} : memref<256x16384xf32, #tpu.memory_space<vmem>>, vector<256x2048xf32>,
    %convert_element_type3A_311 = arith.truncf %mul3A_307 : vector<256x2048xf32> to vector<256x2048xbf16>
    %get3A_312 = arith.constant 12288 : index
    %get3A_313 = arith.constant 0 : index
    %get3A_314 = vector.load %arg15[%get3A_312, %get3A_313] : memref<16384x128xbf16, #tpu.memory_space<vmem>>, vector<2048x128xbf16>
    %dot_general3A_315 = arith.constant dense<0.000000e+00> : vector<256x128xf32>
    %dot_general3A_316 = tpu.matmul %convert_element_type3A_311, %get3A_314, %dot_general3A_315 {dimension_numbers = #tpu.dot_dimension_numbers<[1], [0], [0], [1], [0, 0, 1, 1], [], []>, transpose_lhs_hint = false} : vector<256x2048xbf16>, vector<2048x128xbf16>, vector<256x128xf32> -> vector<256x128xf32>
    %add3A_317 = arith.addf %add3A_299, %dot_general3A_316 : vector<256x128xf32>
    %sub3A_318 = arith.subf %max3A_174, %max3A_174 : vector<256x1xf32>
    %exp3A_319 = math.exp %sub3A_318 : vector<256x1xf32>
    %mul3A_320 = arith.mulf %exp3A_319, %div3A_189 : vector<256x1xf32>
    %get3A_321 = arith.constant 0 : index
    %get3A_322 = arith.constant 14336 : index
    %get3A_323 = vector.load %arg12[%get3A_321, %get3A_322] : memref<256x16384xf32, #tpu.memory_space<vmem>>, vector<256x2048xf32>
    %mul3A_324 = vector.broadcast %mul3A_320 : vector<256x1xf32> to vector<256x2048xf32>
    %mul3A_325 = arith.mulf %get3A_323, %mul3A_324 : vector<256x2048xf32>
    %swap3A_326 = arith.constant 0 : index
    %swap3A_327 = arith.constant 14336 : index
    %swap3A_328 = vector.load %arg12[%swap3A_326, %swap3A_327] : memref<256x16384xf32, #tpu.memory_space<vmem>>, vector<256x2048xf32>
    tpu.vector_store %arg12[%swap3A_326, %swap3A_327], %mul3A_325 {strides = array<i32>} : memref<256x16384xf32, #tpu.memory_space<vmem>>, vector<256x2048xf32>,
    %convert_element_type3A_329 = arith.truncf %mul3A_325 : vector<256x2048xf32> to vector<256x2048xbf16>
    %get3A_330 = arith.constant 14336 : index
    %get3A_331 = arith.constant 0 : index
    %get3A_332 = vector.load %arg15[%get3A_330, %get3A_331] : memref<16384x128xbf16, #tpu.memory_space<vmem>>, vector<2048x128xbf16>
    %dot_general3A_333 = arith.constant dense<0.000000e+00> : vector<256x128xf32>
    %dot_general3A_334 = tpu.matmul %convert_element_type3A_329, %get3A_332, %dot_general3A_333 {dimension_numbers = #tpu.dot_dimension_numbers<[1], [0], [0], [1], [0, 0, 1, 1], [], []>, transpose_lhs_hint = false} : vector<256x2048xbf16>, vector<2048x128xbf16>, vector<256x128xf32> -> vector<256x128xf32>
    %add3A_335 = arith.addf %add3A_317, %dot_general3A_334 : vector<256x128xf32>
    %get3A_336 = arith.constant 0 : index
    %get3A_337 = arith.constant 0 : index
    %get3A_338 = vector.load %arg9[%get3A_336, %get3A_337] : memref<128x1xf32, #tpu.memory_space<vmem>>, vector<128x1xf32>
    %dot_general3A_339 = arith.constant dense<0.000000e+00> : vector<256x1xf32>
    %dot_general3A_340 = tpu.matmul %get3A_3, %get3A_338, %dot_general3A_339 {dimension_numbers = #tpu.dot_dimension_numbers<[1], [0], [0], [1], [0, 0, 1, 1], [], []>, transpose_lhs_hint = false} : vector<256x128xf32>, vector<128x1xf32>, vector<256x1xf32> -> vector<256x1xf32>
    %get3A_341 = arith.constant 0 : index
    %get3A_342 = arith.constant 0 : index
    %get3A_343 = vector.load %arg10[%get3A_341, %get3A_342] : memref<128x1xf32, #tpu.memory_space<vmem>>, vector<128x1xf32>
    %dot_general3A_344 = arith.constant dense<0.000000e+00> : vector<256x1xf32>
    %dot_general3A_345 = tpu.matmul %add3A_335, %get3A_343, %dot_general3A_344 {dimension_numbers = #tpu.dot_dimension_numbers<[1], [0], [0], [1], [0, 0, 1, 1], [], []>, transpose_lhs_hint = false} : vector<256x128xf32>, vector<128x1xf32>, vector<256x1xf32> -> vector<256x1xf32>
    %add3A_346 = arith.addf %dot_general3A_340, %dot_general3A_345 : vector<256x1xf32>
    %get3A_347 = arith.constant 0 : index
    %get3A_348 = arith.constant 0 : index
    %get3A_349 = vector.load %arg11[%get3A_347, %get3A_348] : memref<1x1xf32, #tpu.memory_space<vmem>>, vector<1x1xf32>
    %add3A_350 = vector.broadcast %get3A_349 : vector<1x1xf32> to vector<256x1xf32>
    %add3A_351 = arith.addf %add3A_346, %add3A_350 : vector<256x1xf32>
    %swap3A_352 = arith.constant 0 : index
    %swap3A_353 = arith.constant 0 : index
    %swap3A_354 = vector.load %arg13[%swap3A_352, %swap3A_353] : memref<256x1xf32, #tpu.memory_space<vmem>>, vector<256x1xf32>
    tpu.vector_store %arg13[%swap3A_352, %swap3A_353], %add3A_351 {strides = array<i32>} : memref<256x1xf32, #tpu.memory_space<vmem>>, vector<256x1xf32>,
    return
  }
  func.func @transform_0(%arg0: i32) -> (i32, i32) {
    %c0_i32 = arith.constant 0 : i32
    %c0_i32_0 = arith.constant 0 : i32
    return %arg0, %c0_i32 : i32, i32
  }
  func.func @transform_1(%arg0: i32) -> (i32, i32) {
    %c0_i32 = arith.constant 0 : i32
    %c0_i32_0 = arith.constant 0 : i32
    %c0_i32_1 = arith.constant 0 : i32
    return %c0_i32, %c0_i32_0 : i32, i32
  }
  func.func @transform_2(%arg0: i32) -> (i32, i32) {
    %c0_i32 = arith.constant 0 : i32
    %c0_i32_0 = arith.constant 0 : i32
    %c0_i32_1 = arith.constant 0 : i32
    return %c0_i32, %c0_i32_0 : i32, i32
  }
  func.func @transform_3(%arg0: i32) -> (i32, i32) {
    %c0_i32 = arith.constant 0 : i32
    %c0_i32_0 = arith.constant 0 : i32
    %c0_i32_1 = arith.constant 0 : i32
    return %c0_i32, %c0_i32_0 : i32, i32
  }
  func.func @transform_4(%arg0: i32) -> (i32, i32) {
    %c0_i32 = arith.constant 0 : i32
    %c0_i32_0 = arith.constant 0 : i32
    %c0_i32_1 = arith.constant 0 : i32
    return %c0_i32, %c0_i32_0 : i32, i32
  }
  func.func @transform_5(%arg0: i32) -> (i32, i32) {
    %c0_i32 = arith.constant 0 : i32
    %c0_i32_0 = arith.constant 0 : i32
    %c0_i32_1 = arith.constant 0 : i32
    return %c0_i32, %c0_i32_0 : i32, i32
  }
  func.func @transform_6(%arg0: i32) -> (i32, i32) {
    %c0_i32 = arith.constant 0 : i32
    %c0_i32_0 = arith.constant 0 : i32
    %c0_i32_1 = arith.constant 0 : i32
    return %c0_i32, %c0_i32_0 : i32, i32
  }
  func.func @transform_7(%arg0: i32) -> (i32, i32) {
    %c0_i32 = arith.constant 0 : i32
    %c0_i32_0 = arith.constant 0 : i32
    %c0_i32_1 = arith.constant 0 : i32
    return %c0_i32, %c0_i32_0 : i32, i32
  }
  func.func @transform_8(%arg0: i32) -> (i32, i32) {
    %c0_i32 = arith.constant 0 : i32
    %c0_i32_0 = arith.constant 0 : i32
    %c0_i32_1 = arith.constant 0 : i32
    return %c0_i32, %c0_i32_0 : i32, i32
  }
  func.func @transform_9(%arg0: i32) -> (i32, i32) {
    %c0_i32 = arith.constant 0 : i32
    %c0_i32_0 = arith.constant 0 : i32
    %c0_i32_1 = arith.constant 0 : i32
    return %c0_i32, %c0_i32_0 : i32, i32
  }
  func.func @transform_10(%arg0: i32) -> (i32, i32) {
    %c0_i32 = arith.constant 0 : i32
    %c0_i32_0 = arith.constant 0 : i32
    %c0_i32_1 = arith.constant 0 : i32
    return %c0_i32, %c0_i32_0 : i32, i32
  }
  func.func @transform_11(%arg0: i32) -> (i32, i32) {
    %c0_i32 = arith.constant 0 : i32
    %c0_i32_0 = arith.constant 0 : i32
    return %arg0, %c0_i32 : i32, i32
  }
  func.func @transform_12(%arg0: i32) -> (i32, i32) {
    %c0_i32 = arith.constant 0 : i32
    %c0_i32_0 = arith.constant 0 : i32
    return %arg0, %c0_i32 : i32, i32
  }
}

module attributes {stable_mosaic.version = 14 : i64} {
  func.func @_sort_body(%arg0: memref<128x128xf32, #tpu.memory_space<vmem>>, %arg1: memref<128x128xi32, #tpu.memory_space<vmem>>, %arg2: memref<128x128xf32, #tpu.memory_space<vmem>>) attributes {dimension_semantics = [], scalar_prefetch = 0 : i64, scratch_operands = 0 : i64, tpu.core_type = #tpu.core_type<tc>} {
    %get3A = arith.constant 0 : index
    %get3A_0 = arith.constant 0 : index
    %get3A_1 = vector.load %arg0[%get3A, %get3A_0] : memref<128x128xf32, #tpu.memory_space<vmem>>, vector<128x128xf32>
    %bitcast_convert_type3A = tpu.bitcast %get3A_1 : vector<128x128xf32> -> vector<128x128xi32>
    %shift_right_arithmetic3A = arith.constant 31 : i32
    %shift_right_arithmetic3A_2 = vector.broadcast %shift_right_arithmetic3A : i32 to vector<128x128xi32>
    %shift_right_arithmetic3A_3 = arith.shrsi %bitcast_convert_type3A, %shift_right_arithmetic3A_2 : vector<128x128xi32>
    %and3A = arith.constant 2147483647 : i32
    %and3A_4 = vector.broadcast %and3A : i32 to vector<128x128xi32>
    %and3A_5 = arith.andi %shift_right_arithmetic3A_3, %and3A_4 : vector<128x128xi32>
    %xor3A = arith.xori %bitcast_convert_type3A, %and3A_5 : vector<128x128xi32>
    %iota3A = tpu.iota {dimensions = array<i32: 0>} : vector<128x128xi32>
    %iota3A_6 = tpu.iota {dimensions = array<i32: 1>} : vector<128x128xi32>
    %mul3A = arith.constant 128 : i32
    %mul3A_7 = vector.broadcast %mul3A : i32 to vector<128x128xi32>
    %mul3A_8 = arith.muli %iota3A, %mul3A_7 : vector<128x128xi32>
    %add3A = arith.addi %mul3A_8, %iota3A_6 : vector<128x128xi32>
    %and3A_9 = arith.constant 1 : i32
    %and3A_10 = vector.broadcast %and3A_9 : i32 to vector<128x128xi32>
    %and3A_11 = arith.andi %add3A, %and3A_10 : vector<128x128xi32>
    %ne3A = arith.constant 0 : i32
    %ne3A_12 = vector.broadcast %ne3A : i32 to vector<128x128xi32>
    %ne3A_13 = arith.cmpi ne, %and3A_11, %ne3A_12 : vector<128x128xi32>
    %and3A_14 = arith.constant 2 : i32
    %and3A_15 = vector.broadcast %and3A_14 : i32 to vector<128x128xi32>
    %and3A_16 = arith.andi %add3A, %and3A_15 : vector<128x128xi32>
    %eq3A = arith.constant 0 : i32
    %eq3A_17 = vector.broadcast %eq3A : i32 to vector<128x128xi32>
    %eq3A_18 = arith.cmpi eq, %and3A_16, %eq3A_17 : vector<128x128xi32>
    %roll3A = arith.constant 1 : i32
    %roll3A_19 = tpu.dynamic_rotate %xor3A by %roll3A dim 1 : vector<128x128xi32>, i32 -> vector<128x128xi32>
    %roll3A_20 = arith.constant 127 : i32
    %roll3A_21 = tpu.dynamic_rotate %xor3A by %roll3A_20 dim 1 : vector<128x128xi32>, i32 -> vector<128x128xi32>
    %select_n3A = arith.select %ne3A_13, %roll3A_19, %roll3A_21 : vector<128x128xi1>, vector<128x128xi32>
    %roll3A_22 = arith.constant 1 : i32
    %roll3A_23 = tpu.dynamic_rotate %add3A by %roll3A_22 dim 1 : vector<128x128xi32>, i32 -> vector<128x128xi32>
    %roll3A_24 = arith.constant 127 : i32
    %roll3A_25 = tpu.dynamic_rotate %add3A by %roll3A_24 dim 1 : vector<128x128xi32>, i32 -> vector<128x128xi32>
    %select_n3A_26 = arith.select %ne3A_13, %roll3A_23, %roll3A_25 : vector<128x128xi1>, vector<128x128xi32>
    %gt3A = arith.cmpi sgt, %xor3A, %select_n3A : vector<128x128xi32>
    %eq3A_27 = arith.cmpi eq, %xor3A, %select_n3A : vector<128x128xi32>
    %gt3A_28 = arith.cmpi sgt, %add3A, %select_n3A_26 : vector<128x128xi32>
    %and3A_29 = arith.andi %eq3A_27, %gt3A_28 : vector<128x128xi1>
    %or3A = arith.ori %gt3A, %and3A_29 : vector<128x128xi1>
    %eq3A_30 = arith.xori %ne3A_13, %eq3A_18 : vector<128x128xi1>
    %eq3A_31 = arith.constant dense<true> : vector<128x128xi1>
    %eq3A_32 = arith.xori %eq3A_30, %eq3A_31 : vector<128x128xi1>
    %eq3A_33 = arith.xori %or3A, %eq3A_32 : vector<128x128xi1>
    %eq3A_34 = arith.constant dense<true> : vector<128x128xi1>
    %eq3A_35 = arith.xori %eq3A_33, %eq3A_34 : vector<128x128xi1>
    %select_n3A_36 = arith.select %eq3A_35, %xor3A, %select_n3A : vector<128x128xi1>, vector<128x128xi32>
    %select_n3A_37 = arith.select %eq3A_35, %add3A, %select_n3A_26 : vector<128x128xi1>, vector<128x128xi32>
    %and3A_38 = arith.constant 2 : i32
    %and3A_39 = vector.broadcast %and3A_38 : i32 to vector<128x128xi32>
    %and3A_40 = arith.andi %add3A, %and3A_39 : vector<128x128xi32>
    %ne3A_41 = arith.constant 0 : i32
    %ne3A_42 = vector.broadcast %ne3A_41 : i32 to vector<128x128xi32>
    %ne3A_43 = arith.cmpi ne, %and3A_40, %ne3A_42 : vector<128x128xi32>
    %and3A_44 = arith.constant 4 : i32
    %and3A_45 = vector.broadcast %and3A_44 : i32 to vector<128x128xi32>
    %and3A_46 = arith.andi %add3A, %and3A_45 : vector<128x128xi32>
    %eq3A_47 = arith.constant 0 : i32
    %eq3A_48 = vector.broadcast %eq3A_47 : i32 to vector<128x128xi32>
    %eq3A_49 = arith.cmpi eq, %and3A_46, %eq3A_48 : vector<128x128xi32>
    %roll3A_50 = arith.constant 2 : i32
    %roll3A_51 = tpu.dynamic_rotate %select_n3A_36 by %roll3A_50 dim 1 : vector<128x128xi32>, i32 -> vector<128x128xi32>
    %roll3A_52 = arith.constant 126 : i32
    %roll3A_53 = tpu.dynamic_rotate %select_n3A_36 by %roll3A_52 dim 1 : vector<128x128xi32>, i32 -> vector<128x128xi32>
    %select_n3A_54 = arith.select %ne3A_43, %roll3A_51, %roll3A_53 : vector<128x128xi1>, vector<128x128xi32>
    %roll3A_55 = arith.constant 2 : i32
    %roll3A_56 = tpu.dynamic_rotate %select_n3A_37 by %roll3A_55 dim 1 : vector<128x128xi32>, i32 -> vector<128x128xi32>
    %roll3A_57 = arith.constant 126 : i32
    %roll3A_58 = tpu.dynamic_rotate %select_n3A_37 by %roll3A_57 dim 1 : vector<128x128xi32>, i32 -> vector<128x128xi32>
    %select_n3A_59 = arith.select %ne3A_43, %roll3A_56, %roll3A_58 : vector<128x128xi1>, vector<128x128xi32>
    %gt3A_60 = arith.cmpi sgt, %select_n3A_36, %select_n3A_54 : vector<128x128xi32>
    %eq3A_61 = arith.cmpi eq, %select_n3A_36, %select_n3A_54 : vector<128x128xi32>
    %gt3A_62 = arith.cmpi sgt, %select_n3A_37, %select_n3A_59 : vector<128x128xi32>
    %and3A_63 = arith.andi %eq3A_61, %gt3A_62 : vector<128x128xi1>
    %or3A_64 = arith.ori %gt3A_60, %and3A_63 : vector<128x128xi1>
    %eq3A_65 = arith.xori %ne3A_43, %eq3A_49 : vector<128x128xi1>
    %eq3A_66 = arith.constant dense<true> : vector<128x128xi1>
    %eq3A_67 = arith.xori %eq3A_65, %eq3A_66 : vector<128x128xi1>
    %eq3A_68 = arith.xori %or3A_64, %eq3A_67 : vector<128x128xi1>
    %eq3A_69 = arith.constant dense<true> : vector<128x128xi1>
    %eq3A_70 = arith.xori %eq3A_68, %eq3A_69 : vector<128x128xi1>
    %select_n3A_71 = arith.select %eq3A_70, %select_n3A_36, %select_n3A_54 : vector<128x128xi1>, vector<128x128xi32>
    %select_n3A_72 = arith.select %eq3A_70, %select_n3A_37, %select_n3A_59 : vector<128x128xi1>, vector<128x128xi32>
    %and3A_73 = arith.constant 1 : i32
    %and3A_74 = vector.broadcast %and3A_73 : i32 to vector<128x128xi32>
    %and3A_75 = arith.andi %add3A, %and3A_74 : vector<128x128xi32>
    %ne3A_76 = arith.constant 0 : i32
    %ne3A_77 = vector.broadcast %ne3A_76 : i32 to vector<128x128xi32>
    %ne3A_78 = arith.cmpi ne, %and3A_75, %ne3A_77 : vector<128x128xi32>
    %and3A_79 = arith.constant 4 : i32
    %and3A_80 = vector.broadcast %and3A_79 : i32 to vector<128x128xi32>
    %and3A_81 = arith.andi %add3A, %and3A_80 : vector<128x128xi32>
    %eq3A_82 = arith.constant 0 : i32
    %eq3A_83 = vector.broadcast %eq3A_82 : i32 to vector<128x128xi32>
    %eq3A_84 = arith.cmpi eq, %and3A_81, %eq3A_83 : vector<128x128xi32>
    %roll3A_85 = arith.constant 1 : i32
    %roll3A_86 = tpu.dynamic_rotate %select_n3A_71 by %roll3A_85 dim 1 : vector<128x128xi32>, i32 -> vector<128x128xi32>
    %roll3A_87 = arith.constant 127 : i32
    %roll3A_88 = tpu.dynamic_rotate %select_n3A_71 by %roll3A_87 dim 1 : vector<128x128xi32>, i32 -> vector<128x128xi32>
    %select_n3A_89 = arith.select %ne3A_78, %roll3A_86, %roll3A_88 : vector<128x128xi1>, vector<128x128xi32>
    %roll3A_90 = arith.constant 1 : i32
    %roll3A_91 = tpu.dynamic_rotate %select_n3A_72 by %roll3A_90 dim 1 : vector<128x128xi32>, i32 -> vector<128x128xi32>
    %roll3A_92 = arith.constant 127 : i32
    %roll3A_93 = tpu.dynamic_rotate %select_n3A_72 by %roll3A_92 dim 1 : vector<128x128xi32>, i32 -> vector<128x128xi32>
    %select_n3A_94 = arith.select %ne3A_78, %roll3A_91, %roll3A_93 : vector<128x128xi1>, vector<128x128xi32>
    %gt3A_95 = arith.cmpi sgt, %select_n3A_71, %select_n3A_89 : vector<128x128xi32>
    %eq3A_96 = arith.cmpi eq, %select_n3A_71, %select_n3A_89 : vector<128x128xi32>
    %gt3A_97 = arith.cmpi sgt, %select_n3A_72, %select_n3A_94 : vector<128x128xi32>
    %and3A_98 = arith.andi %eq3A_96, %gt3A_97 : vector<128x128xi1>
    %or3A_99 = arith.ori %gt3A_95, %and3A_98 : vector<128x128xi1>
    %eq3A_100 = arith.xori %ne3A_78, %eq3A_84 : vector<128x128xi1>
    %eq3A_101 = arith.constant dense<true> : vector<128x128xi1>
    %eq3A_102 = arith.xori %eq3A_100, %eq3A_101 : vector<128x128xi1>
    %eq3A_103 = arith.xori %or3A_99, %eq3A_102 : vector<128x128xi1>
    %eq3A_104 = arith.constant dense<true> : vector<128x128xi1>
    %eq3A_105 = arith.xori %eq3A_103, %eq3A_104 : vector<128x128xi1>
    %select_n3A_106 = arith.select %eq3A_105, %select_n3A_71, %select_n3A_89 : vector<128x128xi1>, vector<128x128xi32>
    %select_n3A_107 = arith.select %eq3A_105, %select_n3A_72, %select_n3A_94 : vector<128x128xi1>, vector<128x128xi32>
    %and3A_108 = arith.constant 4 : i32
    %and3A_109 = vector.broadcast %and3A_108 : i32 to vector<128x128xi32>
    %and3A_110 = arith.andi %add3A, %and3A_109 : vector<128x128xi32>
    %ne3A_111 = arith.constant 0 : i32
    %ne3A_112 = vector.broadcast %ne3A_111 : i32 to vector<128x128xi32>
    %ne3A_113 = arith.cmpi ne, %and3A_110, %ne3A_112 : vector<128x128xi32>
    %and3A_114 = arith.constant 8 : i32
    %and3A_115 = vector.broadcast %and3A_114 : i32 to vector<128x128xi32>
    %and3A_116 = arith.andi %add3A, %and3A_115 : vector<128x128xi32>
    %eq3A_117 = arith.constant 0 : i32
    %eq3A_118 = vector.broadcast %eq3A_117 : i32 to vector<128x128xi32>
    %eq3A_119 = arith.cmpi eq, %and3A_116, %eq3A_118 : vector<128x128xi32>
    %roll3A_120 = arith.constant 4 : i32
    %roll3A_121 = tpu.dynamic_rotate %select_n3A_106 by %roll3A_120 dim 1 : vector<128x128xi32>, i32 -> vector<128x128xi32>
    %roll3A_122 = arith.constant 124 : i32
    %roll3A_123 = tpu.dynamic_rotate %select_n3A_106 by %roll3A_122 dim 1 : vector<128x128xi32>, i32 -> vector<128x128xi32>
    %select_n3A_124 = arith.select %ne3A_113, %roll3A_121, %roll3A_123 : vector<128x128xi1>, vector<128x128xi32>
    %roll3A_125 = arith.constant 4 : i32
    %roll3A_126 = tpu.dynamic_rotate %select_n3A_107 by %roll3A_125 dim 1 : vector<128x128xi32>, i32 -> vector<128x128xi32>
    %roll3A_127 = arith.constant 124 : i32
    %roll3A_128 = tpu.dynamic_rotate %select_n3A_107 by %roll3A_127 dim 1 : vector<128x128xi32>, i32 -> vector<128x128xi32>
    %select_n3A_129 = arith.select %ne3A_113, %roll3A_126, %roll3A_128 : vector<128x128xi1>, vector<128x128xi32>
    %gt3A_130 = arith.cmpi sgt, %select_n3A_106, %select_n3A_124 : vector<128x128xi32>
    %eq3A_131 = arith.cmpi eq, %select_n3A_106, %select_n3A_124 : vector<128x128xi32>
    %gt3A_132 = arith.cmpi sgt, %select_n3A_107, %select_n3A_129 : vector<128x128xi32>
    %and3A_133 = arith.andi %eq3A_131, %gt3A_132 : vector<128x128xi1>
    %or3A_134 = arith.ori %gt3A_130, %and3A_133 : vector<128x128xi1>
    %eq3A_135 = arith.xori %ne3A_113, %eq3A_119 : vector<128x128xi1>
    %eq3A_136 = arith.constant dense<true> : vector<128x128xi1>
    %eq3A_137 = arith.xori %eq3A_135, %eq3A_136 : vector<128x128xi1>
    %eq3A_138 = arith.xori %or3A_134, %eq3A_137 : vector<128x128xi1>
    %eq3A_139 = arith.constant dense<true> : vector<128x128xi1>
    %eq3A_140 = arith.xori %eq3A_138, %eq3A_139 : vector<128x128xi1>
    %select_n3A_141 = arith.select %eq3A_140, %select_n3A_106, %select_n3A_124 : vector<128x128xi1>, vector<128x128xi32>
    %select_n3A_142 = arith.select %eq3A_140, %select_n3A_107, %select_n3A_129 : vector<128x128xi1>, vector<128x128xi32>
    %and3A_143 = arith.constant 2 : i32
    %and3A_144 = vector.broadcast %and3A_143 : i32 to vector<128x128xi32>
    %and3A_145 = arith.andi %add3A, %and3A_144 : vector<128x128xi32>
    %ne3A_146 = arith.constant 0 : i32
    %ne3A_147 = vector.broadcast %ne3A_146 : i32 to vector<128x128xi32>
    %ne3A_148 = arith.cmpi ne, %and3A_145, %ne3A_147 : vector<128x128xi32>
    %and3A_149 = arith.constant 8 : i32
    %and3A_150 = vector.broadcast %and3A_149 : i32 to vector<128x128xi32>
    %and3A_151 = arith.andi %add3A, %and3A_150 : vector<128x128xi32>
    %eq3A_152 = arith.constant 0 : i32
    %eq3A_153 = vector.broadcast %eq3A_152 : i32 to vector<128x128xi32>
    %eq3A_154 = arith.cmpi eq, %and3A_151, %eq3A_153 : vector<128x128xi32>
    %roll3A_155 = arith.constant 2 : i32
    %roll3A_156 = tpu.dynamic_rotate %select_n3A_141 by %roll3A_155 dim 1 : vector<128x128xi32>, i32 -> vector<128x128xi32>
    %roll3A_157 = arith.constant 126 : i32
    %roll3A_158 = tpu.dynamic_rotate %select_n3A_141 by %roll3A_157 dim 1 : vector<128x128xi32>, i32 -> vector<128x128xi32>
    %select_n3A_159 = arith.select %ne3A_148, %roll3A_156, %roll3A_158 : vector<128x128xi1>, vector<128x128xi32>
    %roll3A_160 = arith.constant 2 : i32
    %roll3A_161 = tpu.dynamic_rotate %select_n3A_142 by %roll3A_160 dim 1 : vector<128x128xi32>, i32 -> vector<128x128xi32>
    %roll3A_162 = arith.constant 126 : i32
    %roll3A_163 = tpu.dynamic_rotate %select_n3A_142 by %roll3A_162 dim 1 : vector<128x128xi32>, i32 -> vector<128x128xi32>
    %select_n3A_164 = arith.select %ne3A_148, %roll3A_161, %roll3A_163 : vector<128x128xi1>, vector<128x128xi32>
    %gt3A_165 = arith.cmpi sgt, %select_n3A_141, %select_n3A_159 : vector<128x128xi32>
    %eq3A_166 = arith.cmpi eq, %select_n3A_141, %select_n3A_159 : vector<128x128xi32>
    %gt3A_167 = arith.cmpi sgt, %select_n3A_142, %select_n3A_164 : vector<128x128xi32>
    %and3A_168 = arith.andi %eq3A_166, %gt3A_167 : vector<128x128xi1>
    %or3A_169 = arith.ori %gt3A_165, %and3A_168 : vector<128x128xi1>
    %eq3A_170 = arith.xori %ne3A_148, %eq3A_154 : vector<128x128xi1>
    %eq3A_171 = arith.constant dense<true> : vector<128x128xi1>
    %eq3A_172 = arith.xori %eq3A_170, %eq3A_171 : vector<128x128xi1>
    %eq3A_173 = arith.xori %or3A_169, %eq3A_172 : vector<128x128xi1>
    %eq3A_174 = arith.constant dense<true> : vector<128x128xi1>
    %eq3A_175 = arith.xori %eq3A_173, %eq3A_174 : vector<128x128xi1>
    %select_n3A_176 = arith.select %eq3A_175, %select_n3A_141, %select_n3A_159 : vector<128x128xi1>, vector<128x128xi32>
    %select_n3A_177 = arith.select %eq3A_175, %select_n3A_142, %select_n3A_164 : vector<128x128xi1>, vector<128x128xi32>
    %and3A_178 = arith.constant 1 : i32
    %and3A_179 = vector.broadcast %and3A_178 : i32 to vector<128x128xi32>
    %and3A_180 = arith.andi %add3A, %and3A_179 : vector<128x128xi32>
    %ne3A_181 = arith.constant 0 : i32
    %ne3A_182 = vector.broadcast %ne3A_181 : i32 to vector<128x128xi32>
    %ne3A_183 = arith.cmpi ne, %and3A_180, %ne3A_182 : vector<128x128xi32>
    %and3A_184 = arith.constant 8 : i32
    %and3A_185 = vector.broadcast %and3A_184 : i32 to vector<128x128xi32>
    %and3A_186 = arith.andi %add3A, %and3A_185 : vector<128x128xi32>
    %eq3A_187 = arith.constant 0 : i32
    %eq3A_188 = vector.broadcast %eq3A_187 : i32 to vector<128x128xi32>
    %eq3A_189 = arith.cmpi eq, %and3A_186, %eq3A_188 : vector<128x128xi32>
    %roll3A_190 = arith.constant 1 : i32
    %roll3A_191 = tpu.dynamic_rotate %select_n3A_176 by %roll3A_190 dim 1 : vector<128x128xi32>, i32 -> vector<128x128xi32>
    %roll3A_192 = arith.constant 127 : i32
    %roll3A_193 = tpu.dynamic_rotate %select_n3A_176 by %roll3A_192 dim 1 : vector<128x128xi32>, i32 -> vector<128x128xi32>
    %select_n3A_194 = arith.select %ne3A_183, %roll3A_191, %roll3A_193 : vector<128x128xi1>, vector<128x128xi32>
    %roll3A_195 = arith.constant 1 : i32
    %roll3A_196 = tpu.dynamic_rotate %select_n3A_177 by %roll3A_195 dim 1 : vector<128x128xi32>, i32 -> vector<128x128xi32>
    %roll3A_197 = arith.constant 127 : i32
    %roll3A_198 = tpu.dynamic_rotate %select_n3A_177 by %roll3A_197 dim 1 : vector<128x128xi32>, i32 -> vector<128x128xi32>
    %select_n3A_199 = arith.select %ne3A_183, %roll3A_196, %roll3A_198 : vector<128x128xi1>, vector<128x128xi32>
    %gt3A_200 = arith.cmpi sgt, %select_n3A_176, %select_n3A_194 : vector<128x128xi32>
    %eq3A_201 = arith.cmpi eq, %select_n3A_176, %select_n3A_194 : vector<128x128xi32>
    %gt3A_202 = arith.cmpi sgt, %select_n3A_177, %select_n3A_199 : vector<128x128xi32>
    %and3A_203 = arith.andi %eq3A_201, %gt3A_202 : vector<128x128xi1>
    %or3A_204 = arith.ori %gt3A_200, %and3A_203 : vector<128x128xi1>
    %eq3A_205 = arith.xori %ne3A_183, %eq3A_189 : vector<128x128xi1>
    %eq3A_206 = arith.constant dense<true> : vector<128x128xi1>
    %eq3A_207 = arith.xori %eq3A_205, %eq3A_206 : vector<128x128xi1>
    %eq3A_208 = arith.xori %or3A_204, %eq3A_207 : vector<128x128xi1>
    %eq3A_209 = arith.constant dense<true> : vector<128x128xi1>
    %eq3A_210 = arith.xori %eq3A_208, %eq3A_209 : vector<128x128xi1>
    %select_n3A_211 = arith.select %eq3A_210, %select_n3A_176, %select_n3A_194 : vector<128x128xi1>, vector<128x128xi32>
    %select_n3A_212 = arith.select %eq3A_210, %select_n3A_177, %select_n3A_199 : vector<128x128xi1>, vector<128x128xi32>
    %and3A_213 = arith.constant 8 : i32
    %and3A_214 = vector.broadcast %and3A_213 : i32 to vector<128x128xi32>
    %and3A_215 = arith.andi %add3A, %and3A_214 : vector<128x128xi32>
    %ne3A_216 = arith.constant 0 : i32
    %ne3A_217 = vector.broadcast %ne3A_216 : i32 to vector<128x128xi32>
    %ne3A_218 = arith.cmpi ne, %and3A_215, %ne3A_217 : vector<128x128xi32>
    %and3A_219 = arith.constant 16 : i32
    %and3A_220 = vector.broadcast %and3A_219 : i32 to vector<128x128xi32>
    %and3A_221 = arith.andi %add3A, %and3A_220 : vector<128x128xi32>
    %eq3A_222 = arith.constant 0 : i32
    %eq3A_223 = vector.broadcast %eq3A_222 : i32 to vector<128x128xi32>
    %eq3A_224 = arith.cmpi eq, %and3A_221, %eq3A_223 : vector<128x128xi32>
    %roll3A_225 = arith.constant 8 : i32
    %roll3A_226 = tpu.dynamic_rotate %select_n3A_211 by %roll3A_225 dim 1 : vector<128x128xi32>, i32 -> vector<128x128xi32>
    %roll3A_227 = arith.constant 120 : i32
    %roll3A_228 = tpu.dynamic_rotate %select_n3A_211 by %roll3A_227 dim 1 : vector<128x128xi32>, i32 -> vector<128x128xi32>
    %select_n3A_229 = arith.select %ne3A_218, %roll3A_226, %roll3A_228 : vector<128x128xi1>, vector<128x128xi32>
    %roll3A_230 = arith.constant 8 : i32
    %roll3A_231 = tpu.dynamic_rotate %select_n3A_212 by %roll3A_230 dim 1 : vector<128x128xi32>, i32 -> vector<128x128xi32>
    %roll3A_232 = arith.constant 120 : i32
    %roll3A_233 = tpu.dynamic_rotate %select_n3A_212 by %roll3A_232 dim 1 : vector<128x128xi32>, i32 -> vector<128x128xi32>
    %select_n3A_234 = arith.select %ne3A_218, %roll3A_231, %roll3A_233 : vector<128x128xi1>, vector<128x128xi32>
    %gt3A_235 = arith.cmpi sgt, %select_n3A_211, %select_n3A_229 : vector<128x128xi32>
    %eq3A_236 = arith.cmpi eq, %select_n3A_211, %select_n3A_229 : vector<128x128xi32>
    %gt3A_237 = arith.cmpi sgt, %select_n3A_212, %select_n3A_234 : vector<128x128xi32>
    %and3A_238 = arith.andi %eq3A_236, %gt3A_237 : vector<128x128xi1>
    %or3A_239 = arith.ori %gt3A_235, %and3A_238 : vector<128x128xi1>
    %eq3A_240 = arith.xori %ne3A_218, %eq3A_224 : vector<128x128xi1>
    %eq3A_241 = arith.constant dense<true> : vector<128x128xi1>
    %eq3A_242 = arith.xori %eq3A_240, %eq3A_241 : vector<128x128xi1>
    %eq3A_243 = arith.xori %or3A_239, %eq3A_242 : vector<128x128xi1>
    %eq3A_244 = arith.constant dense<true> : vector<128x128xi1>
    %eq3A_245 = arith.xori %eq3A_243, %eq3A_244 : vector<128x128xi1>
    %select_n3A_246 = arith.select %eq3A_245, %select_n3A_211, %select_n3A_229 : vector<128x128xi1>, vector<128x128xi32>
    %select_n3A_247 = arith.select %eq3A_245, %select_n3A_212, %select_n3A_234 : vector<128x128xi1>, vector<128x128xi32>
    %and3A_248 = arith.constant 4 : i32
    %and3A_249 = vector.broadcast %and3A_248 : i32 to vector<128x128xi32>
    %and3A_250 = arith.andi %add3A, %and3A_249 : vector<128x128xi32>
    %ne3A_251 = arith.constant 0 : i32
    %ne3A_252 = vector.broadcast %ne3A_251 : i32 to vector<128x128xi32>
    %ne3A_253 = arith.cmpi ne, %and3A_250, %ne3A_252 : vector<128x128xi32>
    %and3A_254 = arith.constant 16 : i32
    %and3A_255 = vector.broadcast %and3A_254 : i32 to vector<128x128xi32>
    %and3A_256 = arith.andi %add3A, %and3A_255 : vector<128x128xi32>
    %eq3A_257 = arith.constant 0 : i32
    %eq3A_258 = vector.broadcast %eq3A_257 : i32 to vector<128x128xi32>
    %eq3A_259 = arith.cmpi eq, %and3A_256, %eq3A_258 : vector<128x128xi32>
    %roll3A_260 = arith.constant 4 : i32
    %roll3A_261 = tpu.dynamic_rotate %select_n3A_246 by %roll3A_260 dim 1 : vector<128x128xi32>, i32 -> vector<128x128xi32>
    %roll3A_262 = arith.constant 124 : i32
    %roll3A_263 = tpu.dynamic_rotate %select_n3A_246 by %roll3A_262 dim 1 : vector<128x128xi32>, i32 -> vector<128x128xi32>
    %select_n3A_264 = arith.select %ne3A_253, %roll3A_261, %roll3A_263 : vector<128x128xi1>, vector<128x128xi32>
    %roll3A_265 = arith.constant 4 : i32
    %roll3A_266 = tpu.dynamic_rotate %select_n3A_247 by %roll3A_265 dim 1 : vector<128x128xi32>, i32 -> vector<128x128xi32>
    %roll3A_267 = arith.constant 124 : i32
    %roll3A_268 = tpu.dynamic_rotate %select_n3A_247 by %roll3A_267 dim 1 : vector<128x128xi32>, i32 -> vector<128x128xi32>
    %select_n3A_269 = arith.select %ne3A_253, %roll3A_266, %roll3A_268 : vector<128x128xi1>, vector<128x128xi32>
    %gt3A_270 = arith.cmpi sgt, %select_n3A_246, %select_n3A_264 : vector<128x128xi32>
    %eq3A_271 = arith.cmpi eq, %select_n3A_246, %select_n3A_264 : vector<128x128xi32>
    %gt3A_272 = arith.cmpi sgt, %select_n3A_247, %select_n3A_269 : vector<128x128xi32>
    %and3A_273 = arith.andi %eq3A_271, %gt3A_272 : vector<128x128xi1>
    %or3A_274 = arith.ori %gt3A_270, %and3A_273 : vector<128x128xi1>
    %eq3A_275 = arith.xori %ne3A_253, %eq3A_259 : vector<128x128xi1>
    %eq3A_276 = arith.constant dense<true> : vector<128x128xi1>
    %eq3A_277 = arith.xori %eq3A_275, %eq3A_276 : vector<128x128xi1>
    %eq3A_278 = arith.xori %or3A_274, %eq3A_277 : vector<128x128xi1>
    %eq3A_279 = arith.constant dense<true> : vector<128x128xi1>
    %eq3A_280 = arith.xori %eq3A_278, %eq3A_279 : vector<128x128xi1>
    %select_n3A_281 = arith.select %eq3A_280, %select_n3A_246, %select_n3A_264 : vector<128x128xi1>, vector<128x128xi32>
    %select_n3A_282 = arith.select %eq3A_280, %select_n3A_247, %select_n3A_269 : vector<128x128xi1>, vector<128x128xi32>
    %and3A_283 = arith.constant 2 : i32
    %and3A_284 = vector.broadcast %and3A_283 : i32 to vector<128x128xi32>
    %and3A_285 = arith.andi %add3A, %and3A_284 : vector<128x128xi32>
    %ne3A_286 = arith.constant 0 : i32
    %ne3A_287 = vector.broadcast %ne3A_286 : i32 to vector<128x128xi32>
    %ne3A_288 = arith.cmpi ne, %and3A_285, %ne3A_287 : vector<128x128xi32>
    %and3A_289 = arith.constant 16 : i32
    %and3A_290 = vector.broadcast %and3A_289 : i32 to vector<128x128xi32>
    %and3A_291 = arith.andi %add3A, %and3A_290 : vector<128x128xi32>
    %eq3A_292 = arith.constant 0 : i32
    %eq3A_293 = vector.broadcast %eq3A_292 : i32 to vector<128x128xi32>
    %eq3A_294 = arith.cmpi eq, %and3A_291, %eq3A_293 : vector<128x128xi32>
    %roll3A_295 = arith.constant 2 : i32
    %roll3A_296 = tpu.dynamic_rotate %select_n3A_281 by %roll3A_295 dim 1 : vector<128x128xi32>, i32 -> vector<128x128xi32>
    %roll3A_297 = arith.constant 126 : i32
    %roll3A_298 = tpu.dynamic_rotate %select_n3A_281 by %roll3A_297 dim 1 : vector<128x128xi32>, i32 -> vector<128x128xi32>
    %select_n3A_299 = arith.select %ne3A_288, %roll3A_296, %roll3A_298 : vector<128x128xi1>, vector<128x128xi32>
    %roll3A_300 = arith.constant 2 : i32
    %roll3A_301 = tpu.dynamic_rotate %select_n3A_282 by %roll3A_300 dim 1 : vector<128x128xi32>, i32 -> vector<128x128xi32>
    %roll3A_302 = arith.constant 126 : i32
    %roll3A_303 = tpu.dynamic_rotate %select_n3A_282 by %roll3A_302 dim 1 : vector<128x128xi32>, i32 -> vector<128x128xi32>
    %select_n3A_304 = arith.select %ne3A_288, %roll3A_301, %roll3A_303 : vector<128x128xi1>, vector<128x128xi32>
    %gt3A_305 = arith.cmpi sgt, %select_n3A_281, %select_n3A_299 : vector<128x128xi32>
    %eq3A_306 = arith.cmpi eq, %select_n3A_281, %select_n3A_299 : vector<128x128xi32>
    %gt3A_307 = arith.cmpi sgt, %select_n3A_282, %select_n3A_304 : vector<128x128xi32>
    %and3A_308 = arith.andi %eq3A_306, %gt3A_307 : vector<128x128xi1>
    %or3A_309 = arith.ori %gt3A_305, %and3A_308 : vector<128x128xi1>
    %eq3A_310 = arith.xori %ne3A_288, %eq3A_294 : vector<128x128xi1>
    %eq3A_311 = arith.constant dense<true> : vector<128x128xi1>
    %eq3A_312 = arith.xori %eq3A_310, %eq3A_311 : vector<128x128xi1>
    %eq3A_313 = arith.xori %or3A_309, %eq3A_312 : vector<128x128xi1>
    %eq3A_314 = arith.constant dense<true> : vector<128x128xi1>
    %eq3A_315 = arith.xori %eq3A_313, %eq3A_314 : vector<128x128xi1>
    %select_n3A_316 = arith.select %eq3A_315, %select_n3A_281, %select_n3A_299 : vector<128x128xi1>, vector<128x128xi32>
    %select_n3A_317 = arith.select %eq3A_315, %select_n3A_282, %select_n3A_304 : vector<128x128xi1>, vector<128x128xi32>
    %and3A_318 = arith.constant 1 : i32
    %and3A_319 = vector.broadcast %and3A_318 : i32 to vector<128x128xi32>
    %and3A_320 = arith.andi %add3A, %and3A_319 : vector<128x128xi32>
    %ne3A_321 = arith.constant 0 : i32
    %ne3A_322 = vector.broadcast %ne3A_321 : i32 to vector<128x128xi32>
    %ne3A_323 = arith.cmpi ne, %and3A_320, %ne3A_322 : vector<128x128xi32>
    %and3A_324 = arith.constant 16 : i32
    %and3A_325 = vector.broadcast %and3A_324 : i32 to vector<128x128xi32>
    %and3A_326 = arith.andi %add3A, %and3A_325 : vector<128x128xi32>
    %eq3A_327 = arith.constant 0 : i32
    %eq3A_328 = vector.broadcast %eq3A_327 : i32 to vector<128x128xi32>
    %eq3A_329 = arith.cmpi eq, %and3A_326, %eq3A_328 : vector<128x128xi32>
    %roll3A_330 = arith.constant 1 : i32
    %roll3A_331 = tpu.dynamic_rotate %select_n3A_316 by %roll3A_330 dim 1 : vector<128x128xi32>, i32 -> vector<128x128xi32>
    %roll3A_332 = arith.constant 127 : i32
    %roll3A_333 = tpu.dynamic_rotate %select_n3A_316 by %roll3A_332 dim 1 : vector<128x128xi32>, i32 -> vector<128x128xi32>
    %select_n3A_334 = arith.select %ne3A_323, %roll3A_331, %roll3A_333 : vector<128x128xi1>, vector<128x128xi32>
    %roll3A_335 = arith.constant 1 : i32
    %roll3A_336 = tpu.dynamic_rotate %select_n3A_317 by %roll3A_335 dim 1 : vector<128x128xi32>, i32 -> vector<128x128xi32>
    %roll3A_337 = arith.constant 127 : i32
    %roll3A_338 = tpu.dynamic_rotate %select_n3A_317 by %roll3A_337 dim 1 : vector<128x128xi32>, i32 -> vector<128x128xi32>
    %select_n3A_339 = arith.select %ne3A_323, %roll3A_336, %roll3A_338 : vector<128x128xi1>, vector<128x128xi32>
    %gt3A_340 = arith.cmpi sgt, %select_n3A_316, %select_n3A_334 : vector<128x128xi32>
    %eq3A_341 = arith.cmpi eq, %select_n3A_316, %select_n3A_334 : vector<128x128xi32>
    %gt3A_342 = arith.cmpi sgt, %select_n3A_317, %select_n3A_339 : vector<128x128xi32>
    %and3A_343 = arith.andi %eq3A_341, %gt3A_342 : vector<128x128xi1>
    %or3A_344 = arith.ori %gt3A_340, %and3A_343 : vector<128x128xi1>
    %eq3A_345 = arith.xori %ne3A_323, %eq3A_329 : vector<128x128xi1>
    %eq3A_346 = arith.constant dense<true> : vector<128x128xi1>
    %eq3A_347 = arith.xori %eq3A_345, %eq3A_346 : vector<128x128xi1>
    %eq3A_348 = arith.xori %or3A_344, %eq3A_347 : vector<128x128xi1>
    %eq3A_349 = arith.constant dense<true> : vector<128x128xi1>
    %eq3A_350 = arith.xori %eq3A_348, %eq3A_349 : vector<128x128xi1>
    %select_n3A_351 = arith.select %eq3A_350, %select_n3A_316, %select_n3A_334 : vector<128x128xi1>, vector<128x128xi32>
    %select_n3A_352 = arith.select %eq3A_350, %select_n3A_317, %select_n3A_339 : vector<128x128xi1>, vector<128x128xi32>
    %and3A_353 = arith.constant 16 : i32
    %and3A_354 = vector.broadcast %and3A_353 : i32 to vector<128x128xi32>
    %and3A_355 = arith.andi %add3A, %and3A_354 : vector<128x128xi32>
    %ne3A_356 = arith.constant 0 : i32
    %ne3A_357 = vector.broadcast %ne3A_356 : i32 to vector<128x128xi32>
    %ne3A_358 = arith.cmpi ne, %and3A_355, %ne3A_357 : vector<128x128xi32>
    %and3A_359 = arith.constant 32 : i32
    %and3A_360 = vector.broadcast %and3A_359 : i32 to vector<128x128xi32>
    %and3A_361 = arith.andi %add3A, %and3A_360 : vector<128x128xi32>
    %eq3A_362 = arith.constant 0 : i32
    %eq3A_363 = vector.broadcast %eq3A_362 : i32 to vector<128x128xi32>
    %eq3A_364 = arith.cmpi eq, %and3A_361, %eq3A_363 : vector<128x128xi32>
    %roll3A_365 = arith.constant 16 : i32
    %roll3A_366 = tpu.dynamic_rotate %select_n3A_351 by %roll3A_365 dim 1 : vector<128x128xi32>, i32 -> vector<128x128xi32>
    %roll3A_367 = arith.constant 112 : i32
    %roll3A_368 = tpu.dynamic_rotate %select_n3A_351 by %roll3A_367 dim 1 : vector<128x128xi32>, i32 -> vector<128x128xi32>
    %select_n3A_369 = arith.select %ne3A_358, %roll3A_366, %roll3A_368 : vector<128x128xi1>, vector<128x128xi32>
    %roll3A_370 = arith.constant 16 : i32
    %roll3A_371 = tpu.dynamic_rotate %select_n3A_352 by %roll3A_370 dim 1 : vector<128x128xi32>, i32 -> vector<128x128xi32>
    %roll3A_372 = arith.constant 112 : i32
    %roll3A_373 = tpu.dynamic_rotate %select_n3A_352 by %roll3A_372 dim 1 : vector<128x128xi32>, i32 -> vector<128x128xi32>
    %select_n3A_374 = arith.select %ne3A_358, %roll3A_371, %roll3A_373 : vector<128x128xi1>, vector<128x128xi32>
    %gt3A_375 = arith.cmpi sgt, %select_n3A_351, %select_n3A_369 : vector<128x128xi32>
    %eq3A_376 = arith.cmpi eq, %select_n3A_351, %select_n3A_369 : vector<128x128xi32>
    %gt3A_377 = arith.cmpi sgt, %select_n3A_352, %select_n3A_374 : vector<128x128xi32>
    %and3A_378 = arith.andi %eq3A_376, %gt3A_377 : vector<128x128xi1>
    %or3A_379 = arith.ori %gt3A_375, %and3A_378 : vector<128x128xi1>
    %eq3A_380 = arith.xori %ne3A_358, %eq3A_364 : vector<128x128xi1>
    %eq3A_381 = arith.constant dense<true> : vector<128x128xi1>
    %eq3A_382 = arith.xori %eq3A_380, %eq3A_381 : vector<128x128xi1>
    %eq3A_383 = arith.xori %or3A_379, %eq3A_382 : vector<128x128xi1>
    %eq3A_384 = arith.constant dense<true> : vector<128x128xi1>
    %eq3A_385 = arith.xori %eq3A_383, %eq3A_384 : vector<128x128xi1>
    %select_n3A_386 = arith.select %eq3A_385, %select_n3A_351, %select_n3A_369 : vector<128x128xi1>, vector<128x128xi32>
    %select_n3A_387 = arith.select %eq3A_385, %select_n3A_352, %select_n3A_374 : vector<128x128xi1>, vector<128x128xi32>
    %and3A_388 = arith.constant 8 : i32
    %and3A_389 = vector.broadcast %and3A_388 : i32 to vector<128x128xi32>
    %and3A_390 = arith.andi %add3A, %and3A_389 : vector<128x128xi32>
    %ne3A_391 = arith.constant 0 : i32
    %ne3A_392 = vector.broadcast %ne3A_391 : i32 to vector<128x128xi32>
    %ne3A_393 = arith.cmpi ne, %and3A_390, %ne3A_392 : vector<128x128xi32>
    %and3A_394 = arith.constant 32 : i32
    %and3A_395 = vector.broadcast %and3A_394 : i32 to vector<128x128xi32>
    %and3A_396 = arith.andi %add3A, %and3A_395 : vector<128x128xi32>
    %eq3A_397 = arith.constant 0 : i32
    %eq3A_398 = vector.broadcast %eq3A_397 : i32 to vector<128x128xi32>
    %eq3A_399 = arith.cmpi eq, %and3A_396, %eq3A_398 : vector<128x128xi32>
    %roll3A_400 = arith.constant 8 : i32
    %roll3A_401 = tpu.dynamic_rotate %select_n3A_386 by %roll3A_400 dim 1 : vector<128x128xi32>, i32 -> vector<128x128xi32>
    %roll3A_402 = arith.constant 120 : i32
    %roll3A_403 = tpu.dynamic_rotate %select_n3A_386 by %roll3A_402 dim 1 : vector<128x128xi32>, i32 -> vector<128x128xi32>
    %select_n3A_404 = arith.select %ne3A_393, %roll3A_401, %roll3A_403 : vector<128x128xi1>, vector<128x128xi32>
    %roll3A_405 = arith.constant 8 : i32
    %roll3A_406 = tpu.dynamic_rotate %select_n3A_387 by %roll3A_405 dim 1 : vector<128x128xi32>, i32 -> vector<128x128xi32>
    %roll3A_407 = arith.constant 120 : i32
    %roll3A_408 = tpu.dynamic_rotate %select_n3A_387 by %roll3A_407 dim 1 : vector<128x128xi32>, i32 -> vector<128x128xi32>
    %select_n3A_409 = arith.select %ne3A_393, %roll3A_406, %roll3A_408 : vector<128x128xi1>, vector<128x128xi32>
    %gt3A_410 = arith.cmpi sgt, %select_n3A_386, %select_n3A_404 : vector<128x128xi32>
    %eq3A_411 = arith.cmpi eq, %select_n3A_386, %select_n3A_404 : vector<128x128xi32>
    %gt3A_412 = arith.cmpi sgt, %select_n3A_387, %select_n3A_409 : vector<128x128xi32>
    %and3A_413 = arith.andi %eq3A_411, %gt3A_412 : vector<128x128xi1>
    %or3A_414 = arith.ori %gt3A_410, %and3A_413 : vector<128x128xi1>
    %eq3A_415 = arith.xori %ne3A_393, %eq3A_399 : vector<128x128xi1>
    %eq3A_416 = arith.constant dense<true> : vector<128x128xi1>
    %eq3A_417 = arith.xori %eq3A_415, %eq3A_416 : vector<128x128xi1>
    %eq3A_418 = arith.xori %or3A_414, %eq3A_417 : vector<128x128xi1>
    %eq3A_419 = arith.constant dense<true> : vector<128x128xi1>
    %eq3A_420 = arith.xori %eq3A_418, %eq3A_419 : vector<128x128xi1>
    %select_n3A_421 = arith.select %eq3A_420, %select_n3A_386, %select_n3A_404 : vector<128x128xi1>, vector<128x128xi32>
    %select_n3A_422 = arith.select %eq3A_420, %select_n3A_387, %select_n3A_409 : vector<128x128xi1>, vector<128x128xi32>
    %and3A_423 = arith.constant 4 : i32
    %and3A_424 = vector.broadcast %and3A_423 : i32 to vector<128x128xi32>
    %and3A_425 = arith.andi %add3A, %and3A_424 : vector<128x128xi32>
    %ne3A_426 = arith.constant 0 : i32
    %ne3A_427 = vector.broadcast %ne3A_426 : i32 to vector<128x128xi32>
    %ne3A_428 = arith.cmpi ne, %and3A_425, %ne3A_427 : vector<128x128xi32>
    %and3A_429 = arith.constant 32 : i32
    %and3A_430 = vector.broadcast %and3A_429 : i32 to vector<128x128xi32>
    %and3A_431 = arith.andi %add3A, %and3A_430 : vector<128x128xi32>
    %eq3A_432 = arith.constant 0 : i32
    %eq3A_433 = vector.broadcast %eq3A_432 : i32 to vector<128x128xi32>
    %eq3A_434 = arith.cmpi eq, %and3A_431, %eq3A_433 : vector<128x128xi32>
    %roll3A_435 = arith.constant 4 : i32
    %roll3A_436 = tpu.dynamic_rotate %select_n3A_421 by %roll3A_435 dim 1 : vector<128x128xi32>, i32 -> vector<128x128xi32>
    %roll3A_437 = arith.constant 124 : i32
    %roll3A_438 = tpu.dynamic_rotate %select_n3A_421 by %roll3A_437 dim 1 : vector<128x128xi32>, i32 -> vector<128x128xi32>
    %select_n3A_439 = arith.select %ne3A_428, %roll3A_436, %roll3A_438 : vector<128x128xi1>, vector<128x128xi32>
    %roll3A_440 = arith.constant 4 : i32
    %roll3A_441 = tpu.dynamic_rotate %select_n3A_422 by %roll3A_440 dim 1 : vector<128x128xi32>, i32 -> vector<128x128xi32>
    %roll3A_442 = arith.constant 124 : i32
    %roll3A_443 = tpu.dynamic_rotate %select_n3A_422 by %roll3A_442 dim 1 : vector<128x128xi32>, i32 -> vector<128x128xi32>
    %select_n3A_444 = arith.select %ne3A_428, %roll3A_441, %roll3A_443 : vector<128x128xi1>, vector<128x128xi32>
    %gt3A_445 = arith.cmpi sgt, %select_n3A_421, %select_n3A_439 : vector<128x128xi32>
    %eq3A_446 = arith.cmpi eq, %select_n3A_421, %select_n3A_439 : vector<128x128xi32>
    %gt3A_447 = arith.cmpi sgt, %select_n3A_422, %select_n3A_444 : vector<128x128xi32>
    %and3A_448 = arith.andi %eq3A_446, %gt3A_447 : vector<128x128xi1>
    %or3A_449 = arith.ori %gt3A_445, %and3A_448 : vector<128x128xi1>
    %eq3A_450 = arith.xori %ne3A_428, %eq3A_434 : vector<128x128xi1>
    %eq3A_451 = arith.constant dense<true> : vector<128x128xi1>
    %eq3A_452 = arith.xori %eq3A_450, %eq3A_451 : vector<128x128xi1>
    %eq3A_453 = arith.xori %or3A_449, %eq3A_452 : vector<128x128xi1>
    %eq3A_454 = arith.constant dense<true> : vector<128x128xi1>
    %eq3A_455 = arith.xori %eq3A_453, %eq3A_454 : vector<128x128xi1>
    %select_n3A_456 = arith.select %eq3A_455, %select_n3A_421, %select_n3A_439 : vector<128x128xi1>, vector<128x128xi32>
    %select_n3A_457 = arith.select %eq3A_455, %select_n3A_422, %select_n3A_444 : vector<128x128xi1>, vector<128x128xi32>
    %and3A_458 = arith.constant 2 : i32
    %and3A_459 = vector.broadcast %and3A_458 : i32 to vector<128x128xi32>
    %and3A_460 = arith.andi %add3A, %and3A_459 : vector<128x128xi32>
    %ne3A_461 = arith.constant 0 : i32
    %ne3A_462 = vector.broadcast %ne3A_461 : i32 to vector<128x128xi32>
    %ne3A_463 = arith.cmpi ne, %and3A_460, %ne3A_462 : vector<128x128xi32>
    %and3A_464 = arith.constant 32 : i32
    %and3A_465 = vector.broadcast %and3A_464 : i32 to vector<128x128xi32>
    %and3A_466 = arith.andi %add3A, %and3A_465 : vector<128x128xi32>
    %eq3A_467 = arith.constant 0 : i32
    %eq3A_468 = vector.broadcast %eq3A_467 : i32 to vector<128x128xi32>
    %eq3A_469 = arith.cmpi eq, %and3A_466, %eq3A_468 : vector<128x128xi32>
    %roll3A_470 = arith.constant 2 : i32
    %roll3A_471 = tpu.dynamic_rotate %select_n3A_456 by %roll3A_470 dim 1 : vector<128x128xi32>, i32 -> vector<128x128xi32>
    %roll3A_472 = arith.constant 126 : i32
    %roll3A_473 = tpu.dynamic_rotate %select_n3A_456 by %roll3A_472 dim 1 : vector<128x128xi32>, i32 -> vector<128x128xi32>
    %select_n3A_474 = arith.select %ne3A_463, %roll3A_471, %roll3A_473 : vector<128x128xi1>, vector<128x128xi32>
    %roll3A_475 = arith.constant 2 : i32
    %roll3A_476 = tpu.dynamic_rotate %select_n3A_457 by %roll3A_475 dim 1 : vector<128x128xi32>, i32 -> vector<128x128xi32>
    %roll3A_477 = arith.constant 126 : i32
    %roll3A_478 = tpu.dynamic_rotate %select_n3A_457 by %roll3A_477 dim 1 : vector<128x128xi32>, i32 -> vector<128x128xi32>
    %select_n3A_479 = arith.select %ne3A_463, %roll3A_476, %roll3A_478 : vector<128x128xi1>, vector<128x128xi32>
    %gt3A_480 = arith.cmpi sgt, %select_n3A_456, %select_n3A_474 : vector<128x128xi32>
    %eq3A_481 = arith.cmpi eq, %select_n3A_456, %select_n3A_474 : vector<128x128xi32>
    %gt3A_482 = arith.cmpi sgt, %select_n3A_457, %select_n3A_479 : vector<128x128xi32>
    %and3A_483 = arith.andi %eq3A_481, %gt3A_482 : vector<128x128xi1>
    %or3A_484 = arith.ori %gt3A_480, %and3A_483 : vector<128x128xi1>
    %eq3A_485 = arith.xori %ne3A_463, %eq3A_469 : vector<128x128xi1>
    %eq3A_486 = arith.constant dense<true> : vector<128x128xi1>
    %eq3A_487 = arith.xori %eq3A_485, %eq3A_486 : vector<128x128xi1>
    %eq3A_488 = arith.xori %or3A_484, %eq3A_487 : vector<128x128xi1>
    %eq3A_489 = arith.constant dense<true> : vector<128x128xi1>
    %eq3A_490 = arith.xori %eq3A_488, %eq3A_489 : vector<128x128xi1>
    %select_n3A_491 = arith.select %eq3A_490, %select_n3A_456, %select_n3A_474 : vector<128x128xi1>, vector<128x128xi32>
    %select_n3A_492 = arith.select %eq3A_490, %select_n3A_457, %select_n3A_479 : vector<128x128xi1>, vector<128x128xi32>
    %and3A_493 = arith.constant 1 : i32
    %and3A_494 = vector.broadcast %and3A_493 : i32 to vector<128x128xi32>
    %and3A_495 = arith.andi %add3A, %and3A_494 : vector<128x128xi32>
    %ne3A_496 = arith.constant 0 : i32
    %ne3A_497 = vector.broadcast %ne3A_496 : i32 to vector<128x128xi32>
    %ne3A_498 = arith.cmpi ne, %and3A_495, %ne3A_497 : vector<128x128xi32>
    %and3A_499 = arith.constant 32 : i32
    %and3A_500 = vector.broadcast %and3A_499 : i32 to vector<128x128xi32>
    %and3A_501 = arith.andi %add3A, %and3A_500 : vector<128x128xi32>
    %eq3A_502 = arith.constant 0 : i32
    %eq3A_503 = vector.broadcast %eq3A_502 : i32 to vector<128x128xi32>
    %eq3A_504 = arith.cmpi eq, %and3A_501, %eq3A_503 : vector<128x128xi32>
    %roll3A_505 = arith.constant 1 : i32
    %roll3A_506 = tpu.dynamic_rotate %select_n3A_491 by %roll3A_505 dim 1 : vector<128x128xi32>, i32 -> vector<128x128xi32>
    %roll3A_507 = arith.constant 127 : i32
    %roll3A_508 = tpu.dynamic_rotate %select_n3A_491 by %roll3A_507 dim 1 : vector<128x128xi32>, i32 -> vector<128x128xi32>
    %select_n3A_509 = arith.select %ne3A_498, %roll3A_506, %roll3A_508 : vector<128x128xi1>, vector<128x128xi32>
    %roll3A_510 = arith.constant 1 : i32
    %roll3A_511 = tpu.dynamic_rotate %select_n3A_492 by %roll3A_510 dim 1 : vector<128x128xi32>, i32 -> vector<128x128xi32>
    %roll3A_512 = arith.constant 127 : i32
    %roll3A_513 = tpu.dynamic_rotate %select_n3A_492 by %roll3A_512 dim 1 : vector<128x128xi32>, i32 -> vector<128x128xi32>
    %select_n3A_514 = arith.select %ne3A_498, %roll3A_511, %roll3A_513 : vector<128x128xi1>, vector<128x128xi32>
    %gt3A_515 = arith.cmpi sgt, %select_n3A_491, %select_n3A_509 : vector<128x128xi32>
    %eq3A_516 = arith.cmpi eq, %select_n3A_491, %select_n3A_509 : vector<128x128xi32>
    %gt3A_517 = arith.cmpi sgt, %select_n3A_492, %select_n3A_514 : vector<128x128xi32>
    %and3A_518 = arith.andi %eq3A_516, %gt3A_517 : vector<128x128xi1>
    %or3A_519 = arith.ori %gt3A_515, %and3A_518 : vector<128x128xi1>
    %eq3A_520 = arith.xori %ne3A_498, %eq3A_504 : vector<128x128xi1>
    %eq3A_521 = arith.constant dense<true> : vector<128x128xi1>
    %eq3A_522 = arith.xori %eq3A_520, %eq3A_521 : vector<128x128xi1>
    %eq3A_523 = arith.xori %or3A_519, %eq3A_522 : vector<128x128xi1>
    %eq3A_524 = arith.constant dense<true> : vector<128x128xi1>
    %eq3A_525 = arith.xori %eq3A_523, %eq3A_524 : vector<128x128xi1>
    %select_n3A_526 = arith.select %eq3A_525, %select_n3A_491, %select_n3A_509 : vector<128x128xi1>, vector<128x128xi32>
    %select_n3A_527 = arith.select %eq3A_525, %select_n3A_492, %select_n3A_514 : vector<128x128xi1>, vector<128x128xi32>
    %and3A_528 = arith.constant 32 : i32
    %and3A_529 = vector.broadcast %and3A_528 : i32 to vector<128x128xi32>
    %and3A_530 = arith.andi %add3A, %and3A_529 : vector<128x128xi32>
    %ne3A_531 = arith.constant 0 : i32
    %ne3A_532 = vector.broadcast %ne3A_531 : i32 to vector<128x128xi32>
    %ne3A_533 = arith.cmpi ne, %and3A_530, %ne3A_532 : vector<128x128xi32>
    %and3A_534 = arith.constant 64 : i32
    %and3A_535 = vector.broadcast %and3A_534 : i32 to vector<128x128xi32>
    %and3A_536 = arith.andi %add3A, %and3A_535 : vector<128x128xi32>
    %eq3A_537 = arith.constant 0 : i32
    %eq3A_538 = vector.broadcast %eq3A_537 : i32 to vector<128x128xi32>
    %eq3A_539 = arith.cmpi eq, %and3A_536, %eq3A_538 : vector<128x128xi32>
    %roll3A_540 = arith.constant 32 : i32
    %roll3A_541 = tpu.dynamic_rotate %select_n3A_526 by %roll3A_540 dim 1 : vector<128x128xi32>, i32 -> vector<128x128xi32>
    %roll3A_542 = arith.constant 96 : i32
    %roll3A_543 = tpu.dynamic_rotate %select_n3A_526 by %roll3A_542 dim 1 : vector<128x128xi32>, i32 -> vector<128x128xi32>
    %select_n3A_544 = arith.select %ne3A_533, %roll3A_541, %roll3A_543 : vector<128x128xi1>, vector<128x128xi32>
    %roll3A_545 = arith.constant 32 : i32
    %roll3A_546 = tpu.dynamic_rotate %select_n3A_527 by %roll3A_545 dim 1 : vector<128x128xi32>, i32 -> vector<128x128xi32>
    %roll3A_547 = arith.constant 96 : i32
    %roll3A_548 = tpu.dynamic_rotate %select_n3A_527 by %roll3A_547 dim 1 : vector<128x128xi32>, i32 -> vector<128x128xi32>
    %select_n3A_549 = arith.select %ne3A_533, %roll3A_546, %roll3A_548 : vector<128x128xi1>, vector<128x128xi32>
    %gt3A_550 = arith.cmpi sgt, %select_n3A_526, %select_n3A_544 : vector<128x128xi32>
    %eq3A_551 = arith.cmpi eq, %select_n3A_526, %select_n3A_544 : vector<128x128xi32>
    %gt3A_552 = arith.cmpi sgt, %select_n3A_527, %select_n3A_549 : vector<128x128xi32>
    %and3A_553 = arith.andi %eq3A_551, %gt3A_552 : vector<128x128xi1>
    %or3A_554 = arith.ori %gt3A_550, %and3A_553 : vector<128x128xi1>
    %eq3A_555 = arith.xori %ne3A_533, %eq3A_539 : vector<128x128xi1>
    %eq3A_556 = arith.constant dense<true> : vector<128x128xi1>
    %eq3A_557 = arith.xori %eq3A_555, %eq3A_556 : vector<128x128xi1>
    %eq3A_558 = arith.xori %or3A_554, %eq3A_557 : vector<128x128xi1>
    %eq3A_559 = arith.constant dense<true> : vector<128x128xi1>
    %eq3A_560 = arith.xori %eq3A_558, %eq3A_559 : vector<128x128xi1>
    %select_n3A_561 = arith.select %eq3A_560, %select_n3A_526, %select_n3A_544 : vector<128x128xi1>, vector<128x128xi32>
    %select_n3A_562 = arith.select %eq3A_560, %select_n3A_527, %select_n3A_549 : vector<128x128xi1>, vector<128x128xi32>
    %and3A_563 = arith.constant 16 : i32
    %and3A_564 = vector.broadcast %and3A_563 : i32 to vector<128x128xi32>
    %and3A_565 = arith.andi %add3A, %and3A_564 : vector<128x128xi32>
    %ne3A_566 = arith.constant 0 : i32
    %ne3A_567 = vector.broadcast %ne3A_566 : i32 to vector<128x128xi32>
    %ne3A_568 = arith.cmpi ne, %and3A_565, %ne3A_567 : vector<128x128xi32>
    %and3A_569 = arith.constant 64 : i32
    %and3A_570 = vector.broadcast %and3A_569 : i32 to vector<128x128xi32>
    %and3A_571 = arith.andi %add3A, %and3A_570 : vector<128x128xi32>
    %eq3A_572 = arith.constant 0 : i32
    %eq3A_573 = vector.broadcast %eq3A_572 : i32 to vector<128x128xi32>
    %eq3A_574 = arith.cmpi eq, %and3A_571, %eq3A_573 : vector<128x128xi32>
    %roll3A_575 = arith.constant 16 : i32
    %roll3A_576 = tpu.dynamic_rotate %select_n3A_561 by %roll3A_575 dim 1 : vector<128x128xi32>, i32 -> vector<128x128xi32>
    %roll3A_577 = arith.constant 112 : i32
    %roll3A_578 = tpu.dynamic_rotate %select_n3A_561 by %roll3A_577 dim 1 : vector<128x128xi32>, i32 -> vector<128x128xi32>
    %select_n3A_579 = arith.select %ne3A_568, %roll3A_576, %roll3A_578 : vector<128x128xi1>, vector<128x128xi32>
    %roll3A_580 = arith.constant 16 : i32
    %roll3A_581 = tpu.dynamic_rotate %select_n3A_562 by %roll3A_580 dim 1 : vector<128x128xi32>, i32 -> vector<128x128xi32>
    %roll3A_582 = arith.constant 112 : i32
    %roll3A_583 = tpu.dynamic_rotate %select_n3A_562 by %roll3A_582 dim 1 : vector<128x128xi32>, i32 -> vector<128x128xi32>
    %select_n3A_584 = arith.select %ne3A_568, %roll3A_581, %roll3A_583 : vector<128x128xi1>, vector<128x128xi32>
    %gt3A_585 = arith.cmpi sgt, %select_n3A_561, %select_n3A_579 : vector<128x128xi32>
    %eq3A_586 = arith.cmpi eq, %select_n3A_561, %select_n3A_579 : vector<128x128xi32>
    %gt3A_587 = arith.cmpi sgt, %select_n3A_562, %select_n3A_584 : vector<128x128xi32>
    %and3A_588 = arith.andi %eq3A_586, %gt3A_587 : vector<128x128xi1>
    %or3A_589 = arith.ori %gt3A_585, %and3A_588 : vector<128x128xi1>
    %eq3A_590 = arith.xori %ne3A_568, %eq3A_574 : vector<128x128xi1>
    %eq3A_591 = arith.constant dense<true> : vector<128x128xi1>
    %eq3A_592 = arith.xori %eq3A_590, %eq3A_591 : vector<128x128xi1>
    %eq3A_593 = arith.xori %or3A_589, %eq3A_592 : vector<128x128xi1>
    %eq3A_594 = arith.constant dense<true> : vector<128x128xi1>
    %eq3A_595 = arith.xori %eq3A_593, %eq3A_594 : vector<128x128xi1>
    %select_n3A_596 = arith.select %eq3A_595, %select_n3A_561, %select_n3A_579 : vector<128x128xi1>, vector<128x128xi32>
    %select_n3A_597 = arith.select %eq3A_595, %select_n3A_562, %select_n3A_584 : vector<128x128xi1>, vector<128x128xi32>
    %and3A_598 = arith.constant 8 : i32
    %and3A_599 = vector.broadcast %and3A_598 : i32 to vector<128x128xi32>
    %and3A_600 = arith.andi %add3A, %and3A_599 : vector<128x128xi32>
    %ne3A_601 = arith.constant 0 : i32
    %ne3A_602 = vector.broadcast %ne3A_601 : i32 to vector<128x128xi32>
    %ne3A_603 = arith.cmpi ne, %and3A_600, %ne3A_602 : vector<128x128xi32>
    %and3A_604 = arith.constant 64 : i32
    %and3A_605 = vector.broadcast %and3A_604 : i32 to vector<128x128xi32>
    %and3A_606 = arith.andi %add3A, %and3A_605 : vector<128x128xi32>
    %eq3A_607 = arith.constant 0 : i32
    %eq3A_608 = vector.broadcast %eq3A_607 : i32 to vector<128x128xi32>
    %eq3A_609 = arith.cmpi eq, %and3A_606, %eq3A_608 : vector<128x128xi32>
    %roll3A_610 = arith.constant 8 : i32
    %roll3A_611 = tpu.dynamic_rotate %select_n3A_596 by %roll3A_610 dim 1 : vector<128x128xi32>, i32 -> vector<128x128xi32>
    %roll3A_612 = arith.constant 120 : i32
    %roll3A_613 = tpu.dynamic_rotate %select_n3A_596 by %roll3A_612 dim 1 : vector<128x128xi32>, i32 -> vector<128x128xi32>
    %select_n3A_614 = arith.select %ne3A_603, %roll3A_611, %roll3A_613 : vector<128x128xi1>, vector<128x128xi32>
    %roll3A_615 = arith.constant 8 : i32
    %roll3A_616 = tpu.dynamic_rotate %select_n3A_597 by %roll3A_615 dim 1 : vector<128x128xi32>, i32 -> vector<128x128xi32>
    %roll3A_617 = arith.constant 120 : i32
    %roll3A_618 = tpu.dynamic_rotate %select_n3A_597 by %roll3A_617 dim 1 : vector<128x128xi32>, i32 -> vector<128x128xi32>
    %select_n3A_619 = arith.select %ne3A_603, %roll3A_616, %roll3A_618 : vector<128x128xi1>, vector<128x128xi32>
    %gt3A_620 = arith.cmpi sgt, %select_n3A_596, %select_n3A_614 : vector<128x128xi32>
    %eq3A_621 = arith.cmpi eq, %select_n3A_596, %select_n3A_614 : vector<128x128xi32>
    %gt3A_622 = arith.cmpi sgt, %select_n3A_597, %select_n3A_619 : vector<128x128xi32>
    %and3A_623 = arith.andi %eq3A_621, %gt3A_622 : vector<128x128xi1>
    %or3A_624 = arith.ori %gt3A_620, %and3A_623 : vector<128x128xi1>
    %eq3A_625 = arith.xori %ne3A_603, %eq3A_609 : vector<128x128xi1>
    %eq3A_626 = arith.constant dense<true> : vector<128x128xi1>
    %eq3A_627 = arith.xori %eq3A_625, %eq3A_626 : vector<128x128xi1>
    %eq3A_628 = arith.xori %or3A_624, %eq3A_627 : vector<128x128xi1>
    %eq3A_629 = arith.constant dense<true> : vector<128x128xi1>
    %eq3A_630 = arith.xori %eq3A_628, %eq3A_629 : vector<128x128xi1>
    %select_n3A_631 = arith.select %eq3A_630, %select_n3A_596, %select_n3A_614 : vector<128x128xi1>, vector<128x128xi32>
    %select_n3A_632 = arith.select %eq3A_630, %select_n3A_597, %select_n3A_619 : vector<128x128xi1>, vector<128x128xi32>
    %and3A_633 = arith.constant 4 : i32
    %and3A_634 = vector.broadcast %and3A_633 : i32 to vector<128x128xi32>
    %and3A_635 = arith.andi %add3A, %and3A_634 : vector<128x128xi32>
    %ne3A_636 = arith.constant 0 : i32
    %ne3A_637 = vector.broadcast %ne3A_636 : i32 to vector<128x128xi32>
    %ne3A_638 = arith.cmpi ne, %and3A_635, %ne3A_637 : vector<128x128xi32>
    %and3A_639 = arith.constant 64 : i32
    %and3A_640 = vector.broadcast %and3A_639 : i32 to vector<128x128xi32>
    %and3A_641 = arith.andi %add3A, %and3A_640 : vector<128x128xi32>
    %eq3A_642 = arith.constant 0 : i32
    %eq3A_643 = vector.broadcast %eq3A_642 : i32 to vector<128x128xi32>
    %eq3A_644 = arith.cmpi eq, %and3A_641, %eq3A_643 : vector<128x128xi32>
    %roll3A_645 = arith.constant 4 : i32
    %roll3A_646 = tpu.dynamic_rotate %select_n3A_631 by %roll3A_645 dim 1 : vector<128x128xi32>, i32 -> vector<128x128xi32>
    %roll3A_647 = arith.constant 124 : i32
    %roll3A_648 = tpu.dynamic_rotate %select_n3A_631 by %roll3A_647 dim 1 : vector<128x128xi32>, i32 -> vector<128x128xi32>
    %select_n3A_649 = arith.select %ne3A_638, %roll3A_646, %roll3A_648 : vector<128x128xi1>, vector<128x128xi32>
    %roll3A_650 = arith.constant 4 : i32
    %roll3A_651 = tpu.dynamic_rotate %select_n3A_632 by %roll3A_650 dim 1 : vector<128x128xi32>, i32 -> vector<128x128xi32>
    %roll3A_652 = arith.constant 124 : i32
    %roll3A_653 = tpu.dynamic_rotate %select_n3A_632 by %roll3A_652 dim 1 : vector<128x128xi32>, i32 -> vector<128x128xi32>
    %select_n3A_654 = arith.select %ne3A_638, %roll3A_651, %roll3A_653 : vector<128x128xi1>, vector<128x128xi32>
    %gt3A_655 = arith.cmpi sgt, %select_n3A_631, %select_n3A_649 : vector<128x128xi32>
    %eq3A_656 = arith.cmpi eq, %select_n3A_631, %select_n3A_649 : vector<128x128xi32>
    %gt3A_657 = arith.cmpi sgt, %select_n3A_632, %select_n3A_654 : vector<128x128xi32>
    %and3A_658 = arith.andi %eq3A_656, %gt3A_657 : vector<128x128xi1>
    %or3A_659 = arith.ori %gt3A_655, %and3A_658 : vector<128x128xi1>
    %eq3A_660 = arith.xori %ne3A_638, %eq3A_644 : vector<128x128xi1>
    %eq3A_661 = arith.constant dense<true> : vector<128x128xi1>
    %eq3A_662 = arith.xori %eq3A_660, %eq3A_661 : vector<128x128xi1>
    %eq3A_663 = arith.xori %or3A_659, %eq3A_662 : vector<128x128xi1>
    %eq3A_664 = arith.constant dense<true> : vector<128x128xi1>
    %eq3A_665 = arith.xori %eq3A_663, %eq3A_664 : vector<128x128xi1>
    %select_n3A_666 = arith.select %eq3A_665, %select_n3A_631, %select_n3A_649 : vector<128x128xi1>, vector<128x128xi32>
    %select_n3A_667 = arith.select %eq3A_665, %select_n3A_632, %select_n3A_654 : vector<128x128xi1>, vector<128x128xi32>
    %and3A_668 = arith.constant 2 : i32
    %and3A_669 = vector.broadcast %and3A_668 : i32 to vector<128x128xi32>
    %and3A_670 = arith.andi %add3A, %and3A_669 : vector<128x128xi32>
    %ne3A_671 = arith.constant 0 : i32
    %ne3A_672 = vector.broadcast %ne3A_671 : i32 to vector<128x128xi32>
    %ne3A_673 = arith.cmpi ne, %and3A_670, %ne3A_672 : vector<128x128xi32>
    %and3A_674 = arith.constant 64 : i32
    %and3A_675 = vector.broadcast %and3A_674 : i32 to vector<128x128xi32>
    %and3A_676 = arith.andi %add3A, %and3A_675 : vector<128x128xi32>
    %eq3A_677 = arith.constant 0 : i32
    %eq3A_678 = vector.broadcast %eq3A_677 : i32 to vector<128x128xi32>
    %eq3A_679 = arith.cmpi eq, %and3A_676, %eq3A_678 : vector<128x128xi32>
    %roll3A_680 = arith.constant 2 : i32
    %roll3A_681 = tpu.dynamic_rotate %select_n3A_666 by %roll3A_680 dim 1 : vector<128x128xi32>, i32 -> vector<128x128xi32>
    %roll3A_682 = arith.constant 126 : i32
    %roll3A_683 = tpu.dynamic_rotate %select_n3A_666 by %roll3A_682 dim 1 : vector<128x128xi32>, i32 -> vector<128x128xi32>
    %select_n3A_684 = arith.select %ne3A_673, %roll3A_681, %roll3A_683 : vector<128x128xi1>, vector<128x128xi32>
    %roll3A_685 = arith.constant 2 : i32
    %roll3A_686 = tpu.dynamic_rotate %select_n3A_667 by %roll3A_685 dim 1 : vector<128x128xi32>, i32 -> vector<128x128xi32>
    %roll3A_687 = arith.constant 126 : i32
    %roll3A_688 = tpu.dynamic_rotate %select_n3A_667 by %roll3A_687 dim 1 : vector<128x128xi32>, i32 -> vector<128x128xi32>
    %select_n3A_689 = arith.select %ne3A_673, %roll3A_686, %roll3A_688 : vector<128x128xi1>, vector<128x128xi32>
    %gt3A_690 = arith.cmpi sgt, %select_n3A_666, %select_n3A_684 : vector<128x128xi32>
    %eq3A_691 = arith.cmpi eq, %select_n3A_666, %select_n3A_684 : vector<128x128xi32>
    %gt3A_692 = arith.cmpi sgt, %select_n3A_667, %select_n3A_689 : vector<128x128xi32>
    %and3A_693 = arith.andi %eq3A_691, %gt3A_692 : vector<128x128xi1>
    %or3A_694 = arith.ori %gt3A_690, %and3A_693 : vector<128x128xi1>
    %eq3A_695 = arith.xori %ne3A_673, %eq3A_679 : vector<128x128xi1>
    %eq3A_696 = arith.constant dense<true> : vector<128x128xi1>
    %eq3A_697 = arith.xori %eq3A_695, %eq3A_696 : vector<128x128xi1>
    %eq3A_698 = arith.xori %or3A_694, %eq3A_697 : vector<128x128xi1>
    %eq3A_699 = arith.constant dense<true> : vector<128x128xi1>
    %eq3A_700 = arith.xori %eq3A_698, %eq3A_699 : vector<128x128xi1>
    %select_n3A_701 = arith.select %eq3A_700, %select_n3A_666, %select_n3A_684 : vector<128x128xi1>, vector<128x128xi32>
    %select_n3A_702 = arith.select %eq3A_700, %select_n3A_667, %select_n3A_689 : vector<128x128xi1>, vector<128x128xi32>
    %and3A_703 = arith.constant 1 : i32
    %and3A_704 = vector.broadcast %and3A_703 : i32 to vector<128x128xi32>
    %and3A_705 = arith.andi %add3A, %and3A_704 : vector<128x128xi32>
    %ne3A_706 = arith.constant 0 : i32
    %ne3A_707 = vector.broadcast %ne3A_706 : i32 to vector<128x128xi32>
    %ne3A_708 = arith.cmpi ne, %and3A_705, %ne3A_707 : vector<128x128xi32>
    %and3A_709 = arith.constant 64 : i32
    %and3A_710 = vector.broadcast %and3A_709 : i32 to vector<128x128xi32>
    %and3A_711 = arith.andi %add3A, %and3A_710 : vector<128x128xi32>
    %eq3A_712 = arith.constant 0 : i32
    %eq3A_713 = vector.broadcast %eq3A_712 : i32 to vector<128x128xi32>
    %eq3A_714 = arith.cmpi eq, %and3A_711, %eq3A_713 : vector<128x128xi32>
    %roll3A_715 = arith.constant 1 : i32
    %roll3A_716 = tpu.dynamic_rotate %select_n3A_701 by %roll3A_715 dim 1 : vector<128x128xi32>, i32 -> vector<128x128xi32>
    %roll3A_717 = arith.constant 127 : i32
    %roll3A_718 = tpu.dynamic_rotate %select_n3A_701 by %roll3A_717 dim 1 : vector<128x128xi32>, i32 -> vector<128x128xi32>
    %select_n3A_719 = arith.select %ne3A_708, %roll3A_716, %roll3A_718 : vector<128x128xi1>, vector<128x128xi32>
    %roll3A_720 = arith.constant 1 : i32
    %roll3A_721 = tpu.dynamic_rotate %select_n3A_702 by %roll3A_720 dim 1 : vector<128x128xi32>, i32 -> vector<128x128xi32>
    %roll3A_722 = arith.constant 127 : i32
    %roll3A_723 = tpu.dynamic_rotate %select_n3A_702 by %roll3A_722 dim 1 : vector<128x128xi32>, i32 -> vector<128x128xi32>
    %select_n3A_724 = arith.select %ne3A_708, %roll3A_721, %roll3A_723 : vector<128x128xi1>, vector<128x128xi32>
    %gt3A_725 = arith.cmpi sgt, %select_n3A_701, %select_n3A_719 : vector<128x128xi32>
    %eq3A_726 = arith.cmpi eq, %select_n3A_701, %select_n3A_719 : vector<128x128xi32>
    %gt3A_727 = arith.cmpi sgt, %select_n3A_702, %select_n3A_724 : vector<128x128xi32>
    %and3A_728 = arith.andi %eq3A_726, %gt3A_727 : vector<128x128xi1>
    %or3A_729 = arith.ori %gt3A_725, %and3A_728 : vector<128x128xi1>
    %eq3A_730 = arith.xori %ne3A_708, %eq3A_714 : vector<128x128xi1>
    %eq3A_731 = arith.constant dense<true> : vector<128x128xi1>
    %eq3A_732 = arith.xori %eq3A_730, %eq3A_731 : vector<128x128xi1>
    %eq3A_733 = arith.xori %or3A_729, %eq3A_732 : vector<128x128xi1>
    %eq3A_734 = arith.constant dense<true> : vector<128x128xi1>
    %eq3A_735 = arith.xori %eq3A_733, %eq3A_734 : vector<128x128xi1>
    %select_n3A_736 = arith.select %eq3A_735, %select_n3A_701, %select_n3A_719 : vector<128x128xi1>, vector<128x128xi32>
    %select_n3A_737 = arith.select %eq3A_735, %select_n3A_702, %select_n3A_724 : vector<128x128xi1>, vector<128x128xi32>
    %and3A_738 = arith.constant 64 : i32
    %and3A_739 = vector.broadcast %and3A_738 : i32 to vector<128x128xi32>
    %and3A_740 = arith.andi %add3A, %and3A_739 : vector<128x128xi32>
    %ne3A_741 = arith.constant 0 : i32
    %ne3A_742 = vector.broadcast %ne3A_741 : i32 to vector<128x128xi32>
    %ne3A_743 = arith.cmpi ne, %and3A_740, %ne3A_742 : vector<128x128xi32>
    %and3A_744 = arith.constant 128 : i32
    %and3A_745 = vector.broadcast %and3A_744 : i32 to vector<128x128xi32>
    %and3A_746 = arith.andi %add3A, %and3A_745 : vector<128x128xi32>
    %eq3A_747 = arith.constant 0 : i32
    %eq3A_748 = vector.broadcast %eq3A_747 : i32 to vector<128x128xi32>
    %eq3A_749 = arith.cmpi eq, %and3A_746, %eq3A_748 : vector<128x128xi32>
    %roll3A_750 = arith.constant 64 : i32
    %roll3A_751 = tpu.dynamic_rotate %select_n3A_736 by %roll3A_750 dim 1 : vector<128x128xi32>, i32 -> vector<128x128xi32>
    %roll3A_752 = arith.constant 64 : i32
    %roll3A_753 = tpu.dynamic_rotate %select_n3A_736 by %roll3A_752 dim 1 : vector<128x128xi32>, i32 -> vector<128x128xi32>
    %select_n3A_754 = arith.select %ne3A_743, %roll3A_751, %roll3A_753 : vector<128x128xi1>, vector<128x128xi32>
    %roll3A_755 = arith.constant 64 : i32
    %roll3A_756 = tpu.dynamic_rotate %select_n3A_737 by %roll3A_755 dim 1 : vector<128x128xi32>, i32 -> vector<128x128xi32>
    %roll3A_757 = arith.constant 64 : i32
    %roll3A_758 = tpu.dynamic_rotate %select_n3A_737 by %roll3A_757 dim 1 : vector<128x128xi32>, i32 -> vector<128x128xi32>
    %select_n3A_759 = arith.select %ne3A_743, %roll3A_756, %roll3A_758 : vector<128x128xi1>, vector<128x128xi32>
    %gt3A_760 = arith.cmpi sgt, %select_n3A_736, %select_n3A_754 : vector<128x128xi32>
    %eq3A_761 = arith.cmpi eq, %select_n3A_736, %select_n3A_754 : vector<128x128xi32>
    %gt3A_762 = arith.cmpi sgt, %select_n3A_737, %select_n3A_759 : vector<128x128xi32>
    %and3A_763 = arith.andi %eq3A_761, %gt3A_762 : vector<128x128xi1>
    %or3A_764 = arith.ori %gt3A_760, %and3A_763 : vector<128x128xi1>
    %eq3A_765 = arith.xori %ne3A_743, %eq3A_749 : vector<128x128xi1>
    %eq3A_766 = arith.constant dense<true> : vector<128x128xi1>
    %eq3A_767 = arith.xori %eq3A_765, %eq3A_766 : vector<128x128xi1>
    %eq3A_768 = arith.xori %or3A_764, %eq3A_767 : vector<128x128xi1>
    %eq3A_769 = arith.constant dense<true> : vector<128x128xi1>
    %eq3A_770 = arith.xori %eq3A_768, %eq3A_769 : vector<128x128xi1>
    %select_n3A_771 = arith.select %eq3A_770, %select_n3A_736, %select_n3A_754 : vector<128x128xi1>, vector<128x128xi32>
    %select_n3A_772 = arith.select %eq3A_770, %select_n3A_737, %select_n3A_759 : vector<128x128xi1>, vector<128x128xi32>
    %and3A_773 = arith.constant 32 : i32
    %and3A_774 = vector.broadcast %and3A_773 : i32 to vector<128x128xi32>
    %and3A_775 = arith.andi %add3A, %and3A_774 : vector<128x128xi32>
    %ne3A_776 = arith.constant 0 : i32
    %ne3A_777 = vector.broadcast %ne3A_776 : i32 to vector<128x128xi32>
    %ne3A_778 = arith.cmpi ne, %and3A_775, %ne3A_777 : vector<128x128xi32>
    %and3A_779 = arith.constant 128 : i32
    %and3A_780 = vector.broadcast %and3A_779 : i32 to vector<128x128xi32>
    %and3A_781 = arith.andi %add3A, %and3A_780 : vector<128x128xi32>
    %eq3A_782 = arith.constant 0 : i32
    %eq3A_783 = vector.broadcast %eq3A_782 : i32 to vector<128x128xi32>
    %eq3A_784 = arith.cmpi eq, %and3A_781, %eq3A_783 : vector<128x128xi32>
    %roll3A_785 = arith.constant 32 : i32
    %roll3A_786 = tpu.dynamic_rotate %select_n3A_771 by %roll3A_785 dim 1 : vector<128x128xi32>, i32 -> vector<128x128xi32>
    %roll3A_787 = arith.constant 96 : i32
    %roll3A_788 = tpu.dynamic_rotate %select_n3A_771 by %roll3A_787 dim 1 : vector<128x128xi32>, i32 -> vector<128x128xi32>
    %select_n3A_789 = arith.select %ne3A_778, %roll3A_786, %roll3A_788 : vector<128x128xi1>, vector<128x128xi32>
    %roll3A_790 = arith.constant 32 : i32
    %roll3A_791 = tpu.dynamic_rotate %select_n3A_772 by %roll3A_790 dim 1 : vector<128x128xi32>, i32 -> vector<128x128xi32>
    %roll3A_792 = arith.constant 96 : i32
    %roll3A_793 = tpu.dynamic_rotate %select_n3A_772 by %roll3A_792 dim 1 : vector<128x128xi32>, i32 -> vector<128x128xi32>
    %select_n3A_794 = arith.select %ne3A_778, %roll3A_791, %roll3A_793 : vector<128x128xi1>, vector<128x128xi32>
    %gt3A_795 = arith.cmpi sgt, %select_n3A_771, %select_n3A_789 : vector<128x128xi32>
    %eq3A_796 = arith.cmpi eq, %select_n3A_771, %select_n3A_789 : vector<128x128xi32>
    %gt3A_797 = arith.cmpi sgt, %select_n3A_772, %select_n3A_794 : vector<128x128xi32>
    %and3A_798 = arith.andi %eq3A_796, %gt3A_797 : vector<128x128xi1>
    %or3A_799 = arith.ori %gt3A_795, %and3A_798 : vector<128x128xi1>
    %eq3A_800 = arith.xori %ne3A_778, %eq3A_784 : vector<128x128xi1>
    %eq3A_801 = arith.constant dense<true> : vector<128x128xi1>
    %eq3A_802 = arith.xori %eq3A_800, %eq3A_801 : vector<128x128xi1>
    %eq3A_803 = arith.xori %or3A_799, %eq3A_802 : vector<128x128xi1>
    %eq3A_804 = arith.constant dense<true> : vector<128x128xi1>
    %eq3A_805 = arith.xori %eq3A_803, %eq3A_804 : vector<128x128xi1>
    %select_n3A_806 = arith.select %eq3A_805, %select_n3A_771, %select_n3A_789 : vector<128x128xi1>, vector<128x128xi32>
    %select_n3A_807 = arith.select %eq3A_805, %select_n3A_772, %select_n3A_794 : vector<128x128xi1>, vector<128x128xi32>
    %and3A_808 = arith.constant 16 : i32
    %and3A_809 = vector.broadcast %and3A_808 : i32 to vector<128x128xi32>
    %and3A_810 = arith.andi %add3A, %and3A_809 : vector<128x128xi32>
    %ne3A_811 = arith.constant 0 : i32
    %ne3A_812 = vector.broadcast %ne3A_811 : i32 to vector<128x128xi32>
    %ne3A_813 = arith.cmpi ne, %and3A_810, %ne3A_812 : vector<128x128xi32>
    %and3A_814 = arith.constant 128 : i32
    %and3A_815 = vector.broadcast %and3A_814 : i32 to vector<128x128xi32>
    %and3A_816 = arith.andi %add3A, %and3A_815 : vector<128x128xi32>
    %eq3A_817 = arith.constant 0 : i32
    %eq3A_818 = vector.broadcast %eq3A_817 : i32 to vector<128x128xi32>
    %eq3A_819 = arith.cmpi eq, %and3A_816, %eq3A_818 : vector<128x128xi32>
    %roll3A_820 = arith.constant 16 : i32
    %roll3A_821 = tpu.dynamic_rotate %select_n3A_806 by %roll3A_820 dim 1 : vector<128x128xi32>, i32 -> vector<128x128xi32>
    %roll3A_822 = arith.constant 112 : i32
    %roll3A_823 = tpu.dynamic_rotate %select_n3A_806 by %roll3A_822 dim 1 : vector<128x128xi32>, i32 -> vector<128x128xi32>
    %select_n3A_824 = arith.select %ne3A_813, %roll3A_821, %roll3A_823 : vector<128x128xi1>, vector<128x128xi32>
    %roll3A_825 = arith.constant 16 : i32
    %roll3A_826 = tpu.dynamic_rotate %select_n3A_807 by %roll3A_825 dim 1 : vector<128x128xi32>, i32 -> vector<128x128xi32>
    %roll3A_827 = arith.constant 112 : i32
    %roll3A_828 = tpu.dynamic_rotate %select_n3A_807 by %roll3A_827 dim 1 : vector<128x128xi32>, i32 -> vector<128x128xi32>
    %select_n3A_829 = arith.select %ne3A_813, %roll3A_826, %roll3A_828 : vector<128x128xi1>, vector<128x128xi32>
    %gt3A_830 = arith.cmpi sgt, %select_n3A_806, %select_n3A_824 : vector<128x128xi32>
    %eq3A_831 = arith.cmpi eq, %select_n3A_806, %select_n3A_824 : vector<128x128xi32>
    %gt3A_832 = arith.cmpi sgt, %select_n3A_807, %select_n3A_829 : vector<128x128xi32>
    %and3A_833 = arith.andi %eq3A_831, %gt3A_832 : vector<128x128xi1>
    %or3A_834 = arith.ori %gt3A_830, %and3A_833 : vector<128x128xi1>
    %eq3A_835 = arith.xori %ne3A_813, %eq3A_819 : vector<128x128xi1>
    %eq3A_836 = arith.constant dense<true> : vector<128x128xi1>
    %eq3A_837 = arith.xori %eq3A_835, %eq3A_836 : vector<128x128xi1>
    %eq3A_838 = arith.xori %or3A_834, %eq3A_837 : vector<128x128xi1>
    %eq3A_839 = arith.constant dense<true> : vector<128x128xi1>
    %eq3A_840 = arith.xori %eq3A_838, %eq3A_839 : vector<128x128xi1>
    %select_n3A_841 = arith.select %eq3A_840, %select_n3A_806, %select_n3A_824 : vector<128x128xi1>, vector<128x128xi32>
    %select_n3A_842 = arith.select %eq3A_840, %select_n3A_807, %select_n3A_829 : vector<128x128xi1>, vector<128x128xi32>
    %and3A_843 = arith.constant 8 : i32
    %and3A_844 = vector.broadcast %and3A_843 : i32 to vector<128x128xi32>
    %and3A_845 = arith.andi %add3A, %and3A_844 : vector<128x128xi32>
    %ne3A_846 = arith.constant 0 : i32
    %ne3A_847 = vector.broadcast %ne3A_846 : i32 to vector<128x128xi32>
    %ne3A_848 = arith.cmpi ne, %and3A_845, %ne3A_847 : vector<128x128xi32>
    %and3A_849 = arith.constant 128 : i32
    %and3A_850 = vector.broadcast %and3A_849 : i32 to vector<128x128xi32>
    %and3A_851 = arith.andi %add3A, %and3A_850 : vector<128x128xi32>
    %eq3A_852 = arith.constant 0 : i32
    %eq3A_853 = vector.broadcast %eq3A_852 : i32 to vector<128x128xi32>
    %eq3A_854 = arith.cmpi eq, %and3A_851, %eq3A_853 : vector<128x128xi32>
    %roll3A_855 = arith.constant 8 : i32
    %roll3A_856 = tpu.dynamic_rotate %select_n3A_841 by %roll3A_855 dim 1 : vector<128x128xi32>, i32 -> vector<128x128xi32>
    %roll3A_857 = arith.constant 120 : i32
    %roll3A_858 = tpu.dynamic_rotate %select_n3A_841 by %roll3A_857 dim 1 : vector<128x128xi32>, i32 -> vector<128x128xi32>
    %select_n3A_859 = arith.select %ne3A_848, %roll3A_856, %roll3A_858 : vector<128x128xi1>, vector<128x128xi32>
    %roll3A_860 = arith.constant 8 : i32
    %roll3A_861 = tpu.dynamic_rotate %select_n3A_842 by %roll3A_860 dim 1 : vector<128x128xi32>, i32 -> vector<128x128xi32>
    %roll3A_862 = arith.constant 120 : i32
    %roll3A_863 = tpu.dynamic_rotate %select_n3A_842 by %roll3A_862 dim 1 : vector<128x128xi32>, i32 -> vector<128x128xi32>
    %select_n3A_864 = arith.select %ne3A_848, %roll3A_861, %roll3A_863 : vector<128x128xi1>, vector<128x128xi32>
    %gt3A_865 = arith.cmpi sgt, %select_n3A_841, %select_n3A_859 : vector<128x128xi32>
    %eq3A_866 = arith.cmpi eq, %select_n3A_841, %select_n3A_859 : vector<128x128xi32>
    %gt3A_867 = arith.cmpi sgt, %select_n3A_842, %select_n3A_864 : vector<128x128xi32>
    %and3A_868 = arith.andi %eq3A_866, %gt3A_867 : vector<128x128xi1>
    %or3A_869 = arith.ori %gt3A_865, %and3A_868 : vector<128x128xi1>
    %eq3A_870 = arith.xori %ne3A_848, %eq3A_854 : vector<128x128xi1>
    %eq3A_871 = arith.constant dense<true> : vector<128x128xi1>
    %eq3A_872 = arith.xori %eq3A_870, %eq3A_871 : vector<128x128xi1>
    %eq3A_873 = arith.xori %or3A_869, %eq3A_872 : vector<128x128xi1>
    %eq3A_874 = arith.constant dense<true> : vector<128x128xi1>
    %eq3A_875 = arith.xori %eq3A_873, %eq3A_874 : vector<128x128xi1>
    %select_n3A_876 = arith.select %eq3A_875, %select_n3A_841, %select_n3A_859 : vector<128x128xi1>, vector<128x128xi32>
    %select_n3A_877 = arith.select %eq3A_875, %select_n3A_842, %select_n3A_864 : vector<128x128xi1>, vector<128x128xi32>
    %and3A_878 = arith.constant 4 : i32
    %and3A_879 = vector.broadcast %and3A_878 : i32 to vector<128x128xi32>
    %and3A_880 = arith.andi %add3A, %and3A_879 : vector<128x128xi32>
    %ne3A_881 = arith.constant 0 : i32
    %ne3A_882 = vector.broadcast %ne3A_881 : i32 to vector<128x128xi32>
    %ne3A_883 = arith.cmpi ne, %and3A_880, %ne3A_882 : vector<128x128xi32>
    %and3A_884 = arith.constant 128 : i32
    %and3A_885 = vector.broadcast %and3A_884 : i32 to vector<128x128xi32>
    %and3A_886 = arith.andi %add3A, %and3A_885 : vector<128x128xi32>
    %eq3A_887 = arith.constant 0 : i32
    %eq3A_888 = vector.broadcast %eq3A_887 : i32 to vector<128x128xi32>
    %eq3A_889 = arith.cmpi eq, %and3A_886, %eq3A_888 : vector<128x128xi32>
    %roll3A_890 = arith.constant 4 : i32
    %roll3A_891 = tpu.dynamic_rotate %select_n3A_876 by %roll3A_890 dim 1 : vector<128x128xi32>, i32 -> vector<128x128xi32>
    %roll3A_892 = arith.constant 124 : i32
    %roll3A_893 = tpu.dynamic_rotate %select_n3A_876 by %roll3A_892 dim 1 : vector<128x128xi32>, i32 -> vector<128x128xi32>
    %select_n3A_894 = arith.select %ne3A_883, %roll3A_891, %roll3A_893 : vector<128x128xi1>, vector<128x128xi32>
    %roll3A_895 = arith.constant 4 : i32
    %roll3A_896 = tpu.dynamic_rotate %select_n3A_877 by %roll3A_895 dim 1 : vector<128x128xi32>, i32 -> vector<128x128xi32>
    %roll3A_897 = arith.constant 124 : i32
    %roll3A_898 = tpu.dynamic_rotate %select_n3A_877 by %roll3A_897 dim 1 : vector<128x128xi32>, i32 -> vector<128x128xi32>
    %select_n3A_899 = arith.select %ne3A_883, %roll3A_896, %roll3A_898 : vector<128x128xi1>, vector<128x128xi32>
    %gt3A_900 = arith.cmpi sgt, %select_n3A_876, %select_n3A_894 : vector<128x128xi32>
    %eq3A_901 = arith.cmpi eq, %select_n3A_876, %select_n3A_894 : vector<128x128xi32>
    %gt3A_902 = arith.cmpi sgt, %select_n3A_877, %select_n3A_899 : vector<128x128xi32>
    %and3A_903 = arith.andi %eq3A_901, %gt3A_902 : vector<128x128xi1>
    %or3A_904 = arith.ori %gt3A_900, %and3A_903 : vector<128x128xi1>
    %eq3A_905 = arith.xori %ne3A_883, %eq3A_889 : vector<128x128xi1>
    %eq3A_906 = arith.constant dense<true> : vector<128x128xi1>
    %eq3A_907 = arith.xori %eq3A_905, %eq3A_906 : vector<128x128xi1>
    %eq3A_908 = arith.xori %or3A_904, %eq3A_907 : vector<128x128xi1>
    %eq3A_909 = arith.constant dense<true> : vector<128x128xi1>
    %eq3A_910 = arith.xori %eq3A_908, %eq3A_909 : vector<128x128xi1>
    %select_n3A_911 = arith.select %eq3A_910, %select_n3A_876, %select_n3A_894 : vector<128x128xi1>, vector<128x128xi32>
    %select_n3A_912 = arith.select %eq3A_910, %select_n3A_877, %select_n3A_899 : vector<128x128xi1>, vector<128x128xi32>
    %and3A_913 = arith.constant 2 : i32
    %and3A_914 = vector.broadcast %and3A_913 : i32 to vector<128x128xi32>
    %and3A_915 = arith.andi %add3A, %and3A_914 : vector<128x128xi32>
    %ne3A_916 = arith.constant 0 : i32
    %ne3A_917 = vector.broadcast %ne3A_916 : i32 to vector<128x128xi32>
    %ne3A_918 = arith.cmpi ne, %and3A_915, %ne3A_917 : vector<128x128xi32>
    %and3A_919 = arith.constant 128 : i32
    %and3A_920 = vector.broadcast %and3A_919 : i32 to vector<128x128xi32>
    %and3A_921 = arith.andi %add3A, %and3A_920 : vector<128x128xi32>
    %eq3A_922 = arith.constant 0 : i32
    %eq3A_923 = vector.broadcast %eq3A_922 : i32 to vector<128x128xi32>
    %eq3A_924 = arith.cmpi eq, %and3A_921, %eq3A_923 : vector<128x128xi32>
    %roll3A_925 = arith.constant 2 : i32
    %roll3A_926 = tpu.dynamic_rotate %select_n3A_911 by %roll3A_925 dim 1 : vector<128x128xi32>, i32 -> vector<128x128xi32>
    %roll3A_927 = arith.constant 126 : i32
    %roll3A_928 = tpu.dynamic_rotate %select_n3A_911 by %roll3A_927 dim 1 : vector<128x128xi32>, i32 -> vector<128x128xi32>
    %select_n3A_929 = arith.select %ne3A_918, %roll3A_926, %roll3A_928 : vector<128x128xi1>, vector<128x128xi32>
    %roll3A_930 = arith.constant 2 : i32
    %roll3A_931 = tpu.dynamic_rotate %select_n3A_912 by %roll3A_930 dim 1 : vector<128x128xi32>, i32 -> vector<128x128xi32>
    %roll3A_932 = arith.constant 126 : i32
    %roll3A_933 = tpu.dynamic_rotate %select_n3A_912 by %roll3A_932 dim 1 : vector<128x128xi32>, i32 -> vector<128x128xi32>
    %select_n3A_934 = arith.select %ne3A_918, %roll3A_931, %roll3A_933 : vector<128x128xi1>, vector<128x128xi32>
    %gt3A_935 = arith.cmpi sgt, %select_n3A_911, %select_n3A_929 : vector<128x128xi32>
    %eq3A_936 = arith.cmpi eq, %select_n3A_911, %select_n3A_929 : vector<128x128xi32>
    %gt3A_937 = arith.cmpi sgt, %select_n3A_912, %select_n3A_934 : vector<128x128xi32>
    %and3A_938 = arith.andi %eq3A_936, %gt3A_937 : vector<128x128xi1>
    %or3A_939 = arith.ori %gt3A_935, %and3A_938 : vector<128x128xi1>
    %eq3A_940 = arith.xori %ne3A_918, %eq3A_924 : vector<128x128xi1>
    %eq3A_941 = arith.constant dense<true> : vector<128x128xi1>
    %eq3A_942 = arith.xori %eq3A_940, %eq3A_941 : vector<128x128xi1>
    %eq3A_943 = arith.xori %or3A_939, %eq3A_942 : vector<128x128xi1>
    %eq3A_944 = arith.constant dense<true> : vector<128x128xi1>
    %eq3A_945 = arith.xori %eq3A_943, %eq3A_944 : vector<128x128xi1>
    %select_n3A_946 = arith.select %eq3A_945, %select_n3A_911, %select_n3A_929 : vector<128x128xi1>, vector<128x128xi32>
    %select_n3A_947 = arith.select %eq3A_945, %select_n3A_912, %select_n3A_934 : vector<128x128xi1>, vector<128x128xi32>
    %and3A_948 = arith.constant 1 : i32
    %and3A_949 = vector.broadcast %and3A_948 : i32 to vector<128x128xi32>
    %and3A_950 = arith.andi %add3A, %and3A_949 : vector<128x128xi32>
    %ne3A_951 = arith.constant 0 : i32
    %ne3A_952 = vector.broadcast %ne3A_951 : i32 to vector<128x128xi32>
    %ne3A_953 = arith.cmpi ne, %and3A_950, %ne3A_952 : vector<128x128xi32>
    %and3A_954 = arith.constant 128 : i32
    %and3A_955 = vector.broadcast %and3A_954 : i32 to vector<128x128xi32>
    %and3A_956 = arith.andi %add3A, %and3A_955 : vector<128x128xi32>
    %eq3A_957 = arith.constant 0 : i32
    %eq3A_958 = vector.broadcast %eq3A_957 : i32 to vector<128x128xi32>
    %eq3A_959 = arith.cmpi eq, %and3A_956, %eq3A_958 : vector<128x128xi32>
    %roll3A_960 = arith.constant 1 : i32
    %roll3A_961 = tpu.dynamic_rotate %select_n3A_946 by %roll3A_960 dim 1 : vector<128x128xi32>, i32 -> vector<128x128xi32>
    %roll3A_962 = arith.constant 127 : i32
    %roll3A_963 = tpu.dynamic_rotate %select_n3A_946 by %roll3A_962 dim 1 : vector<128x128xi32>, i32 -> vector<128x128xi32>
    %select_n3A_964 = arith.select %ne3A_953, %roll3A_961, %roll3A_963 : vector<128x128xi1>, vector<128x128xi32>
    %roll3A_965 = arith.constant 1 : i32
    %roll3A_966 = tpu.dynamic_rotate %select_n3A_947 by %roll3A_965 dim 1 : vector<128x128xi32>, i32 -> vector<128x128xi32>
    %roll3A_967 = arith.constant 127 : i32
    %roll3A_968 = tpu.dynamic_rotate %select_n3A_947 by %roll3A_967 dim 1 : vector<128x128xi32>, i32 -> vector<128x128xi32>
    %select_n3A_969 = arith.select %ne3A_953, %roll3A_966, %roll3A_968 : vector<128x128xi1>, vector<128x128xi32>
    %gt3A_970 = arith.cmpi sgt, %select_n3A_946, %select_n3A_964 : vector<128x128xi32>
    %eq3A_971 = arith.cmpi eq, %select_n3A_946, %select_n3A_964 : vector<128x128xi32>
    %gt3A_972 = arith.cmpi sgt, %select_n3A_947, %select_n3A_969 : vector<128x128xi32>
    %and3A_973 = arith.andi %eq3A_971, %gt3A_972 : vector<128x128xi1>
    %or3A_974 = arith.ori %gt3A_970, %and3A_973 : vector<128x128xi1>
    %eq3A_975 = arith.xori %ne3A_953, %eq3A_959 : vector<128x128xi1>
    %eq3A_976 = arith.constant dense<true> : vector<128x128xi1>
    %eq3A_977 = arith.xori %eq3A_975, %eq3A_976 : vector<128x128xi1>
    %eq3A_978 = arith.xori %or3A_974, %eq3A_977 : vector<128x128xi1>
    %eq3A_979 = arith.constant dense<true> : vector<128x128xi1>
    %eq3A_980 = arith.xori %eq3A_978, %eq3A_979 : vector<128x128xi1>
    %select_n3A_981 = arith.select %eq3A_980, %select_n3A_946, %select_n3A_964 : vector<128x128xi1>, vector<128x128xi32>
    %select_n3A_982 = arith.select %eq3A_980, %select_n3A_947, %select_n3A_969 : vector<128x128xi1>, vector<128x128xi32>
    %and3A_983 = arith.constant 128 : i32
    %and3A_984 = vector.broadcast %and3A_983 : i32 to vector<128x128xi32>
    %and3A_985 = arith.andi %add3A, %and3A_984 : vector<128x128xi32>
    %ne3A_986 = arith.constant 0 : i32
    %ne3A_987 = vector.broadcast %ne3A_986 : i32 to vector<128x128xi32>
    %ne3A_988 = arith.cmpi ne, %and3A_985, %ne3A_987 : vector<128x128xi32>
    %and3A_989 = arith.constant 256 : i32
    %and3A_990 = vector.broadcast %and3A_989 : i32 to vector<128x128xi32>
    %and3A_991 = arith.andi %add3A, %and3A_990 : vector<128x128xi32>
    %eq3A_992 = arith.constant 0 : i32
    %eq3A_993 = vector.broadcast %eq3A_992 : i32 to vector<128x128xi32>
    %eq3A_994 = arith.cmpi eq, %and3A_991, %eq3A_993 : vector<128x128xi32>
    %roll3A_995 = arith.constant 1 : i32
    %roll3A_996 = tpu.dynamic_rotate %select_n3A_981 by %roll3A_995 dim 0 : vector<128x128xi32>, i32 -> vector<128x128xi32>
    %roll3A_997 = arith.constant 127 : i32
    %roll3A_998 = tpu.dynamic_rotate %select_n3A_981 by %roll3A_997 dim 0 : vector<128x128xi32>, i32 -> vector<128x128xi32>
    %select_n3A_999 = arith.select %ne3A_988, %roll3A_996, %roll3A_998 : vector<128x128xi1>, vector<128x128xi32>
    %roll3A_1000 = arith.constant 1 : i32
    %roll3A_1001 = tpu.dynamic_rotate %select_n3A_982 by %roll3A_1000 dim 0 : vector<128x128xi32>, i32 -> vector<128x128xi32>
    %roll3A_1002 = arith.constant 127 : i32
    %roll3A_1003 = tpu.dynamic_rotate %select_n3A_982 by %roll3A_1002 dim 0 : vector<128x128xi32>, i32 -> vector<128x128xi32>
    %select_n3A_1004 = arith.select %ne3A_988, %roll3A_1001, %roll3A_1003 : vector<128x128xi1>, vector<128x128xi32>
    %gt3A_1005 = arith.cmpi sgt, %select_n3A_981, %select_n3A_999 : vector<128x128xi32>
    %eq3A_1006 = arith.cmpi eq, %select_n3A_981, %select_n3A_999 : vector<128x128xi32>
    %gt3A_1007 = arith.cmpi sgt, %select_n3A_982, %select_n3A_1004 : vector<128x128xi32>
    %and3A_1008 = arith.andi %eq3A_1006, %gt3A_1007 : vector<128x128xi1>
    %or3A_1009 = arith.ori %gt3A_1005, %and3A_1008 : vector<128x128xi1>
    %eq3A_1010 = arith.xori %ne3A_988, %eq3A_994 : vector<128x128xi1>
    %eq3A_1011 = arith.constant dense<true> : vector<128x128xi1>
    %eq3A_1012 = arith.xori %eq3A_1010, %eq3A_1011 : vector<128x128xi1>
    %eq3A_1013 = arith.xori %or3A_1009, %eq3A_1012 : vector<128x128xi1>
    %eq3A_1014 = arith.constant dense<true> : vector<128x128xi1>
    %eq3A_1015 = arith.xori %eq3A_1013, %eq3A_1014 : vector<128x128xi1>
    %select_n3A_1016 = arith.select %eq3A_1015, %select_n3A_981, %select_n3A_999 : vector<128x128xi1>, vector<128x128xi32>
    %select_n3A_1017 = arith.select %eq3A_1015, %select_n3A_982, %select_n3A_1004 : vector<128x128xi1>, vector<128x128xi32>
    %and3A_1018 = arith.constant 64 : i32
    %and3A_1019 = vector.broadcast %and3A_1018 : i32 to vector<128x128xi32>
    %and3A_1020 = arith.andi %add3A, %and3A_1019 : vector<128x128xi32>
    %ne3A_1021 = arith.constant 0 : i32
    %ne3A_1022 = vector.broadcast %ne3A_1021 : i32 to vector<128x128xi32>
    %ne3A_1023 = arith.cmpi ne, %and3A_1020, %ne3A_1022 : vector<128x128xi32>
    %and3A_1024 = arith.constant 256 : i32
    %and3A_1025 = vector.broadcast %and3A_1024 : i32 to vector<128x128xi32>
    %and3A_1026 = arith.andi %add3A, %and3A_1025 : vector<128x128xi32>
    %eq3A_1027 = arith.constant 0 : i32
    %eq3A_1028 = vector.broadcast %eq3A_1027 : i32 to vector<128x128xi32>
    %eq3A_1029 = arith.cmpi eq, %and3A_1026, %eq3A_1028 : vector<128x128xi32>
    %roll3A_1030 = arith.constant 64 : i32
    %roll3A_1031 = tpu.dynamic_rotate %select_n3A_1016 by %roll3A_1030 dim 1 : vector<128x128xi32>, i32 -> vector<128x128xi32>
    %roll3A_1032 = arith.constant 64 : i32
    %roll3A_1033 = tpu.dynamic_rotate %select_n3A_1016 by %roll3A_1032 dim 1 : vector<128x128xi32>, i32 -> vector<128x128xi32>
    %select_n3A_1034 = arith.select %ne3A_1023, %roll3A_1031, %roll3A_1033 : vector<128x128xi1>, vector<128x128xi32>
    %roll3A_1035 = arith.constant 64 : i32
    %roll3A_1036 = tpu.dynamic_rotate %select_n3A_1017 by %roll3A_1035 dim 1 : vector<128x128xi32>, i32 -> vector<128x128xi32>
    %roll3A_1037 = arith.constant 64 : i32
    %roll3A_1038 = tpu.dynamic_rotate %select_n3A_1017 by %roll3A_1037 dim 1 : vector<128x128xi32>, i32 -> vector<128x128xi32>
    %select_n3A_1039 = arith.select %ne3A_1023, %roll3A_1036, %roll3A_1038 : vector<128x128xi1>, vector<128x128xi32>
    %gt3A_1040 = arith.cmpi sgt, %select_n3A_1016, %select_n3A_1034 : vector<128x128xi32>
    %eq3A_1041 = arith.cmpi eq, %select_n3A_1016, %select_n3A_1034 : vector<128x128xi32>
    %gt3A_1042 = arith.cmpi sgt, %select_n3A_1017, %select_n3A_1039 : vector<128x128xi32>
    %and3A_1043 = arith.andi %eq3A_1041, %gt3A_1042 : vector<128x128xi1>
    %or3A_1044 = arith.ori %gt3A_1040, %and3A_1043 : vector<128x128xi1>
    %eq3A_1045 = arith.xori %ne3A_1023, %eq3A_1029 : vector<128x128xi1>
    %eq3A_1046 = arith.constant dense<true> : vector<128x128xi1>
    %eq3A_1047 = arith.xori %eq3A_1045, %eq3A_1046 : vector<128x128xi1>
    %eq3A_1048 = arith.xori %or3A_1044, %eq3A_1047 : vector<128x128xi1>
    %eq3A_1049 = arith.constant dense<true> : vector<128x128xi1>
    %eq3A_1050 = arith.xori %eq3A_1048, %eq3A_1049 : vector<128x128xi1>
    %select_n3A_1051 = arith.select %eq3A_1050, %select_n3A_1016, %select_n3A_1034 : vector<128x128xi1>, vector<128x128xi32>
    %select_n3A_1052 = arith.select %eq3A_1050, %select_n3A_1017, %select_n3A_1039 : vector<128x128xi1>, vector<128x128xi32>
    %and3A_1053 = arith.constant 32 : i32
    %and3A_1054 = vector.broadcast %and3A_1053 : i32 to vector<128x128xi32>
    %and3A_1055 = arith.andi %add3A, %and3A_1054 : vector<128x128xi32>
    %ne3A_1056 = arith.constant 0 : i32
    %ne3A_1057 = vector.broadcast %ne3A_1056 : i32 to vector<128x128xi32>
    %ne3A_1058 = arith.cmpi ne, %and3A_1055, %ne3A_1057 : vector<128x128xi32>
    %and3A_1059 = arith.constant 256 : i32
    %and3A_1060 = vector.broadcast %and3A_1059 : i32 to vector<128x128xi32>
    %and3A_1061 = arith.andi %add3A, %and3A_1060 : vector<128x128xi32>
    %eq3A_1062 = arith.constant 0 : i32
    %eq3A_1063 = vector.broadcast %eq3A_1062 : i32 to vector<128x128xi32>
    %eq3A_1064 = arith.cmpi eq, %and3A_1061, %eq3A_1063 : vector<128x128xi32>
    %roll3A_1065 = arith.constant 32 : i32
    %roll3A_1066 = tpu.dynamic_rotate %select_n3A_1051 by %roll3A_1065 dim 1 : vector<128x128xi32>, i32 -> vector<128x128xi32>
    %roll3A_1067 = arith.constant 96 : i32
    %roll3A_1068 = tpu.dynamic_rotate %select_n3A_1051 by %roll3A_1067 dim 1 : vector<128x128xi32>, i32 -> vector<128x128xi32>
    %select_n3A_1069 = arith.select %ne3A_1058, %roll3A_1066, %roll3A_1068 : vector<128x128xi1>, vector<128x128xi32>
    %roll3A_1070 = arith.constant 32 : i32
    %roll3A_1071 = tpu.dynamic_rotate %select_n3A_1052 by %roll3A_1070 dim 1 : vector<128x128xi32>, i32 -> vector<128x128xi32>
    %roll3A_1072 = arith.constant 96 : i32
    %roll3A_1073 = tpu.dynamic_rotate %select_n3A_1052 by %roll3A_1072 dim 1 : vector<128x128xi32>, i32 -> vector<128x128xi32>
    %select_n3A_1074 = arith.select %ne3A_1058, %roll3A_1071, %roll3A_1073 : vector<128x128xi1>, vector<128x128xi32>
    %gt3A_1075 = arith.cmpi sgt, %select_n3A_1051, %select_n3A_1069 : vector<128x128xi32>
    %eq3A_1076 = arith.cmpi eq, %select_n3A_1051, %select_n3A_1069 : vector<128x128xi32>
    %gt3A_1077 = arith.cmpi sgt, %select_n3A_1052, %select_n3A_1074 : vector<128x128xi32>
    %and3A_1078 = arith.andi %eq3A_1076, %gt3A_1077 : vector<128x128xi1>
    %or3A_1079 = arith.ori %gt3A_1075, %and3A_1078 : vector<128x128xi1>
    %eq3A_1080 = arith.xori %ne3A_1058, %eq3A_1064 : vector<128x128xi1>
    %eq3A_1081 = arith.constant dense<true> : vector<128x128xi1>
    %eq3A_1082 = arith.xori %eq3A_1080, %eq3A_1081 : vector<128x128xi1>
    %eq3A_1083 = arith.xori %or3A_1079, %eq3A_1082 : vector<128x128xi1>
    %eq3A_1084 = arith.constant dense<true> : vector<128x128xi1>
    %eq3A_1085 = arith.xori %eq3A_1083, %eq3A_1084 : vector<128x128xi1>
    %select_n3A_1086 = arith.select %eq3A_1085, %select_n3A_1051, %select_n3A_1069 : vector<128x128xi1>, vector<128x128xi32>
    %select_n3A_1087 = arith.select %eq3A_1085, %select_n3A_1052, %select_n3A_1074 : vector<128x128xi1>, vector<128x128xi32>
    %and3A_1088 = arith.constant 16 : i32
    %and3A_1089 = vector.broadcast %and3A_1088 : i32 to vector<128x128xi32>
    %and3A_1090 = arith.andi %add3A, %and3A_1089 : vector<128x128xi32>
    %ne3A_1091 = arith.constant 0 : i32
    %ne3A_1092 = vector.broadcast %ne3A_1091 : i32 to vector<128x128xi32>
    %ne3A_1093 = arith.cmpi ne, %and3A_1090, %ne3A_1092 : vector<128x128xi32>
    %and3A_1094 = arith.constant 256 : i32
    %and3A_1095 = vector.broadcast %and3A_1094 : i32 to vector<128x128xi32>
    %and3A_1096 = arith.andi %add3A, %and3A_1095 : vector<128x128xi32>
    %eq3A_1097 = arith.constant 0 : i32
    %eq3A_1098 = vector.broadcast %eq3A_1097 : i32 to vector<128x128xi32>
    %eq3A_1099 = arith.cmpi eq, %and3A_1096, %eq3A_1098 : vector<128x128xi32>
    %roll3A_1100 = arith.constant 16 : i32
    %roll3A_1101 = tpu.dynamic_rotate %select_n3A_1086 by %roll3A_1100 dim 1 : vector<128x128xi32>, i32 -> vector<128x128xi32>
    %roll3A_1102 = arith.constant 112 : i32
    %roll3A_1103 = tpu.dynamic_rotate %select_n3A_1086 by %roll3A_1102 dim 1 : vector<128x128xi32>, i32 -> vector<128x128xi32>
    %select_n3A_1104 = arith.select %ne3A_1093, %roll3A_1101, %roll3A_1103 : vector<128x128xi1>, vector<128x128xi32>
    %roll3A_1105 = arith.constant 16 : i32
    %roll3A_1106 = tpu.dynamic_rotate %select_n3A_1087 by %roll3A_1105 dim 1 : vector<128x128xi32>, i32 -> vector<128x128xi32>
    %roll3A_1107 = arith.constant 112 : i32
    %roll3A_1108 = tpu.dynamic_rotate %select_n3A_1087 by %roll3A_1107 dim 1 : vector<128x128xi32>, i32 -> vector<128x128xi32>
    %select_n3A_1109 = arith.select %ne3A_1093, %roll3A_1106, %roll3A_1108 : vector<128x128xi1>, vector<128x128xi32>
    %gt3A_1110 = arith.cmpi sgt, %select_n3A_1086, %select_n3A_1104 : vector<128x128xi32>
    %eq3A_1111 = arith.cmpi eq, %select_n3A_1086, %select_n3A_1104 : vector<128x128xi32>
    %gt3A_1112 = arith.cmpi sgt, %select_n3A_1087, %select_n3A_1109 : vector<128x128xi32>
    %and3A_1113 = arith.andi %eq3A_1111, %gt3A_1112 : vector<128x128xi1>
    %or3A_1114 = arith.ori %gt3A_1110, %and3A_1113 : vector<128x128xi1>
    %eq3A_1115 = arith.xori %ne3A_1093, %eq3A_1099 : vector<128x128xi1>
    %eq3A_1116 = arith.constant dense<true> : vector<128x128xi1>
    %eq3A_1117 = arith.xori %eq3A_1115, %eq3A_1116 : vector<128x128xi1>
    %eq3A_1118 = arith.xori %or3A_1114, %eq3A_1117 : vector<128x128xi1>
    %eq3A_1119 = arith.constant dense<true> : vector<128x128xi1>
    %eq3A_1120 = arith.xori %eq3A_1118, %eq3A_1119 : vector<128x128xi1>
    %select_n3A_1121 = arith.select %eq3A_1120, %select_n3A_1086, %select_n3A_1104 : vector<128x128xi1>, vector<128x128xi32>
    %select_n3A_1122 = arith.select %eq3A_1120, %select_n3A_1087, %select_n3A_1109 : vector<128x128xi1>, vector<128x128xi32>
    %and3A_1123 = arith.constant 8 : i32
    %and3A_1124 = vector.broadcast %and3A_1123 : i32 to vector<128x128xi32>
    %and3A_1125 = arith.andi %add3A, %and3A_1124 : vector<128x128xi32>
    %ne3A_1126 = arith.constant 0 : i32
    %ne3A_1127 = vector.broadcast %ne3A_1126 : i32 to vector<128x128xi32>
    %ne3A_1128 = arith.cmpi ne, %and3A_1125, %ne3A_1127 : vector<128x128xi32>
    %and3A_1129 = arith.constant 256 : i32
    %and3A_1130 = vector.broadcast %and3A_1129 : i32 to vector<128x128xi32>
    %and3A_1131 = arith.andi %add3A, %and3A_1130 : vector<128x128xi32>
    %eq3A_1132 = arith.constant 0 : i32
    %eq3A_1133 = vector.broadcast %eq3A_1132 : i32 to vector<128x128xi32>
    %eq3A_1134 = arith.cmpi eq, %and3A_1131, %eq3A_1133 : vector<128x128xi32>
    %roll3A_1135 = arith.constant 8 : i32
    %roll3A_1136 = tpu.dynamic_rotate %select_n3A_1121 by %roll3A_1135 dim 1 : vector<128x128xi32>, i32 -> vector<128x128xi32>
    %roll3A_1137 = arith.constant 120 : i32
    %roll3A_1138 = tpu.dynamic_rotate %select_n3A_1121 by %roll3A_1137 dim 1 : vector<128x128xi32>, i32 -> vector<128x128xi32>
    %select_n3A_1139 = arith.select %ne3A_1128, %roll3A_1136, %roll3A_1138 : vector<128x128xi1>, vector<128x128xi32>
    %roll3A_1140 = arith.constant 8 : i32
    %roll3A_1141 = tpu.dynamic_rotate %select_n3A_1122 by %roll3A_1140 dim 1 : vector<128x128xi32>, i32 -> vector<128x128xi32>
    %roll3A_1142 = arith.constant 120 : i32
    %roll3A_1143 = tpu.dynamic_rotate %select_n3A_1122 by %roll3A_1142 dim 1 : vector<128x128xi32>, i32 -> vector<128x128xi32>
    %select_n3A_1144 = arith.select %ne3A_1128, %roll3A_1141, %roll3A_1143 : vector<128x128xi1>, vector<128x128xi32>
    %gt3A_1145 = arith.cmpi sgt, %select_n3A_1121, %select_n3A_1139 : vector<128x128xi32>
    %eq3A_1146 = arith.cmpi eq, %select_n3A_1121, %select_n3A_1139 : vector<128x128xi32>
    %gt3A_1147 = arith.cmpi sgt, %select_n3A_1122, %select_n3A_1144 : vector<128x128xi32>
    %and3A_1148 = arith.andi %eq3A_1146, %gt3A_1147 : vector<128x128xi1>
    %or3A_1149 = arith.ori %gt3A_1145, %and3A_1148 : vector<128x128xi1>
    %eq3A_1150 = arith.xori %ne3A_1128, %eq3A_1134 : vector<128x128xi1>
    %eq3A_1151 = arith.constant dense<true> : vector<128x128xi1>
    %eq3A_1152 = arith.xori %eq3A_1150, %eq3A_1151 : vector<128x128xi1>
    %eq3A_1153 = arith.xori %or3A_1149, %eq3A_1152 : vector<128x128xi1>
    %eq3A_1154 = arith.constant dense<true> : vector<128x128xi1>
    %eq3A_1155 = arith.xori %eq3A_1153, %eq3A_1154 : vector<128x128xi1>
    %select_n3A_1156 = arith.select %eq3A_1155, %select_n3A_1121, %select_n3A_1139 : vector<128x128xi1>, vector<128x128xi32>
    %select_n3A_1157 = arith.select %eq3A_1155, %select_n3A_1122, %select_n3A_1144 : vector<128x128xi1>, vector<128x128xi32>
    %and3A_1158 = arith.constant 4 : i32
    %and3A_1159 = vector.broadcast %and3A_1158 : i32 to vector<128x128xi32>
    %and3A_1160 = arith.andi %add3A, %and3A_1159 : vector<128x128xi32>
    %ne3A_1161 = arith.constant 0 : i32
    %ne3A_1162 = vector.broadcast %ne3A_1161 : i32 to vector<128x128xi32>
    %ne3A_1163 = arith.cmpi ne, %and3A_1160, %ne3A_1162 : vector<128x128xi32>
    %and3A_1164 = arith.constant 256 : i32
    %and3A_1165 = vector.broadcast %and3A_1164 : i32 to vector<128x128xi32>
    %and3A_1166 = arith.andi %add3A, %and3A_1165 : vector<128x128xi32>
    %eq3A_1167 = arith.constant 0 : i32
    %eq3A_1168 = vector.broadcast %eq3A_1167 : i32 to vector<128x128xi32>
    %eq3A_1169 = arith.cmpi eq, %and3A_1166, %eq3A_1168 : vector<128x128xi32>
    %roll3A_1170 = arith.constant 4 : i32
    %roll3A_1171 = tpu.dynamic_rotate %select_n3A_1156 by %roll3A_1170 dim 1 : vector<128x128xi32>, i32 -> vector<128x128xi32>
    %roll3A_1172 = arith.constant 124 : i32
    %roll3A_1173 = tpu.dynamic_rotate %select_n3A_1156 by %roll3A_1172 dim 1 : vector<128x128xi32>, i32 -> vector<128x128xi32>
    %select_n3A_1174 = arith.select %ne3A_1163, %roll3A_1171, %roll3A_1173 : vector<128x128xi1>, vector<128x128xi32>
    %roll3A_1175 = arith.constant 4 : i32
    %roll3A_1176 = tpu.dynamic_rotate %select_n3A_1157 by %roll3A_1175 dim 1 : vector<128x128xi32>, i32 -> vector<128x128xi32>
    %roll3A_1177 = arith.constant 124 : i32
    %roll3A_1178 = tpu.dynamic_rotate %select_n3A_1157 by %roll3A_1177 dim 1 : vector<128x128xi32>, i32 -> vector<128x128xi32>
    %select_n3A_1179 = arith.select %ne3A_1163, %roll3A_1176, %roll3A_1178 : vector<128x128xi1>, vector<128x128xi32>
    %gt3A_1180 = arith.cmpi sgt, %select_n3A_1156, %select_n3A_1174 : vector<128x128xi32>
    %eq3A_1181 = arith.cmpi eq, %select_n3A_1156, %select_n3A_1174 : vector<128x128xi32>
    %gt3A_1182 = arith.cmpi sgt, %select_n3A_1157, %select_n3A_1179 : vector<128x128xi32>
    %and3A_1183 = arith.andi %eq3A_1181, %gt3A_1182 : vector<128x128xi1>
    %or3A_1184 = arith.ori %gt3A_1180, %and3A_1183 : vector<128x128xi1>
    %eq3A_1185 = arith.xori %ne3A_1163, %eq3A_1169 : vector<128x128xi1>
    %eq3A_1186 = arith.constant dense<true> : vector<128x128xi1>
    %eq3A_1187 = arith.xori %eq3A_1185, %eq3A_1186 : vector<128x128xi1>
    %eq3A_1188 = arith.xori %or3A_1184, %eq3A_1187 : vector<128x128xi1>
    %eq3A_1189 = arith.constant dense<true> : vector<128x128xi1>
    %eq3A_1190 = arith.xori %eq3A_1188, %eq3A_1189 : vector<128x128xi1>
    %select_n3A_1191 = arith.select %eq3A_1190, %select_n3A_1156, %select_n3A_1174 : vector<128x128xi1>, vector<128x128xi32>
    %select_n3A_1192 = arith.select %eq3A_1190, %select_n3A_1157, %select_n3A_1179 : vector<128x128xi1>, vector<128x128xi32>
    %and3A_1193 = arith.constant 2 : i32
    %and3A_1194 = vector.broadcast %and3A_1193 : i32 to vector<128x128xi32>
    %and3A_1195 = arith.andi %add3A, %and3A_1194 : vector<128x128xi32>
    %ne3A_1196 = arith.constant 0 : i32
    %ne3A_1197 = vector.broadcast %ne3A_1196 : i32 to vector<128x128xi32>
    %ne3A_1198 = arith.cmpi ne, %and3A_1195, %ne3A_1197 : vector<128x128xi32>
    %and3A_1199 = arith.constant 256 : i32
    %and3A_1200 = vector.broadcast %and3A_1199 : i32 to vector<128x128xi32>
    %and3A_1201 = arith.andi %add3A, %and3A_1200 : vector<128x128xi32>
    %eq3A_1202 = arith.constant 0 : i32
    %eq3A_1203 = vector.broadcast %eq3A_1202 : i32 to vector<128x128xi32>
    %eq3A_1204 = arith.cmpi eq, %and3A_1201, %eq3A_1203 : vector<128x128xi32>
    %roll3A_1205 = arith.constant 2 : i32
    %roll3A_1206 = tpu.dynamic_rotate %select_n3A_1191 by %roll3A_1205 dim 1 : vector<128x128xi32>, i32 -> vector<128x128xi32>
    %roll3A_1207 = arith.constant 126 : i32
    %roll3A_1208 = tpu.dynamic_rotate %select_n3A_1191 by %roll3A_1207 dim 1 : vector<128x128xi32>, i32 -> vector<128x128xi32>
    %select_n3A_1209 = arith.select %ne3A_1198, %roll3A_1206, %roll3A_1208 : vector<128x128xi1>, vector<128x128xi32>
    %roll3A_1210 = arith.constant 2 : i32
    %roll3A_1211 = tpu.dynamic_rotate %select_n3A_1192 by %roll3A_1210 dim 1 : vector<128x128xi32>, i32 -> vector<128x128xi32>
    %roll3A_1212 = arith.constant 126 : i32
    %roll3A_1213 = tpu.dynamic_rotate %select_n3A_1192 by %roll3A_1212 dim 1 : vector<128x128xi32>, i32 -> vector<128x128xi32>
    %select_n3A_1214 = arith.select %ne3A_1198, %roll3A_1211, %roll3A_1213 : vector<128x128xi1>, vector<128x128xi32>
    %gt3A_1215 = arith.cmpi sgt, %select_n3A_1191, %select_n3A_1209 : vector<128x128xi32>
    %eq3A_1216 = arith.cmpi eq, %select_n3A_1191, %select_n3A_1209 : vector<128x128xi32>
    %gt3A_1217 = arith.cmpi sgt, %select_n3A_1192, %select_n3A_1214 : vector<128x128xi32>
    %and3A_1218 = arith.andi %eq3A_1216, %gt3A_1217 : vector<128x128xi1>
    %or3A_1219 = arith.ori %gt3A_1215, %and3A_1218 : vector<128x128xi1>
    %eq3A_1220 = arith.xori %ne3A_1198, %eq3A_1204 : vector<128x128xi1>
    %eq3A_1221 = arith.constant dense<true> : vector<128x128xi1>
    %eq3A_1222 = arith.xori %eq3A_1220, %eq3A_1221 : vector<128x128xi1>
    %eq3A_1223 = arith.xori %or3A_1219, %eq3A_1222 : vector<128x128xi1>
    %eq3A_1224 = arith.constant dense<true> : vector<128x128xi1>
    %eq3A_1225 = arith.xori %eq3A_1223, %eq3A_1224 : vector<128x128xi1>
    %select_n3A_1226 = arith.select %eq3A_1225, %select_n3A_1191, %select_n3A_1209 : vector<128x128xi1>, vector<128x128xi32>
    %select_n3A_1227 = arith.select %eq3A_1225, %select_n3A_1192, %select_n3A_1214 : vector<128x128xi1>, vector<128x128xi32>
    %and3A_1228 = arith.constant 1 : i32
    %and3A_1229 = vector.broadcast %and3A_1228 : i32 to vector<128x128xi32>
    %and3A_1230 = arith.andi %add3A, %and3A_1229 : vector<128x128xi32>
    %ne3A_1231 = arith.constant 0 : i32
    %ne3A_1232 = vector.broadcast %ne3A_1231 : i32 to vector<128x128xi32>
    %ne3A_1233 = arith.cmpi ne, %and3A_1230, %ne3A_1232 : vector<128x128xi32>
    %and3A_1234 = arith.constant 256 : i32
    %and3A_1235 = vector.broadcast %and3A_1234 : i32 to vector<128x128xi32>
    %and3A_1236 = arith.andi %add3A, %and3A_1235 : vector<128x128xi32>
    %eq3A_1237 = arith.constant 0 : i32
    %eq3A_1238 = vector.broadcast %eq3A_1237 : i32 to vector<128x128xi32>
    %eq3A_1239 = arith.cmpi eq, %and3A_1236, %eq3A_1238 : vector<128x128xi32>
    %roll3A_1240 = arith.constant 1 : i32
    %roll3A_1241 = tpu.dynamic_rotate %select_n3A_1226 by %roll3A_1240 dim 1 : vector<128x128xi32>, i32 -> vector<128x128xi32>
    %roll3A_1242 = arith.constant 127 : i32
    %roll3A_1243 = tpu.dynamic_rotate %select_n3A_1226 by %roll3A_1242 dim 1 : vector<128x128xi32>, i32 -> vector<128x128xi32>
    %select_n3A_1244 = arith.select %ne3A_1233, %roll3A_1241, %roll3A_1243 : vector<128x128xi1>, vector<128x128xi32>
    %roll3A_1245 = arith.constant 1 : i32
    %roll3A_1246 = tpu.dynamic_rotate %select_n3A_1227 by %roll3A_1245 dim 1 : vector<128x128xi32>, i32 -> vector<128x128xi32>
    %roll3A_1247 = arith.constant 127 : i32
    %roll3A_1248 = tpu.dynamic_rotate %select_n3A_1227 by %roll3A_1247 dim 1 : vector<128x128xi32>, i32 -> vector<128x128xi32>
    %select_n3A_1249 = arith.select %ne3A_1233, %roll3A_1246, %roll3A_1248 : vector<128x128xi1>, vector<128x128xi32>
    %gt3A_1250 = arith.cmpi sgt, %select_n3A_1226, %select_n3A_1244 : vector<128x128xi32>
    %eq3A_1251 = arith.cmpi eq, %select_n3A_1226, %select_n3A_1244 : vector<128x128xi32>
    %gt3A_1252 = arith.cmpi sgt, %select_n3A_1227, %select_n3A_1249 : vector<128x128xi32>
    %and3A_1253 = arith.andi %eq3A_1251, %gt3A_1252 : vector<128x128xi1>
    %or3A_1254 = arith.ori %gt3A_1250, %and3A_1253 : vector<128x128xi1>
    %eq3A_1255 = arith.xori %ne3A_1233, %eq3A_1239 : vector<128x128xi1>
    %eq3A_1256 = arith.constant dense<true> : vector<128x128xi1>
    %eq3A_1257 = arith.xori %eq3A_1255, %eq3A_1256 : vector<128x128xi1>
    %eq3A_1258 = arith.xori %or3A_1254, %eq3A_1257 : vector<128x128xi1>
    %eq3A_1259 = arith.constant dense<true> : vector<128x128xi1>
    %eq3A_1260 = arith.xori %eq3A_1258, %eq3A_1259 : vector<128x128xi1>
    %select_n3A_1261 = arith.select %eq3A_1260, %select_n3A_1226, %select_n3A_1244 : vector<128x128xi1>, vector<128x128xi32>
    %select_n3A_1262 = arith.select %eq3A_1260, %select_n3A_1227, %select_n3A_1249 : vector<128x128xi1>, vector<128x128xi32>
    %and3A_1263 = arith.constant 256 : i32
    %and3A_1264 = vector.broadcast %and3A_1263 : i32 to vector<128x128xi32>
    %and3A_1265 = arith.andi %add3A, %and3A_1264 : vector<128x128xi32>
    %ne3A_1266 = arith.constant 0 : i32
    %ne3A_1267 = vector.broadcast %ne3A_1266 : i32 to vector<128x128xi32>
    %ne3A_1268 = arith.cmpi ne, %and3A_1265, %ne3A_1267 : vector<128x128xi32>
    %and3A_1269 = arith.constant 512 : i32
    %and3A_1270 = vector.broadcast %and3A_1269 : i32 to vector<128x128xi32>
    %and3A_1271 = arith.andi %add3A, %and3A_1270 : vector<128x128xi32>
    %eq3A_1272 = arith.constant 0 : i32
    %eq3A_1273 = vector.broadcast %eq3A_1272 : i32 to vector<128x128xi32>
    %eq3A_1274 = arith.cmpi eq, %and3A_1271, %eq3A_1273 : vector<128x128xi32>
    %roll3A_1275 = arith.constant 2 : i32
    %roll3A_1276 = tpu.dynamic_rotate %select_n3A_1261 by %roll3A_1275 dim 0 : vector<128x128xi32>, i32 -> vector<128x128xi32>
    %roll3A_1277 = arith.constant 126 : i32
    %roll3A_1278 = tpu.dynamic_rotate %select_n3A_1261 by %roll3A_1277 dim 0 : vector<128x128xi32>, i32 -> vector<128x128xi32>
    %select_n3A_1279 = arith.select %ne3A_1268, %roll3A_1276, %roll3A_1278 : vector<128x128xi1>, vector<128x128xi32>
    %roll3A_1280 = arith.constant 2 : i32
    %roll3A_1281 = tpu.dynamic_rotate %select_n3A_1262 by %roll3A_1280 dim 0 : vector<128x128xi32>, i32 -> vector<128x128xi32>
    %roll3A_1282 = arith.constant 126 : i32
    %roll3A_1283 = tpu.dynamic_rotate %select_n3A_1262 by %roll3A_1282 dim 0 : vector<128x128xi32>, i32 -> vector<128x128xi32>
    %select_n3A_1284 = arith.select %ne3A_1268, %roll3A_1281, %roll3A_1283 : vector<128x128xi1>, vector<128x128xi32>
    %gt3A_1285 = arith.cmpi sgt, %select_n3A_1261, %select_n3A_1279 : vector<128x128xi32>
    %eq3A_1286 = arith.cmpi eq, %select_n3A_1261, %select_n3A_1279 : vector<128x128xi32>
    %gt3A_1287 = arith.cmpi sgt, %select_n3A_1262, %select_n3A_1284 : vector<128x128xi32>
    %and3A_1288 = arith.andi %eq3A_1286, %gt3A_1287 : vector<128x128xi1>
    %or3A_1289 = arith.ori %gt3A_1285, %and3A_1288 : vector<128x128xi1>
    %eq3A_1290 = arith.xori %ne3A_1268, %eq3A_1274 : vector<128x128xi1>
    %eq3A_1291 = arith.constant dense<true> : vector<128x128xi1>
    %eq3A_1292 = arith.xori %eq3A_1290, %eq3A_1291 : vector<128x128xi1>
    %eq3A_1293 = arith.xori %or3A_1289, %eq3A_1292 : vector<128x128xi1>
    %eq3A_1294 = arith.constant dense<true> : vector<128x128xi1>
    %eq3A_1295 = arith.xori %eq3A_1293, %eq3A_1294 : vector<128x128xi1>
    %select_n3A_1296 = arith.select %eq3A_1295, %select_n3A_1261, %select_n3A_1279 : vector<128x128xi1>, vector<128x128xi32>
    %select_n3A_1297 = arith.select %eq3A_1295, %select_n3A_1262, %select_n3A_1284 : vector<128x128xi1>, vector<128x128xi32>
    %and3A_1298 = arith.constant 128 : i32
    %and3A_1299 = vector.broadcast %and3A_1298 : i32 to vector<128x128xi32>
    %and3A_1300 = arith.andi %add3A, %and3A_1299 : vector<128x128xi32>
    %ne3A_1301 = arith.constant 0 : i32
    %ne3A_1302 = vector.broadcast %ne3A_1301 : i32 to vector<128x128xi32>
    %ne3A_1303 = arith.cmpi ne, %and3A_1300, %ne3A_1302 : vector<128x128xi32>
    %and3A_1304 = arith.constant 512 : i32
    %and3A_1305 = vector.broadcast %and3A_1304 : i32 to vector<128x128xi32>
    %and3A_1306 = arith.andi %add3A, %and3A_1305 : vector<128x128xi32>
    %eq3A_1307 = arith.constant 0 : i32
    %eq3A_1308 = vector.broadcast %eq3A_1307 : i32 to vector<128x128xi32>
    %eq3A_1309 = arith.cmpi eq, %and3A_1306, %eq3A_1308 : vector<128x128xi32>
    %roll3A_1310 = arith.constant 1 : i32
    %roll3A_1311 = tpu.dynamic_rotate %select_n3A_1296 by %roll3A_1310 dim 0 : vector<128x128xi32>, i32 -> vector<128x128xi32>
    %roll3A_1312 = arith.constant 127 : i32
    %roll3A_1313 = tpu.dynamic_rotate %select_n3A_1296 by %roll3A_1312 dim 0 : vector<128x128xi32>, i32 -> vector<128x128xi32>
    %select_n3A_1314 = arith.select %ne3A_1303, %roll3A_1311, %roll3A_1313 : vector<128x128xi1>, vector<128x128xi32>
    %roll3A_1315 = arith.constant 1 : i32
    %roll3A_1316 = tpu.dynamic_rotate %select_n3A_1297 by %roll3A_1315 dim 0 : vector<128x128xi32>, i32 -> vector<128x128xi32>
    %roll3A_1317 = arith.constant 127 : i32
    %roll3A_1318 = tpu.dynamic_rotate %select_n3A_1297 by %roll3A_1317 dim 0 : vector<128x128xi32>, i32 -> vector<128x128xi32>
    %select_n3A_1319 = arith.select %ne3A_1303, %roll3A_1316, %roll3A_1318 : vector<128x128xi1>, vector<128x128xi32>
    %gt3A_1320 = arith.cmpi sgt, %select_n3A_1296, %select_n3A_1314 : vector<128x128xi32>
    %eq3A_1321 = arith.cmpi eq, %select_n3A_1296, %select_n3A_1314 : vector<128x128xi32>
    %gt3A_1322 = arith.cmpi sgt, %select_n3A_1297, %select_n3A_1319 : vector<128x128xi32>
    %and3A_1323 = arith.andi %eq3A_1321, %gt3A_1322 : vector<128x128xi1>
    %or3A_1324 = arith.ori %gt3A_1320, %and3A_1323 : vector<128x128xi1>
    %eq3A_1325 = arith.xori %ne3A_1303, %eq3A_1309 : vector<128x128xi1>
    %eq3A_1326 = arith.constant dense<true> : vector<128x128xi1>
    %eq3A_1327 = arith.xori %eq3A_1325, %eq3A_1326 : vector<128x128xi1>
    %eq3A_1328 = arith.xori %or3A_1324, %eq3A_1327 : vector<128x128xi1>
    %eq3A_1329 = arith.constant dense<true> : vector<128x128xi1>
    %eq3A_1330 = arith.xori %eq3A_1328, %eq3A_1329 : vector<128x128xi1>
    %select_n3A_1331 = arith.select %eq3A_1330, %select_n3A_1296, %select_n3A_1314 : vector<128x128xi1>, vector<128x128xi32>
    %select_n3A_1332 = arith.select %eq3A_1330, %select_n3A_1297, %select_n3A_1319 : vector<128x128xi1>, vector<128x128xi32>
    %and3A_1333 = arith.constant 64 : i32
    %and3A_1334 = vector.broadcast %and3A_1333 : i32 to vector<128x128xi32>
    %and3A_1335 = arith.andi %add3A, %and3A_1334 : vector<128x128xi32>
    %ne3A_1336 = arith.constant 0 : i32
    %ne3A_1337 = vector.broadcast %ne3A_1336 : i32 to vector<128x128xi32>
    %ne3A_1338 = arith.cmpi ne, %and3A_1335, %ne3A_1337 : vector<128x128xi32>
    %and3A_1339 = arith.constant 512 : i32
    %and3A_1340 = vector.broadcast %and3A_1339 : i32 to vector<128x128xi32>
    %and3A_1341 = arith.andi %add3A, %and3A_1340 : vector<128x128xi32>
    %eq3A_1342 = arith.constant 0 : i32
    %eq3A_1343 = vector.broadcast %eq3A_1342 : i32 to vector<128x128xi32>
    %eq3A_1344 = arith.cmpi eq, %and3A_1341, %eq3A_1343 : vector<128x128xi32>
    %roll3A_1345 = arith.constant 64 : i32
    %roll3A_1346 = tpu.dynamic_rotate %select_n3A_1331 by %roll3A_1345 dim 1 : vector<128x128xi32>, i32 -> vector<128x128xi32>
    %roll3A_1347 = arith.constant 64 : i32
    %roll3A_1348 = tpu.dynamic_rotate %select_n3A_1331 by %roll3A_1347 dim 1 : vector<128x128xi32>, i32 -> vector<128x128xi32>
    %select_n3A_1349 = arith.select %ne3A_1338, %roll3A_1346, %roll3A_1348 : vector<128x128xi1>, vector<128x128xi32>
    %roll3A_1350 = arith.constant 64 : i32
    %roll3A_1351 = tpu.dynamic_rotate %select_n3A_1332 by %roll3A_1350 dim 1 : vector<128x128xi32>, i32 -> vector<128x128xi32>
    %roll3A_1352 = arith.constant 64 : i32
    %roll3A_1353 = tpu.dynamic_rotate %select_n3A_1332 by %roll3A_1352 dim 1 : vector<128x128xi32>, i32 -> vector<128x128xi32>
    %select_n3A_1354 = arith.select %ne3A_1338, %roll3A_1351, %roll3A_1353 : vector<128x128xi1>, vector<128x128xi32>
    %gt3A_1355 = arith.cmpi sgt, %select_n3A_1331, %select_n3A_1349 : vector<128x128xi32>
    %eq3A_1356 = arith.cmpi eq, %select_n3A_1331, %select_n3A_1349 : vector<128x128xi32>
    %gt3A_1357 = arith.cmpi sgt, %select_n3A_1332, %select_n3A_1354 : vector<128x128xi32>
    %and3A_1358 = arith.andi %eq3A_1356, %gt3A_1357 : vector<128x128xi1>
    %or3A_1359 = arith.ori %gt3A_1355, %and3A_1358 : vector<128x128xi1>
    %eq3A_1360 = arith.xori %ne3A_1338, %eq3A_1344 : vector<128x128xi1>
    %eq3A_1361 = arith.constant dense<true> : vector<128x128xi1>
    %eq3A_1362 = arith.xori %eq3A_1360, %eq3A_1361 : vector<128x128xi1>
    %eq3A_1363 = arith.xori %or3A_1359, %eq3A_1362 : vector<128x128xi1>
    %eq3A_1364 = arith.constant dense<true> : vector<128x128xi1>
    %eq3A_1365 = arith.xori %eq3A_1363, %eq3A_1364 : vector<128x128xi1>
    %select_n3A_1366 = arith.select %eq3A_1365, %select_n3A_1331, %select_n3A_1349 : vector<128x128xi1>, vector<128x128xi32>
    %select_n3A_1367 = arith.select %eq3A_1365, %select_n3A_1332, %select_n3A_1354 : vector<128x128xi1>, vector<128x128xi32>
    %and3A_1368 = arith.constant 32 : i32
    %and3A_1369 = vector.broadcast %and3A_1368 : i32 to vector<128x128xi32>
    %and3A_1370 = arith.andi %add3A, %and3A_1369 : vector<128x128xi32>
    %ne3A_1371 = arith.constant 0 : i32
    %ne3A_1372 = vector.broadcast %ne3A_1371 : i32 to vector<128x128xi32>
    %ne3A_1373 = arith.cmpi ne, %and3A_1370, %ne3A_1372 : vector<128x128xi32>
    %and3A_1374 = arith.constant 512 : i32
    %and3A_1375 = vector.broadcast %and3A_1374 : i32 to vector<128x128xi32>
    %and3A_1376 = arith.andi %add3A, %and3A_1375 : vector<128x128xi32>
    %eq3A_1377 = arith.constant 0 : i32
    %eq3A_1378 = vector.broadcast %eq3A_1377 : i32 to vector<128x128xi32>
    %eq3A_1379 = arith.cmpi eq, %and3A_1376, %eq3A_1378 : vector<128x128xi32>
    %roll3A_1380 = arith.constant 32 : i32
    %roll3A_1381 = tpu.dynamic_rotate %select_n3A_1366 by %roll3A_1380 dim 1 : vector<128x128xi32>, i32 -> vector<128x128xi32>
    %roll3A_1382 = arith.constant 96 : i32
    %roll3A_1383 = tpu.dynamic_rotate %select_n3A_1366 by %roll3A_1382 dim 1 : vector<128x128xi32>, i32 -> vector<128x128xi32>
    %select_n3A_1384 = arith.select %ne3A_1373, %roll3A_1381, %roll3A_1383 : vector<128x128xi1>, vector<128x128xi32>
    %roll3A_1385 = arith.constant 32 : i32
    %roll3A_1386 = tpu.dynamic_rotate %select_n3A_1367 by %roll3A_1385 dim 1 : vector<128x128xi32>, i32 -> vector<128x128xi32>
    %roll3A_1387 = arith.constant 96 : i32
    %roll3A_1388 = tpu.dynamic_rotate %select_n3A_1367 by %roll3A_1387 dim 1 : vector<128x128xi32>, i32 -> vector<128x128xi32>
    %select_n3A_1389 = arith.select %ne3A_1373, %roll3A_1386, %roll3A_1388 : vector<128x128xi1>, vector<128x128xi32>
    %gt3A_1390 = arith.cmpi sgt, %select_n3A_1366, %select_n3A_1384 : vector<128x128xi32>
    %eq3A_1391 = arith.cmpi eq, %select_n3A_1366, %select_n3A_1384 : vector<128x128xi32>
    %gt3A_1392 = arith.cmpi sgt, %select_n3A_1367, %select_n3A_1389 : vector<128x128xi32>
    %and3A_1393 = arith.andi %eq3A_1391, %gt3A_1392 : vector<128x128xi1>
    %or3A_1394 = arith.ori %gt3A_1390, %and3A_1393 : vector<128x128xi1>
    %eq3A_1395 = arith.xori %ne3A_1373, %eq3A_1379 : vector<128x128xi1>
    %eq3A_1396 = arith.constant dense<true> : vector<128x128xi1>
    %eq3A_1397 = arith.xori %eq3A_1395, %eq3A_1396 : vector<128x128xi1>
    %eq3A_1398 = arith.xori %or3A_1394, %eq3A_1397 : vector<128x128xi1>
    %eq3A_1399 = arith.constant dense<true> : vector<128x128xi1>
    %eq3A_1400 = arith.xori %eq3A_1398, %eq3A_1399 : vector<128x128xi1>
    %select_n3A_1401 = arith.select %eq3A_1400, %select_n3A_1366, %select_n3A_1384 : vector<128x128xi1>, vector<128x128xi32>
    %select_n3A_1402 = arith.select %eq3A_1400, %select_n3A_1367, %select_n3A_1389 : vector<128x128xi1>, vector<128x128xi32>
    %and3A_1403 = arith.constant 16 : i32
    %and3A_1404 = vector.broadcast %and3A_1403 : i32 to vector<128x128xi32>
    %and3A_1405 = arith.andi %add3A, %and3A_1404 : vector<128x128xi32>
    %ne3A_1406 = arith.constant 0 : i32
    %ne3A_1407 = vector.broadcast %ne3A_1406 : i32 to vector<128x128xi32>
    %ne3A_1408 = arith.cmpi ne, %and3A_1405, %ne3A_1407 : vector<128x128xi32>
    %and3A_1409 = arith.constant 512 : i32
    %and3A_1410 = vector.broadcast %and3A_1409 : i32 to vector<128x128xi32>
    %and3A_1411 = arith.andi %add3A, %and3A_1410 : vector<128x128xi32>
    %eq3A_1412 = arith.constant 0 : i32
    %eq3A_1413 = vector.broadcast %eq3A_1412 : i32 to vector<128x128xi32>
    %eq3A_1414 = arith.cmpi eq, %and3A_1411, %eq3A_1413 : vector<128x128xi32>
    %roll3A_1415 = arith.constant 16 : i32
    %roll3A_1416 = tpu.dynamic_rotate %select_n3A_1401 by %roll3A_1415 dim 1 : vector<128x128xi32>, i32 -> vector<128x128xi32>
    %roll3A_1417 = arith.constant 112 : i32
    %roll3A_1418 = tpu.dynamic_rotate %select_n3A_1401 by %roll3A_1417 dim 1 : vector<128x128xi32>, i32 -> vector<128x128xi32>
    %select_n3A_1419 = arith.select %ne3A_1408, %roll3A_1416, %roll3A_1418 : vector<128x128xi1>, vector<128x128xi32>
    %roll3A_1420 = arith.constant 16 : i32
    %roll3A_1421 = tpu.dynamic_rotate %select_n3A_1402 by %roll3A_1420 dim 1 : vector<128x128xi32>, i32 -> vector<128x128xi32>
    %roll3A_1422 = arith.constant 112 : i32
    %roll3A_1423 = tpu.dynamic_rotate %select_n3A_1402 by %roll3A_1422 dim 1 : vector<128x128xi32>, i32 -> vector<128x128xi32>
    %select_n3A_1424 = arith.select %ne3A_1408, %roll3A_1421, %roll3A_1423 : vector<128x128xi1>, vector<128x128xi32>
    %gt3A_1425 = arith.cmpi sgt, %select_n3A_1401, %select_n3A_1419 : vector<128x128xi32>
    %eq3A_1426 = arith.cmpi eq, %select_n3A_1401, %select_n3A_1419 : vector<128x128xi32>
    %gt3A_1427 = arith.cmpi sgt, %select_n3A_1402, %select_n3A_1424 : vector<128x128xi32>
    %and3A_1428 = arith.andi %eq3A_1426, %gt3A_1427 : vector<128x128xi1>
    %or3A_1429 = arith.ori %gt3A_1425, %and3A_1428 : vector<128x128xi1>
    %eq3A_1430 = arith.xori %ne3A_1408, %eq3A_1414 : vector<128x128xi1>
    %eq3A_1431 = arith.constant dense<true> : vector<128x128xi1>
    %eq3A_1432 = arith.xori %eq3A_1430, %eq3A_1431 : vector<128x128xi1>
    %eq3A_1433 = arith.xori %or3A_1429, %eq3A_1432 : vector<128x128xi1>
    %eq3A_1434 = arith.constant dense<true> : vector<128x128xi1>
    %eq3A_1435 = arith.xori %eq3A_1433, %eq3A_1434 : vector<128x128xi1>
    %select_n3A_1436 = arith.select %eq3A_1435, %select_n3A_1401, %select_n3A_1419 : vector<128x128xi1>, vector<128x128xi32>
    %select_n3A_1437 = arith.select %eq3A_1435, %select_n3A_1402, %select_n3A_1424 : vector<128x128xi1>, vector<128x128xi32>
    %and3A_1438 = arith.constant 8 : i32
    %and3A_1439 = vector.broadcast %and3A_1438 : i32 to vector<128x128xi32>
    %and3A_1440 = arith.andi %add3A, %and3A_1439 : vector<128x128xi32>
    %ne3A_1441 = arith.constant 0 : i32
    %ne3A_1442 = vector.broadcast %ne3A_1441 : i32 to vector<128x128xi32>
    %ne3A_1443 = arith.cmpi ne, %and3A_1440, %ne3A_1442 : vector<128x128xi32>
    %and3A_1444 = arith.constant 512 : i32
    %and3A_1445 = vector.broadcast %and3A_1444 : i32 to vector<128x128xi32>
    %and3A_1446 = arith.andi %add3A, %and3A_1445 : vector<128x128xi32>
    %eq3A_1447 = arith.constant 0 : i32
    %eq3A_1448 = vector.broadcast %eq3A_1447 : i32 to vector<128x128xi32>
    %eq3A_1449 = arith.cmpi eq, %and3A_1446, %eq3A_1448 : vector<128x128xi32>
    %roll3A_1450 = arith.constant 8 : i32
    %roll3A_1451 = tpu.dynamic_rotate %select_n3A_1436 by %roll3A_1450 dim 1 : vector<128x128xi32>, i32 -> vector<128x128xi32>
    %roll3A_1452 = arith.constant 120 : i32
    %roll3A_1453 = tpu.dynamic_rotate %select_n3A_1436 by %roll3A_1452 dim 1 : vector<128x128xi32>, i32 -> vector<128x128xi32>
    %select_n3A_1454 = arith.select %ne3A_1443, %roll3A_1451, %roll3A_1453 : vector<128x128xi1>, vector<128x128xi32>
    %roll3A_1455 = arith.constant 8 : i32
    %roll3A_1456 = tpu.dynamic_rotate %select_n3A_1437 by %roll3A_1455 dim 1 : vector<128x128xi32>, i32 -> vector<128x128xi32>
    %roll3A_1457 = arith.constant 120 : i32
    %roll3A_1458 = tpu.dynamic_rotate %select_n3A_1437 by %roll3A_1457 dim 1 : vector<128x128xi32>, i32 -> vector<128x128xi32>
    %select_n3A_1459 = arith.select %ne3A_1443, %roll3A_1456, %roll3A_1458 : vector<128x128xi1>, vector<128x128xi32>
    %gt3A_1460 = arith.cmpi sgt, %select_n3A_1436, %select_n3A_1454 : vector<128x128xi32>
    %eq3A_1461 = arith.cmpi eq, %select_n3A_1436, %select_n3A_1454 : vector<128x128xi32>
    %gt3A_1462 = arith.cmpi sgt, %select_n3A_1437, %select_n3A_1459 : vector<128x128xi32>
    %and3A_1463 = arith.andi %eq3A_1461, %gt3A_1462 : vector<128x128xi1>
    %or3A_1464 = arith.ori %gt3A_1460, %and3A_1463 : vector<128x128xi1>
    %eq3A_1465 = arith.xori %ne3A_1443, %eq3A_1449 : vector<128x128xi1>
    %eq3A_1466 = arith.constant dense<true> : vector<128x128xi1>
    %eq3A_1467 = arith.xori %eq3A_1465, %eq3A_1466 : vector<128x128xi1>
    %eq3A_1468 = arith.xori %or3A_1464, %eq3A_1467 : vector<128x128xi1>
    %eq3A_1469 = arith.constant dense<true> : vector<128x128xi1>
    %eq3A_1470 = arith.xori %eq3A_1468, %eq3A_1469 : vector<128x128xi1>
    %select_n3A_1471 = arith.select %eq3A_1470, %select_n3A_1436, %select_n3A_1454 : vector<128x128xi1>, vector<128x128xi32>
    %select_n3A_1472 = arith.select %eq3A_1470, %select_n3A_1437, %select_n3A_1459 : vector<128x128xi1>, vector<128x128xi32>
    %and3A_1473 = arith.constant 4 : i32
    %and3A_1474 = vector.broadcast %and3A_1473 : i32 to vector<128x128xi32>
    %and3A_1475 = arith.andi %add3A, %and3A_1474 : vector<128x128xi32>
    %ne3A_1476 = arith.constant 0 : i32
    %ne3A_1477 = vector.broadcast %ne3A_1476 : i32 to vector<128x128xi32>
    %ne3A_1478 = arith.cmpi ne, %and3A_1475, %ne3A_1477 : vector<128x128xi32>
    %and3A_1479 = arith.constant 512 : i32
    %and3A_1480 = vector.broadcast %and3A_1479 : i32 to vector<128x128xi32>
    %and3A_1481 = arith.andi %add3A, %and3A_1480 : vector<128x128xi32>
    %eq3A_1482 = arith.constant 0 : i32
    %eq3A_1483 = vector.broadcast %eq3A_1482 : i32 to vector<128x128xi32>
    %eq3A_1484 = arith.cmpi eq, %and3A_1481, %eq3A_1483 : vector<128x128xi32>
    %roll3A_1485 = arith.constant 4 : i32
    %roll3A_1486 = tpu.dynamic_rotate %select_n3A_1471 by %roll3A_1485 dim 1 : vector<128x128xi32>, i32 -> vector<128x128xi32>
    %roll3A_1487 = arith.constant 124 : i32
    %roll3A_1488 = tpu.dynamic_rotate %select_n3A_1471 by %roll3A_1487 dim 1 : vector<128x128xi32>, i32 -> vector<128x128xi32>
    %select_n3A_1489 = arith.select %ne3A_1478, %roll3A_1486, %roll3A_1488 : vector<128x128xi1>, vector<128x128xi32>
    %roll3A_1490 = arith.constant 4 : i32
    %roll3A_1491 = tpu.dynamic_rotate %select_n3A_1472 by %roll3A_1490 dim 1 : vector<128x128xi32>, i32 -> vector<128x128xi32>
    %roll3A_1492 = arith.constant 124 : i32
    %roll3A_1493 = tpu.dynamic_rotate %select_n3A_1472 by %roll3A_1492 dim 1 : vector<128x128xi32>, i32 -> vector<128x128xi32>
    %select_n3A_1494 = arith.select %ne3A_1478, %roll3A_1491, %roll3A_1493 : vector<128x128xi1>, vector<128x128xi32>
    %gt3A_1495 = arith.cmpi sgt, %select_n3A_1471, %select_n3A_1489 : vector<128x128xi32>
    %eq3A_1496 = arith.cmpi eq, %select_n3A_1471, %select_n3A_1489 : vector<128x128xi32>
    %gt3A_1497 = arith.cmpi sgt, %select_n3A_1472, %select_n3A_1494 : vector<128x128xi32>
    %and3A_1498 = arith.andi %eq3A_1496, %gt3A_1497 : vector<128x128xi1>
    %or3A_1499 = arith.ori %gt3A_1495, %and3A_1498 : vector<128x128xi1>
    %eq3A_1500 = arith.xori %ne3A_1478, %eq3A_1484 : vector<128x128xi1>
    %eq3A_1501 = arith.constant dense<true> : vector<128x128xi1>
    %eq3A_1502 = arith.xori %eq3A_1500, %eq3A_1501 : vector<128x128xi1>
    %eq3A_1503 = arith.xori %or3A_1499, %eq3A_1502 : vector<128x128xi1>
    %eq3A_1504 = arith.constant dense<true> : vector<128x128xi1>
    %eq3A_1505 = arith.xori %eq3A_1503, %eq3A_1504 : vector<128x128xi1>
    %select_n3A_1506 = arith.select %eq3A_1505, %select_n3A_1471, %select_n3A_1489 : vector<128x128xi1>, vector<128x128xi32>
    %select_n3A_1507 = arith.select %eq3A_1505, %select_n3A_1472, %select_n3A_1494 : vector<128x128xi1>, vector<128x128xi32>
    %and3A_1508 = arith.constant 2 : i32
    %and3A_1509 = vector.broadcast %and3A_1508 : i32 to vector<128x128xi32>
    %and3A_1510 = arith.andi %add3A, %and3A_1509 : vector<128x128xi32>
    %ne3A_1511 = arith.constant 0 : i32
    %ne3A_1512 = vector.broadcast %ne3A_1511 : i32 to vector<128x128xi32>
    %ne3A_1513 = arith.cmpi ne, %and3A_1510, %ne3A_1512 : vector<128x128xi32>
    %and3A_1514 = arith.constant 512 : i32
    %and3A_1515 = vector.broadcast %and3A_1514 : i32 to vector<128x128xi32>
    %and3A_1516 = arith.andi %add3A, %and3A_1515 : vector<128x128xi32>
    %eq3A_1517 = arith.constant 0 : i32
    %eq3A_1518 = vector.broadcast %eq3A_1517 : i32 to vector<128x128xi32>
    %eq3A_1519 = arith.cmpi eq, %and3A_1516, %eq3A_1518 : vector<128x128xi32>
    %roll3A_1520 = arith.constant 2 : i32
    %roll3A_1521 = tpu.dynamic_rotate %select_n3A_1506 by %roll3A_1520 dim 1 : vector<128x128xi32>, i32 -> vector<128x128xi32>
    %roll3A_1522 = arith.constant 126 : i32
    %roll3A_1523 = tpu.dynamic_rotate %select_n3A_1506 by %roll3A_1522 dim 1 : vector<128x128xi32>, i32 -> vector<128x128xi32>
    %select_n3A_1524 = arith.select %ne3A_1513, %roll3A_1521, %roll3A_1523 : vector<128x128xi1>, vector<128x128xi32>
    %roll3A_1525 = arith.constant 2 : i32
    %roll3A_1526 = tpu.dynamic_rotate %select_n3A_1507 by %roll3A_1525 dim 1 : vector<128x128xi32>, i32 -> vector<128x128xi32>
    %roll3A_1527 = arith.constant 126 : i32
    %roll3A_1528 = tpu.dynamic_rotate %select_n3A_1507 by %roll3A_1527 dim 1 : vector<128x128xi32>, i32 -> vector<128x128xi32>
    %select_n3A_1529 = arith.select %ne3A_1513, %roll3A_1526, %roll3A_1528 : vector<128x128xi1>, vector<128x128xi32>
    %gt3A_1530 = arith.cmpi sgt, %select_n3A_1506, %select_n3A_1524 : vector<128x128xi32>
    %eq3A_1531 = arith.cmpi eq, %select_n3A_1506, %select_n3A_1524 : vector<128x128xi32>
    %gt3A_1532 = arith.cmpi sgt, %select_n3A_1507, %select_n3A_1529 : vector<128x128xi32>
    %and3A_1533 = arith.andi %eq3A_1531, %gt3A_1532 : vector<128x128xi1>
    %or3A_1534 = arith.ori %gt3A_1530, %and3A_1533 : vector<128x128xi1>
    %eq3A_1535 = arith.xori %ne3A_1513, %eq3A_1519 : vector<128x128xi1>
    %eq3A_1536 = arith.constant dense<true> : vector<128x128xi1>
    %eq3A_1537 = arith.xori %eq3A_1535, %eq3A_1536 : vector<128x128xi1>
    %eq3A_1538 = arith.xori %or3A_1534, %eq3A_1537 : vector<128x128xi1>
    %eq3A_1539 = arith.constant dense<true> : vector<128x128xi1>
    %eq3A_1540 = arith.xori %eq3A_1538, %eq3A_1539 : vector<128x128xi1>
    %select_n3A_1541 = arith.select %eq3A_1540, %select_n3A_1506, %select_n3A_1524 : vector<128x128xi1>, vector<128x128xi32>
    %select_n3A_1542 = arith.select %eq3A_1540, %select_n3A_1507, %select_n3A_1529 : vector<128x128xi1>, vector<128x128xi32>
    %and3A_1543 = arith.constant 1 : i32
    %and3A_1544 = vector.broadcast %and3A_1543 : i32 to vector<128x128xi32>
    %and3A_1545 = arith.andi %add3A, %and3A_1544 : vector<128x128xi32>
    %ne3A_1546 = arith.constant 0 : i32
    %ne3A_1547 = vector.broadcast %ne3A_1546 : i32 to vector<128x128xi32>
    %ne3A_1548 = arith.cmpi ne, %and3A_1545, %ne3A_1547 : vector<128x128xi32>
    %and3A_1549 = arith.constant 512 : i32
    %and3A_1550 = vector.broadcast %and3A_1549 : i32 to vector<128x128xi32>
    %and3A_1551 = arith.andi %add3A, %and3A_1550 : vector<128x128xi32>
    %eq3A_1552 = arith.constant 0 : i32
    %eq3A_1553 = vector.broadcast %eq3A_1552 : i32 to vector<128x128xi32>
    %eq3A_1554 = arith.cmpi eq, %and3A_1551, %eq3A_1553 : vector<128x128xi32>
    %roll3A_1555 = arith.constant 1 : i32
    %roll3A_1556 = tpu.dynamic_rotate %select_n3A_1541 by %roll3A_1555 dim 1 : vector<128x128xi32>, i32 -> vector<128x128xi32>
    %roll3A_1557 = arith.constant 127 : i32
    %roll3A_1558 = tpu.dynamic_rotate %select_n3A_1541 by %roll3A_1557 dim 1 : vector<128x128xi32>, i32 -> vector<128x128xi32>
    %select_n3A_1559 = arith.select %ne3A_1548, %roll3A_1556, %roll3A_1558 : vector<128x128xi1>, vector<128x128xi32>
    %roll3A_1560 = arith.constant 1 : i32
    %roll3A_1561 = tpu.dynamic_rotate %select_n3A_1542 by %roll3A_1560 dim 1 : vector<128x128xi32>, i32 -> vector<128x128xi32>
    %roll3A_1562 = arith.constant 127 : i32
    %roll3A_1563 = tpu.dynamic_rotate %select_n3A_1542 by %roll3A_1562 dim 1 : vector<128x128xi32>, i32 -> vector<128x128xi32>
    %select_n3A_1564 = arith.select %ne3A_1548, %roll3A_1561, %roll3A_1563 : vector<128x128xi1>, vector<128x128xi32>
    %gt3A_1565 = arith.cmpi sgt, %select_n3A_1541, %select_n3A_1559 : vector<128x128xi32>
    %eq3A_1566 = arith.cmpi eq, %select_n3A_1541, %select_n3A_1559 : vector<128x128xi32>
    %gt3A_1567 = arith.cmpi sgt, %select_n3A_1542, %select_n3A_1564 : vector<128x128xi32>
    %and3A_1568 = arith.andi %eq3A_1566, %gt3A_1567 : vector<128x128xi1>
    %or3A_1569 = arith.ori %gt3A_1565, %and3A_1568 : vector<128x128xi1>
    %eq3A_1570 = arith.xori %ne3A_1548, %eq3A_1554 : vector<128x128xi1>
    %eq3A_1571 = arith.constant dense<true> : vector<128x128xi1>
    %eq3A_1572 = arith.xori %eq3A_1570, %eq3A_1571 : vector<128x128xi1>
    %eq3A_1573 = arith.xori %or3A_1569, %eq3A_1572 : vector<128x128xi1>
    %eq3A_1574 = arith.constant dense<true> : vector<128x128xi1>
    %eq3A_1575 = arith.xori %eq3A_1573, %eq3A_1574 : vector<128x128xi1>
    %select_n3A_1576 = arith.select %eq3A_1575, %select_n3A_1541, %select_n3A_1559 : vector<128x128xi1>, vector<128x128xi32>
    %select_n3A_1577 = arith.select %eq3A_1575, %select_n3A_1542, %select_n3A_1564 : vector<128x128xi1>, vector<128x128xi32>
    %and3A_1578 = arith.constant 512 : i32
    %and3A_1579 = vector.broadcast %and3A_1578 : i32 to vector<128x128xi32>
    %and3A_1580 = arith.andi %add3A, %and3A_1579 : vector<128x128xi32>
    %ne3A_1581 = arith.constant 0 : i32
    %ne3A_1582 = vector.broadcast %ne3A_1581 : i32 to vector<128x128xi32>
    %ne3A_1583 = arith.cmpi ne, %and3A_1580, %ne3A_1582 : vector<128x128xi32>
    %and3A_1584 = arith.constant 1024 : i32
    %and3A_1585 = vector.broadcast %and3A_1584 : i32 to vector<128x128xi32>
    %and3A_1586 = arith.andi %add3A, %and3A_1585 : vector<128x128xi32>
    %eq3A_1587 = arith.constant 0 : i32
    %eq3A_1588 = vector.broadcast %eq3A_1587 : i32 to vector<128x128xi32>
    %eq3A_1589 = arith.cmpi eq, %and3A_1586, %eq3A_1588 : vector<128x128xi32>
    %roll3A_1590 = arith.constant 4 : i32
    %roll3A_1591 = tpu.dynamic_rotate %select_n3A_1576 by %roll3A_1590 dim 0 : vector<128x128xi32>, i32 -> vector<128x128xi32>
    %roll3A_1592 = arith.constant 124 : i32
    %roll3A_1593 = tpu.dynamic_rotate %select_n3A_1576 by %roll3A_1592 dim 0 : vector<128x128xi32>, i32 -> vector<128x128xi32>
    %select_n3A_1594 = arith.select %ne3A_1583, %roll3A_1591, %roll3A_1593 : vector<128x128xi1>, vector<128x128xi32>
    %roll3A_1595 = arith.constant 4 : i32
    %roll3A_1596 = tpu.dynamic_rotate %select_n3A_1577 by %roll3A_1595 dim 0 : vector<128x128xi32>, i32 -> vector<128x128xi32>
    %roll3A_1597 = arith.constant 124 : i32
    %roll3A_1598 = tpu.dynamic_rotate %select_n3A_1577 by %roll3A_1597 dim 0 : vector<128x128xi32>, i32 -> vector<128x128xi32>
    %select_n3A_1599 = arith.select %ne3A_1583, %roll3A_1596, %roll3A_1598 : vector<128x128xi1>, vector<128x128xi32>
    %gt3A_1600 = arith.cmpi sgt, %select_n3A_1576, %select_n3A_1594 : vector<128x128xi32>
    %eq3A_1601 = arith.cmpi eq, %select_n3A_1576, %select_n3A_1594 : vector<128x128xi32>
    %gt3A_1602 = arith.cmpi sgt, %select_n3A_1577, %select_n3A_1599 : vector<128x128xi32>
    %and3A_1603 = arith.andi %eq3A_1601, %gt3A_1602 : vector<128x128xi1>
    %or3A_1604 = arith.ori %gt3A_1600, %and3A_1603 : vector<128x128xi1>
    %eq3A_1605 = arith.xori %ne3A_1583, %eq3A_1589 : vector<128x128xi1>
    %eq3A_1606 = arith.constant dense<true> : vector<128x128xi1>
    %eq3A_1607 = arith.xori %eq3A_1605, %eq3A_1606 : vector<128x128xi1>
    %eq3A_1608 = arith.xori %or3A_1604, %eq3A_1607 : vector<128x128xi1>
    %eq3A_1609 = arith.constant dense<true> : vector<128x128xi1>
    %eq3A_1610 = arith.xori %eq3A_1608, %eq3A_1609 : vector<128x128xi1>
    %select_n3A_1611 = arith.select %eq3A_1610, %select_n3A_1576, %select_n3A_1594 : vector<128x128xi1>, vector<128x128xi32>
    %select_n3A_1612 = arith.select %eq3A_1610, %select_n3A_1577, %select_n3A_1599 : vector<128x128xi1>, vector<128x128xi32>
    %and3A_1613 = arith.constant 256 : i32
    %and3A_1614 = vector.broadcast %and3A_1613 : i32 to vector<128x128xi32>
    %and3A_1615 = arith.andi %add3A, %and3A_1614 : vector<128x128xi32>
    %ne3A_1616 = arith.constant 0 : i32
    %ne3A_1617 = vector.broadcast %ne3A_1616 : i32 to vector<128x128xi32>
    %ne3A_1618 = arith.cmpi ne, %and3A_1615, %ne3A_1617 : vector<128x128xi32>
    %and3A_1619 = arith.constant 1024 : i32
    %and3A_1620 = vector.broadcast %and3A_1619 : i32 to vector<128x128xi32>
    %and3A_1621 = arith.andi %add3A, %and3A_1620 : vector<128x128xi32>
    %eq3A_1622 = arith.constant 0 : i32
    %eq3A_1623 = vector.broadcast %eq3A_1622 : i32 to vector<128x128xi32>
    %eq3A_1624 = arith.cmpi eq, %and3A_1621, %eq3A_1623 : vector<128x128xi32>
    %roll3A_1625 = arith.constant 2 : i32
    %roll3A_1626 = tpu.dynamic_rotate %select_n3A_1611 by %roll3A_1625 dim 0 : vector<128x128xi32>, i32 -> vector<128x128xi32>
    %roll3A_1627 = arith.constant 126 : i32
    %roll3A_1628 = tpu.dynamic_rotate %select_n3A_1611 by %roll3A_1627 dim 0 : vector<128x128xi32>, i32 -> vector<128x128xi32>
    %select_n3A_1629 = arith.select %ne3A_1618, %roll3A_1626, %roll3A_1628 : vector<128x128xi1>, vector<128x128xi32>
    %roll3A_1630 = arith.constant 2 : i32
    %roll3A_1631 = tpu.dynamic_rotate %select_n3A_1612 by %roll3A_1630 dim 0 : vector<128x128xi32>, i32 -> vector<128x128xi32>
    %roll3A_1632 = arith.constant 126 : i32
    %roll3A_1633 = tpu.dynamic_rotate %select_n3A_1612 by %roll3A_1632 dim 0 : vector<128x128xi32>, i32 -> vector<128x128xi32>
    %select_n3A_1634 = arith.select %ne3A_1618, %roll3A_1631, %roll3A_1633 : vector<128x128xi1>, vector<128x128xi32>
    %gt3A_1635 = arith.cmpi sgt, %select_n3A_1611, %select_n3A_1629 : vector<128x128xi32>
    %eq3A_1636 = arith.cmpi eq, %select_n3A_1611, %select_n3A_1629 : vector<128x128xi32>
    %gt3A_1637 = arith.cmpi sgt, %select_n3A_1612, %select_n3A_1634 : vector<128x128xi32>
    %and3A_1638 = arith.andi %eq3A_1636, %gt3A_1637 : vector<128x128xi1>
    %or3A_1639 = arith.ori %gt3A_1635, %and3A_1638 : vector<128x128xi1>
    %eq3A_1640 = arith.xori %ne3A_1618, %eq3A_1624 : vector<128x128xi1>
    %eq3A_1641 = arith.constant dense<true> : vector<128x128xi1>
    %eq3A_1642 = arith.xori %eq3A_1640, %eq3A_1641 : vector<128x128xi1>
    %eq3A_1643 = arith.xori %or3A_1639, %eq3A_1642 : vector<128x128xi1>
    %eq3A_1644 = arith.constant dense<true> : vector<128x128xi1>
    %eq3A_1645 = arith.xori %eq3A_1643, %eq3A_1644 : vector<128x128xi1>
    %select_n3A_1646 = arith.select %eq3A_1645, %select_n3A_1611, %select_n3A_1629 : vector<128x128xi1>, vector<128x128xi32>
    %select_n3A_1647 = arith.select %eq3A_1645, %select_n3A_1612, %select_n3A_1634 : vector<128x128xi1>, vector<128x128xi32>
    %and3A_1648 = arith.constant 128 : i32
    %and3A_1649 = vector.broadcast %and3A_1648 : i32 to vector<128x128xi32>
    %and3A_1650 = arith.andi %add3A, %and3A_1649 : vector<128x128xi32>
    %ne3A_1651 = arith.constant 0 : i32
    %ne3A_1652 = vector.broadcast %ne3A_1651 : i32 to vector<128x128xi32>
    %ne3A_1653 = arith.cmpi ne, %and3A_1650, %ne3A_1652 : vector<128x128xi32>
    %and3A_1654 = arith.constant 1024 : i32
    %and3A_1655 = vector.broadcast %and3A_1654 : i32 to vector<128x128xi32>
    %and3A_1656 = arith.andi %add3A, %and3A_1655 : vector<128x128xi32>
    %eq3A_1657 = arith.constant 0 : i32
    %eq3A_1658 = vector.broadcast %eq3A_1657 : i32 to vector<128x128xi32>
    %eq3A_1659 = arith.cmpi eq, %and3A_1656, %eq3A_1658 : vector<128x128xi32>
    %roll3A_1660 = arith.constant 1 : i32
    %roll3A_1661 = tpu.dynamic_rotate %select_n3A_1646 by %roll3A_1660 dim 0 : vector<128x128xi32>, i32 -> vector<128x128xi32>
    %roll3A_1662 = arith.constant 127 : i32
    %roll3A_1663 = tpu.dynamic_rotate %select_n3A_1646 by %roll3A_1662 dim 0 : vector<128x128xi32>, i32 -> vector<128x128xi32>
    %select_n3A_1664 = arith.select %ne3A_1653, %roll3A_1661, %roll3A_1663 : vector<128x128xi1>, vector<128x128xi32>
    %roll3A_1665 = arith.constant 1 : i32
    %roll3A_1666 = tpu.dynamic_rotate %select_n3A_1647 by %roll3A_1665 dim 0 : vector<128x128xi32>, i32 -> vector<128x128xi32>
    %roll3A_1667 = arith.constant 127 : i32
    %roll3A_1668 = tpu.dynamic_rotate %select_n3A_1647 by %roll3A_1667 dim 0 : vector<128x128xi32>, i32 -> vector<128x128xi32>
    %select_n3A_1669 = arith.select %ne3A_1653, %roll3A_1666, %roll3A_1668 : vector<128x128xi1>, vector<128x128xi32>
    %gt3A_1670 = arith.cmpi sgt, %select_n3A_1646, %select_n3A_1664 : vector<128x128xi32>
    %eq3A_1671 = arith.cmpi eq, %select_n3A_1646, %select_n3A_1664 : vector<128x128xi32>
    %gt3A_1672 = arith.cmpi sgt, %select_n3A_1647, %select_n3A_1669 : vector<128x128xi32>
    %and3A_1673 = arith.andi %eq3A_1671, %gt3A_1672 : vector<128x128xi1>
    %or3A_1674 = arith.ori %gt3A_1670, %and3A_1673 : vector<128x128xi1>
    %eq3A_1675 = arith.xori %ne3A_1653, %eq3A_1659 : vector<128x128xi1>
    %eq3A_1676 = arith.constant dense<true> : vector<128x128xi1>
    %eq3A_1677 = arith.xori %eq3A_1675, %eq3A_1676 : vector<128x128xi1>
    %eq3A_1678 = arith.xori %or3A_1674, %eq3A_1677 : vector<128x128xi1>
    %eq3A_1679 = arith.constant dense<true> : vector<128x128xi1>
    %eq3A_1680 = arith.xori %eq3A_1678, %eq3A_1679 : vector<128x128xi1>
    %select_n3A_1681 = arith.select %eq3A_1680, %select_n3A_1646, %select_n3A_1664 : vector<128x128xi1>, vector<128x128xi32>
    %select_n3A_1682 = arith.select %eq3A_1680, %select_n3A_1647, %select_n3A_1669 : vector<128x128xi1>, vector<128x128xi32>
    %and3A_1683 = arith.constant 64 : i32
    %and3A_1684 = vector.broadcast %and3A_1683 : i32 to vector<128x128xi32>
    %and3A_1685 = arith.andi %add3A, %and3A_1684 : vector<128x128xi32>
    %ne3A_1686 = arith.constant 0 : i32
    %ne3A_1687 = vector.broadcast %ne3A_1686 : i32 to vector<128x128xi32>
    %ne3A_1688 = arith.cmpi ne, %and3A_1685, %ne3A_1687 : vector<128x128xi32>
    %and3A_1689 = arith.constant 1024 : i32
    %and3A_1690 = vector.broadcast %and3A_1689 : i32 to vector<128x128xi32>
    %and3A_1691 = arith.andi %add3A, %and3A_1690 : vector<128x128xi32>
    %eq3A_1692 = arith.constant 0 : i32
    %eq3A_1693 = vector.broadcast %eq3A_1692 : i32 to vector<128x128xi32>
    %eq3A_1694 = arith.cmpi eq, %and3A_1691, %eq3A_1693 : vector<128x128xi32>
    %roll3A_1695 = arith.constant 64 : i32
    %roll3A_1696 = tpu.dynamic_rotate %select_n3A_1681 by %roll3A_1695 dim 1 : vector<128x128xi32>, i32 -> vector<128x128xi32>
    %roll3A_1697 = arith.constant 64 : i32
    %roll3A_1698 = tpu.dynamic_rotate %select_n3A_1681 by %roll3A_1697 dim 1 : vector<128x128xi32>, i32 -> vector<128x128xi32>
    %select_n3A_1699 = arith.select %ne3A_1688, %roll3A_1696, %roll3A_1698 : vector<128x128xi1>, vector<128x128xi32>
    %roll3A_1700 = arith.constant 64 : i32
    %roll3A_1701 = tpu.dynamic_rotate %select_n3A_1682 by %roll3A_1700 dim 1 : vector<128x128xi32>, i32 -> vector<128x128xi32>
    %roll3A_1702 = arith.constant 64 : i32
    %roll3A_1703 = tpu.dynamic_rotate %select_n3A_1682 by %roll3A_1702 dim 1 : vector<128x128xi32>, i32 -> vector<128x128xi32>
    %select_n3A_1704 = arith.select %ne3A_1688, %roll3A_1701, %roll3A_1703 : vector<128x128xi1>, vector<128x128xi32>
    %gt3A_1705 = arith.cmpi sgt, %select_n3A_1681, %select_n3A_1699 : vector<128x128xi32>
    %eq3A_1706 = arith.cmpi eq, %select_n3A_1681, %select_n3A_1699 : vector<128x128xi32>
    %gt3A_1707 = arith.cmpi sgt, %select_n3A_1682, %select_n3A_1704 : vector<128x128xi32>
    %and3A_1708 = arith.andi %eq3A_1706, %gt3A_1707 : vector<128x128xi1>
    %or3A_1709 = arith.ori %gt3A_1705, %and3A_1708 : vector<128x128xi1>
    %eq3A_1710 = arith.xori %ne3A_1688, %eq3A_1694 : vector<128x128xi1>
    %eq3A_1711 = arith.constant dense<true> : vector<128x128xi1>
    %eq3A_1712 = arith.xori %eq3A_1710, %eq3A_1711 : vector<128x128xi1>
    %eq3A_1713 = arith.xori %or3A_1709, %eq3A_1712 : vector<128x128xi1>
    %eq3A_1714 = arith.constant dense<true> : vector<128x128xi1>
    %eq3A_1715 = arith.xori %eq3A_1713, %eq3A_1714 : vector<128x128xi1>
    %select_n3A_1716 = arith.select %eq3A_1715, %select_n3A_1681, %select_n3A_1699 : vector<128x128xi1>, vector<128x128xi32>
    %select_n3A_1717 = arith.select %eq3A_1715, %select_n3A_1682, %select_n3A_1704 : vector<128x128xi1>, vector<128x128xi32>
    %and3A_1718 = arith.constant 32 : i32
    %and3A_1719 = vector.broadcast %and3A_1718 : i32 to vector<128x128xi32>
    %and3A_1720 = arith.andi %add3A, %and3A_1719 : vector<128x128xi32>
    %ne3A_1721 = arith.constant 0 : i32
    %ne3A_1722 = vector.broadcast %ne3A_1721 : i32 to vector<128x128xi32>
    %ne3A_1723 = arith.cmpi ne, %and3A_1720, %ne3A_1722 : vector<128x128xi32>
    %and3A_1724 = arith.constant 1024 : i32
    %and3A_1725 = vector.broadcast %and3A_1724 : i32 to vector<128x128xi32>
    %and3A_1726 = arith.andi %add3A, %and3A_1725 : vector<128x128xi32>
    %eq3A_1727 = arith.constant 0 : i32
    %eq3A_1728 = vector.broadcast %eq3A_1727 : i32 to vector<128x128xi32>
    %eq3A_1729 = arith.cmpi eq, %and3A_1726, %eq3A_1728 : vector<128x128xi32>
    %roll3A_1730 = arith.constant 32 : i32
    %roll3A_1731 = tpu.dynamic_rotate %select_n3A_1716 by %roll3A_1730 dim 1 : vector<128x128xi32>, i32 -> vector<128x128xi32>
    %roll3A_1732 = arith.constant 96 : i32
    %roll3A_1733 = tpu.dynamic_rotate %select_n3A_1716 by %roll3A_1732 dim 1 : vector<128x128xi32>, i32 -> vector<128x128xi32>
    %select_n3A_1734 = arith.select %ne3A_1723, %roll3A_1731, %roll3A_1733 : vector<128x128xi1>, vector<128x128xi32>
    %roll3A_1735 = arith.constant 32 : i32
    %roll3A_1736 = tpu.dynamic_rotate %select_n3A_1717 by %roll3A_1735 dim 1 : vector<128x128xi32>, i32 -> vector<128x128xi32>
    %roll3A_1737 = arith.constant 96 : i32
    %roll3A_1738 = tpu.dynamic_rotate %select_n3A_1717 by %roll3A_1737 dim 1 : vector<128x128xi32>, i32 -> vector<128x128xi32>
    %select_n3A_1739 = arith.select %ne3A_1723, %roll3A_1736, %roll3A_1738 : vector<128x128xi1>, vector<128x128xi32>
    %gt3A_1740 = arith.cmpi sgt, %select_n3A_1716, %select_n3A_1734 : vector<128x128xi32>
    %eq3A_1741 = arith.cmpi eq, %select_n3A_1716, %select_n3A_1734 : vector<128x128xi32>
    %gt3A_1742 = arith.cmpi sgt, %select_n3A_1717, %select_n3A_1739 : vector<128x128xi32>
    %and3A_1743 = arith.andi %eq3A_1741, %gt3A_1742 : vector<128x128xi1>
    %or3A_1744 = arith.ori %gt3A_1740, %and3A_1743 : vector<128x128xi1>
    %eq3A_1745 = arith.xori %ne3A_1723, %eq3A_1729 : vector<128x128xi1>
    %eq3A_1746 = arith.constant dense<true> : vector<128x128xi1>
    %eq3A_1747 = arith.xori %eq3A_1745, %eq3A_1746 : vector<128x128xi1>
    %eq3A_1748 = arith.xori %or3A_1744, %eq3A_1747 : vector<128x128xi1>
    %eq3A_1749 = arith.constant dense<true> : vector<128x128xi1>
    %eq3A_1750 = arith.xori %eq3A_1748, %eq3A_1749 : vector<128x128xi1>
    %select_n3A_1751 = arith.select %eq3A_1750, %select_n3A_1716, %select_n3A_1734 : vector<128x128xi1>, vector<128x128xi32>
    %select_n3A_1752 = arith.select %eq3A_1750, %select_n3A_1717, %select_n3A_1739 : vector<128x128xi1>, vector<128x128xi32>
    %and3A_1753 = arith.constant 16 : i32
    %and3A_1754 = vector.broadcast %and3A_1753 : i32 to vector<128x128xi32>
    %and3A_1755 = arith.andi %add3A, %and3A_1754 : vector<128x128xi32>
    %ne3A_1756 = arith.constant 0 : i32
    %ne3A_1757 = vector.broadcast %ne3A_1756 : i32 to vector<128x128xi32>
    %ne3A_1758 = arith.cmpi ne, %and3A_1755, %ne3A_1757 : vector<128x128xi32>
    %and3A_1759 = arith.constant 1024 : i32
    %and3A_1760 = vector.broadcast %and3A_1759 : i32 to vector<128x128xi32>
    %and3A_1761 = arith.andi %add3A, %and3A_1760 : vector<128x128xi32>
    %eq3A_1762 = arith.constant 0 : i32
    %eq3A_1763 = vector.broadcast %eq3A_1762 : i32 to vector<128x128xi32>
    %eq3A_1764 = arith.cmpi eq, %and3A_1761, %eq3A_1763 : vector<128x128xi32>
    %roll3A_1765 = arith.constant 16 : i32
    %roll3A_1766 = tpu.dynamic_rotate %select_n3A_1751 by %roll3A_1765 dim 1 : vector<128x128xi32>, i32 -> vector<128x128xi32>
    %roll3A_1767 = arith.constant 112 : i32
    %roll3A_1768 = tpu.dynamic_rotate %select_n3A_1751 by %roll3A_1767 dim 1 : vector<128x128xi32>, i32 -> vector<128x128xi32>
    %select_n3A_1769 = arith.select %ne3A_1758, %roll3A_1766, %roll3A_1768 : vector<128x128xi1>, vector<128x128xi32>
    %roll3A_1770 = arith.constant 16 : i32
    %roll3A_1771 = tpu.dynamic_rotate %select_n3A_1752 by %roll3A_1770 dim 1 : vector<128x128xi32>, i32 -> vector<128x128xi32>
    %roll3A_1772 = arith.constant 112 : i32
    %roll3A_1773 = tpu.dynamic_rotate %select_n3A_1752 by %roll3A_1772 dim 1 : vector<128x128xi32>, i32 -> vector<128x128xi32>
    %select_n3A_1774 = arith.select %ne3A_1758, %roll3A_1771, %roll3A_1773 : vector<128x128xi1>, vector<128x128xi32>
    %gt3A_1775 = arith.cmpi sgt, %select_n3A_1751, %select_n3A_1769 : vector<128x128xi32>
    %eq3A_1776 = arith.cmpi eq, %select_n3A_1751, %select_n3A_1769 : vector<128x128xi32>
    %gt3A_1777 = arith.cmpi sgt, %select_n3A_1752, %select_n3A_1774 : vector<128x128xi32>
    %and3A_1778 = arith.andi %eq3A_1776, %gt3A_1777 : vector<128x128xi1>
    %or3A_1779 = arith.ori %gt3A_1775, %and3A_1778 : vector<128x128xi1>
    %eq3A_1780 = arith.xori %ne3A_1758, %eq3A_1764 : vector<128x128xi1>
    %eq3A_1781 = arith.constant dense<true> : vector<128x128xi1>
    %eq3A_1782 = arith.xori %eq3A_1780, %eq3A_1781 : vector<128x128xi1>
    %eq3A_1783 = arith.xori %or3A_1779, %eq3A_1782 : vector<128x128xi1>
    %eq3A_1784 = arith.constant dense<true> : vector<128x128xi1>
    %eq3A_1785 = arith.xori %eq3A_1783, %eq3A_1784 : vector<128x128xi1>
    %select_n3A_1786 = arith.select %eq3A_1785, %select_n3A_1751, %select_n3A_1769 : vector<128x128xi1>, vector<128x128xi32>
    %select_n3A_1787 = arith.select %eq3A_1785, %select_n3A_1752, %select_n3A_1774 : vector<128x128xi1>, vector<128x128xi32>
    %and3A_1788 = arith.constant 8 : i32
    %and3A_1789 = vector.broadcast %and3A_1788 : i32 to vector<128x128xi32>
    %and3A_1790 = arith.andi %add3A, %and3A_1789 : vector<128x128xi32>
    %ne3A_1791 = arith.constant 0 : i32
    %ne3A_1792 = vector.broadcast %ne3A_1791 : i32 to vector<128x128xi32>
    %ne3A_1793 = arith.cmpi ne, %and3A_1790, %ne3A_1792 : vector<128x128xi32>
    %and3A_1794 = arith.constant 1024 : i32
    %and3A_1795 = vector.broadcast %and3A_1794 : i32 to vector<128x128xi32>
    %and3A_1796 = arith.andi %add3A, %and3A_1795 : vector<128x128xi32>
    %eq3A_1797 = arith.constant 0 : i32
    %eq3A_1798 = vector.broadcast %eq3A_1797 : i32 to vector<128x128xi32>
    %eq3A_1799 = arith.cmpi eq, %and3A_1796, %eq3A_1798 : vector<128x128xi32>
    %roll3A_1800 = arith.constant 8 : i32
    %roll3A_1801 = tpu.dynamic_rotate %select_n3A_1786 by %roll3A_1800 dim 1 : vector<128x128xi32>, i32 -> vector<128x128xi32>
    %roll3A_1802 = arith.constant 120 : i32
    %roll3A_1803 = tpu.dynamic_rotate %select_n3A_1786 by %roll3A_1802 dim 1 : vector<128x128xi32>, i32 -> vector<128x128xi32>
    %select_n3A_1804 = arith.select %ne3A_1793, %roll3A_1801, %roll3A_1803 : vector<128x128xi1>, vector<128x128xi32>
    %roll3A_1805 = arith.constant 8 : i32
    %roll3A_1806 = tpu.dynamic_rotate %select_n3A_1787 by %roll3A_1805 dim 1 : vector<128x128xi32>, i32 -> vector<128x128xi32>
    %roll3A_1807 = arith.constant 120 : i32
    %roll3A_1808 = tpu.dynamic_rotate %select_n3A_1787 by %roll3A_1807 dim 1 : vector<128x128xi32>, i32 -> vector<128x128xi32>
    %select_n3A_1809 = arith.select %ne3A_1793, %roll3A_1806, %roll3A_1808 : vector<128x128xi1>, vector<128x128xi32>
    %gt3A_1810 = arith.cmpi sgt, %select_n3A_1786, %select_n3A_1804 : vector<128x128xi32>
    %eq3A_1811 = arith.cmpi eq, %select_n3A_1786, %select_n3A_1804 : vector<128x128xi32>
    %gt3A_1812 = arith.cmpi sgt, %select_n3A_1787, %select_n3A_1809 : vector<128x128xi32>
    %and3A_1813 = arith.andi %eq3A_1811, %gt3A_1812 : vector<128x128xi1>
    %or3A_1814 = arith.ori %gt3A_1810, %and3A_1813 : vector<128x128xi1>
    %eq3A_1815 = arith.xori %ne3A_1793, %eq3A_1799 : vector<128x128xi1>
    %eq3A_1816 = arith.constant dense<true> : vector<128x128xi1>
    %eq3A_1817 = arith.xori %eq3A_1815, %eq3A_1816 : vector<128x128xi1>
    %eq3A_1818 = arith.xori %or3A_1814, %eq3A_1817 : vector<128x128xi1>
    %eq3A_1819 = arith.constant dense<true> : vector<128x128xi1>
    %eq3A_1820 = arith.xori %eq3A_1818, %eq3A_1819 : vector<128x128xi1>
    %select_n3A_1821 = arith.select %eq3A_1820, %select_n3A_1786, %select_n3A_1804 : vector<128x128xi1>, vector<128x128xi32>
    %select_n3A_1822 = arith.select %eq3A_1820, %select_n3A_1787, %select_n3A_1809 : vector<128x128xi1>, vector<128x128xi32>
    %and3A_1823 = arith.constant 4 : i32
    %and3A_1824 = vector.broadcast %and3A_1823 : i32 to vector<128x128xi32>
    %and3A_1825 = arith.andi %add3A, %and3A_1824 : vector<128x128xi32>
    %ne3A_1826 = arith.constant 0 : i32
    %ne3A_1827 = vector.broadcast %ne3A_1826 : i32 to vector<128x128xi32>
    %ne3A_1828 = arith.cmpi ne, %and3A_1825, %ne3A_1827 : vector<128x128xi32>
    %and3A_1829 = arith.constant 1024 : i32
    %and3A_1830 = vector.broadcast %and3A_1829 : i32 to vector<128x128xi32>
    %and3A_1831 = arith.andi %add3A, %and3A_1830 : vector<128x128xi32>
    %eq3A_1832 = arith.constant 0 : i32
    %eq3A_1833 = vector.broadcast %eq3A_1832 : i32 to vector<128x128xi32>
    %eq3A_1834 = arith.cmpi eq, %and3A_1831, %eq3A_1833 : vector<128x128xi32>
    %roll3A_1835 = arith.constant 4 : i32
    %roll3A_1836 = tpu.dynamic_rotate %select_n3A_1821 by %roll3A_1835 dim 1 : vector<128x128xi32>, i32 -> vector<128x128xi32>
    %roll3A_1837 = arith.constant 124 : i32
    %roll3A_1838 = tpu.dynamic_rotate %select_n3A_1821 by %roll3A_1837 dim 1 : vector<128x128xi32>, i32 -> vector<128x128xi32>
    %select_n3A_1839 = arith.select %ne3A_1828, %roll3A_1836, %roll3A_1838 : vector<128x128xi1>, vector<128x128xi32>
    %roll3A_1840 = arith.constant 4 : i32
    %roll3A_1841 = tpu.dynamic_rotate %select_n3A_1822 by %roll3A_1840 dim 1 : vector<128x128xi32>, i32 -> vector<128x128xi32>
    %roll3A_1842 = arith.constant 124 : i32
    %roll3A_1843 = tpu.dynamic_rotate %select_n3A_1822 by %roll3A_1842 dim 1 : vector<128x128xi32>, i32 -> vector<128x128xi32>
    %select_n3A_1844 = arith.select %ne3A_1828, %roll3A_1841, %roll3A_1843 : vector<128x128xi1>, vector<128x128xi32>
    %gt3A_1845 = arith.cmpi sgt, %select_n3A_1821, %select_n3A_1839 : vector<128x128xi32>
    %eq3A_1846 = arith.cmpi eq, %select_n3A_1821, %select_n3A_1839 : vector<128x128xi32>
    %gt3A_1847 = arith.cmpi sgt, %select_n3A_1822, %select_n3A_1844 : vector<128x128xi32>
    %and3A_1848 = arith.andi %eq3A_1846, %gt3A_1847 : vector<128x128xi1>
    %or3A_1849 = arith.ori %gt3A_1845, %and3A_1848 : vector<128x128xi1>
    %eq3A_1850 = arith.xori %ne3A_1828, %eq3A_1834 : vector<128x128xi1>
    %eq3A_1851 = arith.constant dense<true> : vector<128x128xi1>
    %eq3A_1852 = arith.xori %eq3A_1850, %eq3A_1851 : vector<128x128xi1>
    %eq3A_1853 = arith.xori %or3A_1849, %eq3A_1852 : vector<128x128xi1>
    %eq3A_1854 = arith.constant dense<true> : vector<128x128xi1>
    %eq3A_1855 = arith.xori %eq3A_1853, %eq3A_1854 : vector<128x128xi1>
    %select_n3A_1856 = arith.select %eq3A_1855, %select_n3A_1821, %select_n3A_1839 : vector<128x128xi1>, vector<128x128xi32>
    %select_n3A_1857 = arith.select %eq3A_1855, %select_n3A_1822, %select_n3A_1844 : vector<128x128xi1>, vector<128x128xi32>
    %and3A_1858 = arith.constant 2 : i32
    %and3A_1859 = vector.broadcast %and3A_1858 : i32 to vector<128x128xi32>
    %and3A_1860 = arith.andi %add3A, %and3A_1859 : vector<128x128xi32>
    %ne3A_1861 = arith.constant 0 : i32
    %ne3A_1862 = vector.broadcast %ne3A_1861 : i32 to vector<128x128xi32>
    %ne3A_1863 = arith.cmpi ne, %and3A_1860, %ne3A_1862 : vector<128x128xi32>
    %and3A_1864 = arith.constant 1024 : i32
    %and3A_1865 = vector.broadcast %and3A_1864 : i32 to vector<128x128xi32>
    %and3A_1866 = arith.andi %add3A, %and3A_1865 : vector<128x128xi32>
    %eq3A_1867 = arith.constant 0 : i32
    %eq3A_1868 = vector.broadcast %eq3A_1867 : i32 to vector<128x128xi32>
    %eq3A_1869 = arith.cmpi eq, %and3A_1866, %eq3A_1868 : vector<128x128xi32>
    %roll3A_1870 = arith.constant 2 : i32
    %roll3A_1871 = tpu.dynamic_rotate %select_n3A_1856 by %roll3A_1870 dim 1 : vector<128x128xi32>, i32 -> vector<128x128xi32>
    %roll3A_1872 = arith.constant 126 : i32
    %roll3A_1873 = tpu.dynamic_rotate %select_n3A_1856 by %roll3A_1872 dim 1 : vector<128x128xi32>, i32 -> vector<128x128xi32>
    %select_n3A_1874 = arith.select %ne3A_1863, %roll3A_1871, %roll3A_1873 : vector<128x128xi1>, vector<128x128xi32>
    %roll3A_1875 = arith.constant 2 : i32
    %roll3A_1876 = tpu.dynamic_rotate %select_n3A_1857 by %roll3A_1875 dim 1 : vector<128x128xi32>, i32 -> vector<128x128xi32>
    %roll3A_1877 = arith.constant 126 : i32
    %roll3A_1878 = tpu.dynamic_rotate %select_n3A_1857 by %roll3A_1877 dim 1 : vector<128x128xi32>, i32 -> vector<128x128xi32>
    %select_n3A_1879 = arith.select %ne3A_1863, %roll3A_1876, %roll3A_1878 : vector<128x128xi1>, vector<128x128xi32>
    %gt3A_1880 = arith.cmpi sgt, %select_n3A_1856, %select_n3A_1874 : vector<128x128xi32>
    %eq3A_1881 = arith.cmpi eq, %select_n3A_1856, %select_n3A_1874 : vector<128x128xi32>
    %gt3A_1882 = arith.cmpi sgt, %select_n3A_1857, %select_n3A_1879 : vector<128x128xi32>
    %and3A_1883 = arith.andi %eq3A_1881, %gt3A_1882 : vector<128x128xi1>
    %or3A_1884 = arith.ori %gt3A_1880, %and3A_1883 : vector<128x128xi1>
    %eq3A_1885 = arith.xori %ne3A_1863, %eq3A_1869 : vector<128x128xi1>
    %eq3A_1886 = arith.constant dense<true> : vector<128x128xi1>
    %eq3A_1887 = arith.xori %eq3A_1885, %eq3A_1886 : vector<128x128xi1>
    %eq3A_1888 = arith.xori %or3A_1884, %eq3A_1887 : vector<128x128xi1>
    %eq3A_1889 = arith.constant dense<true> : vector<128x128xi1>
    %eq3A_1890 = arith.xori %eq3A_1888, %eq3A_1889 : vector<128x128xi1>
    %select_n3A_1891 = arith.select %eq3A_1890, %select_n3A_1856, %select_n3A_1874 : vector<128x128xi1>, vector<128x128xi32>
    %select_n3A_1892 = arith.select %eq3A_1890, %select_n3A_1857, %select_n3A_1879 : vector<128x128xi1>, vector<128x128xi32>
    %and3A_1893 = arith.constant 1 : i32
    %and3A_1894 = vector.broadcast %and3A_1893 : i32 to vector<128x128xi32>
    %and3A_1895 = arith.andi %add3A, %and3A_1894 : vector<128x128xi32>
    %ne3A_1896 = arith.constant 0 : i32
    %ne3A_1897 = vector.broadcast %ne3A_1896 : i32 to vector<128x128xi32>
    %ne3A_1898 = arith.cmpi ne, %and3A_1895, %ne3A_1897 : vector<128x128xi32>
    %and3A_1899 = arith.constant 1024 : i32
    %and3A_1900 = vector.broadcast %and3A_1899 : i32 to vector<128x128xi32>
    %and3A_1901 = arith.andi %add3A, %and3A_1900 : vector<128x128xi32>
    %eq3A_1902 = arith.constant 0 : i32
    %eq3A_1903 = vector.broadcast %eq3A_1902 : i32 to vector<128x128xi32>
    %eq3A_1904 = arith.cmpi eq, %and3A_1901, %eq3A_1903 : vector<128x128xi32>
    %roll3A_1905 = arith.constant 1 : i32
    %roll3A_1906 = tpu.dynamic_rotate %select_n3A_1891 by %roll3A_1905 dim 1 : vector<128x128xi32>, i32 -> vector<128x128xi32>
    %roll3A_1907 = arith.constant 127 : i32
    %roll3A_1908 = tpu.dynamic_rotate %select_n3A_1891 by %roll3A_1907 dim 1 : vector<128x128xi32>, i32 -> vector<128x128xi32>
    %select_n3A_1909 = arith.select %ne3A_1898, %roll3A_1906, %roll3A_1908 : vector<128x128xi1>, vector<128x128xi32>
    %roll3A_1910 = arith.constant 1 : i32
    %roll3A_1911 = tpu.dynamic_rotate %select_n3A_1892 by %roll3A_1910 dim 1 : vector<128x128xi32>, i32 -> vector<128x128xi32>
    %roll3A_1912 = arith.constant 127 : i32
    %roll3A_1913 = tpu.dynamic_rotate %select_n3A_1892 by %roll3A_1912 dim 1 : vector<128x128xi32>, i32 -> vector<128x128xi32>
    %select_n3A_1914 = arith.select %ne3A_1898, %roll3A_1911, %roll3A_1913 : vector<128x128xi1>, vector<128x128xi32>
    %gt3A_1915 = arith.cmpi sgt, %select_n3A_1891, %select_n3A_1909 : vector<128x128xi32>
    %eq3A_1916 = arith.cmpi eq, %select_n3A_1891, %select_n3A_1909 : vector<128x128xi32>
    %gt3A_1917 = arith.cmpi sgt, %select_n3A_1892, %select_n3A_1914 : vector<128x128xi32>
    %and3A_1918 = arith.andi %eq3A_1916, %gt3A_1917 : vector<128x128xi1>
    %or3A_1919 = arith.ori %gt3A_1915, %and3A_1918 : vector<128x128xi1>
    %eq3A_1920 = arith.xori %ne3A_1898, %eq3A_1904 : vector<128x128xi1>
    %eq3A_1921 = arith.constant dense<true> : vector<128x128xi1>
    %eq3A_1922 = arith.xori %eq3A_1920, %eq3A_1921 : vector<128x128xi1>
    %eq3A_1923 = arith.xori %or3A_1919, %eq3A_1922 : vector<128x128xi1>
    %eq3A_1924 = arith.constant dense<true> : vector<128x128xi1>
    %eq3A_1925 = arith.xori %eq3A_1923, %eq3A_1924 : vector<128x128xi1>
    %select_n3A_1926 = arith.select %eq3A_1925, %select_n3A_1891, %select_n3A_1909 : vector<128x128xi1>, vector<128x128xi32>
    %select_n3A_1927 = arith.select %eq3A_1925, %select_n3A_1892, %select_n3A_1914 : vector<128x128xi1>, vector<128x128xi32>
    %and3A_1928 = arith.constant 1024 : i32
    %and3A_1929 = vector.broadcast %and3A_1928 : i32 to vector<128x128xi32>
    %and3A_1930 = arith.andi %add3A, %and3A_1929 : vector<128x128xi32>
    %ne3A_1931 = arith.constant 0 : i32
    %ne3A_1932 = vector.broadcast %ne3A_1931 : i32 to vector<128x128xi32>
    %ne3A_1933 = arith.cmpi ne, %and3A_1930, %ne3A_1932 : vector<128x128xi32>
    %and3A_1934 = arith.constant 2048 : i32
    %and3A_1935 = vector.broadcast %and3A_1934 : i32 to vector<128x128xi32>
    %and3A_1936 = arith.andi %add3A, %and3A_1935 : vector<128x128xi32>
    %eq3A_1937 = arith.constant 0 : i32
    %eq3A_1938 = vector.broadcast %eq3A_1937 : i32 to vector<128x128xi32>
    %eq3A_1939 = arith.cmpi eq, %and3A_1936, %eq3A_1938 : vector<128x128xi32>
    %roll3A_1940 = arith.constant 8 : i32
    %roll3A_1941 = tpu.dynamic_rotate %select_n3A_1926 by %roll3A_1940 dim 0 : vector<128x128xi32>, i32 -> vector<128x128xi32>
    %roll3A_1942 = arith.constant 120 : i32
    %roll3A_1943 = tpu.dynamic_rotate %select_n3A_1926 by %roll3A_1942 dim 0 : vector<128x128xi32>, i32 -> vector<128x128xi32>
    %select_n3A_1944 = arith.select %ne3A_1933, %roll3A_1941, %roll3A_1943 : vector<128x128xi1>, vector<128x128xi32>
    %roll3A_1945 = arith.constant 8 : i32
    %roll3A_1946 = tpu.dynamic_rotate %select_n3A_1927 by %roll3A_1945 dim 0 : vector<128x128xi32>, i32 -> vector<128x128xi32>
    %roll3A_1947 = arith.constant 120 : i32
    %roll3A_1948 = tpu.dynamic_rotate %select_n3A_1927 by %roll3A_1947 dim 0 : vector<128x128xi32>, i32 -> vector<128x128xi32>
    %select_n3A_1949 = arith.select %ne3A_1933, %roll3A_1946, %roll3A_1948 : vector<128x128xi1>, vector<128x128xi32>
    %gt3A_1950 = arith.cmpi sgt, %select_n3A_1926, %select_n3A_1944 : vector<128x128xi32>
    %eq3A_1951 = arith.cmpi eq, %select_n3A_1926, %select_n3A_1944 : vector<128x128xi32>
    %gt3A_1952 = arith.cmpi sgt, %select_n3A_1927, %select_n3A_1949 : vector<128x128xi32>
    %and3A_1953 = arith.andi %eq3A_1951, %gt3A_1952 : vector<128x128xi1>
    %or3A_1954 = arith.ori %gt3A_1950, %and3A_1953 : vector<128x128xi1>
    %eq3A_1955 = arith.xori %ne3A_1933, %eq3A_1939 : vector<128x128xi1>
    %eq3A_1956 = arith.constant dense<true> : vector<128x128xi1>
    %eq3A_1957 = arith.xori %eq3A_1955, %eq3A_1956 : vector<128x128xi1>
    %eq3A_1958 = arith.xori %or3A_1954, %eq3A_1957 : vector<128x128xi1>
    %eq3A_1959 = arith.constant dense<true> : vector<128x128xi1>
    %eq3A_1960 = arith.xori %eq3A_1958, %eq3A_1959 : vector<128x128xi1>
    %select_n3A_1961 = arith.select %eq3A_1960, %select_n3A_1926, %select_n3A_1944 : vector<128x128xi1>, vector<128x128xi32>
    %select_n3A_1962 = arith.select %eq3A_1960, %select_n3A_1927, %select_n3A_1949 : vector<128x128xi1>, vector<128x128xi32>
    %and3A_1963 = arith.constant 512 : i32
    %and3A_1964 = vector.broadcast %and3A_1963 : i32 to vector<128x128xi32>
    %and3A_1965 = arith.andi %add3A, %and3A_1964 : vector<128x128xi32>
    %ne3A_1966 = arith.constant 0 : i32
    %ne3A_1967 = vector.broadcast %ne3A_1966 : i32 to vector<128x128xi32>
    %ne3A_1968 = arith.cmpi ne, %and3A_1965, %ne3A_1967 : vector<128x128xi32>
    %and3A_1969 = arith.constant 2048 : i32
    %and3A_1970 = vector.broadcast %and3A_1969 : i32 to vector<128x128xi32>
    %and3A_1971 = arith.andi %add3A, %and3A_1970 : vector<128x128xi32>
    %eq3A_1972 = arith.constant 0 : i32
    %eq3A_1973 = vector.broadcast %eq3A_1972 : i32 to vector<128x128xi32>
    %eq3A_1974 = arith.cmpi eq, %and3A_1971, %eq3A_1973 : vector<128x128xi32>
    %roll3A_1975 = arith.constant 4 : i32
    %roll3A_1976 = tpu.dynamic_rotate %select_n3A_1961 by %roll3A_1975 dim 0 : vector<128x128xi32>, i32 -> vector<128x128xi32>
    %roll3A_1977 = arith.constant 124 : i32
    %roll3A_1978 = tpu.dynamic_rotate %select_n3A_1961 by %roll3A_1977 dim 0 : vector<128x128xi32>, i32 -> vector<128x128xi32>
    %select_n3A_1979 = arith.select %ne3A_1968, %roll3A_1976, %roll3A_1978 : vector<128x128xi1>, vector<128x128xi32>
    %roll3A_1980 = arith.constant 4 : i32
    %roll3A_1981 = tpu.dynamic_rotate %select_n3A_1962 by %roll3A_1980 dim 0 : vector<128x128xi32>, i32 -> vector<128x128xi32>
    %roll3A_1982 = arith.constant 124 : i32
    %roll3A_1983 = tpu.dynamic_rotate %select_n3A_1962 by %roll3A_1982 dim 0 : vector<128x128xi32>, i32 -> vector<128x128xi32>
    %select_n3A_1984 = arith.select %ne3A_1968, %roll3A_1981, %roll3A_1983 : vector<128x128xi1>, vector<128x128xi32>
    %gt3A_1985 = arith.cmpi sgt, %select_n3A_1961, %select_n3A_1979 : vector<128x128xi32>
    %eq3A_1986 = arith.cmpi eq, %select_n3A_1961, %select_n3A_1979 : vector<128x128xi32>
    %gt3A_1987 = arith.cmpi sgt, %select_n3A_1962, %select_n3A_1984 : vector<128x128xi32>
    %and3A_1988 = arith.andi %eq3A_1986, %gt3A_1987 : vector<128x128xi1>
    %or3A_1989 = arith.ori %gt3A_1985, %and3A_1988 : vector<128x128xi1>
    %eq3A_1990 = arith.xori %ne3A_1968, %eq3A_1974 : vector<128x128xi1>
    %eq3A_1991 = arith.constant dense<true> : vector<128x128xi1>
    %eq3A_1992 = arith.xori %eq3A_1990, %eq3A_1991 : vector<128x128xi1>
    %eq3A_1993 = arith.xori %or3A_1989, %eq3A_1992 : vector<128x128xi1>
    %eq3A_1994 = arith.constant dense<true> : vector<128x128xi1>
    %eq3A_1995 = arith.xori %eq3A_1993, %eq3A_1994 : vector<128x128xi1>
    %select_n3A_1996 = arith.select %eq3A_1995, %select_n3A_1961, %select_n3A_1979 : vector<128x128xi1>, vector<128x128xi32>
    %select_n3A_1997 = arith.select %eq3A_1995, %select_n3A_1962, %select_n3A_1984 : vector<128x128xi1>, vector<128x128xi32>
    %and3A_1998 = arith.constant 256 : i32
    %and3A_1999 = vector.broadcast %and3A_1998 : i32 to vector<128x128xi32>
    %and3A_2000 = arith.andi %add3A, %and3A_1999 : vector<128x128xi32>
    %ne3A_2001 = arith.constant 0 : i32
    %ne3A_2002 = vector.broadcast %ne3A_2001 : i32 to vector<128x128xi32>
    %ne3A_2003 = arith.cmpi ne, %and3A_2000, %ne3A_2002 : vector<128x128xi32>
    %and3A_2004 = arith.constant 2048 : i32
    %and3A_2005 = vector.broadcast %and3A_2004 : i32 to vector<128x128xi32>
    %and3A_2006 = arith.andi %add3A, %and3A_2005 : vector<128x128xi32>
    %eq3A_2007 = arith.constant 0 : i32
    %eq3A_2008 = vector.broadcast %eq3A_2007 : i32 to vector<128x128xi32>
    %eq3A_2009 = arith.cmpi eq, %and3A_2006, %eq3A_2008 : vector<128x128xi32>
    %roll3A_2010 = arith.constant 2 : i32
    %roll3A_2011 = tpu.dynamic_rotate %select_n3A_1996 by %roll3A_2010 dim 0 : vector<128x128xi32>, i32 -> vector<128x128xi32>
    %roll3A_2012 = arith.constant 126 : i32
    %roll3A_2013 = tpu.dynamic_rotate %select_n3A_1996 by %roll3A_2012 dim 0 : vector<128x128xi32>, i32 -> vector<128x128xi32>
    %select_n3A_2014 = arith.select %ne3A_2003, %roll3A_2011, %roll3A_2013 : vector<128x128xi1>, vector<128x128xi32>
    %roll3A_2015 = arith.constant 2 : i32
    %roll3A_2016 = tpu.dynamic_rotate %select_n3A_1997 by %roll3A_2015 dim 0 : vector<128x128xi32>, i32 -> vector<128x128xi32>
    %roll3A_2017 = arith.constant 126 : i32
    %roll3A_2018 = tpu.dynamic_rotate %select_n3A_1997 by %roll3A_2017 dim 0 : vector<128x128xi32>, i32 -> vector<128x128xi32>
    %select_n3A_2019 = arith.select %ne3A_2003, %roll3A_2016, %roll3A_2018 : vector<128x128xi1>, vector<128x128xi32>
    %gt3A_2020 = arith.cmpi sgt, %select_n3A_1996, %select_n3A_2014 : vector<128x128xi32>
    %eq3A_2021 = arith.cmpi eq, %select_n3A_1996, %select_n3A_2014 : vector<128x128xi32>
    %gt3A_2022 = arith.cmpi sgt, %select_n3A_1997, %select_n3A_2019 : vector<128x128xi32>
    %and3A_2023 = arith.andi %eq3A_2021, %gt3A_2022 : vector<128x128xi1>
    %or3A_2024 = arith.ori %gt3A_2020, %and3A_2023 : vector<128x128xi1>
    %eq3A_2025 = arith.xori %ne3A_2003, %eq3A_2009 : vector<128x128xi1>
    %eq3A_2026 = arith.constant dense<true> : vector<128x128xi1>
    %eq3A_2027 = arith.xori %eq3A_2025, %eq3A_2026 : vector<128x128xi1>
    %eq3A_2028 = arith.xori %or3A_2024, %eq3A_2027 : vector<128x128xi1>
    %eq3A_2029 = arith.constant dense<true> : vector<128x128xi1>
    %eq3A_2030 = arith.xori %eq3A_2028, %eq3A_2029 : vector<128x128xi1>
    %select_n3A_2031 = arith.select %eq3A_2030, %select_n3A_1996, %select_n3A_2014 : vector<128x128xi1>, vector<128x128xi32>
    %select_n3A_2032 = arith.select %eq3A_2030, %select_n3A_1997, %select_n3A_2019 : vector<128x128xi1>, vector<128x128xi32>
    %and3A_2033 = arith.constant 128 : i32
    %and3A_2034 = vector.broadcast %and3A_2033 : i32 to vector<128x128xi32>
    %and3A_2035 = arith.andi %add3A, %and3A_2034 : vector<128x128xi32>
    %ne3A_2036 = arith.constant 0 : i32
    %ne3A_2037 = vector.broadcast %ne3A_2036 : i32 to vector<128x128xi32>
    %ne3A_2038 = arith.cmpi ne, %and3A_2035, %ne3A_2037 : vector<128x128xi32>
    %and3A_2039 = arith.constant 2048 : i32
    %and3A_2040 = vector.broadcast %and3A_2039 : i32 to vector<128x128xi32>
    %and3A_2041 = arith.andi %add3A, %and3A_2040 : vector<128x128xi32>
    %eq3A_2042 = arith.constant 0 : i32
    %eq3A_2043 = vector.broadcast %eq3A_2042 : i32 to vector<128x128xi32>
    %eq3A_2044 = arith.cmpi eq, %and3A_2041, %eq3A_2043 : vector<128x128xi32>
    %roll3A_2045 = arith.constant 1 : i32
    %roll3A_2046 = tpu.dynamic_rotate %select_n3A_2031 by %roll3A_2045 dim 0 : vector<128x128xi32>, i32 -> vector<128x128xi32>
    %roll3A_2047 = arith.constant 127 : i32
    %roll3A_2048 = tpu.dynamic_rotate %select_n3A_2031 by %roll3A_2047 dim 0 : vector<128x128xi32>, i32 -> vector<128x128xi32>
    %select_n3A_2049 = arith.select %ne3A_2038, %roll3A_2046, %roll3A_2048 : vector<128x128xi1>, vector<128x128xi32>
    %roll3A_2050 = arith.constant 1 : i32
    %roll3A_2051 = tpu.dynamic_rotate %select_n3A_2032 by %roll3A_2050 dim 0 : vector<128x128xi32>, i32 -> vector<128x128xi32>
    %roll3A_2052 = arith.constant 127 : i32
    %roll3A_2053 = tpu.dynamic_rotate %select_n3A_2032 by %roll3A_2052 dim 0 : vector<128x128xi32>, i32 -> vector<128x128xi32>
    %select_n3A_2054 = arith.select %ne3A_2038, %roll3A_2051, %roll3A_2053 : vector<128x128xi1>, vector<128x128xi32>
    %gt3A_2055 = arith.cmpi sgt, %select_n3A_2031, %select_n3A_2049 : vector<128x128xi32>
    %eq3A_2056 = arith.cmpi eq, %select_n3A_2031, %select_n3A_2049 : vector<128x128xi32>
    %gt3A_2057 = arith.cmpi sgt, %select_n3A_2032, %select_n3A_2054 : vector<128x128xi32>
    %and3A_2058 = arith.andi %eq3A_2056, %gt3A_2057 : vector<128x128xi1>
    %or3A_2059 = arith.ori %gt3A_2055, %and3A_2058 : vector<128x128xi1>
    %eq3A_2060 = arith.xori %ne3A_2038, %eq3A_2044 : vector<128x128xi1>
    %eq3A_2061 = arith.constant dense<true> : vector<128x128xi1>
    %eq3A_2062 = arith.xori %eq3A_2060, %eq3A_2061 : vector<128x128xi1>
    %eq3A_2063 = arith.xori %or3A_2059, %eq3A_2062 : vector<128x128xi1>
    %eq3A_2064 = arith.constant dense<true> : vector<128x128xi1>
    %eq3A_2065 = arith.xori %eq3A_2063, %eq3A_2064 : vector<128x128xi1>
    %select_n3A_2066 = arith.select %eq3A_2065, %select_n3A_2031, %select_n3A_2049 : vector<128x128xi1>, vector<128x128xi32>
    %select_n3A_2067 = arith.select %eq3A_2065, %select_n3A_2032, %select_n3A_2054 : vector<128x128xi1>, vector<128x128xi32>
    %and3A_2068 = arith.constant 64 : i32
    %and3A_2069 = vector.broadcast %and3A_2068 : i32 to vector<128x128xi32>
    %and3A_2070 = arith.andi %add3A, %and3A_2069 : vector<128x128xi32>
    %ne3A_2071 = arith.constant 0 : i32
    %ne3A_2072 = vector.broadcast %ne3A_2071 : i32 to vector<128x128xi32>
    %ne3A_2073 = arith.cmpi ne, %and3A_2070, %ne3A_2072 : vector<128x128xi32>
    %and3A_2074 = arith.constant 2048 : i32
    %and3A_2075 = vector.broadcast %and3A_2074 : i32 to vector<128x128xi32>
    %and3A_2076 = arith.andi %add3A, %and3A_2075 : vector<128x128xi32>
    %eq3A_2077 = arith.constant 0 : i32
    %eq3A_2078 = vector.broadcast %eq3A_2077 : i32 to vector<128x128xi32>
    %eq3A_2079 = arith.cmpi eq, %and3A_2076, %eq3A_2078 : vector<128x128xi32>
    %roll3A_2080 = arith.constant 64 : i32
    %roll3A_2081 = tpu.dynamic_rotate %select_n3A_2066 by %roll3A_2080 dim 1 : vector<128x128xi32>, i32 -> vector<128x128xi32>
    %roll3A_2082 = arith.constant 64 : i32
    %roll3A_2083 = tpu.dynamic_rotate %select_n3A_2066 by %roll3A_2082 dim 1 : vector<128x128xi32>, i32 -> vector<128x128xi32>
    %select_n3A_2084 = arith.select %ne3A_2073, %roll3A_2081, %roll3A_2083 : vector<128x128xi1>, vector<128x128xi32>
    %roll3A_2085 = arith.constant 64 : i32
    %roll3A_2086 = tpu.dynamic_rotate %select_n3A_2067 by %roll3A_2085 dim 1 : vector<128x128xi32>, i32 -> vector<128x128xi32>
    %roll3A_2087 = arith.constant 64 : i32
    %roll3A_2088 = tpu.dynamic_rotate %select_n3A_2067 by %roll3A_2087 dim 1 : vector<128x128xi32>, i32 -> vector<128x128xi32>
    %select_n3A_2089 = arith.select %ne3A_2073, %roll3A_2086, %roll3A_2088 : vector<128x128xi1>, vector<128x128xi32>
    %gt3A_2090 = arith.cmpi sgt, %select_n3A_2066, %select_n3A_2084 : vector<128x128xi32>
    %eq3A_2091 = arith.cmpi eq, %select_n3A_2066, %select_n3A_2084 : vector<128x128xi32>
    %gt3A_2092 = arith.cmpi sgt, %select_n3A_2067, %select_n3A_2089 : vector<128x128xi32>
    %and3A_2093 = arith.andi %eq3A_2091, %gt3A_2092 : vector<128x128xi1>
    %or3A_2094 = arith.ori %gt3A_2090, %and3A_2093 : vector<128x128xi1>
    %eq3A_2095 = arith.xori %ne3A_2073, %eq3A_2079 : vector<128x128xi1>
    %eq3A_2096 = arith.constant dense<true> : vector<128x128xi1>
    %eq3A_2097 = arith.xori %eq3A_2095, %eq3A_2096 : vector<128x128xi1>
    %eq3A_2098 = arith.xori %or3A_2094, %eq3A_2097 : vector<128x128xi1>
    %eq3A_2099 = arith.constant dense<true> : vector<128x128xi1>
    %eq3A_2100 = arith.xori %eq3A_2098, %eq3A_2099 : vector<128x128xi1>
    %select_n3A_2101 = arith.select %eq3A_2100, %select_n3A_2066, %select_n3A_2084 : vector<128x128xi1>, vector<128x128xi32>
    %select_n3A_2102 = arith.select %eq3A_2100, %select_n3A_2067, %select_n3A_2089 : vector<128x128xi1>, vector<128x128xi32>
    %and3A_2103 = arith.constant 32 : i32
    %and3A_2104 = vector.broadcast %and3A_2103 : i32 to vector<128x128xi32>
    %and3A_2105 = arith.andi %add3A, %and3A_2104 : vector<128x128xi32>
    %ne3A_2106 = arith.constant 0 : i32
    %ne3A_2107 = vector.broadcast %ne3A_2106 : i32 to vector<128x128xi32>
    %ne3A_2108 = arith.cmpi ne, %and3A_2105, %ne3A_2107 : vector<128x128xi32>
    %and3A_2109 = arith.constant 2048 : i32
    %and3A_2110 = vector.broadcast %and3A_2109 : i32 to vector<128x128xi32>
    %and3A_2111 = arith.andi %add3A, %and3A_2110 : vector<128x128xi32>
    %eq3A_2112 = arith.constant 0 : i32
    %eq3A_2113 = vector.broadcast %eq3A_2112 : i32 to vector<128x128xi32>
    %eq3A_2114 = arith.cmpi eq, %and3A_2111, %eq3A_2113 : vector<128x128xi32>
    %roll3A_2115 = arith.constant 32 : i32
    %roll3A_2116 = tpu.dynamic_rotate %select_n3A_2101 by %roll3A_2115 dim 1 : vector<128x128xi32>, i32 -> vector<128x128xi32>
    %roll3A_2117 = arith.constant 96 : i32
    %roll3A_2118 = tpu.dynamic_rotate %select_n3A_2101 by %roll3A_2117 dim 1 : vector<128x128xi32>, i32 -> vector<128x128xi32>
    %select_n3A_2119 = arith.select %ne3A_2108, %roll3A_2116, %roll3A_2118 : vector<128x128xi1>, vector<128x128xi32>
    %roll3A_2120 = arith.constant 32 : i32
    %roll3A_2121 = tpu.dynamic_rotate %select_n3A_2102 by %roll3A_2120 dim 1 : vector<128x128xi32>, i32 -> vector<128x128xi32>
    %roll3A_2122 = arith.constant 96 : i32
    %roll3A_2123 = tpu.dynamic_rotate %select_n3A_2102 by %roll3A_2122 dim 1 : vector<128x128xi32>, i32 -> vector<128x128xi32>
    %select_n3A_2124 = arith.select %ne3A_2108, %roll3A_2121, %roll3A_2123 : vector<128x128xi1>, vector<128x128xi32>
    %gt3A_2125 = arith.cmpi sgt, %select_n3A_2101, %select_n3A_2119 : vector<128x128xi32>
    %eq3A_2126 = arith.cmpi eq, %select_n3A_2101, %select_n3A_2119 : vector<128x128xi32>
    %gt3A_2127 = arith.cmpi sgt, %select_n3A_2102, %select_n3A_2124 : vector<128x128xi32>
    %and3A_2128 = arith.andi %eq3A_2126, %gt3A_2127 : vector<128x128xi1>
    %or3A_2129 = arith.ori %gt3A_2125, %and3A_2128 : vector<128x128xi1>
    %eq3A_2130 = arith.xori %ne3A_2108, %eq3A_2114 : vector<128x128xi1>
    %eq3A_2131 = arith.constant dense<true> : vector<128x128xi1>
    %eq3A_2132 = arith.xori %eq3A_2130, %eq3A_2131 : vector<128x128xi1>
    %eq3A_2133 = arith.xori %or3A_2129, %eq3A_2132 : vector<128x128xi1>
    %eq3A_2134 = arith.constant dense<true> : vector<128x128xi1>
    %eq3A_2135 = arith.xori %eq3A_2133, %eq3A_2134 : vector<128x128xi1>
    %select_n3A_2136 = arith.select %eq3A_2135, %select_n3A_2101, %select_n3A_2119 : vector<128x128xi1>, vector<128x128xi32>
    %select_n3A_2137 = arith.select %eq3A_2135, %select_n3A_2102, %select_n3A_2124 : vector<128x128xi1>, vector<128x128xi32>
    %and3A_2138 = arith.constant 16 : i32
    %and3A_2139 = vector.broadcast %and3A_2138 : i32 to vector<128x128xi32>
    %and3A_2140 = arith.andi %add3A, %and3A_2139 : vector<128x128xi32>
    %ne3A_2141 = arith.constant 0 : i32
    %ne3A_2142 = vector.broadcast %ne3A_2141 : i32 to vector<128x128xi32>
    %ne3A_2143 = arith.cmpi ne, %and3A_2140, %ne3A_2142 : vector<128x128xi32>
    %and3A_2144 = arith.constant 2048 : i32
    %and3A_2145 = vector.broadcast %and3A_2144 : i32 to vector<128x128xi32>
    %and3A_2146 = arith.andi %add3A, %and3A_2145 : vector<128x128xi32>
    %eq3A_2147 = arith.constant 0 : i32
    %eq3A_2148 = vector.broadcast %eq3A_2147 : i32 to vector<128x128xi32>
    %eq3A_2149 = arith.cmpi eq, %and3A_2146, %eq3A_2148 : vector<128x128xi32>
    %roll3A_2150 = arith.constant 16 : i32
    %roll3A_2151 = tpu.dynamic_rotate %select_n3A_2136 by %roll3A_2150 dim 1 : vector<128x128xi32>, i32 -> vector<128x128xi32>
    %roll3A_2152 = arith.constant 112 : i32
    %roll3A_2153 = tpu.dynamic_rotate %select_n3A_2136 by %roll3A_2152 dim 1 : vector<128x128xi32>, i32 -> vector<128x128xi32>
    %select_n3A_2154 = arith.select %ne3A_2143, %roll3A_2151, %roll3A_2153 : vector<128x128xi1>, vector<128x128xi32>
    %roll3A_2155 = arith.constant 16 : i32
    %roll3A_2156 = tpu.dynamic_rotate %select_n3A_2137 by %roll3A_2155 dim 1 : vector<128x128xi32>, i32 -> vector<128x128xi32>
    %roll3A_2157 = arith.constant 112 : i32
    %roll3A_2158 = tpu.dynamic_rotate %select_n3A_2137 by %roll3A_2157 dim 1 : vector<128x128xi32>, i32 -> vector<128x128xi32>
    %select_n3A_2159 = arith.select %ne3A_2143, %roll3A_2156, %roll3A_2158 : vector<128x128xi1>, vector<128x128xi32>
    %gt3A_2160 = arith.cmpi sgt, %select_n3A_2136, %select_n3A_2154 : vector<128x128xi32>
    %eq3A_2161 = arith.cmpi eq, %select_n3A_2136, %select_n3A_2154 : vector<128x128xi32>
    %gt3A_2162 = arith.cmpi sgt, %select_n3A_2137, %select_n3A_2159 : vector<128x128xi32>
    %and3A_2163 = arith.andi %eq3A_2161, %gt3A_2162 : vector<128x128xi1>
    %or3A_2164 = arith.ori %gt3A_2160, %and3A_2163 : vector<128x128xi1>
    %eq3A_2165 = arith.xori %ne3A_2143, %eq3A_2149 : vector<128x128xi1>
    %eq3A_2166 = arith.constant dense<true> : vector<128x128xi1>
    %eq3A_2167 = arith.xori %eq3A_2165, %eq3A_2166 : vector<128x128xi1>
    %eq3A_2168 = arith.xori %or3A_2164, %eq3A_2167 : vector<128x128xi1>
    %eq3A_2169 = arith.constant dense<true> : vector<128x128xi1>
    %eq3A_2170 = arith.xori %eq3A_2168, %eq3A_2169 : vector<128x128xi1>
    %select_n3A_2171 = arith.select %eq3A_2170, %select_n3A_2136, %select_n3A_2154 : vector<128x128xi1>, vector<128x128xi32>
    %select_n3A_2172 = arith.select %eq3A_2170, %select_n3A_2137, %select_n3A_2159 : vector<128x128xi1>, vector<128x128xi32>
    %and3A_2173 = arith.constant 8 : i32
    %and3A_2174 = vector.broadcast %and3A_2173 : i32 to vector<128x128xi32>
    %and3A_2175 = arith.andi %add3A, %and3A_2174 : vector<128x128xi32>
    %ne3A_2176 = arith.constant 0 : i32
    %ne3A_2177 = vector.broadcast %ne3A_2176 : i32 to vector<128x128xi32>
    %ne3A_2178 = arith.cmpi ne, %and3A_2175, %ne3A_2177 : vector<128x128xi32>
    %and3A_2179 = arith.constant 2048 : i32
    %and3A_2180 = vector.broadcast %and3A_2179 : i32 to vector<128x128xi32>
    %and3A_2181 = arith.andi %add3A, %and3A_2180 : vector<128x128xi32>
    %eq3A_2182 = arith.constant 0 : i32
    %eq3A_2183 = vector.broadcast %eq3A_2182 : i32 to vector<128x128xi32>
    %eq3A_2184 = arith.cmpi eq, %and3A_2181, %eq3A_2183 : vector<128x128xi32>
    %roll3A_2185 = arith.constant 8 : i32
    %roll3A_2186 = tpu.dynamic_rotate %select_n3A_2171 by %roll3A_2185 dim 1 : vector<128x128xi32>, i32 -> vector<128x128xi32>
    %roll3A_2187 = arith.constant 120 : i32
    %roll3A_2188 = tpu.dynamic_rotate %select_n3A_2171 by %roll3A_2187 dim 1 : vector<128x128xi32>, i32 -> vector<128x128xi32>
    %select_n3A_2189 = arith.select %ne3A_2178, %roll3A_2186, %roll3A_2188 : vector<128x128xi1>, vector<128x128xi32>
    %roll3A_2190 = arith.constant 8 : i32
    %roll3A_2191 = tpu.dynamic_rotate %select_n3A_2172 by %roll3A_2190 dim 1 : vector<128x128xi32>, i32 -> vector<128x128xi32>
    %roll3A_2192 = arith.constant 120 : i32
    %roll3A_2193 = tpu.dynamic_rotate %select_n3A_2172 by %roll3A_2192 dim 1 : vector<128x128xi32>, i32 -> vector<128x128xi32>
    %select_n3A_2194 = arith.select %ne3A_2178, %roll3A_2191, %roll3A_2193 : vector<128x128xi1>, vector<128x128xi32>
    %gt3A_2195 = arith.cmpi sgt, %select_n3A_2171, %select_n3A_2189 : vector<128x128xi32>
    %eq3A_2196 = arith.cmpi eq, %select_n3A_2171, %select_n3A_2189 : vector<128x128xi32>
    %gt3A_2197 = arith.cmpi sgt, %select_n3A_2172, %select_n3A_2194 : vector<128x128xi32>
    %and3A_2198 = arith.andi %eq3A_2196, %gt3A_2197 : vector<128x128xi1>
    %or3A_2199 = arith.ori %gt3A_2195, %and3A_2198 : vector<128x128xi1>
    %eq3A_2200 = arith.xori %ne3A_2178, %eq3A_2184 : vector<128x128xi1>
    %eq3A_2201 = arith.constant dense<true> : vector<128x128xi1>
    %eq3A_2202 = arith.xori %eq3A_2200, %eq3A_2201 : vector<128x128xi1>
    %eq3A_2203 = arith.xori %or3A_2199, %eq3A_2202 : vector<128x128xi1>
    %eq3A_2204 = arith.constant dense<true> : vector<128x128xi1>
    %eq3A_2205 = arith.xori %eq3A_2203, %eq3A_2204 : vector<128x128xi1>
    %select_n3A_2206 = arith.select %eq3A_2205, %select_n3A_2171, %select_n3A_2189 : vector<128x128xi1>, vector<128x128xi32>
    %select_n3A_2207 = arith.select %eq3A_2205, %select_n3A_2172, %select_n3A_2194 : vector<128x128xi1>, vector<128x128xi32>
    %and3A_2208 = arith.constant 4 : i32
    %and3A_2209 = vector.broadcast %and3A_2208 : i32 to vector<128x128xi32>
    %and3A_2210 = arith.andi %add3A, %and3A_2209 : vector<128x128xi32>
    %ne3A_2211 = arith.constant 0 : i32
    %ne3A_2212 = vector.broadcast %ne3A_2211 : i32 to vector<128x128xi32>
    %ne3A_2213 = arith.cmpi ne, %and3A_2210, %ne3A_2212 : vector<128x128xi32>
    %and3A_2214 = arith.constant 2048 : i32
    %and3A_2215 = vector.broadcast %and3A_2214 : i32 to vector<128x128xi32>
    %and3A_2216 = arith.andi %add3A, %and3A_2215 : vector<128x128xi32>
    %eq3A_2217 = arith.constant 0 : i32
    %eq3A_2218 = vector.broadcast %eq3A_2217 : i32 to vector<128x128xi32>
    %eq3A_2219 = arith.cmpi eq, %and3A_2216, %eq3A_2218 : vector<128x128xi32>
    %roll3A_2220 = arith.constant 4 : i32
    %roll3A_2221 = tpu.dynamic_rotate %select_n3A_2206 by %roll3A_2220 dim 1 : vector<128x128xi32>, i32 -> vector<128x128xi32>
    %roll3A_2222 = arith.constant 124 : i32
    %roll3A_2223 = tpu.dynamic_rotate %select_n3A_2206 by %roll3A_2222 dim 1 : vector<128x128xi32>, i32 -> vector<128x128xi32>
    %select_n3A_2224 = arith.select %ne3A_2213, %roll3A_2221, %roll3A_2223 : vector<128x128xi1>, vector<128x128xi32>
    %roll3A_2225 = arith.constant 4 : i32
    %roll3A_2226 = tpu.dynamic_rotate %select_n3A_2207 by %roll3A_2225 dim 1 : vector<128x128xi32>, i32 -> vector<128x128xi32>
    %roll3A_2227 = arith.constant 124 : i32
    %roll3A_2228 = tpu.dynamic_rotate %select_n3A_2207 by %roll3A_2227 dim 1 : vector<128x128xi32>, i32 -> vector<128x128xi32>
    %select_n3A_2229 = arith.select %ne3A_2213, %roll3A_2226, %roll3A_2228 : vector<128x128xi1>, vector<128x128xi32>
    %gt3A_2230 = arith.cmpi sgt, %select_n3A_2206, %select_n3A_2224 : vector<128x128xi32>
    %eq3A_2231 = arith.cmpi eq, %select_n3A_2206, %select_n3A_2224 : vector<128x128xi32>
    %gt3A_2232 = arith.cmpi sgt, %select_n3A_2207, %select_n3A_2229 : vector<128x128xi32>
    %and3A_2233 = arith.andi %eq3A_2231, %gt3A_2232 : vector<128x128xi1>
    %or3A_2234 = arith.ori %gt3A_2230, %and3A_2233 : vector<128x128xi1>
    %eq3A_2235 = arith.xori %ne3A_2213, %eq3A_2219 : vector<128x128xi1>
    %eq3A_2236 = arith.constant dense<true> : vector<128x128xi1>
    %eq3A_2237 = arith.xori %eq3A_2235, %eq3A_2236 : vector<128x128xi1>
    %eq3A_2238 = arith.xori %or3A_2234, %eq3A_2237 : vector<128x128xi1>
    %eq3A_2239 = arith.constant dense<true> : vector<128x128xi1>
    %eq3A_2240 = arith.xori %eq3A_2238, %eq3A_2239 : vector<128x128xi1>
    %select_n3A_2241 = arith.select %eq3A_2240, %select_n3A_2206, %select_n3A_2224 : vector<128x128xi1>, vector<128x128xi32>
    %select_n3A_2242 = arith.select %eq3A_2240, %select_n3A_2207, %select_n3A_2229 : vector<128x128xi1>, vector<128x128xi32>
    %and3A_2243 = arith.constant 2 : i32
    %and3A_2244 = vector.broadcast %and3A_2243 : i32 to vector<128x128xi32>
    %and3A_2245 = arith.andi %add3A, %and3A_2244 : vector<128x128xi32>
    %ne3A_2246 = arith.constant 0 : i32
    %ne3A_2247 = vector.broadcast %ne3A_2246 : i32 to vector<128x128xi32>
    %ne3A_2248 = arith.cmpi ne, %and3A_2245, %ne3A_2247 : vector<128x128xi32>
    %and3A_2249 = arith.constant 2048 : i32
    %and3A_2250 = vector.broadcast %and3A_2249 : i32 to vector<128x128xi32>
    %and3A_2251 = arith.andi %add3A, %and3A_2250 : vector<128x128xi32>
    %eq3A_2252 = arith.constant 0 : i32
    %eq3A_2253 = vector.broadcast %eq3A_2252 : i32 to vector<128x128xi32>
    %eq3A_2254 = arith.cmpi eq, %and3A_2251, %eq3A_2253 : vector<128x128xi32>
    %roll3A_2255 = arith.constant 2 : i32
    %roll3A_2256 = tpu.dynamic_rotate %select_n3A_2241 by %roll3A_2255 dim 1 : vector<128x128xi32>, i32 -> vector<128x128xi32>
    %roll3A_2257 = arith.constant 126 : i32
    %roll3A_2258 = tpu.dynamic_rotate %select_n3A_2241 by %roll3A_2257 dim 1 : vector<128x128xi32>, i32 -> vector<128x128xi32>
    %select_n3A_2259 = arith.select %ne3A_2248, %roll3A_2256, %roll3A_2258 : vector<128x128xi1>, vector<128x128xi32>
    %roll3A_2260 = arith.constant 2 : i32
    %roll3A_2261 = tpu.dynamic_rotate %select_n3A_2242 by %roll3A_2260 dim 1 : vector<128x128xi32>, i32 -> vector<128x128xi32>
    %roll3A_2262 = arith.constant 126 : i32
    %roll3A_2263 = tpu.dynamic_rotate %select_n3A_2242 by %roll3A_2262 dim 1 : vector<128x128xi32>, i32 -> vector<128x128xi32>
    %select_n3A_2264 = arith.select %ne3A_2248, %roll3A_2261, %roll3A_2263 : vector<128x128xi1>, vector<128x128xi32>
    %gt3A_2265 = arith.cmpi sgt, %select_n3A_2241, %select_n3A_2259 : vector<128x128xi32>
    %eq3A_2266 = arith.cmpi eq, %select_n3A_2241, %select_n3A_2259 : vector<128x128xi32>
    %gt3A_2267 = arith.cmpi sgt, %select_n3A_2242, %select_n3A_2264 : vector<128x128xi32>
    %and3A_2268 = arith.andi %eq3A_2266, %gt3A_2267 : vector<128x128xi1>
    %or3A_2269 = arith.ori %gt3A_2265, %and3A_2268 : vector<128x128xi1>
    %eq3A_2270 = arith.xori %ne3A_2248, %eq3A_2254 : vector<128x128xi1>
    %eq3A_2271 = arith.constant dense<true> : vector<128x128xi1>
    %eq3A_2272 = arith.xori %eq3A_2270, %eq3A_2271 : vector<128x128xi1>
    %eq3A_2273 = arith.xori %or3A_2269, %eq3A_2272 : vector<128x128xi1>
    %eq3A_2274 = arith.constant dense<true> : vector<128x128xi1>
    %eq3A_2275 = arith.xori %eq3A_2273, %eq3A_2274 : vector<128x128xi1>
    %select_n3A_2276 = arith.select %eq3A_2275, %select_n3A_2241, %select_n3A_2259 : vector<128x128xi1>, vector<128x128xi32>
    %select_n3A_2277 = arith.select %eq3A_2275, %select_n3A_2242, %select_n3A_2264 : vector<128x128xi1>, vector<128x128xi32>
    %and3A_2278 = arith.constant 1 : i32
    %and3A_2279 = vector.broadcast %and3A_2278 : i32 to vector<128x128xi32>
    %and3A_2280 = arith.andi %add3A, %and3A_2279 : vector<128x128xi32>
    %ne3A_2281 = arith.constant 0 : i32
    %ne3A_2282 = vector.broadcast %ne3A_2281 : i32 to vector<128x128xi32>
    %ne3A_2283 = arith.cmpi ne, %and3A_2280, %ne3A_2282 : vector<128x128xi32>
    %and3A_2284 = arith.constant 2048 : i32
    %and3A_2285 = vector.broadcast %and3A_2284 : i32 to vector<128x128xi32>
    %and3A_2286 = arith.andi %add3A, %and3A_2285 : vector<128x128xi32>
    %eq3A_2287 = arith.constant 0 : i32
    %eq3A_2288 = vector.broadcast %eq3A_2287 : i32 to vector<128x128xi32>
    %eq3A_2289 = arith.cmpi eq, %and3A_2286, %eq3A_2288 : vector<128x128xi32>
    %roll3A_2290 = arith.constant 1 : i32
    %roll3A_2291 = tpu.dynamic_rotate %select_n3A_2276 by %roll3A_2290 dim 1 : vector<128x128xi32>, i32 -> vector<128x128xi32>
    %roll3A_2292 = arith.constant 127 : i32
    %roll3A_2293 = tpu.dynamic_rotate %select_n3A_2276 by %roll3A_2292 dim 1 : vector<128x128xi32>, i32 -> vector<128x128xi32>
    %select_n3A_2294 = arith.select %ne3A_2283, %roll3A_2291, %roll3A_2293 : vector<128x128xi1>, vector<128x128xi32>
    %roll3A_2295 = arith.constant 1 : i32
    %roll3A_2296 = tpu.dynamic_rotate %select_n3A_2277 by %roll3A_2295 dim 1 : vector<128x128xi32>, i32 -> vector<128x128xi32>
    %roll3A_2297 = arith.constant 127 : i32
    %roll3A_2298 = tpu.dynamic_rotate %select_n3A_2277 by %roll3A_2297 dim 1 : vector<128x128xi32>, i32 -> vector<128x128xi32>
    %select_n3A_2299 = arith.select %ne3A_2283, %roll3A_2296, %roll3A_2298 : vector<128x128xi1>, vector<128x128xi32>
    %gt3A_2300 = arith.cmpi sgt, %select_n3A_2276, %select_n3A_2294 : vector<128x128xi32>
    %eq3A_2301 = arith.cmpi eq, %select_n3A_2276, %select_n3A_2294 : vector<128x128xi32>
    %gt3A_2302 = arith.cmpi sgt, %select_n3A_2277, %select_n3A_2299 : vector<128x128xi32>
    %and3A_2303 = arith.andi %eq3A_2301, %gt3A_2302 : vector<128x128xi1>
    %or3A_2304 = arith.ori %gt3A_2300, %and3A_2303 : vector<128x128xi1>
    %eq3A_2305 = arith.xori %ne3A_2283, %eq3A_2289 : vector<128x128xi1>
    %eq3A_2306 = arith.constant dense<true> : vector<128x128xi1>
    %eq3A_2307 = arith.xori %eq3A_2305, %eq3A_2306 : vector<128x128xi1>
    %eq3A_2308 = arith.xori %or3A_2304, %eq3A_2307 : vector<128x128xi1>
    %eq3A_2309 = arith.constant dense<true> : vector<128x128xi1>
    %eq3A_2310 = arith.xori %eq3A_2308, %eq3A_2309 : vector<128x128xi1>
    %select_n3A_2311 = arith.select %eq3A_2310, %select_n3A_2276, %select_n3A_2294 : vector<128x128xi1>, vector<128x128xi32>
    %select_n3A_2312 = arith.select %eq3A_2310, %select_n3A_2277, %select_n3A_2299 : vector<128x128xi1>, vector<128x128xi32>
    %and3A_2313 = arith.constant 2048 : i32
    %and3A_2314 = vector.broadcast %and3A_2313 : i32 to vector<128x128xi32>
    %and3A_2315 = arith.andi %add3A, %and3A_2314 : vector<128x128xi32>
    %ne3A_2316 = arith.constant 0 : i32
    %ne3A_2317 = vector.broadcast %ne3A_2316 : i32 to vector<128x128xi32>
    %ne3A_2318 = arith.cmpi ne, %and3A_2315, %ne3A_2317 : vector<128x128xi32>
    %and3A_2319 = arith.constant 4096 : i32
    %and3A_2320 = vector.broadcast %and3A_2319 : i32 to vector<128x128xi32>
    %and3A_2321 = arith.andi %add3A, %and3A_2320 : vector<128x128xi32>
    %eq3A_2322 = arith.constant 0 : i32
    %eq3A_2323 = vector.broadcast %eq3A_2322 : i32 to vector<128x128xi32>
    %eq3A_2324 = arith.cmpi eq, %and3A_2321, %eq3A_2323 : vector<128x128xi32>
    %roll3A_2325 = arith.constant 16 : i32
    %roll3A_2326 = tpu.dynamic_rotate %select_n3A_2311 by %roll3A_2325 dim 0 : vector<128x128xi32>, i32 -> vector<128x128xi32>
    %roll3A_2327 = arith.constant 112 : i32
    %roll3A_2328 = tpu.dynamic_rotate %select_n3A_2311 by %roll3A_2327 dim 0 : vector<128x128xi32>, i32 -> vector<128x128xi32>
    %select_n3A_2329 = arith.select %ne3A_2318, %roll3A_2326, %roll3A_2328 : vector<128x128xi1>, vector<128x128xi32>
    %roll3A_2330 = arith.constant 16 : i32
    %roll3A_2331 = tpu.dynamic_rotate %select_n3A_2312 by %roll3A_2330 dim 0 : vector<128x128xi32>, i32 -> vector<128x128xi32>
    %roll3A_2332 = arith.constant 112 : i32
    %roll3A_2333 = tpu.dynamic_rotate %select_n3A_2312 by %roll3A_2332 dim 0 : vector<128x128xi32>, i32 -> vector<128x128xi32>
    %select_n3A_2334 = arith.select %ne3A_2318, %roll3A_2331, %roll3A_2333 : vector<128x128xi1>, vector<128x128xi32>
    %gt3A_2335 = arith.cmpi sgt, %select_n3A_2311, %select_n3A_2329 : vector<128x128xi32>
    %eq3A_2336 = arith.cmpi eq, %select_n3A_2311, %select_n3A_2329 : vector<128x128xi32>
    %gt3A_2337 = arith.cmpi sgt, %select_n3A_2312, %select_n3A_2334 : vector<128x128xi32>
    %and3A_2338 = arith.andi %eq3A_2336, %gt3A_2337 : vector<128x128xi1>
    %or3A_2339 = arith.ori %gt3A_2335, %and3A_2338 : vector<128x128xi1>
    %eq3A_2340 = arith.xori %ne3A_2318, %eq3A_2324 : vector<128x128xi1>
    %eq3A_2341 = arith.constant dense<true> : vector<128x128xi1>
    %eq3A_2342 = arith.xori %eq3A_2340, %eq3A_2341 : vector<128x128xi1>
    %eq3A_2343 = arith.xori %or3A_2339, %eq3A_2342 : vector<128x128xi1>
    %eq3A_2344 = arith.constant dense<true> : vector<128x128xi1>
    %eq3A_2345 = arith.xori %eq3A_2343, %eq3A_2344 : vector<128x128xi1>
    %select_n3A_2346 = arith.select %eq3A_2345, %select_n3A_2311, %select_n3A_2329 : vector<128x128xi1>, vector<128x128xi32>
    %select_n3A_2347 = arith.select %eq3A_2345, %select_n3A_2312, %select_n3A_2334 : vector<128x128xi1>, vector<128x128xi32>
    %and3A_2348 = arith.constant 1024 : i32
    %and3A_2349 = vector.broadcast %and3A_2348 : i32 to vector<128x128xi32>
    %and3A_2350 = arith.andi %add3A, %and3A_2349 : vector<128x128xi32>
    %ne3A_2351 = arith.constant 0 : i32
    %ne3A_2352 = vector.broadcast %ne3A_2351 : i32 to vector<128x128xi32>
    %ne3A_2353 = arith.cmpi ne, %and3A_2350, %ne3A_2352 : vector<128x128xi32>
    %and3A_2354 = arith.constant 4096 : i32
    %and3A_2355 = vector.broadcast %and3A_2354 : i32 to vector<128x128xi32>
    %and3A_2356 = arith.andi %add3A, %and3A_2355 : vector<128x128xi32>
    %eq3A_2357 = arith.constant 0 : i32
    %eq3A_2358 = vector.broadcast %eq3A_2357 : i32 to vector<128x128xi32>
    %eq3A_2359 = arith.cmpi eq, %and3A_2356, %eq3A_2358 : vector<128x128xi32>
    %roll3A_2360 = arith.constant 8 : i32
    %roll3A_2361 = tpu.dynamic_rotate %select_n3A_2346 by %roll3A_2360 dim 0 : vector<128x128xi32>, i32 -> vector<128x128xi32>
    %roll3A_2362 = arith.constant 120 : i32
    %roll3A_2363 = tpu.dynamic_rotate %select_n3A_2346 by %roll3A_2362 dim 0 : vector<128x128xi32>, i32 -> vector<128x128xi32>
    %select_n3A_2364 = arith.select %ne3A_2353, %roll3A_2361, %roll3A_2363 : vector<128x128xi1>, vector<128x128xi32>
    %roll3A_2365 = arith.constant 8 : i32
    %roll3A_2366 = tpu.dynamic_rotate %select_n3A_2347 by %roll3A_2365 dim 0 : vector<128x128xi32>, i32 -> vector<128x128xi32>
    %roll3A_2367 = arith.constant 120 : i32
    %roll3A_2368 = tpu.dynamic_rotate %select_n3A_2347 by %roll3A_2367 dim 0 : vector<128x128xi32>, i32 -> vector<128x128xi32>
    %select_n3A_2369 = arith.select %ne3A_2353, %roll3A_2366, %roll3A_2368 : vector<128x128xi1>, vector<128x128xi32>
    %gt3A_2370 = arith.cmpi sgt, %select_n3A_2346, %select_n3A_2364 : vector<128x128xi32>
    %eq3A_2371 = arith.cmpi eq, %select_n3A_2346, %select_n3A_2364 : vector<128x128xi32>
    %gt3A_2372 = arith.cmpi sgt, %select_n3A_2347, %select_n3A_2369 : vector<128x128xi32>
    %and3A_2373 = arith.andi %eq3A_2371, %gt3A_2372 : vector<128x128xi1>
    %or3A_2374 = arith.ori %gt3A_2370, %and3A_2373 : vector<128x128xi1>
    %eq3A_2375 = arith.xori %ne3A_2353, %eq3A_2359 : vector<128x128xi1>
    %eq3A_2376 = arith.constant dense<true> : vector<128x128xi1>
    %eq3A_2377 = arith.xori %eq3A_2375, %eq3A_2376 : vector<128x128xi1>
    %eq3A_2378 = arith.xori %or3A_2374, %eq3A_2377 : vector<128x128xi1>
    %eq3A_2379 = arith.constant dense<true> : vector<128x128xi1>
    %eq3A_2380 = arith.xori %eq3A_2378, %eq3A_2379 : vector<128x128xi1>
    %select_n3A_2381 = arith.select %eq3A_2380, %select_n3A_2346, %select_n3A_2364 : vector<128x128xi1>, vector<128x128xi32>
    %select_n3A_2382 = arith.select %eq3A_2380, %select_n3A_2347, %select_n3A_2369 : vector<128x128xi1>, vector<128x128xi32>
    %and3A_2383 = arith.constant 512 : i32
    %and3A_2384 = vector.broadcast %and3A_2383 : i32 to vector<128x128xi32>
    %and3A_2385 = arith.andi %add3A, %and3A_2384 : vector<128x128xi32>
    %ne3A_2386 = arith.constant 0 : i32
    %ne3A_2387 = vector.broadcast %ne3A_2386 : i32 to vector<128x128xi32>
    %ne3A_2388 = arith.cmpi ne, %and3A_2385, %ne3A_2387 : vector<128x128xi32>
    %and3A_2389 = arith.constant 4096 : i32
    %and3A_2390 = vector.broadcast %and3A_2389 : i32 to vector<128x128xi32>
    %and3A_2391 = arith.andi %add3A, %and3A_2390 : vector<128x128xi32>
    %eq3A_2392 = arith.constant 0 : i32
    %eq3A_2393 = vector.broadcast %eq3A_2392 : i32 to vector<128x128xi32>
    %eq3A_2394 = arith.cmpi eq, %and3A_2391, %eq3A_2393 : vector<128x128xi32>
    %roll3A_2395 = arith.constant 4 : i32
    %roll3A_2396 = tpu.dynamic_rotate %select_n3A_2381 by %roll3A_2395 dim 0 : vector<128x128xi32>, i32 -> vector<128x128xi32>
    %roll3A_2397 = arith.constant 124 : i32
    %roll3A_2398 = tpu.dynamic_rotate %select_n3A_2381 by %roll3A_2397 dim 0 : vector<128x128xi32>, i32 -> vector<128x128xi32>
    %select_n3A_2399 = arith.select %ne3A_2388, %roll3A_2396, %roll3A_2398 : vector<128x128xi1>, vector<128x128xi32>
    %roll3A_2400 = arith.constant 4 : i32
    %roll3A_2401 = tpu.dynamic_rotate %select_n3A_2382 by %roll3A_2400 dim 0 : vector<128x128xi32>, i32 -> vector<128x128xi32>
    %roll3A_2402 = arith.constant 124 : i32
    %roll3A_2403 = tpu.dynamic_rotate %select_n3A_2382 by %roll3A_2402 dim 0 : vector<128x128xi32>, i32 -> vector<128x128xi32>
    %select_n3A_2404 = arith.select %ne3A_2388, %roll3A_2401, %roll3A_2403 : vector<128x128xi1>, vector<128x128xi32>
    %gt3A_2405 = arith.cmpi sgt, %select_n3A_2381, %select_n3A_2399 : vector<128x128xi32>
    %eq3A_2406 = arith.cmpi eq, %select_n3A_2381, %select_n3A_2399 : vector<128x128xi32>
    %gt3A_2407 = arith.cmpi sgt, %select_n3A_2382, %select_n3A_2404 : vector<128x128xi32>
    %and3A_2408 = arith.andi %eq3A_2406, %gt3A_2407 : vector<128x128xi1>
    %or3A_2409 = arith.ori %gt3A_2405, %and3A_2408 : vector<128x128xi1>
    %eq3A_2410 = arith.xori %ne3A_2388, %eq3A_2394 : vector<128x128xi1>
    %eq3A_2411 = arith.constant dense<true> : vector<128x128xi1>
    %eq3A_2412 = arith.xori %eq3A_2410, %eq3A_2411 : vector<128x128xi1>
    %eq3A_2413 = arith.xori %or3A_2409, %eq3A_2412 : vector<128x128xi1>
    %eq3A_2414 = arith.constant dense<true> : vector<128x128xi1>
    %eq3A_2415 = arith.xori %eq3A_2413, %eq3A_2414 : vector<128x128xi1>
    %select_n3A_2416 = arith.select %eq3A_2415, %select_n3A_2381, %select_n3A_2399 : vector<128x128xi1>, vector<128x128xi32>
    %select_n3A_2417 = arith.select %eq3A_2415, %select_n3A_2382, %select_n3A_2404 : vector<128x128xi1>, vector<128x128xi32>
    %and3A_2418 = arith.constant 256 : i32
    %and3A_2419 = vector.broadcast %and3A_2418 : i32 to vector<128x128xi32>
    %and3A_2420 = arith.andi %add3A, %and3A_2419 : vector<128x128xi32>
    %ne3A_2421 = arith.constant 0 : i32
    %ne3A_2422 = vector.broadcast %ne3A_2421 : i32 to vector<128x128xi32>
    %ne3A_2423 = arith.cmpi ne, %and3A_2420, %ne3A_2422 : vector<128x128xi32>
    %and3A_2424 = arith.constant 4096 : i32
    %and3A_2425 = vector.broadcast %and3A_2424 : i32 to vector<128x128xi32>
    %and3A_2426 = arith.andi %add3A, %and3A_2425 : vector<128x128xi32>
    %eq3A_2427 = arith.constant 0 : i32
    %eq3A_2428 = vector.broadcast %eq3A_2427 : i32 to vector<128x128xi32>
    %eq3A_2429 = arith.cmpi eq, %and3A_2426, %eq3A_2428 : vector<128x128xi32>
    %roll3A_2430 = arith.constant 2 : i32
    %roll3A_2431 = tpu.dynamic_rotate %select_n3A_2416 by %roll3A_2430 dim 0 : vector<128x128xi32>, i32 -> vector<128x128xi32>
    %roll3A_2432 = arith.constant 126 : i32
    %roll3A_2433 = tpu.dynamic_rotate %select_n3A_2416 by %roll3A_2432 dim 0 : vector<128x128xi32>, i32 -> vector<128x128xi32>
    %select_n3A_2434 = arith.select %ne3A_2423, %roll3A_2431, %roll3A_2433 : vector<128x128xi1>, vector<128x128xi32>
    %roll3A_2435 = arith.constant 2 : i32
    %roll3A_2436 = tpu.dynamic_rotate %select_n3A_2417 by %roll3A_2435 dim 0 : vector<128x128xi32>, i32 -> vector<128x128xi32>
    %roll3A_2437 = arith.constant 126 : i32
    %roll3A_2438 = tpu.dynamic_rotate %select_n3A_2417 by %roll3A_2437 dim 0 : vector<128x128xi32>, i32 -> vector<128x128xi32>
    %select_n3A_2439 = arith.select %ne3A_2423, %roll3A_2436, %roll3A_2438 : vector<128x128xi1>, vector<128x128xi32>
    %gt3A_2440 = arith.cmpi sgt, %select_n3A_2416, %select_n3A_2434 : vector<128x128xi32>
    %eq3A_2441 = arith.cmpi eq, %select_n3A_2416, %select_n3A_2434 : vector<128x128xi32>
    %gt3A_2442 = arith.cmpi sgt, %select_n3A_2417, %select_n3A_2439 : vector<128x128xi32>
    %and3A_2443 = arith.andi %eq3A_2441, %gt3A_2442 : vector<128x128xi1>
    %or3A_2444 = arith.ori %gt3A_2440, %and3A_2443 : vector<128x128xi1>
    %eq3A_2445 = arith.xori %ne3A_2423, %eq3A_2429 : vector<128x128xi1>
    %eq3A_2446 = arith.constant dense<true> : vector<128x128xi1>
    %eq3A_2447 = arith.xori %eq3A_2445, %eq3A_2446 : vector<128x128xi1>
    %eq3A_2448 = arith.xori %or3A_2444, %eq3A_2447 : vector<128x128xi1>
    %eq3A_2449 = arith.constant dense<true> : vector<128x128xi1>
    %eq3A_2450 = arith.xori %eq3A_2448, %eq3A_2449 : vector<128x128xi1>
    %select_n3A_2451 = arith.select %eq3A_2450, %select_n3A_2416, %select_n3A_2434 : vector<128x128xi1>, vector<128x128xi32>
    %select_n3A_2452 = arith.select %eq3A_2450, %select_n3A_2417, %select_n3A_2439 : vector<128x128xi1>, vector<128x128xi32>
    %and3A_2453 = arith.constant 128 : i32
    %and3A_2454 = vector.broadcast %and3A_2453 : i32 to vector<128x128xi32>
    %and3A_2455 = arith.andi %add3A, %and3A_2454 : vector<128x128xi32>
    %ne3A_2456 = arith.constant 0 : i32
    %ne3A_2457 = vector.broadcast %ne3A_2456 : i32 to vector<128x128xi32>
    %ne3A_2458 = arith.cmpi ne, %and3A_2455, %ne3A_2457 : vector<128x128xi32>
    %and3A_2459 = arith.constant 4096 : i32
    %and3A_2460 = vector.broadcast %and3A_2459 : i32 to vector<128x128xi32>
    %and3A_2461 = arith.andi %add3A, %and3A_2460 : vector<128x128xi32>
    %eq3A_2462 = arith.constant 0 : i32
    %eq3A_2463 = vector.broadcast %eq3A_2462 : i32 to vector<128x128xi32>
    %eq3A_2464 = arith.cmpi eq, %and3A_2461, %eq3A_2463 : vector<128x128xi32>
    %roll3A_2465 = arith.constant 1 : i32
    %roll3A_2466 = tpu.dynamic_rotate %select_n3A_2451 by %roll3A_2465 dim 0 : vector<128x128xi32>, i32 -> vector<128x128xi32>
    %roll3A_2467 = arith.constant 127 : i32
    %roll3A_2468 = tpu.dynamic_rotate %select_n3A_2451 by %roll3A_2467 dim 0 : vector<128x128xi32>, i32 -> vector<128x128xi32>
    %select_n3A_2469 = arith.select %ne3A_2458, %roll3A_2466, %roll3A_2468 : vector<128x128xi1>, vector<128x128xi32>
    %roll3A_2470 = arith.constant 1 : i32
    %roll3A_2471 = tpu.dynamic_rotate %select_n3A_2452 by %roll3A_2470 dim 0 : vector<128x128xi32>, i32 -> vector<128x128xi32>
    %roll3A_2472 = arith.constant 127 : i32
    %roll3A_2473 = tpu.dynamic_rotate %select_n3A_2452 by %roll3A_2472 dim 0 : vector<128x128xi32>, i32 -> vector<128x128xi32>
    %select_n3A_2474 = arith.select %ne3A_2458, %roll3A_2471, %roll3A_2473 : vector<128x128xi1>, vector<128x128xi32>
    %gt3A_2475 = arith.cmpi sgt, %select_n3A_2451, %select_n3A_2469 : vector<128x128xi32>
    %eq3A_2476 = arith.cmpi eq, %select_n3A_2451, %select_n3A_2469 : vector<128x128xi32>
    %gt3A_2477 = arith.cmpi sgt, %select_n3A_2452, %select_n3A_2474 : vector<128x128xi32>
    %and3A_2478 = arith.andi %eq3A_2476, %gt3A_2477 : vector<128x128xi1>
    %or3A_2479 = arith.ori %gt3A_2475, %and3A_2478 : vector<128x128xi1>
    %eq3A_2480 = arith.xori %ne3A_2458, %eq3A_2464 : vector<128x128xi1>
    %eq3A_2481 = arith.constant dense<true> : vector<128x128xi1>
    %eq3A_2482 = arith.xori %eq3A_2480, %eq3A_2481 : vector<128x128xi1>
    %eq3A_2483 = arith.xori %or3A_2479, %eq3A_2482 : vector<128x128xi1>
    %eq3A_2484 = arith.constant dense<true> : vector<128x128xi1>
    %eq3A_2485 = arith.xori %eq3A_2483, %eq3A_2484 : vector<128x128xi1>
    %select_n3A_2486 = arith.select %eq3A_2485, %select_n3A_2451, %select_n3A_2469 : vector<128x128xi1>, vector<128x128xi32>
    %select_n3A_2487 = arith.select %eq3A_2485, %select_n3A_2452, %select_n3A_2474 : vector<128x128xi1>, vector<128x128xi32>
    %and3A_2488 = arith.constant 64 : i32
    %and3A_2489 = vector.broadcast %and3A_2488 : i32 to vector<128x128xi32>
    %and3A_2490 = arith.andi %add3A, %and3A_2489 : vector<128x128xi32>
    %ne3A_2491 = arith.constant 0 : i32
    %ne3A_2492 = vector.broadcast %ne3A_2491 : i32 to vector<128x128xi32>
    %ne3A_2493 = arith.cmpi ne, %and3A_2490, %ne3A_2492 : vector<128x128xi32>
    %and3A_2494 = arith.constant 4096 : i32
    %and3A_2495 = vector.broadcast %and3A_2494 : i32 to vector<128x128xi32>
    %and3A_2496 = arith.andi %add3A, %and3A_2495 : vector<128x128xi32>
    %eq3A_2497 = arith.constant 0 : i32
    %eq3A_2498 = vector.broadcast %eq3A_2497 : i32 to vector<128x128xi32>
    %eq3A_2499 = arith.cmpi eq, %and3A_2496, %eq3A_2498 : vector<128x128xi32>
    %roll3A_2500 = arith.constant 64 : i32
    %roll3A_2501 = tpu.dynamic_rotate %select_n3A_2486 by %roll3A_2500 dim 1 : vector<128x128xi32>, i32 -> vector<128x128xi32>
    %roll3A_2502 = arith.constant 64 : i32
    %roll3A_2503 = tpu.dynamic_rotate %select_n3A_2486 by %roll3A_2502 dim 1 : vector<128x128xi32>, i32 -> vector<128x128xi32>
    %select_n3A_2504 = arith.select %ne3A_2493, %roll3A_2501, %roll3A_2503 : vector<128x128xi1>, vector<128x128xi32>
    %roll3A_2505 = arith.constant 64 : i32
    %roll3A_2506 = tpu.dynamic_rotate %select_n3A_2487 by %roll3A_2505 dim 1 : vector<128x128xi32>, i32 -> vector<128x128xi32>
    %roll3A_2507 = arith.constant 64 : i32
    %roll3A_2508 = tpu.dynamic_rotate %select_n3A_2487 by %roll3A_2507 dim 1 : vector<128x128xi32>, i32 -> vector<128x128xi32>
    %select_n3A_2509 = arith.select %ne3A_2493, %roll3A_2506, %roll3A_2508 : vector<128x128xi1>, vector<128x128xi32>
    %gt3A_2510 = arith.cmpi sgt, %select_n3A_2486, %select_n3A_2504 : vector<128x128xi32>
    %eq3A_2511 = arith.cmpi eq, %select_n3A_2486, %select_n3A_2504 : vector<128x128xi32>
    %gt3A_2512 = arith.cmpi sgt, %select_n3A_2487, %select_n3A_2509 : vector<128x128xi32>
    %and3A_2513 = arith.andi %eq3A_2511, %gt3A_2512 : vector<128x128xi1>
    %or3A_2514 = arith.ori %gt3A_2510, %and3A_2513 : vector<128x128xi1>
    %eq3A_2515 = arith.xori %ne3A_2493, %eq3A_2499 : vector<128x128xi1>
    %eq3A_2516 = arith.constant dense<true> : vector<128x128xi1>
    %eq3A_2517 = arith.xori %eq3A_2515, %eq3A_2516 : vector<128x128xi1>
    %eq3A_2518 = arith.xori %or3A_2514, %eq3A_2517 : vector<128x128xi1>
    %eq3A_2519 = arith.constant dense<true> : vector<128x128xi1>
    %eq3A_2520 = arith.xori %eq3A_2518, %eq3A_2519 : vector<128x128xi1>
    %select_n3A_2521 = arith.select %eq3A_2520, %select_n3A_2486, %select_n3A_2504 : vector<128x128xi1>, vector<128x128xi32>
    %select_n3A_2522 = arith.select %eq3A_2520, %select_n3A_2487, %select_n3A_2509 : vector<128x128xi1>, vector<128x128xi32>
    %and3A_2523 = arith.constant 32 : i32
    %and3A_2524 = vector.broadcast %and3A_2523 : i32 to vector<128x128xi32>
    %and3A_2525 = arith.andi %add3A, %and3A_2524 : vector<128x128xi32>
    %ne3A_2526 = arith.constant 0 : i32
    %ne3A_2527 = vector.broadcast %ne3A_2526 : i32 to vector<128x128xi32>
    %ne3A_2528 = arith.cmpi ne, %and3A_2525, %ne3A_2527 : vector<128x128xi32>
    %and3A_2529 = arith.constant 4096 : i32
    %and3A_2530 = vector.broadcast %and3A_2529 : i32 to vector<128x128xi32>
    %and3A_2531 = arith.andi %add3A, %and3A_2530 : vector<128x128xi32>
    %eq3A_2532 = arith.constant 0 : i32
    %eq3A_2533 = vector.broadcast %eq3A_2532 : i32 to vector<128x128xi32>
    %eq3A_2534 = arith.cmpi eq, %and3A_2531, %eq3A_2533 : vector<128x128xi32>
    %roll3A_2535 = arith.constant 32 : i32
    %roll3A_2536 = tpu.dynamic_rotate %select_n3A_2521 by %roll3A_2535 dim 1 : vector<128x128xi32>, i32 -> vector<128x128xi32>
    %roll3A_2537 = arith.constant 96 : i32
    %roll3A_2538 = tpu.dynamic_rotate %select_n3A_2521 by %roll3A_2537 dim 1 : vector<128x128xi32>, i32 -> vector<128x128xi32>
    %select_n3A_2539 = arith.select %ne3A_2528, %roll3A_2536, %roll3A_2538 : vector<128x128xi1>, vector<128x128xi32>
    %roll3A_2540 = arith.constant 32 : i32
    %roll3A_2541 = tpu.dynamic_rotate %select_n3A_2522 by %roll3A_2540 dim 1 : vector<128x128xi32>, i32 -> vector<128x128xi32>
    %roll3A_2542 = arith.constant 96 : i32
    %roll3A_2543 = tpu.dynamic_rotate %select_n3A_2522 by %roll3A_2542 dim 1 : vector<128x128xi32>, i32 -> vector<128x128xi32>
    %select_n3A_2544 = arith.select %ne3A_2528, %roll3A_2541, %roll3A_2543 : vector<128x128xi1>, vector<128x128xi32>
    %gt3A_2545 = arith.cmpi sgt, %select_n3A_2521, %select_n3A_2539 : vector<128x128xi32>
    %eq3A_2546 = arith.cmpi eq, %select_n3A_2521, %select_n3A_2539 : vector<128x128xi32>
    %gt3A_2547 = arith.cmpi sgt, %select_n3A_2522, %select_n3A_2544 : vector<128x128xi32>
    %and3A_2548 = arith.andi %eq3A_2546, %gt3A_2547 : vector<128x128xi1>
    %or3A_2549 = arith.ori %gt3A_2545, %and3A_2548 : vector<128x128xi1>
    %eq3A_2550 = arith.xori %ne3A_2528, %eq3A_2534 : vector<128x128xi1>
    %eq3A_2551 = arith.constant dense<true> : vector<128x128xi1>
    %eq3A_2552 = arith.xori %eq3A_2550, %eq3A_2551 : vector<128x128xi1>
    %eq3A_2553 = arith.xori %or3A_2549, %eq3A_2552 : vector<128x128xi1>
    %eq3A_2554 = arith.constant dense<true> : vector<128x128xi1>
    %eq3A_2555 = arith.xori %eq3A_2553, %eq3A_2554 : vector<128x128xi1>
    %select_n3A_2556 = arith.select %eq3A_2555, %select_n3A_2521, %select_n3A_2539 : vector<128x128xi1>, vector<128x128xi32>
    %select_n3A_2557 = arith.select %eq3A_2555, %select_n3A_2522, %select_n3A_2544 : vector<128x128xi1>, vector<128x128xi32>
    %and3A_2558 = arith.constant 16 : i32
    %and3A_2559 = vector.broadcast %and3A_2558 : i32 to vector<128x128xi32>
    %and3A_2560 = arith.andi %add3A, %and3A_2559 : vector<128x128xi32>
    %ne3A_2561 = arith.constant 0 : i32
    %ne3A_2562 = vector.broadcast %ne3A_2561 : i32 to vector<128x128xi32>
    %ne3A_2563 = arith.cmpi ne, %and3A_2560, %ne3A_2562 : vector<128x128xi32>
    %and3A_2564 = arith.constant 4096 : i32
    %and3A_2565 = vector.broadcast %and3A_2564 : i32 to vector<128x128xi32>
    %and3A_2566 = arith.andi %add3A, %and3A_2565 : vector<128x128xi32>
    %eq3A_2567 = arith.constant 0 : i32
    %eq3A_2568 = vector.broadcast %eq3A_2567 : i32 to vector<128x128xi32>
    %eq3A_2569 = arith.cmpi eq, %and3A_2566, %eq3A_2568 : vector<128x128xi32>
    %roll3A_2570 = arith.constant 16 : i32
    %roll3A_2571 = tpu.dynamic_rotate %select_n3A_2556 by %roll3A_2570 dim 1 : vector<128x128xi32>, i32 -> vector<128x128xi32>
    %roll3A_2572 = arith.constant 112 : i32
    %roll3A_2573 = tpu.dynamic_rotate %select_n3A_2556 by %roll3A_2572 dim 1 : vector<128x128xi32>, i32 -> vector<128x128xi32>
    %select_n3A_2574 = arith.select %ne3A_2563, %roll3A_2571, %roll3A_2573 : vector<128x128xi1>, vector<128x128xi32>
    %roll3A_2575 = arith.constant 16 : i32
    %roll3A_2576 = tpu.dynamic_rotate %select_n3A_2557 by %roll3A_2575 dim 1 : vector<128x128xi32>, i32 -> vector<128x128xi32>
    %roll3A_2577 = arith.constant 112 : i32
    %roll3A_2578 = tpu.dynamic_rotate %select_n3A_2557 by %roll3A_2577 dim 1 : vector<128x128xi32>, i32 -> vector<128x128xi32>
    %select_n3A_2579 = arith.select %ne3A_2563, %roll3A_2576, %roll3A_2578 : vector<128x128xi1>, vector<128x128xi32>
    %gt3A_2580 = arith.cmpi sgt, %select_n3A_2556, %select_n3A_2574 : vector<128x128xi32>
    %eq3A_2581 = arith.cmpi eq, %select_n3A_2556, %select_n3A_2574 : vector<128x128xi32>
    %gt3A_2582 = arith.cmpi sgt, %select_n3A_2557, %select_n3A_2579 : vector<128x128xi32>
    %and3A_2583 = arith.andi %eq3A_2581, %gt3A_2582 : vector<128x128xi1>
    %or3A_2584 = arith.ori %gt3A_2580, %and3A_2583 : vector<128x128xi1>
    %eq3A_2585 = arith.xori %ne3A_2563, %eq3A_2569 : vector<128x128xi1>
    %eq3A_2586 = arith.constant dense<true> : vector<128x128xi1>
    %eq3A_2587 = arith.xori %eq3A_2585, %eq3A_2586 : vector<128x128xi1>
    %eq3A_2588 = arith.xori %or3A_2584, %eq3A_2587 : vector<128x128xi1>
    %eq3A_2589 = arith.constant dense<true> : vector<128x128xi1>
    %eq3A_2590 = arith.xori %eq3A_2588, %eq3A_2589 : vector<128x128xi1>
    %select_n3A_2591 = arith.select %eq3A_2590, %select_n3A_2556, %select_n3A_2574 : vector<128x128xi1>, vector<128x128xi32>
    %select_n3A_2592 = arith.select %eq3A_2590, %select_n3A_2557, %select_n3A_2579 : vector<128x128xi1>, vector<128x128xi32>
    %and3A_2593 = arith.constant 8 : i32
    %and3A_2594 = vector.broadcast %and3A_2593 : i32 to vector<128x128xi32>
    %and3A_2595 = arith.andi %add3A, %and3A_2594 : vector<128x128xi32>
    %ne3A_2596 = arith.constant 0 : i32
    %ne3A_2597 = vector.broadcast %ne3A_2596 : i32 to vector<128x128xi32>
    %ne3A_2598 = arith.cmpi ne, %and3A_2595, %ne3A_2597 : vector<128x128xi32>
    %and3A_2599 = arith.constant 4096 : i32
    %and3A_2600 = vector.broadcast %and3A_2599 : i32 to vector<128x128xi32>
    %and3A_2601 = arith.andi %add3A, %and3A_2600 : vector<128x128xi32>
    %eq3A_2602 = arith.constant 0 : i32
    %eq3A_2603 = vector.broadcast %eq3A_2602 : i32 to vector<128x128xi32>
    %eq3A_2604 = arith.cmpi eq, %and3A_2601, %eq3A_2603 : vector<128x128xi32>
    %roll3A_2605 = arith.constant 8 : i32
    %roll3A_2606 = tpu.dynamic_rotate %select_n3A_2591 by %roll3A_2605 dim 1 : vector<128x128xi32>, i32 -> vector<128x128xi32>
    %roll3A_2607 = arith.constant 120 : i32
    %roll3A_2608 = tpu.dynamic_rotate %select_n3A_2591 by %roll3A_2607 dim 1 : vector<128x128xi32>, i32 -> vector<128x128xi32>
    %select_n3A_2609 = arith.select %ne3A_2598, %roll3A_2606, %roll3A_2608 : vector<128x128xi1>, vector<128x128xi32>
    %roll3A_2610 = arith.constant 8 : i32
    %roll3A_2611 = tpu.dynamic_rotate %select_n3A_2592 by %roll3A_2610 dim 1 : vector<128x128xi32>, i32 -> vector<128x128xi32>
    %roll3A_2612 = arith.constant 120 : i32
    %roll3A_2613 = tpu.dynamic_rotate %select_n3A_2592 by %roll3A_2612 dim 1 : vector<128x128xi32>, i32 -> vector<128x128xi32>
    %select_n3A_2614 = arith.select %ne3A_2598, %roll3A_2611, %roll3A_2613 : vector<128x128xi1>, vector<128x128xi32>
    %gt3A_2615 = arith.cmpi sgt, %select_n3A_2591, %select_n3A_2609 : vector<128x128xi32>
    %eq3A_2616 = arith.cmpi eq, %select_n3A_2591, %select_n3A_2609 : vector<128x128xi32>
    %gt3A_2617 = arith.cmpi sgt, %select_n3A_2592, %select_n3A_2614 : vector<128x128xi32>
    %and3A_2618 = arith.andi %eq3A_2616, %gt3A_2617 : vector<128x128xi1>
    %or3A_2619 = arith.ori %gt3A_2615, %and3A_2618 : vector<128x128xi1>
    %eq3A_2620 = arith.xori %ne3A_2598, %eq3A_2604 : vector<128x128xi1>
    %eq3A_2621 = arith.constant dense<true> : vector<128x128xi1>
    %eq3A_2622 = arith.xori %eq3A_2620, %eq3A_2621 : vector<128x128xi1>
    %eq3A_2623 = arith.xori %or3A_2619, %eq3A_2622 : vector<128x128xi1>
    %eq3A_2624 = arith.constant dense<true> : vector<128x128xi1>
    %eq3A_2625 = arith.xori %eq3A_2623, %eq3A_2624 : vector<128x128xi1>
    %select_n3A_2626 = arith.select %eq3A_2625, %select_n3A_2591, %select_n3A_2609 : vector<128x128xi1>, vector<128x128xi32>
    %select_n3A_2627 = arith.select %eq3A_2625, %select_n3A_2592, %select_n3A_2614 : vector<128x128xi1>, vector<128x128xi32>
    %and3A_2628 = arith.constant 4 : i32
    %and3A_2629 = vector.broadcast %and3A_2628 : i32 to vector<128x128xi32>
    %and3A_2630 = arith.andi %add3A, %and3A_2629 : vector<128x128xi32>
    %ne3A_2631 = arith.constant 0 : i32
    %ne3A_2632 = vector.broadcast %ne3A_2631 : i32 to vector<128x128xi32>
    %ne3A_2633 = arith.cmpi ne, %and3A_2630, %ne3A_2632 : vector<128x128xi32>
    %and3A_2634 = arith.constant 4096 : i32
    %and3A_2635 = vector.broadcast %and3A_2634 : i32 to vector<128x128xi32>
    %and3A_2636 = arith.andi %add3A, %and3A_2635 : vector<128x128xi32>
    %eq3A_2637 = arith.constant 0 : i32
    %eq3A_2638 = vector.broadcast %eq3A_2637 : i32 to vector<128x128xi32>
    %eq3A_2639 = arith.cmpi eq, %and3A_2636, %eq3A_2638 : vector<128x128xi32>
    %roll3A_2640 = arith.constant 4 : i32
    %roll3A_2641 = tpu.dynamic_rotate %select_n3A_2626 by %roll3A_2640 dim 1 : vector<128x128xi32>, i32 -> vector<128x128xi32>
    %roll3A_2642 = arith.constant 124 : i32
    %roll3A_2643 = tpu.dynamic_rotate %select_n3A_2626 by %roll3A_2642 dim 1 : vector<128x128xi32>, i32 -> vector<128x128xi32>
    %select_n3A_2644 = arith.select %ne3A_2633, %roll3A_2641, %roll3A_2643 : vector<128x128xi1>, vector<128x128xi32>
    %roll3A_2645 = arith.constant 4 : i32
    %roll3A_2646 = tpu.dynamic_rotate %select_n3A_2627 by %roll3A_2645 dim 1 : vector<128x128xi32>, i32 -> vector<128x128xi32>
    %roll3A_2647 = arith.constant 124 : i32
    %roll3A_2648 = tpu.dynamic_rotate %select_n3A_2627 by %roll3A_2647 dim 1 : vector<128x128xi32>, i32 -> vector<128x128xi32>
    %select_n3A_2649 = arith.select %ne3A_2633, %roll3A_2646, %roll3A_2648 : vector<128x128xi1>, vector<128x128xi32>
    %gt3A_2650 = arith.cmpi sgt, %select_n3A_2626, %select_n3A_2644 : vector<128x128xi32>
    %eq3A_2651 = arith.cmpi eq, %select_n3A_2626, %select_n3A_2644 : vector<128x128xi32>
    %gt3A_2652 = arith.cmpi sgt, %select_n3A_2627, %select_n3A_2649 : vector<128x128xi32>
    %and3A_2653 = arith.andi %eq3A_2651, %gt3A_2652 : vector<128x128xi1>
    %or3A_2654 = arith.ori %gt3A_2650, %and3A_2653 : vector<128x128xi1>
    %eq3A_2655 = arith.xori %ne3A_2633, %eq3A_2639 : vector<128x128xi1>
    %eq3A_2656 = arith.constant dense<true> : vector<128x128xi1>
    %eq3A_2657 = arith.xori %eq3A_2655, %eq3A_2656 : vector<128x128xi1>
    %eq3A_2658 = arith.xori %or3A_2654, %eq3A_2657 : vector<128x128xi1>
    %eq3A_2659 = arith.constant dense<true> : vector<128x128xi1>
    %eq3A_2660 = arith.xori %eq3A_2658, %eq3A_2659 : vector<128x128xi1>
    %select_n3A_2661 = arith.select %eq3A_2660, %select_n3A_2626, %select_n3A_2644 : vector<128x128xi1>, vector<128x128xi32>
    %select_n3A_2662 = arith.select %eq3A_2660, %select_n3A_2627, %select_n3A_2649 : vector<128x128xi1>, vector<128x128xi32>
    %and3A_2663 = arith.constant 2 : i32
    %and3A_2664 = vector.broadcast %and3A_2663 : i32 to vector<128x128xi32>
    %and3A_2665 = arith.andi %add3A, %and3A_2664 : vector<128x128xi32>
    %ne3A_2666 = arith.constant 0 : i32
    %ne3A_2667 = vector.broadcast %ne3A_2666 : i32 to vector<128x128xi32>
    %ne3A_2668 = arith.cmpi ne, %and3A_2665, %ne3A_2667 : vector<128x128xi32>
    %and3A_2669 = arith.constant 4096 : i32
    %and3A_2670 = vector.broadcast %and3A_2669 : i32 to vector<128x128xi32>
    %and3A_2671 = arith.andi %add3A, %and3A_2670 : vector<128x128xi32>
    %eq3A_2672 = arith.constant 0 : i32
    %eq3A_2673 = vector.broadcast %eq3A_2672 : i32 to vector<128x128xi32>
    %eq3A_2674 = arith.cmpi eq, %and3A_2671, %eq3A_2673 : vector<128x128xi32>
    %roll3A_2675 = arith.constant 2 : i32
    %roll3A_2676 = tpu.dynamic_rotate %select_n3A_2661 by %roll3A_2675 dim 1 : vector<128x128xi32>, i32 -> vector<128x128xi32>
    %roll3A_2677 = arith.constant 126 : i32
    %roll3A_2678 = tpu.dynamic_rotate %select_n3A_2661 by %roll3A_2677 dim 1 : vector<128x128xi32>, i32 -> vector<128x128xi32>
    %select_n3A_2679 = arith.select %ne3A_2668, %roll3A_2676, %roll3A_2678 : vector<128x128xi1>, vector<128x128xi32>
    %roll3A_2680 = arith.constant 2 : i32
    %roll3A_2681 = tpu.dynamic_rotate %select_n3A_2662 by %roll3A_2680 dim 1 : vector<128x128xi32>, i32 -> vector<128x128xi32>
    %roll3A_2682 = arith.constant 126 : i32
    %roll3A_2683 = tpu.dynamic_rotate %select_n3A_2662 by %roll3A_2682 dim 1 : vector<128x128xi32>, i32 -> vector<128x128xi32>
    %select_n3A_2684 = arith.select %ne3A_2668, %roll3A_2681, %roll3A_2683 : vector<128x128xi1>, vector<128x128xi32>
    %gt3A_2685 = arith.cmpi sgt, %select_n3A_2661, %select_n3A_2679 : vector<128x128xi32>
    %eq3A_2686 = arith.cmpi eq, %select_n3A_2661, %select_n3A_2679 : vector<128x128xi32>
    %gt3A_2687 = arith.cmpi sgt, %select_n3A_2662, %select_n3A_2684 : vector<128x128xi32>
    %and3A_2688 = arith.andi %eq3A_2686, %gt3A_2687 : vector<128x128xi1>
    %or3A_2689 = arith.ori %gt3A_2685, %and3A_2688 : vector<128x128xi1>
    %eq3A_2690 = arith.xori %ne3A_2668, %eq3A_2674 : vector<128x128xi1>
    %eq3A_2691 = arith.constant dense<true> : vector<128x128xi1>
    %eq3A_2692 = arith.xori %eq3A_2690, %eq3A_2691 : vector<128x128xi1>
    %eq3A_2693 = arith.xori %or3A_2689, %eq3A_2692 : vector<128x128xi1>
    %eq3A_2694 = arith.constant dense<true> : vector<128x128xi1>
    %eq3A_2695 = arith.xori %eq3A_2693, %eq3A_2694 : vector<128x128xi1>
    %select_n3A_2696 = arith.select %eq3A_2695, %select_n3A_2661, %select_n3A_2679 : vector<128x128xi1>, vector<128x128xi32>
    %select_n3A_2697 = arith.select %eq3A_2695, %select_n3A_2662, %select_n3A_2684 : vector<128x128xi1>, vector<128x128xi32>
    %and3A_2698 = arith.constant 1 : i32
    %and3A_2699 = vector.broadcast %and3A_2698 : i32 to vector<128x128xi32>
    %and3A_2700 = arith.andi %add3A, %and3A_2699 : vector<128x128xi32>
    %ne3A_2701 = arith.constant 0 : i32
    %ne3A_2702 = vector.broadcast %ne3A_2701 : i32 to vector<128x128xi32>
    %ne3A_2703 = arith.cmpi ne, %and3A_2700, %ne3A_2702 : vector<128x128xi32>
    %and3A_2704 = arith.constant 4096 : i32
    %and3A_2705 = vector.broadcast %and3A_2704 : i32 to vector<128x128xi32>
    %and3A_2706 = arith.andi %add3A, %and3A_2705 : vector<128x128xi32>
    %eq3A_2707 = arith.constant 0 : i32
    %eq3A_2708 = vector.broadcast %eq3A_2707 : i32 to vector<128x128xi32>
    %eq3A_2709 = arith.cmpi eq, %and3A_2706, %eq3A_2708 : vector<128x128xi32>
    %roll3A_2710 = arith.constant 1 : i32
    %roll3A_2711 = tpu.dynamic_rotate %select_n3A_2696 by %roll3A_2710 dim 1 : vector<128x128xi32>, i32 -> vector<128x128xi32>
    %roll3A_2712 = arith.constant 127 : i32
    %roll3A_2713 = tpu.dynamic_rotate %select_n3A_2696 by %roll3A_2712 dim 1 : vector<128x128xi32>, i32 -> vector<128x128xi32>
    %select_n3A_2714 = arith.select %ne3A_2703, %roll3A_2711, %roll3A_2713 : vector<128x128xi1>, vector<128x128xi32>
    %roll3A_2715 = arith.constant 1 : i32
    %roll3A_2716 = tpu.dynamic_rotate %select_n3A_2697 by %roll3A_2715 dim 1 : vector<128x128xi32>, i32 -> vector<128x128xi32>
    %roll3A_2717 = arith.constant 127 : i32
    %roll3A_2718 = tpu.dynamic_rotate %select_n3A_2697 by %roll3A_2717 dim 1 : vector<128x128xi32>, i32 -> vector<128x128xi32>
    %select_n3A_2719 = arith.select %ne3A_2703, %roll3A_2716, %roll3A_2718 : vector<128x128xi1>, vector<128x128xi32>
    %gt3A_2720 = arith.cmpi sgt, %select_n3A_2696, %select_n3A_2714 : vector<128x128xi32>
    %eq3A_2721 = arith.cmpi eq, %select_n3A_2696, %select_n3A_2714 : vector<128x128xi32>
    %gt3A_2722 = arith.cmpi sgt, %select_n3A_2697, %select_n3A_2719 : vector<128x128xi32>
    %and3A_2723 = arith.andi %eq3A_2721, %gt3A_2722 : vector<128x128xi1>
    %or3A_2724 = arith.ori %gt3A_2720, %and3A_2723 : vector<128x128xi1>
    %eq3A_2725 = arith.xori %ne3A_2703, %eq3A_2709 : vector<128x128xi1>
    %eq3A_2726 = arith.constant dense<true> : vector<128x128xi1>
    %eq3A_2727 = arith.xori %eq3A_2725, %eq3A_2726 : vector<128x128xi1>
    %eq3A_2728 = arith.xori %or3A_2724, %eq3A_2727 : vector<128x128xi1>
    %eq3A_2729 = arith.constant dense<true> : vector<128x128xi1>
    %eq3A_2730 = arith.xori %eq3A_2728, %eq3A_2729 : vector<128x128xi1>
    %select_n3A_2731 = arith.select %eq3A_2730, %select_n3A_2696, %select_n3A_2714 : vector<128x128xi1>, vector<128x128xi32>
    %select_n3A_2732 = arith.select %eq3A_2730, %select_n3A_2697, %select_n3A_2719 : vector<128x128xi1>, vector<128x128xi32>
    %and3A_2733 = arith.constant 4096 : i32
    %and3A_2734 = vector.broadcast %and3A_2733 : i32 to vector<128x128xi32>
    %and3A_2735 = arith.andi %add3A, %and3A_2734 : vector<128x128xi32>
    %ne3A_2736 = arith.constant 0 : i32
    %ne3A_2737 = vector.broadcast %ne3A_2736 : i32 to vector<128x128xi32>
    %ne3A_2738 = arith.cmpi ne, %and3A_2735, %ne3A_2737 : vector<128x128xi32>
    %and3A_2739 = arith.constant 8192 : i32
    %and3A_2740 = vector.broadcast %and3A_2739 : i32 to vector<128x128xi32>
    %and3A_2741 = arith.andi %add3A, %and3A_2740 : vector<128x128xi32>
    %eq3A_2742 = arith.constant 0 : i32
    %eq3A_2743 = vector.broadcast %eq3A_2742 : i32 to vector<128x128xi32>
    %eq3A_2744 = arith.cmpi eq, %and3A_2741, %eq3A_2743 : vector<128x128xi32>
    %roll3A_2745 = arith.constant 32 : i32
    %roll3A_2746 = tpu.dynamic_rotate %select_n3A_2731 by %roll3A_2745 dim 0 : vector<128x128xi32>, i32 -> vector<128x128xi32>
    %roll3A_2747 = arith.constant 96 : i32
    %roll3A_2748 = tpu.dynamic_rotate %select_n3A_2731 by %roll3A_2747 dim 0 : vector<128x128xi32>, i32 -> vector<128x128xi32>
    %select_n3A_2749 = arith.select %ne3A_2738, %roll3A_2746, %roll3A_2748 : vector<128x128xi1>, vector<128x128xi32>
    %roll3A_2750 = arith.constant 32 : i32
    %roll3A_2751 = tpu.dynamic_rotate %select_n3A_2732 by %roll3A_2750 dim 0 : vector<128x128xi32>, i32 -> vector<128x128xi32>
    %roll3A_2752 = arith.constant 96 : i32
    %roll3A_2753 = tpu.dynamic_rotate %select_n3A_2732 by %roll3A_2752 dim 0 : vector<128x128xi32>, i32 -> vector<128x128xi32>
    %select_n3A_2754 = arith.select %ne3A_2738, %roll3A_2751, %roll3A_2753 : vector<128x128xi1>, vector<128x128xi32>
    %gt3A_2755 = arith.cmpi sgt, %select_n3A_2731, %select_n3A_2749 : vector<128x128xi32>
    %eq3A_2756 = arith.cmpi eq, %select_n3A_2731, %select_n3A_2749 : vector<128x128xi32>
    %gt3A_2757 = arith.cmpi sgt, %select_n3A_2732, %select_n3A_2754 : vector<128x128xi32>
    %and3A_2758 = arith.andi %eq3A_2756, %gt3A_2757 : vector<128x128xi1>
    %or3A_2759 = arith.ori %gt3A_2755, %and3A_2758 : vector<128x128xi1>
    %eq3A_2760 = arith.xori %ne3A_2738, %eq3A_2744 : vector<128x128xi1>
    %eq3A_2761 = arith.constant dense<true> : vector<128x128xi1>
    %eq3A_2762 = arith.xori %eq3A_2760, %eq3A_2761 : vector<128x128xi1>
    %eq3A_2763 = arith.xori %or3A_2759, %eq3A_2762 : vector<128x128xi1>
    %eq3A_2764 = arith.constant dense<true> : vector<128x128xi1>
    %eq3A_2765 = arith.xori %eq3A_2763, %eq3A_2764 : vector<128x128xi1>
    %select_n3A_2766 = arith.select %eq3A_2765, %select_n3A_2731, %select_n3A_2749 : vector<128x128xi1>, vector<128x128xi32>
    %select_n3A_2767 = arith.select %eq3A_2765, %select_n3A_2732, %select_n3A_2754 : vector<128x128xi1>, vector<128x128xi32>
    %and3A_2768 = arith.constant 2048 : i32
    %and3A_2769 = vector.broadcast %and3A_2768 : i32 to vector<128x128xi32>
    %and3A_2770 = arith.andi %add3A, %and3A_2769 : vector<128x128xi32>
    %ne3A_2771 = arith.constant 0 : i32
    %ne3A_2772 = vector.broadcast %ne3A_2771 : i32 to vector<128x128xi32>
    %ne3A_2773 = arith.cmpi ne, %and3A_2770, %ne3A_2772 : vector<128x128xi32>
    %and3A_2774 = arith.constant 8192 : i32
    %and3A_2775 = vector.broadcast %and3A_2774 : i32 to vector<128x128xi32>
    %and3A_2776 = arith.andi %add3A, %and3A_2775 : vector<128x128xi32>
    %eq3A_2777 = arith.constant 0 : i32
    %eq3A_2778 = vector.broadcast %eq3A_2777 : i32 to vector<128x128xi32>
    %eq3A_2779 = arith.cmpi eq, %and3A_2776, %eq3A_2778 : vector<128x128xi32>
    %roll3A_2780 = arith.constant 16 : i32
    %roll3A_2781 = tpu.dynamic_rotate %select_n3A_2766 by %roll3A_2780 dim 0 : vector<128x128xi32>, i32 -> vector<128x128xi32>
    %roll3A_2782 = arith.constant 112 : i32
    %roll3A_2783 = tpu.dynamic_rotate %select_n3A_2766 by %roll3A_2782 dim 0 : vector<128x128xi32>, i32 -> vector<128x128xi32>
    %select_n3A_2784 = arith.select %ne3A_2773, %roll3A_2781, %roll3A_2783 : vector<128x128xi1>, vector<128x128xi32>
    %roll3A_2785 = arith.constant 16 : i32
    %roll3A_2786 = tpu.dynamic_rotate %select_n3A_2767 by %roll3A_2785 dim 0 : vector<128x128xi32>, i32 -> vector<128x128xi32>
    %roll3A_2787 = arith.constant 112 : i32
    %roll3A_2788 = tpu.dynamic_rotate %select_n3A_2767 by %roll3A_2787 dim 0 : vector<128x128xi32>, i32 -> vector<128x128xi32>
    %select_n3A_2789 = arith.select %ne3A_2773, %roll3A_2786, %roll3A_2788 : vector<128x128xi1>, vector<128x128xi32>
    %gt3A_2790 = arith.cmpi sgt, %select_n3A_2766, %select_n3A_2784 : vector<128x128xi32>
    %eq3A_2791 = arith.cmpi eq, %select_n3A_2766, %select_n3A_2784 : vector<128x128xi32>
    %gt3A_2792 = arith.cmpi sgt, %select_n3A_2767, %select_n3A_2789 : vector<128x128xi32>
    %and3A_2793 = arith.andi %eq3A_2791, %gt3A_2792 : vector<128x128xi1>
    %or3A_2794 = arith.ori %gt3A_2790, %and3A_2793 : vector<128x128xi1>
    %eq3A_2795 = arith.xori %ne3A_2773, %eq3A_2779 : vector<128x128xi1>
    %eq3A_2796 = arith.constant dense<true> : vector<128x128xi1>
    %eq3A_2797 = arith.xori %eq3A_2795, %eq3A_2796 : vector<128x128xi1>
    %eq3A_2798 = arith.xori %or3A_2794, %eq3A_2797 : vector<128x128xi1>
    %eq3A_2799 = arith.constant dense<true> : vector<128x128xi1>
    %eq3A_2800 = arith.xori %eq3A_2798, %eq3A_2799 : vector<128x128xi1>
    %select_n3A_2801 = arith.select %eq3A_2800, %select_n3A_2766, %select_n3A_2784 : vector<128x128xi1>, vector<128x128xi32>
    %select_n3A_2802 = arith.select %eq3A_2800, %select_n3A_2767, %select_n3A_2789 : vector<128x128xi1>, vector<128x128xi32>
    %and3A_2803 = arith.constant 1024 : i32
    %and3A_2804 = vector.broadcast %and3A_2803 : i32 to vector<128x128xi32>
    %and3A_2805 = arith.andi %add3A, %and3A_2804 : vector<128x128xi32>
    %ne3A_2806 = arith.constant 0 : i32
    %ne3A_2807 = vector.broadcast %ne3A_2806 : i32 to vector<128x128xi32>
    %ne3A_2808 = arith.cmpi ne, %and3A_2805, %ne3A_2807 : vector<128x128xi32>
    %and3A_2809 = arith.constant 8192 : i32
    %and3A_2810 = vector.broadcast %and3A_2809 : i32 to vector<128x128xi32>
    %and3A_2811 = arith.andi %add3A, %and3A_2810 : vector<128x128xi32>
    %eq3A_2812 = arith.constant 0 : i32
    %eq3A_2813 = vector.broadcast %eq3A_2812 : i32 to vector<128x128xi32>
    %eq3A_2814 = arith.cmpi eq, %and3A_2811, %eq3A_2813 : vector<128x128xi32>
    %roll3A_2815 = arith.constant 8 : i32
    %roll3A_2816 = tpu.dynamic_rotate %select_n3A_2801 by %roll3A_2815 dim 0 : vector<128x128xi32>, i32 -> vector<128x128xi32>
    %roll3A_2817 = arith.constant 120 : i32
    %roll3A_2818 = tpu.dynamic_rotate %select_n3A_2801 by %roll3A_2817 dim 0 : vector<128x128xi32>, i32 -> vector<128x128xi32>
    %select_n3A_2819 = arith.select %ne3A_2808, %roll3A_2816, %roll3A_2818 : vector<128x128xi1>, vector<128x128xi32>
    %roll3A_2820 = arith.constant 8 : i32
    %roll3A_2821 = tpu.dynamic_rotate %select_n3A_2802 by %roll3A_2820 dim 0 : vector<128x128xi32>, i32 -> vector<128x128xi32>
    %roll3A_2822 = arith.constant 120 : i32
    %roll3A_2823 = tpu.dynamic_rotate %select_n3A_2802 by %roll3A_2822 dim 0 : vector<128x128xi32>, i32 -> vector<128x128xi32>
    %select_n3A_2824 = arith.select %ne3A_2808, %roll3A_2821, %roll3A_2823 : vector<128x128xi1>, vector<128x128xi32>
    %gt3A_2825 = arith.cmpi sgt, %select_n3A_2801, %select_n3A_2819 : vector<128x128xi32>
    %eq3A_2826 = arith.cmpi eq, %select_n3A_2801, %select_n3A_2819 : vector<128x128xi32>
    %gt3A_2827 = arith.cmpi sgt, %select_n3A_2802, %select_n3A_2824 : vector<128x128xi32>
    %and3A_2828 = arith.andi %eq3A_2826, %gt3A_2827 : vector<128x128xi1>
    %or3A_2829 = arith.ori %gt3A_2825, %and3A_2828 : vector<128x128xi1>
    %eq3A_2830 = arith.xori %ne3A_2808, %eq3A_2814 : vector<128x128xi1>
    %eq3A_2831 = arith.constant dense<true> : vector<128x128xi1>
    %eq3A_2832 = arith.xori %eq3A_2830, %eq3A_2831 : vector<128x128xi1>
    %eq3A_2833 = arith.xori %or3A_2829, %eq3A_2832 : vector<128x128xi1>
    %eq3A_2834 = arith.constant dense<true> : vector<128x128xi1>
    %eq3A_2835 = arith.xori %eq3A_2833, %eq3A_2834 : vector<128x128xi1>
    %select_n3A_2836 = arith.select %eq3A_2835, %select_n3A_2801, %select_n3A_2819 : vector<128x128xi1>, vector<128x128xi32>
    %select_n3A_2837 = arith.select %eq3A_2835, %select_n3A_2802, %select_n3A_2824 : vector<128x128xi1>, vector<128x128xi32>
    %and3A_2838 = arith.constant 512 : i32
    %and3A_2839 = vector.broadcast %and3A_2838 : i32 to vector<128x128xi32>
    %and3A_2840 = arith.andi %add3A, %and3A_2839 : vector<128x128xi32>
    %ne3A_2841 = arith.constant 0 : i32
    %ne3A_2842 = vector.broadcast %ne3A_2841 : i32 to vector<128x128xi32>
    %ne3A_2843 = arith.cmpi ne, %and3A_2840, %ne3A_2842 : vector<128x128xi32>
    %and3A_2844 = arith.constant 8192 : i32
    %and3A_2845 = vector.broadcast %and3A_2844 : i32 to vector<128x128xi32>
    %and3A_2846 = arith.andi %add3A, %and3A_2845 : vector<128x128xi32>
    %eq3A_2847 = arith.constant 0 : i32
    %eq3A_2848 = vector.broadcast %eq3A_2847 : i32 to vector<128x128xi32>
    %eq3A_2849 = arith.cmpi eq, %and3A_2846, %eq3A_2848 : vector<128x128xi32>
    %roll3A_2850 = arith.constant 4 : i32
    %roll3A_2851 = tpu.dynamic_rotate %select_n3A_2836 by %roll3A_2850 dim 0 : vector<128x128xi32>, i32 -> vector<128x128xi32>
    %roll3A_2852 = arith.constant 124 : i32
    %roll3A_2853 = tpu.dynamic_rotate %select_n3A_2836 by %roll3A_2852 dim 0 : vector<128x128xi32>, i32 -> vector<128x128xi32>
    %select_n3A_2854 = arith.select %ne3A_2843, %roll3A_2851, %roll3A_2853 : vector<128x128xi1>, vector<128x128xi32>
    %roll3A_2855 = arith.constant 4 : i32
    %roll3A_2856 = tpu.dynamic_rotate %select_n3A_2837 by %roll3A_2855 dim 0 : vector<128x128xi32>, i32 -> vector<128x128xi32>
    %roll3A_2857 = arith.constant 124 : i32
    %roll3A_2858 = tpu.dynamic_rotate %select_n3A_2837 by %roll3A_2857 dim 0 : vector<128x128xi32>, i32 -> vector<128x128xi32>
    %select_n3A_2859 = arith.select %ne3A_2843, %roll3A_2856, %roll3A_2858 : vector<128x128xi1>, vector<128x128xi32>
    %gt3A_2860 = arith.cmpi sgt, %select_n3A_2836, %select_n3A_2854 : vector<128x128xi32>
    %eq3A_2861 = arith.cmpi eq, %select_n3A_2836, %select_n3A_2854 : vector<128x128xi32>
    %gt3A_2862 = arith.cmpi sgt, %select_n3A_2837, %select_n3A_2859 : vector<128x128xi32>
    %and3A_2863 = arith.andi %eq3A_2861, %gt3A_2862 : vector<128x128xi1>
    %or3A_2864 = arith.ori %gt3A_2860, %and3A_2863 : vector<128x128xi1>
    %eq3A_2865 = arith.xori %ne3A_2843, %eq3A_2849 : vector<128x128xi1>
    %eq3A_2866 = arith.constant dense<true> : vector<128x128xi1>
    %eq3A_2867 = arith.xori %eq3A_2865, %eq3A_2866 : vector<128x128xi1>
    %eq3A_2868 = arith.xori %or3A_2864, %eq3A_2867 : vector<128x128xi1>
    %eq3A_2869 = arith.constant dense<true> : vector<128x128xi1>
    %eq3A_2870 = arith.xori %eq3A_2868, %eq3A_2869 : vector<128x128xi1>
    %select_n3A_2871 = arith.select %eq3A_2870, %select_n3A_2836, %select_n3A_2854 : vector<128x128xi1>, vector<128x128xi32>
    %select_n3A_2872 = arith.select %eq3A_2870, %select_n3A_2837, %select_n3A_2859 : vector<128x128xi1>, vector<128x128xi32>
    %and3A_2873 = arith.constant 256 : i32
    %and3A_2874 = vector.broadcast %and3A_2873 : i32 to vector<128x128xi32>
    %and3A_2875 = arith.andi %add3A, %and3A_2874 : vector<128x128xi32>
    %ne3A_2876 = arith.constant 0 : i32
    %ne3A_2877 = vector.broadcast %ne3A_2876 : i32 to vector<128x128xi32>
    %ne3A_2878 = arith.cmpi ne, %and3A_2875, %ne3A_2877 : vector<128x128xi32>
    %and3A_2879 = arith.constant 8192 : i32
    %and3A_2880 = vector.broadcast %and3A_2879 : i32 to vector<128x128xi32>
    %and3A_2881 = arith.andi %add3A, %and3A_2880 : vector<128x128xi32>
    %eq3A_2882 = arith.constant 0 : i32
    %eq3A_2883 = vector.broadcast %eq3A_2882 : i32 to vector<128x128xi32>
    %eq3A_2884 = arith.cmpi eq, %and3A_2881, %eq3A_2883 : vector<128x128xi32>
    %roll3A_2885 = arith.constant 2 : i32
    %roll3A_2886 = tpu.dynamic_rotate %select_n3A_2871 by %roll3A_2885 dim 0 : vector<128x128xi32>, i32 -> vector<128x128xi32>
    %roll3A_2887 = arith.constant 126 : i32
    %roll3A_2888 = tpu.dynamic_rotate %select_n3A_2871 by %roll3A_2887 dim 0 : vector<128x128xi32>, i32 -> vector<128x128xi32>
    %select_n3A_2889 = arith.select %ne3A_2878, %roll3A_2886, %roll3A_2888 : vector<128x128xi1>, vector<128x128xi32>
    %roll3A_2890 = arith.constant 2 : i32
    %roll3A_2891 = tpu.dynamic_rotate %select_n3A_2872 by %roll3A_2890 dim 0 : vector<128x128xi32>, i32 -> vector<128x128xi32>
    %roll3A_2892 = arith.constant 126 : i32
    %roll3A_2893 = tpu.dynamic_rotate %select_n3A_2872 by %roll3A_2892 dim 0 : vector<128x128xi32>, i32 -> vector<128x128xi32>
    %select_n3A_2894 = arith.select %ne3A_2878, %roll3A_2891, %roll3A_2893 : vector<128x128xi1>, vector<128x128xi32>
    %gt3A_2895 = arith.cmpi sgt, %select_n3A_2871, %select_n3A_2889 : vector<128x128xi32>
    %eq3A_2896 = arith.cmpi eq, %select_n3A_2871, %select_n3A_2889 : vector<128x128xi32>
    %gt3A_2897 = arith.cmpi sgt, %select_n3A_2872, %select_n3A_2894 : vector<128x128xi32>
    %and3A_2898 = arith.andi %eq3A_2896, %gt3A_2897 : vector<128x128xi1>
    %or3A_2899 = arith.ori %gt3A_2895, %and3A_2898 : vector<128x128xi1>
    %eq3A_2900 = arith.xori %ne3A_2878, %eq3A_2884 : vector<128x128xi1>
    %eq3A_2901 = arith.constant dense<true> : vector<128x128xi1>
    %eq3A_2902 = arith.xori %eq3A_2900, %eq3A_2901 : vector<128x128xi1>
    %eq3A_2903 = arith.xori %or3A_2899, %eq3A_2902 : vector<128x128xi1>
    %eq3A_2904 = arith.constant dense<true> : vector<128x128xi1>
    %eq3A_2905 = arith.xori %eq3A_2903, %eq3A_2904 : vector<128x128xi1>
    %select_n3A_2906 = arith.select %eq3A_2905, %select_n3A_2871, %select_n3A_2889 : vector<128x128xi1>, vector<128x128xi32>
    %select_n3A_2907 = arith.select %eq3A_2905, %select_n3A_2872, %select_n3A_2894 : vector<128x128xi1>, vector<128x128xi32>
    %and3A_2908 = arith.constant 128 : i32
    %and3A_2909 = vector.broadcast %and3A_2908 : i32 to vector<128x128xi32>
    %and3A_2910 = arith.andi %add3A, %and3A_2909 : vector<128x128xi32>
    %ne3A_2911 = arith.constant 0 : i32
    %ne3A_2912 = vector.broadcast %ne3A_2911 : i32 to vector<128x128xi32>
    %ne3A_2913 = arith.cmpi ne, %and3A_2910, %ne3A_2912 : vector<128x128xi32>
    %and3A_2914 = arith.constant 8192 : i32
    %and3A_2915 = vector.broadcast %and3A_2914 : i32 to vector<128x128xi32>
    %and3A_2916 = arith.andi %add3A, %and3A_2915 : vector<128x128xi32>
    %eq3A_2917 = arith.constant 0 : i32
    %eq3A_2918 = vector.broadcast %eq3A_2917 : i32 to vector<128x128xi32>
    %eq3A_2919 = arith.cmpi eq, %and3A_2916, %eq3A_2918 : vector<128x128xi32>
    %roll3A_2920 = arith.constant 1 : i32
    %roll3A_2921 = tpu.dynamic_rotate %select_n3A_2906 by %roll3A_2920 dim 0 : vector<128x128xi32>, i32 -> vector<128x128xi32>
    %roll3A_2922 = arith.constant 127 : i32
    %roll3A_2923 = tpu.dynamic_rotate %select_n3A_2906 by %roll3A_2922 dim 0 : vector<128x128xi32>, i32 -> vector<128x128xi32>
    %select_n3A_2924 = arith.select %ne3A_2913, %roll3A_2921, %roll3A_2923 : vector<128x128xi1>, vector<128x128xi32>
    %roll3A_2925 = arith.constant 1 : i32
    %roll3A_2926 = tpu.dynamic_rotate %select_n3A_2907 by %roll3A_2925 dim 0 : vector<128x128xi32>, i32 -> vector<128x128xi32>
    %roll3A_2927 = arith.constant 127 : i32
    %roll3A_2928 = tpu.dynamic_rotate %select_n3A_2907 by %roll3A_2927 dim 0 : vector<128x128xi32>, i32 -> vector<128x128xi32>
    %select_n3A_2929 = arith.select %ne3A_2913, %roll3A_2926, %roll3A_2928 : vector<128x128xi1>, vector<128x128xi32>
    %gt3A_2930 = arith.cmpi sgt, %select_n3A_2906, %select_n3A_2924 : vector<128x128xi32>
    %eq3A_2931 = arith.cmpi eq, %select_n3A_2906, %select_n3A_2924 : vector<128x128xi32>
    %gt3A_2932 = arith.cmpi sgt, %select_n3A_2907, %select_n3A_2929 : vector<128x128xi32>
    %and3A_2933 = arith.andi %eq3A_2931, %gt3A_2932 : vector<128x128xi1>
    %or3A_2934 = arith.ori %gt3A_2930, %and3A_2933 : vector<128x128xi1>
    %eq3A_2935 = arith.xori %ne3A_2913, %eq3A_2919 : vector<128x128xi1>
    %eq3A_2936 = arith.constant dense<true> : vector<128x128xi1>
    %eq3A_2937 = arith.xori %eq3A_2935, %eq3A_2936 : vector<128x128xi1>
    %eq3A_2938 = arith.xori %or3A_2934, %eq3A_2937 : vector<128x128xi1>
    %eq3A_2939 = arith.constant dense<true> : vector<128x128xi1>
    %eq3A_2940 = arith.xori %eq3A_2938, %eq3A_2939 : vector<128x128xi1>
    %select_n3A_2941 = arith.select %eq3A_2940, %select_n3A_2906, %select_n3A_2924 : vector<128x128xi1>, vector<128x128xi32>
    %select_n3A_2942 = arith.select %eq3A_2940, %select_n3A_2907, %select_n3A_2929 : vector<128x128xi1>, vector<128x128xi32>
    %and3A_2943 = arith.constant 64 : i32
    %and3A_2944 = vector.broadcast %and3A_2943 : i32 to vector<128x128xi32>
    %and3A_2945 = arith.andi %add3A, %and3A_2944 : vector<128x128xi32>
    %ne3A_2946 = arith.constant 0 : i32
    %ne3A_2947 = vector.broadcast %ne3A_2946 : i32 to vector<128x128xi32>
    %ne3A_2948 = arith.cmpi ne, %and3A_2945, %ne3A_2947 : vector<128x128xi32>
    %and3A_2949 = arith.constant 8192 : i32
    %and3A_2950 = vector.broadcast %and3A_2949 : i32 to vector<128x128xi32>
    %and3A_2951 = arith.andi %add3A, %and3A_2950 : vector<128x128xi32>
    %eq3A_2952 = arith.constant 0 : i32
    %eq3A_2953 = vector.broadcast %eq3A_2952 : i32 to vector<128x128xi32>
    %eq3A_2954 = arith.cmpi eq, %and3A_2951, %eq3A_2953 : vector<128x128xi32>
    %roll3A_2955 = arith.constant 64 : i32
    %roll3A_2956 = tpu.dynamic_rotate %select_n3A_2941 by %roll3A_2955 dim 1 : vector<128x128xi32>, i32 -> vector<128x128xi32>
    %roll3A_2957 = arith.constant 64 : i32
    %roll3A_2958 = tpu.dynamic_rotate %select_n3A_2941 by %roll3A_2957 dim 1 : vector<128x128xi32>, i32 -> vector<128x128xi32>
    %select_n3A_2959 = arith.select %ne3A_2948, %roll3A_2956, %roll3A_2958 : vector<128x128xi1>, vector<128x128xi32>
    %roll3A_2960 = arith.constant 64 : i32
    %roll3A_2961 = tpu.dynamic_rotate %select_n3A_2942 by %roll3A_2960 dim 1 : vector<128x128xi32>, i32 -> vector<128x128xi32>
    %roll3A_2962 = arith.constant 64 : i32
    %roll3A_2963 = tpu.dynamic_rotate %select_n3A_2942 by %roll3A_2962 dim 1 : vector<128x128xi32>, i32 -> vector<128x128xi32>
    %select_n3A_2964 = arith.select %ne3A_2948, %roll3A_2961, %roll3A_2963 : vector<128x128xi1>, vector<128x128xi32>
    %gt3A_2965 = arith.cmpi sgt, %select_n3A_2941, %select_n3A_2959 : vector<128x128xi32>
    %eq3A_2966 = arith.cmpi eq, %select_n3A_2941, %select_n3A_2959 : vector<128x128xi32>
    %gt3A_2967 = arith.cmpi sgt, %select_n3A_2942, %select_n3A_2964 : vector<128x128xi32>
    %and3A_2968 = arith.andi %eq3A_2966, %gt3A_2967 : vector<128x128xi1>
    %or3A_2969 = arith.ori %gt3A_2965, %and3A_2968 : vector<128x128xi1>
    %eq3A_2970 = arith.xori %ne3A_2948, %eq3A_2954 : vector<128x128xi1>
    %eq3A_2971 = arith.constant dense<true> : vector<128x128xi1>
    %eq3A_2972 = arith.xori %eq3A_2970, %eq3A_2971 : vector<128x128xi1>
    %eq3A_2973 = arith.xori %or3A_2969, %eq3A_2972 : vector<128x128xi1>
    %eq3A_2974 = arith.constant dense<true> : vector<128x128xi1>
    %eq3A_2975 = arith.xori %eq3A_2973, %eq3A_2974 : vector<128x128xi1>
    %select_n3A_2976 = arith.select %eq3A_2975, %select_n3A_2941, %select_n3A_2959 : vector<128x128xi1>, vector<128x128xi32>
    %select_n3A_2977 = arith.select %eq3A_2975, %select_n3A_2942, %select_n3A_2964 : vector<128x128xi1>, vector<128x128xi32>
    %and3A_2978 = arith.constant 32 : i32
    %and3A_2979 = vector.broadcast %and3A_2978 : i32 to vector<128x128xi32>
    %and3A_2980 = arith.andi %add3A, %and3A_2979 : vector<128x128xi32>
    %ne3A_2981 = arith.constant 0 : i32
    %ne3A_2982 = vector.broadcast %ne3A_2981 : i32 to vector<128x128xi32>
    %ne3A_2983 = arith.cmpi ne, %and3A_2980, %ne3A_2982 : vector<128x128xi32>
    %and3A_2984 = arith.constant 8192 : i32
    %and3A_2985 = vector.broadcast %and3A_2984 : i32 to vector<128x128xi32>
    %and3A_2986 = arith.andi %add3A, %and3A_2985 : vector<128x128xi32>
    %eq3A_2987 = arith.constant 0 : i32
    %eq3A_2988 = vector.broadcast %eq3A_2987 : i32 to vector<128x128xi32>
    %eq3A_2989 = arith.cmpi eq, %and3A_2986, %eq3A_2988 : vector<128x128xi32>
    %roll3A_2990 = arith.constant 32 : i32
    %roll3A_2991 = tpu.dynamic_rotate %select_n3A_2976 by %roll3A_2990 dim 1 : vector<128x128xi32>, i32 -> vector<128x128xi32>
    %roll3A_2992 = arith.constant 96 : i32
    %roll3A_2993 = tpu.dynamic_rotate %select_n3A_2976 by %roll3A_2992 dim 1 : vector<128x128xi32>, i32 -> vector<128x128xi32>
    %select_n3A_2994 = arith.select %ne3A_2983, %roll3A_2991, %roll3A_2993 : vector<128x128xi1>, vector<128x128xi32>
    %roll3A_2995 = arith.constant 32 : i32
    %roll3A_2996 = tpu.dynamic_rotate %select_n3A_2977 by %roll3A_2995 dim 1 : vector<128x128xi32>, i32 -> vector<128x128xi32>
    %roll3A_2997 = arith.constant 96 : i32
    %roll3A_2998 = tpu.dynamic_rotate %select_n3A_2977 by %roll3A_2997 dim 1 : vector<128x128xi32>, i32 -> vector<128x128xi32>
    %select_n3A_2999 = arith.select %ne3A_2983, %roll3A_2996, %roll3A_2998 : vector<128x128xi1>, vector<128x128xi32>
    %gt3A_3000 = arith.cmpi sgt, %select_n3A_2976, %select_n3A_2994 : vector<128x128xi32>
    %eq3A_3001 = arith.cmpi eq, %select_n3A_2976, %select_n3A_2994 : vector<128x128xi32>
    %gt3A_3002 = arith.cmpi sgt, %select_n3A_2977, %select_n3A_2999 : vector<128x128xi32>
    %and3A_3003 = arith.andi %eq3A_3001, %gt3A_3002 : vector<128x128xi1>
    %or3A_3004 = arith.ori %gt3A_3000, %and3A_3003 : vector<128x128xi1>
    %eq3A_3005 = arith.xori %ne3A_2983, %eq3A_2989 : vector<128x128xi1>
    %eq3A_3006 = arith.constant dense<true> : vector<128x128xi1>
    %eq3A_3007 = arith.xori %eq3A_3005, %eq3A_3006 : vector<128x128xi1>
    %eq3A_3008 = arith.xori %or3A_3004, %eq3A_3007 : vector<128x128xi1>
    %eq3A_3009 = arith.constant dense<true> : vector<128x128xi1>
    %eq3A_3010 = arith.xori %eq3A_3008, %eq3A_3009 : vector<128x128xi1>
    %select_n3A_3011 = arith.select %eq3A_3010, %select_n3A_2976, %select_n3A_2994 : vector<128x128xi1>, vector<128x128xi32>
    %select_n3A_3012 = arith.select %eq3A_3010, %select_n3A_2977, %select_n3A_2999 : vector<128x128xi1>, vector<128x128xi32>
    %and3A_3013 = arith.constant 16 : i32
    %and3A_3014 = vector.broadcast %and3A_3013 : i32 to vector<128x128xi32>
    %and3A_3015 = arith.andi %add3A, %and3A_3014 : vector<128x128xi32>
    %ne3A_3016 = arith.constant 0 : i32
    %ne3A_3017 = vector.broadcast %ne3A_3016 : i32 to vector<128x128xi32>
    %ne3A_3018 = arith.cmpi ne, %and3A_3015, %ne3A_3017 : vector<128x128xi32>
    %and3A_3019 = arith.constant 8192 : i32
    %and3A_3020 = vector.broadcast %and3A_3019 : i32 to vector<128x128xi32>
    %and3A_3021 = arith.andi %add3A, %and3A_3020 : vector<128x128xi32>
    %eq3A_3022 = arith.constant 0 : i32
    %eq3A_3023 = vector.broadcast %eq3A_3022 : i32 to vector<128x128xi32>
    %eq3A_3024 = arith.cmpi eq, %and3A_3021, %eq3A_3023 : vector<128x128xi32>
    %roll3A_3025 = arith.constant 16 : i32
    %roll3A_3026 = tpu.dynamic_rotate %select_n3A_3011 by %roll3A_3025 dim 1 : vector<128x128xi32>, i32 -> vector<128x128xi32>
    %roll3A_3027 = arith.constant 112 : i32
    %roll3A_3028 = tpu.dynamic_rotate %select_n3A_3011 by %roll3A_3027 dim 1 : vector<128x128xi32>, i32 -> vector<128x128xi32>
    %select_n3A_3029 = arith.select %ne3A_3018, %roll3A_3026, %roll3A_3028 : vector<128x128xi1>, vector<128x128xi32>
    %roll3A_3030 = arith.constant 16 : i32
    %roll3A_3031 = tpu.dynamic_rotate %select_n3A_3012 by %roll3A_3030 dim 1 : vector<128x128xi32>, i32 -> vector<128x128xi32>
    %roll3A_3032 = arith.constant 112 : i32
    %roll3A_3033 = tpu.dynamic_rotate %select_n3A_3012 by %roll3A_3032 dim 1 : vector<128x128xi32>, i32 -> vector<128x128xi32>
    %select_n3A_3034 = arith.select %ne3A_3018, %roll3A_3031, %roll3A_3033 : vector<128x128xi1>, vector<128x128xi32>
    %gt3A_3035 = arith.cmpi sgt, %select_n3A_3011, %select_n3A_3029 : vector<128x128xi32>
    %eq3A_3036 = arith.cmpi eq, %select_n3A_3011, %select_n3A_3029 : vector<128x128xi32>
    %gt3A_3037 = arith.cmpi sgt, %select_n3A_3012, %select_n3A_3034 : vector<128x128xi32>
    %and3A_3038 = arith.andi %eq3A_3036, %gt3A_3037 : vector<128x128xi1>
    %or3A_3039 = arith.ori %gt3A_3035, %and3A_3038 : vector<128x128xi1>
    %eq3A_3040 = arith.xori %ne3A_3018, %eq3A_3024 : vector<128x128xi1>
    %eq3A_3041 = arith.constant dense<true> : vector<128x128xi1>
    %eq3A_3042 = arith.xori %eq3A_3040, %eq3A_3041 : vector<128x128xi1>
    %eq3A_3043 = arith.xori %or3A_3039, %eq3A_3042 : vector<128x128xi1>
    %eq3A_3044 = arith.constant dense<true> : vector<128x128xi1>
    %eq3A_3045 = arith.xori %eq3A_3043, %eq3A_3044 : vector<128x128xi1>
    %select_n3A_3046 = arith.select %eq3A_3045, %select_n3A_3011, %select_n3A_3029 : vector<128x128xi1>, vector<128x128xi32>
    %select_n3A_3047 = arith.select %eq3A_3045, %select_n3A_3012, %select_n3A_3034 : vector<128x128xi1>, vector<128x128xi32>
    %and3A_3048 = arith.constant 8 : i32
    %and3A_3049 = vector.broadcast %and3A_3048 : i32 to vector<128x128xi32>
    %and3A_3050 = arith.andi %add3A, %and3A_3049 : vector<128x128xi32>
    %ne3A_3051 = arith.constant 0 : i32
    %ne3A_3052 = vector.broadcast %ne3A_3051 : i32 to vector<128x128xi32>
    %ne3A_3053 = arith.cmpi ne, %and3A_3050, %ne3A_3052 : vector<128x128xi32>
    %and3A_3054 = arith.constant 8192 : i32
    %and3A_3055 = vector.broadcast %and3A_3054 : i32 to vector<128x128xi32>
    %and3A_3056 = arith.andi %add3A, %and3A_3055 : vector<128x128xi32>
    %eq3A_3057 = arith.constant 0 : i32
    %eq3A_3058 = vector.broadcast %eq3A_3057 : i32 to vector<128x128xi32>
    %eq3A_3059 = arith.cmpi eq, %and3A_3056, %eq3A_3058 : vector<128x128xi32>
    %roll3A_3060 = arith.constant 8 : i32
    %roll3A_3061 = tpu.dynamic_rotate %select_n3A_3046 by %roll3A_3060 dim 1 : vector<128x128xi32>, i32 -> vector<128x128xi32>
    %roll3A_3062 = arith.constant 120 : i32
    %roll3A_3063 = tpu.dynamic_rotate %select_n3A_3046 by %roll3A_3062 dim 1 : vector<128x128xi32>, i32 -> vector<128x128xi32>
    %select_n3A_3064 = arith.select %ne3A_3053, %roll3A_3061, %roll3A_3063 : vector<128x128xi1>, vector<128x128xi32>
    %roll3A_3065 = arith.constant 8 : i32
    %roll3A_3066 = tpu.dynamic_rotate %select_n3A_3047 by %roll3A_3065 dim 1 : vector<128x128xi32>, i32 -> vector<128x128xi32>
    %roll3A_3067 = arith.constant 120 : i32
    %roll3A_3068 = tpu.dynamic_rotate %select_n3A_3047 by %roll3A_3067 dim 1 : vector<128x128xi32>, i32 -> vector<128x128xi32>
    %select_n3A_3069 = arith.select %ne3A_3053, %roll3A_3066, %roll3A_3068 : vector<128x128xi1>, vector<128x128xi32>
    %gt3A_3070 = arith.cmpi sgt, %select_n3A_3046, %select_n3A_3064 : vector<128x128xi32>
    %eq3A_3071 = arith.cmpi eq, %select_n3A_3046, %select_n3A_3064 : vector<128x128xi32>
    %gt3A_3072 = arith.cmpi sgt, %select_n3A_3047, %select_n3A_3069 : vector<128x128xi32>
    %and3A_3073 = arith.andi %eq3A_3071, %gt3A_3072 : vector<128x128xi1>
    %or3A_3074 = arith.ori %gt3A_3070, %and3A_3073 : vector<128x128xi1>
    %eq3A_3075 = arith.xori %ne3A_3053, %eq3A_3059 : vector<128x128xi1>
    %eq3A_3076 = arith.constant dense<true> : vector<128x128xi1>
    %eq3A_3077 = arith.xori %eq3A_3075, %eq3A_3076 : vector<128x128xi1>
    %eq3A_3078 = arith.xori %or3A_3074, %eq3A_3077 : vector<128x128xi1>
    %eq3A_3079 = arith.constant dense<true> : vector<128x128xi1>
    %eq3A_3080 = arith.xori %eq3A_3078, %eq3A_3079 : vector<128x128xi1>
    %select_n3A_3081 = arith.select %eq3A_3080, %select_n3A_3046, %select_n3A_3064 : vector<128x128xi1>, vector<128x128xi32>
    %select_n3A_3082 = arith.select %eq3A_3080, %select_n3A_3047, %select_n3A_3069 : vector<128x128xi1>, vector<128x128xi32>
    %and3A_3083 = arith.constant 4 : i32
    %and3A_3084 = vector.broadcast %and3A_3083 : i32 to vector<128x128xi32>
    %and3A_3085 = arith.andi %add3A, %and3A_3084 : vector<128x128xi32>
    %ne3A_3086 = arith.constant 0 : i32
    %ne3A_3087 = vector.broadcast %ne3A_3086 : i32 to vector<128x128xi32>
    %ne3A_3088 = arith.cmpi ne, %and3A_3085, %ne3A_3087 : vector<128x128xi32>
    %and3A_3089 = arith.constant 8192 : i32
    %and3A_3090 = vector.broadcast %and3A_3089 : i32 to vector<128x128xi32>
    %and3A_3091 = arith.andi %add3A, %and3A_3090 : vector<128x128xi32>
    %eq3A_3092 = arith.constant 0 : i32
    %eq3A_3093 = vector.broadcast %eq3A_3092 : i32 to vector<128x128xi32>
    %eq3A_3094 = arith.cmpi eq, %and3A_3091, %eq3A_3093 : vector<128x128xi32>
    %roll3A_3095 = arith.constant 4 : i32
    %roll3A_3096 = tpu.dynamic_rotate %select_n3A_3081 by %roll3A_3095 dim 1 : vector<128x128xi32>, i32 -> vector<128x128xi32>
    %roll3A_3097 = arith.constant 124 : i32
    %roll3A_3098 = tpu.dynamic_rotate %select_n3A_3081 by %roll3A_3097 dim 1 : vector<128x128xi32>, i32 -> vector<128x128xi32>
    %select_n3A_3099 = arith.select %ne3A_3088, %roll3A_3096, %roll3A_3098 : vector<128x128xi1>, vector<128x128xi32>
    %roll3A_3100 = arith.constant 4 : i32
    %roll3A_3101 = tpu.dynamic_rotate %select_n3A_3082 by %roll3A_3100 dim 1 : vector<128x128xi32>, i32 -> vector<128x128xi32>
    %roll3A_3102 = arith.constant 124 : i32
    %roll3A_3103 = tpu.dynamic_rotate %select_n3A_3082 by %roll3A_3102 dim 1 : vector<128x128xi32>, i32 -> vector<128x128xi32>
    %select_n3A_3104 = arith.select %ne3A_3088, %roll3A_3101, %roll3A_3103 : vector<128x128xi1>, vector<128x128xi32>
    %gt3A_3105 = arith.cmpi sgt, %select_n3A_3081, %select_n3A_3099 : vector<128x128xi32>
    %eq3A_3106 = arith.cmpi eq, %select_n3A_3081, %select_n3A_3099 : vector<128x128xi32>
    %gt3A_3107 = arith.cmpi sgt, %select_n3A_3082, %select_n3A_3104 : vector<128x128xi32>
    %and3A_3108 = arith.andi %eq3A_3106, %gt3A_3107 : vector<128x128xi1>
    %or3A_3109 = arith.ori %gt3A_3105, %and3A_3108 : vector<128x128xi1>
    %eq3A_3110 = arith.xori %ne3A_3088, %eq3A_3094 : vector<128x128xi1>
    %eq3A_3111 = arith.constant dense<true> : vector<128x128xi1>
    %eq3A_3112 = arith.xori %eq3A_3110, %eq3A_3111 : vector<128x128xi1>
    %eq3A_3113 = arith.xori %or3A_3109, %eq3A_3112 : vector<128x128xi1>
    %eq3A_3114 = arith.constant dense<true> : vector<128x128xi1>
    %eq3A_3115 = arith.xori %eq3A_3113, %eq3A_3114 : vector<128x128xi1>
    %select_n3A_3116 = arith.select %eq3A_3115, %select_n3A_3081, %select_n3A_3099 : vector<128x128xi1>, vector<128x128xi32>
    %select_n3A_3117 = arith.select %eq3A_3115, %select_n3A_3082, %select_n3A_3104 : vector<128x128xi1>, vector<128x128xi32>
    %and3A_3118 = arith.constant 2 : i32
    %and3A_3119 = vector.broadcast %and3A_3118 : i32 to vector<128x128xi32>
    %and3A_3120 = arith.andi %add3A, %and3A_3119 : vector<128x128xi32>
    %ne3A_3121 = arith.constant 0 : i32
    %ne3A_3122 = vector.broadcast %ne3A_3121 : i32 to vector<128x128xi32>
    %ne3A_3123 = arith.cmpi ne, %and3A_3120, %ne3A_3122 : vector<128x128xi32>
    %and3A_3124 = arith.constant 8192 : i32
    %and3A_3125 = vector.broadcast %and3A_3124 : i32 to vector<128x128xi32>
    %and3A_3126 = arith.andi %add3A, %and3A_3125 : vector<128x128xi32>
    %eq3A_3127 = arith.constant 0 : i32
    %eq3A_3128 = vector.broadcast %eq3A_3127 : i32 to vector<128x128xi32>
    %eq3A_3129 = arith.cmpi eq, %and3A_3126, %eq3A_3128 : vector<128x128xi32>
    %roll3A_3130 = arith.constant 2 : i32
    %roll3A_3131 = tpu.dynamic_rotate %select_n3A_3116 by %roll3A_3130 dim 1 : vector<128x128xi32>, i32 -> vector<128x128xi32>
    %roll3A_3132 = arith.constant 126 : i32
    %roll3A_3133 = tpu.dynamic_rotate %select_n3A_3116 by %roll3A_3132 dim 1 : vector<128x128xi32>, i32 -> vector<128x128xi32>
    %select_n3A_3134 = arith.select %ne3A_3123, %roll3A_3131, %roll3A_3133 : vector<128x128xi1>, vector<128x128xi32>
    %roll3A_3135 = arith.constant 2 : i32
    %roll3A_3136 = tpu.dynamic_rotate %select_n3A_3117 by %roll3A_3135 dim 1 : vector<128x128xi32>, i32 -> vector<128x128xi32>
    %roll3A_3137 = arith.constant 126 : i32
    %roll3A_3138 = tpu.dynamic_rotate %select_n3A_3117 by %roll3A_3137 dim 1 : vector<128x128xi32>, i32 -> vector<128x128xi32>
    %select_n3A_3139 = arith.select %ne3A_3123, %roll3A_3136, %roll3A_3138 : vector<128x128xi1>, vector<128x128xi32>
    %gt3A_3140 = arith.cmpi sgt, %select_n3A_3116, %select_n3A_3134 : vector<128x128xi32>
    %eq3A_3141 = arith.cmpi eq, %select_n3A_3116, %select_n3A_3134 : vector<128x128xi32>
    %gt3A_3142 = arith.cmpi sgt, %select_n3A_3117, %select_n3A_3139 : vector<128x128xi32>
    %and3A_3143 = arith.andi %eq3A_3141, %gt3A_3142 : vector<128x128xi1>
    %or3A_3144 = arith.ori %gt3A_3140, %and3A_3143 : vector<128x128xi1>
    %eq3A_3145 = arith.xori %ne3A_3123, %eq3A_3129 : vector<128x128xi1>
    %eq3A_3146 = arith.constant dense<true> : vector<128x128xi1>
    %eq3A_3147 = arith.xori %eq3A_3145, %eq3A_3146 : vector<128x128xi1>
    %eq3A_3148 = arith.xori %or3A_3144, %eq3A_3147 : vector<128x128xi1>
    %eq3A_3149 = arith.constant dense<true> : vector<128x128xi1>
    %eq3A_3150 = arith.xori %eq3A_3148, %eq3A_3149 : vector<128x128xi1>
    %select_n3A_3151 = arith.select %eq3A_3150, %select_n3A_3116, %select_n3A_3134 : vector<128x128xi1>, vector<128x128xi32>
    %select_n3A_3152 = arith.select %eq3A_3150, %select_n3A_3117, %select_n3A_3139 : vector<128x128xi1>, vector<128x128xi32>
    %and3A_3153 = arith.constant 1 : i32
    %and3A_3154 = vector.broadcast %and3A_3153 : i32 to vector<128x128xi32>
    %and3A_3155 = arith.andi %add3A, %and3A_3154 : vector<128x128xi32>
    %ne3A_3156 = arith.constant 0 : i32
    %ne3A_3157 = vector.broadcast %ne3A_3156 : i32 to vector<128x128xi32>
    %ne3A_3158 = arith.cmpi ne, %and3A_3155, %ne3A_3157 : vector<128x128xi32>
    %and3A_3159 = arith.constant 8192 : i32
    %and3A_3160 = vector.broadcast %and3A_3159 : i32 to vector<128x128xi32>
    %and3A_3161 = arith.andi %add3A, %and3A_3160 : vector<128x128xi32>
    %eq3A_3162 = arith.constant 0 : i32
    %eq3A_3163 = vector.broadcast %eq3A_3162 : i32 to vector<128x128xi32>
    %eq3A_3164 = arith.cmpi eq, %and3A_3161, %eq3A_3163 : vector<128x128xi32>
    %roll3A_3165 = arith.constant 1 : i32
    %roll3A_3166 = tpu.dynamic_rotate %select_n3A_3151 by %roll3A_3165 dim 1 : vector<128x128xi32>, i32 -> vector<128x128xi32>
    %roll3A_3167 = arith.constant 127 : i32
    %roll3A_3168 = tpu.dynamic_rotate %select_n3A_3151 by %roll3A_3167 dim 1 : vector<128x128xi32>, i32 -> vector<128x128xi32>
    %select_n3A_3169 = arith.select %ne3A_3158, %roll3A_3166, %roll3A_3168 : vector<128x128xi1>, vector<128x128xi32>
    %roll3A_3170 = arith.constant 1 : i32
    %roll3A_3171 = tpu.dynamic_rotate %select_n3A_3152 by %roll3A_3170 dim 1 : vector<128x128xi32>, i32 -> vector<128x128xi32>
    %roll3A_3172 = arith.constant 127 : i32
    %roll3A_3173 = tpu.dynamic_rotate %select_n3A_3152 by %roll3A_3172 dim 1 : vector<128x128xi32>, i32 -> vector<128x128xi32>
    %select_n3A_3174 = arith.select %ne3A_3158, %roll3A_3171, %roll3A_3173 : vector<128x128xi1>, vector<128x128xi32>
    %gt3A_3175 = arith.cmpi sgt, %select_n3A_3151, %select_n3A_3169 : vector<128x128xi32>
    %eq3A_3176 = arith.cmpi eq, %select_n3A_3151, %select_n3A_3169 : vector<128x128xi32>
    %gt3A_3177 = arith.cmpi sgt, %select_n3A_3152, %select_n3A_3174 : vector<128x128xi32>
    %and3A_3178 = arith.andi %eq3A_3176, %gt3A_3177 : vector<128x128xi1>
    %or3A_3179 = arith.ori %gt3A_3175, %and3A_3178 : vector<128x128xi1>
    %eq3A_3180 = arith.xori %ne3A_3158, %eq3A_3164 : vector<128x128xi1>
    %eq3A_3181 = arith.constant dense<true> : vector<128x128xi1>
    %eq3A_3182 = arith.xori %eq3A_3180, %eq3A_3181 : vector<128x128xi1>
    %eq3A_3183 = arith.xori %or3A_3179, %eq3A_3182 : vector<128x128xi1>
    %eq3A_3184 = arith.constant dense<true> : vector<128x128xi1>
    %eq3A_3185 = arith.xori %eq3A_3183, %eq3A_3184 : vector<128x128xi1>
    %select_n3A_3186 = arith.select %eq3A_3185, %select_n3A_3151, %select_n3A_3169 : vector<128x128xi1>, vector<128x128xi32>
    %select_n3A_3187 = arith.select %eq3A_3185, %select_n3A_3152, %select_n3A_3174 : vector<128x128xi1>, vector<128x128xi32>
    %and3A_3188 = arith.constant 8192 : i32
    %and3A_3189 = vector.broadcast %and3A_3188 : i32 to vector<128x128xi32>
    %and3A_3190 = arith.andi %add3A, %and3A_3189 : vector<128x128xi32>
    %ne3A_3191 = arith.constant 0 : i32
    %ne3A_3192 = vector.broadcast %ne3A_3191 : i32 to vector<128x128xi32>
    %ne3A_3193 = arith.cmpi ne, %and3A_3190, %ne3A_3192 : vector<128x128xi32>
    %and3A_3194 = arith.constant 16384 : i32
    %and3A_3195 = vector.broadcast %and3A_3194 : i32 to vector<128x128xi32>
    %and3A_3196 = arith.andi %add3A, %and3A_3195 : vector<128x128xi32>
    %eq3A_3197 = arith.constant 0 : i32
    %eq3A_3198 = vector.broadcast %eq3A_3197 : i32 to vector<128x128xi32>
    %eq3A_3199 = arith.cmpi eq, %and3A_3196, %eq3A_3198 : vector<128x128xi32>
    %roll3A_3200 = arith.constant 64 : i32
    %roll3A_3201 = tpu.dynamic_rotate %select_n3A_3186 by %roll3A_3200 dim 0 : vector<128x128xi32>, i32 -> vector<128x128xi32>
    %roll3A_3202 = arith.constant 64 : i32
    %roll3A_3203 = tpu.dynamic_rotate %select_n3A_3186 by %roll3A_3202 dim 0 : vector<128x128xi32>, i32 -> vector<128x128xi32>
    %select_n3A_3204 = arith.select %ne3A_3193, %roll3A_3201, %roll3A_3203 : vector<128x128xi1>, vector<128x128xi32>
    %roll3A_3205 = arith.constant 64 : i32
    %roll3A_3206 = tpu.dynamic_rotate %select_n3A_3187 by %roll3A_3205 dim 0 : vector<128x128xi32>, i32 -> vector<128x128xi32>
    %roll3A_3207 = arith.constant 64 : i32
    %roll3A_3208 = tpu.dynamic_rotate %select_n3A_3187 by %roll3A_3207 dim 0 : vector<128x128xi32>, i32 -> vector<128x128xi32>
    %select_n3A_3209 = arith.select %ne3A_3193, %roll3A_3206, %roll3A_3208 : vector<128x128xi1>, vector<128x128xi32>
    %gt3A_3210 = arith.cmpi sgt, %select_n3A_3186, %select_n3A_3204 : vector<128x128xi32>
    %eq3A_3211 = arith.cmpi eq, %select_n3A_3186, %select_n3A_3204 : vector<128x128xi32>
    %gt3A_3212 = arith.cmpi sgt, %select_n3A_3187, %select_n3A_3209 : vector<128x128xi32>
    %and3A_3213 = arith.andi %eq3A_3211, %gt3A_3212 : vector<128x128xi1>
    %or3A_3214 = arith.ori %gt3A_3210, %and3A_3213 : vector<128x128xi1>
    %eq3A_3215 = arith.xori %ne3A_3193, %eq3A_3199 : vector<128x128xi1>
    %eq3A_3216 = arith.constant dense<true> : vector<128x128xi1>
    %eq3A_3217 = arith.xori %eq3A_3215, %eq3A_3216 : vector<128x128xi1>
    %eq3A_3218 = arith.xori %or3A_3214, %eq3A_3217 : vector<128x128xi1>
    %eq3A_3219 = arith.constant dense<true> : vector<128x128xi1>
    %eq3A_3220 = arith.xori %eq3A_3218, %eq3A_3219 : vector<128x128xi1>
    %select_n3A_3221 = arith.select %eq3A_3220, %select_n3A_3186, %select_n3A_3204 : vector<128x128xi1>, vector<128x128xi32>
    %select_n3A_3222 = arith.select %eq3A_3220, %select_n3A_3187, %select_n3A_3209 : vector<128x128xi1>, vector<128x128xi32>
    %and3A_3223 = arith.constant 4096 : i32
    %and3A_3224 = vector.broadcast %and3A_3223 : i32 to vector<128x128xi32>
    %and3A_3225 = arith.andi %add3A, %and3A_3224 : vector<128x128xi32>
    %ne3A_3226 = arith.constant 0 : i32
    %ne3A_3227 = vector.broadcast %ne3A_3226 : i32 to vector<128x128xi32>
    %ne3A_3228 = arith.cmpi ne, %and3A_3225, %ne3A_3227 : vector<128x128xi32>
    %and3A_3229 = arith.constant 16384 : i32
    %and3A_3230 = vector.broadcast %and3A_3229 : i32 to vector<128x128xi32>
    %and3A_3231 = arith.andi %add3A, %and3A_3230 : vector<128x128xi32>
    %eq3A_3232 = arith.constant 0 : i32
    %eq3A_3233 = vector.broadcast %eq3A_3232 : i32 to vector<128x128xi32>
    %eq3A_3234 = arith.cmpi eq, %and3A_3231, %eq3A_3233 : vector<128x128xi32>
    %roll3A_3235 = arith.constant 32 : i32
    %roll3A_3236 = tpu.dynamic_rotate %select_n3A_3221 by %roll3A_3235 dim 0 : vector<128x128xi32>, i32 -> vector<128x128xi32>
    %roll3A_3237 = arith.constant 96 : i32
    %roll3A_3238 = tpu.dynamic_rotate %select_n3A_3221 by %roll3A_3237 dim 0 : vector<128x128xi32>, i32 -> vector<128x128xi32>
    %select_n3A_3239 = arith.select %ne3A_3228, %roll3A_3236, %roll3A_3238 : vector<128x128xi1>, vector<128x128xi32>
    %roll3A_3240 = arith.constant 32 : i32
    %roll3A_3241 = tpu.dynamic_rotate %select_n3A_3222 by %roll3A_3240 dim 0 : vector<128x128xi32>, i32 -> vector<128x128xi32>
    %roll3A_3242 = arith.constant 96 : i32
    %roll3A_3243 = tpu.dynamic_rotate %select_n3A_3222 by %roll3A_3242 dim 0 : vector<128x128xi32>, i32 -> vector<128x128xi32>
    %select_n3A_3244 = arith.select %ne3A_3228, %roll3A_3241, %roll3A_3243 : vector<128x128xi1>, vector<128x128xi32>
    %gt3A_3245 = arith.cmpi sgt, %select_n3A_3221, %select_n3A_3239 : vector<128x128xi32>
    %eq3A_3246 = arith.cmpi eq, %select_n3A_3221, %select_n3A_3239 : vector<128x128xi32>
    %gt3A_3247 = arith.cmpi sgt, %select_n3A_3222, %select_n3A_3244 : vector<128x128xi32>
    %and3A_3248 = arith.andi %eq3A_3246, %gt3A_3247 : vector<128x128xi1>
    %or3A_3249 = arith.ori %gt3A_3245, %and3A_3248 : vector<128x128xi1>
    %eq3A_3250 = arith.xori %ne3A_3228, %eq3A_3234 : vector<128x128xi1>
    %eq3A_3251 = arith.constant dense<true> : vector<128x128xi1>
    %eq3A_3252 = arith.xori %eq3A_3250, %eq3A_3251 : vector<128x128xi1>
    %eq3A_3253 = arith.xori %or3A_3249, %eq3A_3252 : vector<128x128xi1>
    %eq3A_3254 = arith.constant dense<true> : vector<128x128xi1>
    %eq3A_3255 = arith.xori %eq3A_3253, %eq3A_3254 : vector<128x128xi1>
    %select_n3A_3256 = arith.select %eq3A_3255, %select_n3A_3221, %select_n3A_3239 : vector<128x128xi1>, vector<128x128xi32>
    %select_n3A_3257 = arith.select %eq3A_3255, %select_n3A_3222, %select_n3A_3244 : vector<128x128xi1>, vector<128x128xi32>
    %and3A_3258 = arith.constant 2048 : i32
    %and3A_3259 = vector.broadcast %and3A_3258 : i32 to vector<128x128xi32>
    %and3A_3260 = arith.andi %add3A, %and3A_3259 : vector<128x128xi32>
    %ne3A_3261 = arith.constant 0 : i32
    %ne3A_3262 = vector.broadcast %ne3A_3261 : i32 to vector<128x128xi32>
    %ne3A_3263 = arith.cmpi ne, %and3A_3260, %ne3A_3262 : vector<128x128xi32>
    %and3A_3264 = arith.constant 16384 : i32
    %and3A_3265 = vector.broadcast %and3A_3264 : i32 to vector<128x128xi32>
    %and3A_3266 = arith.andi %add3A, %and3A_3265 : vector<128x128xi32>
    %eq3A_3267 = arith.constant 0 : i32
    %eq3A_3268 = vector.broadcast %eq3A_3267 : i32 to vector<128x128xi32>
    %eq3A_3269 = arith.cmpi eq, %and3A_3266, %eq3A_3268 : vector<128x128xi32>
    %roll3A_3270 = arith.constant 16 : i32
    %roll3A_3271 = tpu.dynamic_rotate %select_n3A_3256 by %roll3A_3270 dim 0 : vector<128x128xi32>, i32 -> vector<128x128xi32>
    %roll3A_3272 = arith.constant 112 : i32
    %roll3A_3273 = tpu.dynamic_rotate %select_n3A_3256 by %roll3A_3272 dim 0 : vector<128x128xi32>, i32 -> vector<128x128xi32>
    %select_n3A_3274 = arith.select %ne3A_3263, %roll3A_3271, %roll3A_3273 : vector<128x128xi1>, vector<128x128xi32>
    %roll3A_3275 = arith.constant 16 : i32
    %roll3A_3276 = tpu.dynamic_rotate %select_n3A_3257 by %roll3A_3275 dim 0 : vector<128x128xi32>, i32 -> vector<128x128xi32>
    %roll3A_3277 = arith.constant 112 : i32
    %roll3A_3278 = tpu.dynamic_rotate %select_n3A_3257 by %roll3A_3277 dim 0 : vector<128x128xi32>, i32 -> vector<128x128xi32>
    %select_n3A_3279 = arith.select %ne3A_3263, %roll3A_3276, %roll3A_3278 : vector<128x128xi1>, vector<128x128xi32>
    %gt3A_3280 = arith.cmpi sgt, %select_n3A_3256, %select_n3A_3274 : vector<128x128xi32>
    %eq3A_3281 = arith.cmpi eq, %select_n3A_3256, %select_n3A_3274 : vector<128x128xi32>
    %gt3A_3282 = arith.cmpi sgt, %select_n3A_3257, %select_n3A_3279 : vector<128x128xi32>
    %and3A_3283 = arith.andi %eq3A_3281, %gt3A_3282 : vector<128x128xi1>
    %or3A_3284 = arith.ori %gt3A_3280, %and3A_3283 : vector<128x128xi1>
    %eq3A_3285 = arith.xori %ne3A_3263, %eq3A_3269 : vector<128x128xi1>
    %eq3A_3286 = arith.constant dense<true> : vector<128x128xi1>
    %eq3A_3287 = arith.xori %eq3A_3285, %eq3A_3286 : vector<128x128xi1>
    %eq3A_3288 = arith.xori %or3A_3284, %eq3A_3287 : vector<128x128xi1>
    %eq3A_3289 = arith.constant dense<true> : vector<128x128xi1>
    %eq3A_3290 = arith.xori %eq3A_3288, %eq3A_3289 : vector<128x128xi1>
    %select_n3A_3291 = arith.select %eq3A_3290, %select_n3A_3256, %select_n3A_3274 : vector<128x128xi1>, vector<128x128xi32>
    %select_n3A_3292 = arith.select %eq3A_3290, %select_n3A_3257, %select_n3A_3279 : vector<128x128xi1>, vector<128x128xi32>
    %and3A_3293 = arith.constant 1024 : i32
    %and3A_3294 = vector.broadcast %and3A_3293 : i32 to vector<128x128xi32>
    %and3A_3295 = arith.andi %add3A, %and3A_3294 : vector<128x128xi32>
    %ne3A_3296 = arith.constant 0 : i32
    %ne3A_3297 = vector.broadcast %ne3A_3296 : i32 to vector<128x128xi32>
    %ne3A_3298 = arith.cmpi ne, %and3A_3295, %ne3A_3297 : vector<128x128xi32>
    %and3A_3299 = arith.constant 16384 : i32
    %and3A_3300 = vector.broadcast %and3A_3299 : i32 to vector<128x128xi32>
    %and3A_3301 = arith.andi %add3A, %and3A_3300 : vector<128x128xi32>
    %eq3A_3302 = arith.constant 0 : i32
    %eq3A_3303 = vector.broadcast %eq3A_3302 : i32 to vector<128x128xi32>
    %eq3A_3304 = arith.cmpi eq, %and3A_3301, %eq3A_3303 : vector<128x128xi32>
    %roll3A_3305 = arith.constant 8 : i32
    %roll3A_3306 = tpu.dynamic_rotate %select_n3A_3291 by %roll3A_3305 dim 0 : vector<128x128xi32>, i32 -> vector<128x128xi32>
    %roll3A_3307 = arith.constant 120 : i32
    %roll3A_3308 = tpu.dynamic_rotate %select_n3A_3291 by %roll3A_3307 dim 0 : vector<128x128xi32>, i32 -> vector<128x128xi32>
    %select_n3A_3309 = arith.select %ne3A_3298, %roll3A_3306, %roll3A_3308 : vector<128x128xi1>, vector<128x128xi32>
    %roll3A_3310 = arith.constant 8 : i32
    %roll3A_3311 = tpu.dynamic_rotate %select_n3A_3292 by %roll3A_3310 dim 0 : vector<128x128xi32>, i32 -> vector<128x128xi32>
    %roll3A_3312 = arith.constant 120 : i32
    %roll3A_3313 = tpu.dynamic_rotate %select_n3A_3292 by %roll3A_3312 dim 0 : vector<128x128xi32>, i32 -> vector<128x128xi32>
    %select_n3A_3314 = arith.select %ne3A_3298, %roll3A_3311, %roll3A_3313 : vector<128x128xi1>, vector<128x128xi32>
    %gt3A_3315 = arith.cmpi sgt, %select_n3A_3291, %select_n3A_3309 : vector<128x128xi32>
    %eq3A_3316 = arith.cmpi eq, %select_n3A_3291, %select_n3A_3309 : vector<128x128xi32>
    %gt3A_3317 = arith.cmpi sgt, %select_n3A_3292, %select_n3A_3314 : vector<128x128xi32>
    %and3A_3318 = arith.andi %eq3A_3316, %gt3A_3317 : vector<128x128xi1>
    %or3A_3319 = arith.ori %gt3A_3315, %and3A_3318 : vector<128x128xi1>
    %eq3A_3320 = arith.xori %ne3A_3298, %eq3A_3304 : vector<128x128xi1>
    %eq3A_3321 = arith.constant dense<true> : vector<128x128xi1>
    %eq3A_3322 = arith.xori %eq3A_3320, %eq3A_3321 : vector<128x128xi1>
    %eq3A_3323 = arith.xori %or3A_3319, %eq3A_3322 : vector<128x128xi1>
    %eq3A_3324 = arith.constant dense<true> : vector<128x128xi1>
    %eq3A_3325 = arith.xori %eq3A_3323, %eq3A_3324 : vector<128x128xi1>
    %select_n3A_3326 = arith.select %eq3A_3325, %select_n3A_3291, %select_n3A_3309 : vector<128x128xi1>, vector<128x128xi32>
    %select_n3A_3327 = arith.select %eq3A_3325, %select_n3A_3292, %select_n3A_3314 : vector<128x128xi1>, vector<128x128xi32>
    %and3A_3328 = arith.constant 512 : i32
    %and3A_3329 = vector.broadcast %and3A_3328 : i32 to vector<128x128xi32>
    %and3A_3330 = arith.andi %add3A, %and3A_3329 : vector<128x128xi32>
    %ne3A_3331 = arith.constant 0 : i32
    %ne3A_3332 = vector.broadcast %ne3A_3331 : i32 to vector<128x128xi32>
    %ne3A_3333 = arith.cmpi ne, %and3A_3330, %ne3A_3332 : vector<128x128xi32>
    %and3A_3334 = arith.constant 16384 : i32
    %and3A_3335 = vector.broadcast %and3A_3334 : i32 to vector<128x128xi32>
    %and3A_3336 = arith.andi %add3A, %and3A_3335 : vector<128x128xi32>
    %eq3A_3337 = arith.constant 0 : i32
    %eq3A_3338 = vector.broadcast %eq3A_3337 : i32 to vector<128x128xi32>
    %eq3A_3339 = arith.cmpi eq, %and3A_3336, %eq3A_3338 : vector<128x128xi32>
    %roll3A_3340 = arith.constant 4 : i32
    %roll3A_3341 = tpu.dynamic_rotate %select_n3A_3326 by %roll3A_3340 dim 0 : vector<128x128xi32>, i32 -> vector<128x128xi32>
    %roll3A_3342 = arith.constant 124 : i32
    %roll3A_3343 = tpu.dynamic_rotate %select_n3A_3326 by %roll3A_3342 dim 0 : vector<128x128xi32>, i32 -> vector<128x128xi32>
    %select_n3A_3344 = arith.select %ne3A_3333, %roll3A_3341, %roll3A_3343 : vector<128x128xi1>, vector<128x128xi32>
    %roll3A_3345 = arith.constant 4 : i32
    %roll3A_3346 = tpu.dynamic_rotate %select_n3A_3327 by %roll3A_3345 dim 0 : vector<128x128xi32>, i32 -> vector<128x128xi32>
    %roll3A_3347 = arith.constant 124 : i32
    %roll3A_3348 = tpu.dynamic_rotate %select_n3A_3327 by %roll3A_3347 dim 0 : vector<128x128xi32>, i32 -> vector<128x128xi32>
    %select_n3A_3349 = arith.select %ne3A_3333, %roll3A_3346, %roll3A_3348 : vector<128x128xi1>, vector<128x128xi32>
    %gt3A_3350 = arith.cmpi sgt, %select_n3A_3326, %select_n3A_3344 : vector<128x128xi32>
    %eq3A_3351 = arith.cmpi eq, %select_n3A_3326, %select_n3A_3344 : vector<128x128xi32>
    %gt3A_3352 = arith.cmpi sgt, %select_n3A_3327, %select_n3A_3349 : vector<128x128xi32>
    %and3A_3353 = arith.andi %eq3A_3351, %gt3A_3352 : vector<128x128xi1>
    %or3A_3354 = arith.ori %gt3A_3350, %and3A_3353 : vector<128x128xi1>
    %eq3A_3355 = arith.xori %ne3A_3333, %eq3A_3339 : vector<128x128xi1>
    %eq3A_3356 = arith.constant dense<true> : vector<128x128xi1>
    %eq3A_3357 = arith.xori %eq3A_3355, %eq3A_3356 : vector<128x128xi1>
    %eq3A_3358 = arith.xori %or3A_3354, %eq3A_3357 : vector<128x128xi1>
    %eq3A_3359 = arith.constant dense<true> : vector<128x128xi1>
    %eq3A_3360 = arith.xori %eq3A_3358, %eq3A_3359 : vector<128x128xi1>
    %select_n3A_3361 = arith.select %eq3A_3360, %select_n3A_3326, %select_n3A_3344 : vector<128x128xi1>, vector<128x128xi32>
    %select_n3A_3362 = arith.select %eq3A_3360, %select_n3A_3327, %select_n3A_3349 : vector<128x128xi1>, vector<128x128xi32>
    %and3A_3363 = arith.constant 256 : i32
    %and3A_3364 = vector.broadcast %and3A_3363 : i32 to vector<128x128xi32>
    %and3A_3365 = arith.andi %add3A, %and3A_3364 : vector<128x128xi32>
    %ne3A_3366 = arith.constant 0 : i32
    %ne3A_3367 = vector.broadcast %ne3A_3366 : i32 to vector<128x128xi32>
    %ne3A_3368 = arith.cmpi ne, %and3A_3365, %ne3A_3367 : vector<128x128xi32>
    %and3A_3369 = arith.constant 16384 : i32
    %and3A_3370 = vector.broadcast %and3A_3369 : i32 to vector<128x128xi32>
    %and3A_3371 = arith.andi %add3A, %and3A_3370 : vector<128x128xi32>
    %eq3A_3372 = arith.constant 0 : i32
    %eq3A_3373 = vector.broadcast %eq3A_3372 : i32 to vector<128x128xi32>
    %eq3A_3374 = arith.cmpi eq, %and3A_3371, %eq3A_3373 : vector<128x128xi32>
    %roll3A_3375 = arith.constant 2 : i32
    %roll3A_3376 = tpu.dynamic_rotate %select_n3A_3361 by %roll3A_3375 dim 0 : vector<128x128xi32>, i32 -> vector<128x128xi32>
    %roll3A_3377 = arith.constant 126 : i32
    %roll3A_3378 = tpu.dynamic_rotate %select_n3A_3361 by %roll3A_3377 dim 0 : vector<128x128xi32>, i32 -> vector<128x128xi32>
    %select_n3A_3379 = arith.select %ne3A_3368, %roll3A_3376, %roll3A_3378 : vector<128x128xi1>, vector<128x128xi32>
    %roll3A_3380 = arith.constant 2 : i32
    %roll3A_3381 = tpu.dynamic_rotate %select_n3A_3362 by %roll3A_3380 dim 0 : vector<128x128xi32>, i32 -> vector<128x128xi32>
    %roll3A_3382 = arith.constant 126 : i32
    %roll3A_3383 = tpu.dynamic_rotate %select_n3A_3362 by %roll3A_3382 dim 0 : vector<128x128xi32>, i32 -> vector<128x128xi32>
    %select_n3A_3384 = arith.select %ne3A_3368, %roll3A_3381, %roll3A_3383 : vector<128x128xi1>, vector<128x128xi32>
    %gt3A_3385 = arith.cmpi sgt, %select_n3A_3361, %select_n3A_3379 : vector<128x128xi32>
    %eq3A_3386 = arith.cmpi eq, %select_n3A_3361, %select_n3A_3379 : vector<128x128xi32>
    %gt3A_3387 = arith.cmpi sgt, %select_n3A_3362, %select_n3A_3384 : vector<128x128xi32>
    %and3A_3388 = arith.andi %eq3A_3386, %gt3A_3387 : vector<128x128xi1>
    %or3A_3389 = arith.ori %gt3A_3385, %and3A_3388 : vector<128x128xi1>
    %eq3A_3390 = arith.xori %ne3A_3368, %eq3A_3374 : vector<128x128xi1>
    %eq3A_3391 = arith.constant dense<true> : vector<128x128xi1>
    %eq3A_3392 = arith.xori %eq3A_3390, %eq3A_3391 : vector<128x128xi1>
    %eq3A_3393 = arith.xori %or3A_3389, %eq3A_3392 : vector<128x128xi1>
    %eq3A_3394 = arith.constant dense<true> : vector<128x128xi1>
    %eq3A_3395 = arith.xori %eq3A_3393, %eq3A_3394 : vector<128x128xi1>
    %select_n3A_3396 = arith.select %eq3A_3395, %select_n3A_3361, %select_n3A_3379 : vector<128x128xi1>, vector<128x128xi32>
    %select_n3A_3397 = arith.select %eq3A_3395, %select_n3A_3362, %select_n3A_3384 : vector<128x128xi1>, vector<128x128xi32>
    %and3A_3398 = arith.constant 128 : i32
    %and3A_3399 = vector.broadcast %and3A_3398 : i32 to vector<128x128xi32>
    %and3A_3400 = arith.andi %add3A, %and3A_3399 : vector<128x128xi32>
    %ne3A_3401 = arith.constant 0 : i32
    %ne3A_3402 = vector.broadcast %ne3A_3401 : i32 to vector<128x128xi32>
    %ne3A_3403 = arith.cmpi ne, %and3A_3400, %ne3A_3402 : vector<128x128xi32>
    %and3A_3404 = arith.constant 16384 : i32
    %and3A_3405 = vector.broadcast %and3A_3404 : i32 to vector<128x128xi32>
    %and3A_3406 = arith.andi %add3A, %and3A_3405 : vector<128x128xi32>
    %eq3A_3407 = arith.constant 0 : i32
    %eq3A_3408 = vector.broadcast %eq3A_3407 : i32 to vector<128x128xi32>
    %eq3A_3409 = arith.cmpi eq, %and3A_3406, %eq3A_3408 : vector<128x128xi32>
    %roll3A_3410 = arith.constant 1 : i32
    %roll3A_3411 = tpu.dynamic_rotate %select_n3A_3396 by %roll3A_3410 dim 0 : vector<128x128xi32>, i32 -> vector<128x128xi32>
    %roll3A_3412 = arith.constant 127 : i32
    %roll3A_3413 = tpu.dynamic_rotate %select_n3A_3396 by %roll3A_3412 dim 0 : vector<128x128xi32>, i32 -> vector<128x128xi32>
    %select_n3A_3414 = arith.select %ne3A_3403, %roll3A_3411, %roll3A_3413 : vector<128x128xi1>, vector<128x128xi32>
    %roll3A_3415 = arith.constant 1 : i32
    %roll3A_3416 = tpu.dynamic_rotate %select_n3A_3397 by %roll3A_3415 dim 0 : vector<128x128xi32>, i32 -> vector<128x128xi32>
    %roll3A_3417 = arith.constant 127 : i32
    %roll3A_3418 = tpu.dynamic_rotate %select_n3A_3397 by %roll3A_3417 dim 0 : vector<128x128xi32>, i32 -> vector<128x128xi32>
    %select_n3A_3419 = arith.select %ne3A_3403, %roll3A_3416, %roll3A_3418 : vector<128x128xi1>, vector<128x128xi32>
    %gt3A_3420 = arith.cmpi sgt, %select_n3A_3396, %select_n3A_3414 : vector<128x128xi32>
    %eq3A_3421 = arith.cmpi eq, %select_n3A_3396, %select_n3A_3414 : vector<128x128xi32>
    %gt3A_3422 = arith.cmpi sgt, %select_n3A_3397, %select_n3A_3419 : vector<128x128xi32>
    %and3A_3423 = arith.andi %eq3A_3421, %gt3A_3422 : vector<128x128xi1>
    %or3A_3424 = arith.ori %gt3A_3420, %and3A_3423 : vector<128x128xi1>
    %eq3A_3425 = arith.xori %ne3A_3403, %eq3A_3409 : vector<128x128xi1>
    %eq3A_3426 = arith.constant dense<true> : vector<128x128xi1>
    %eq3A_3427 = arith.xori %eq3A_3425, %eq3A_3426 : vector<128x128xi1>
    %eq3A_3428 = arith.xori %or3A_3424, %eq3A_3427 : vector<128x128xi1>
    %eq3A_3429 = arith.constant dense<true> : vector<128x128xi1>
    %eq3A_3430 = arith.xori %eq3A_3428, %eq3A_3429 : vector<128x128xi1>
    %select_n3A_3431 = arith.select %eq3A_3430, %select_n3A_3396, %select_n3A_3414 : vector<128x128xi1>, vector<128x128xi32>
    %select_n3A_3432 = arith.select %eq3A_3430, %select_n3A_3397, %select_n3A_3419 : vector<128x128xi1>, vector<128x128xi32>
    %and3A_3433 = arith.constant 64 : i32
    %and3A_3434 = vector.broadcast %and3A_3433 : i32 to vector<128x128xi32>
    %and3A_3435 = arith.andi %add3A, %and3A_3434 : vector<128x128xi32>
    %ne3A_3436 = arith.constant 0 : i32
    %ne3A_3437 = vector.broadcast %ne3A_3436 : i32 to vector<128x128xi32>
    %ne3A_3438 = arith.cmpi ne, %and3A_3435, %ne3A_3437 : vector<128x128xi32>
    %and3A_3439 = arith.constant 16384 : i32
    %and3A_3440 = vector.broadcast %and3A_3439 : i32 to vector<128x128xi32>
    %and3A_3441 = arith.andi %add3A, %and3A_3440 : vector<128x128xi32>
    %eq3A_3442 = arith.constant 0 : i32
    %eq3A_3443 = vector.broadcast %eq3A_3442 : i32 to vector<128x128xi32>
    %eq3A_3444 = arith.cmpi eq, %and3A_3441, %eq3A_3443 : vector<128x128xi32>
    %roll3A_3445 = arith.constant 64 : i32
    %roll3A_3446 = tpu.dynamic_rotate %select_n3A_3431 by %roll3A_3445 dim 1 : vector<128x128xi32>, i32 -> vector<128x128xi32>
    %roll3A_3447 = arith.constant 64 : i32
    %roll3A_3448 = tpu.dynamic_rotate %select_n3A_3431 by %roll3A_3447 dim 1 : vector<128x128xi32>, i32 -> vector<128x128xi32>
    %select_n3A_3449 = arith.select %ne3A_3438, %roll3A_3446, %roll3A_3448 : vector<128x128xi1>, vector<128x128xi32>
    %roll3A_3450 = arith.constant 64 : i32
    %roll3A_3451 = tpu.dynamic_rotate %select_n3A_3432 by %roll3A_3450 dim 1 : vector<128x128xi32>, i32 -> vector<128x128xi32>
    %roll3A_3452 = arith.constant 64 : i32
    %roll3A_3453 = tpu.dynamic_rotate %select_n3A_3432 by %roll3A_3452 dim 1 : vector<128x128xi32>, i32 -> vector<128x128xi32>
    %select_n3A_3454 = arith.select %ne3A_3438, %roll3A_3451, %roll3A_3453 : vector<128x128xi1>, vector<128x128xi32>
    %gt3A_3455 = arith.cmpi sgt, %select_n3A_3431, %select_n3A_3449 : vector<128x128xi32>
    %eq3A_3456 = arith.cmpi eq, %select_n3A_3431, %select_n3A_3449 : vector<128x128xi32>
    %gt3A_3457 = arith.cmpi sgt, %select_n3A_3432, %select_n3A_3454 : vector<128x128xi32>
    %and3A_3458 = arith.andi %eq3A_3456, %gt3A_3457 : vector<128x128xi1>
    %or3A_3459 = arith.ori %gt3A_3455, %and3A_3458 : vector<128x128xi1>
    %eq3A_3460 = arith.xori %ne3A_3438, %eq3A_3444 : vector<128x128xi1>
    %eq3A_3461 = arith.constant dense<true> : vector<128x128xi1>
    %eq3A_3462 = arith.xori %eq3A_3460, %eq3A_3461 : vector<128x128xi1>
    %eq3A_3463 = arith.xori %or3A_3459, %eq3A_3462 : vector<128x128xi1>
    %eq3A_3464 = arith.constant dense<true> : vector<128x128xi1>
    %eq3A_3465 = arith.xori %eq3A_3463, %eq3A_3464 : vector<128x128xi1>
    %select_n3A_3466 = arith.select %eq3A_3465, %select_n3A_3431, %select_n3A_3449 : vector<128x128xi1>, vector<128x128xi32>
    %select_n3A_3467 = arith.select %eq3A_3465, %select_n3A_3432, %select_n3A_3454 : vector<128x128xi1>, vector<128x128xi32>
    %and3A_3468 = arith.constant 32 : i32
    %and3A_3469 = vector.broadcast %and3A_3468 : i32 to vector<128x128xi32>
    %and3A_3470 = arith.andi %add3A, %and3A_3469 : vector<128x128xi32>
    %ne3A_3471 = arith.constant 0 : i32
    %ne3A_3472 = vector.broadcast %ne3A_3471 : i32 to vector<128x128xi32>
    %ne3A_3473 = arith.cmpi ne, %and3A_3470, %ne3A_3472 : vector<128x128xi32>
    %and3A_3474 = arith.constant 16384 : i32
    %and3A_3475 = vector.broadcast %and3A_3474 : i32 to vector<128x128xi32>
    %and3A_3476 = arith.andi %add3A, %and3A_3475 : vector<128x128xi32>
    %eq3A_3477 = arith.constant 0 : i32
    %eq3A_3478 = vector.broadcast %eq3A_3477 : i32 to vector<128x128xi32>
    %eq3A_3479 = arith.cmpi eq, %and3A_3476, %eq3A_3478 : vector<128x128xi32>
    %roll3A_3480 = arith.constant 32 : i32
    %roll3A_3481 = tpu.dynamic_rotate %select_n3A_3466 by %roll3A_3480 dim 1 : vector<128x128xi32>, i32 -> vector<128x128xi32>
    %roll3A_3482 = arith.constant 96 : i32
    %roll3A_3483 = tpu.dynamic_rotate %select_n3A_3466 by %roll3A_3482 dim 1 : vector<128x128xi32>, i32 -> vector<128x128xi32>
    %select_n3A_3484 = arith.select %ne3A_3473, %roll3A_3481, %roll3A_3483 : vector<128x128xi1>, vector<128x128xi32>
    %roll3A_3485 = arith.constant 32 : i32
    %roll3A_3486 = tpu.dynamic_rotate %select_n3A_3467 by %roll3A_3485 dim 1 : vector<128x128xi32>, i32 -> vector<128x128xi32>
    %roll3A_3487 = arith.constant 96 : i32
    %roll3A_3488 = tpu.dynamic_rotate %select_n3A_3467 by %roll3A_3487 dim 1 : vector<128x128xi32>, i32 -> vector<128x128xi32>
    %select_n3A_3489 = arith.select %ne3A_3473, %roll3A_3486, %roll3A_3488 : vector<128x128xi1>, vector<128x128xi32>
    %gt3A_3490 = arith.cmpi sgt, %select_n3A_3466, %select_n3A_3484 : vector<128x128xi32>
    %eq3A_3491 = arith.cmpi eq, %select_n3A_3466, %select_n3A_3484 : vector<128x128xi32>
    %gt3A_3492 = arith.cmpi sgt, %select_n3A_3467, %select_n3A_3489 : vector<128x128xi32>
    %and3A_3493 = arith.andi %eq3A_3491, %gt3A_3492 : vector<128x128xi1>
    %or3A_3494 = arith.ori %gt3A_3490, %and3A_3493 : vector<128x128xi1>
    %eq3A_3495 = arith.xori %ne3A_3473, %eq3A_3479 : vector<128x128xi1>
    %eq3A_3496 = arith.constant dense<true> : vector<128x128xi1>
    %eq3A_3497 = arith.xori %eq3A_3495, %eq3A_3496 : vector<128x128xi1>
    %eq3A_3498 = arith.xori %or3A_3494, %eq3A_3497 : vector<128x128xi1>
    %eq3A_3499 = arith.constant dense<true> : vector<128x128xi1>
    %eq3A_3500 = arith.xori %eq3A_3498, %eq3A_3499 : vector<128x128xi1>
    %select_n3A_3501 = arith.select %eq3A_3500, %select_n3A_3466, %select_n3A_3484 : vector<128x128xi1>, vector<128x128xi32>
    %select_n3A_3502 = arith.select %eq3A_3500, %select_n3A_3467, %select_n3A_3489 : vector<128x128xi1>, vector<128x128xi32>
    %and3A_3503 = arith.constant 16 : i32
    %and3A_3504 = vector.broadcast %and3A_3503 : i32 to vector<128x128xi32>
    %and3A_3505 = arith.andi %add3A, %and3A_3504 : vector<128x128xi32>
    %ne3A_3506 = arith.constant 0 : i32
    %ne3A_3507 = vector.broadcast %ne3A_3506 : i32 to vector<128x128xi32>
    %ne3A_3508 = arith.cmpi ne, %and3A_3505, %ne3A_3507 : vector<128x128xi32>
    %and3A_3509 = arith.constant 16384 : i32
    %and3A_3510 = vector.broadcast %and3A_3509 : i32 to vector<128x128xi32>
    %and3A_3511 = arith.andi %add3A, %and3A_3510 : vector<128x128xi32>
    %eq3A_3512 = arith.constant 0 : i32
    %eq3A_3513 = vector.broadcast %eq3A_3512 : i32 to vector<128x128xi32>
    %eq3A_3514 = arith.cmpi eq, %and3A_3511, %eq3A_3513 : vector<128x128xi32>
    %roll3A_3515 = arith.constant 16 : i32
    %roll3A_3516 = tpu.dynamic_rotate %select_n3A_3501 by %roll3A_3515 dim 1 : vector<128x128xi32>, i32 -> vector<128x128xi32>
    %roll3A_3517 = arith.constant 112 : i32
    %roll3A_3518 = tpu.dynamic_rotate %select_n3A_3501 by %roll3A_3517 dim 1 : vector<128x128xi32>, i32 -> vector<128x128xi32>
    %select_n3A_3519 = arith.select %ne3A_3508, %roll3A_3516, %roll3A_3518 : vector<128x128xi1>, vector<128x128xi32>
    %roll3A_3520 = arith.constant 16 : i32
    %roll3A_3521 = tpu.dynamic_rotate %select_n3A_3502 by %roll3A_3520 dim 1 : vector<128x128xi32>, i32 -> vector<128x128xi32>
    %roll3A_3522 = arith.constant 112 : i32
    %roll3A_3523 = tpu.dynamic_rotate %select_n3A_3502 by %roll3A_3522 dim 1 : vector<128x128xi32>, i32 -> vector<128x128xi32>
    %select_n3A_3524 = arith.select %ne3A_3508, %roll3A_3521, %roll3A_3523 : vector<128x128xi1>, vector<128x128xi32>
    %gt3A_3525 = arith.cmpi sgt, %select_n3A_3501, %select_n3A_3519 : vector<128x128xi32>
    %eq3A_3526 = arith.cmpi eq, %select_n3A_3501, %select_n3A_3519 : vector<128x128xi32>
    %gt3A_3527 = arith.cmpi sgt, %select_n3A_3502, %select_n3A_3524 : vector<128x128xi32>
    %and3A_3528 = arith.andi %eq3A_3526, %gt3A_3527 : vector<128x128xi1>
    %or3A_3529 = arith.ori %gt3A_3525, %and3A_3528 : vector<128x128xi1>
    %eq3A_3530 = arith.xori %ne3A_3508, %eq3A_3514 : vector<128x128xi1>
    %eq3A_3531 = arith.constant dense<true> : vector<128x128xi1>
    %eq3A_3532 = arith.xori %eq3A_3530, %eq3A_3531 : vector<128x128xi1>
    %eq3A_3533 = arith.xori %or3A_3529, %eq3A_3532 : vector<128x128xi1>
    %eq3A_3534 = arith.constant dense<true> : vector<128x128xi1>
    %eq3A_3535 = arith.xori %eq3A_3533, %eq3A_3534 : vector<128x128xi1>
    %select_n3A_3536 = arith.select %eq3A_3535, %select_n3A_3501, %select_n3A_3519 : vector<128x128xi1>, vector<128x128xi32>
    %select_n3A_3537 = arith.select %eq3A_3535, %select_n3A_3502, %select_n3A_3524 : vector<128x128xi1>, vector<128x128xi32>
    %and3A_3538 = arith.constant 8 : i32
    %and3A_3539 = vector.broadcast %and3A_3538 : i32 to vector<128x128xi32>
    %and3A_3540 = arith.andi %add3A, %and3A_3539 : vector<128x128xi32>
    %ne3A_3541 = arith.constant 0 : i32
    %ne3A_3542 = vector.broadcast %ne3A_3541 : i32 to vector<128x128xi32>
    %ne3A_3543 = arith.cmpi ne, %and3A_3540, %ne3A_3542 : vector<128x128xi32>
    %and3A_3544 = arith.constant 16384 : i32
    %and3A_3545 = vector.broadcast %and3A_3544 : i32 to vector<128x128xi32>
    %and3A_3546 = arith.andi %add3A, %and3A_3545 : vector<128x128xi32>
    %eq3A_3547 = arith.constant 0 : i32
    %eq3A_3548 = vector.broadcast %eq3A_3547 : i32 to vector<128x128xi32>
    %eq3A_3549 = arith.cmpi eq, %and3A_3546, %eq3A_3548 : vector<128x128xi32>
    %roll3A_3550 = arith.constant 8 : i32
    %roll3A_3551 = tpu.dynamic_rotate %select_n3A_3536 by %roll3A_3550 dim 1 : vector<128x128xi32>, i32 -> vector<128x128xi32>
    %roll3A_3552 = arith.constant 120 : i32
    %roll3A_3553 = tpu.dynamic_rotate %select_n3A_3536 by %roll3A_3552 dim 1 : vector<128x128xi32>, i32 -> vector<128x128xi32>
    %select_n3A_3554 = arith.select %ne3A_3543, %roll3A_3551, %roll3A_3553 : vector<128x128xi1>, vector<128x128xi32>
    %roll3A_3555 = arith.constant 8 : i32
    %roll3A_3556 = tpu.dynamic_rotate %select_n3A_3537 by %roll3A_3555 dim 1 : vector<128x128xi32>, i32 -> vector<128x128xi32>
    %roll3A_3557 = arith.constant 120 : i32
    %roll3A_3558 = tpu.dynamic_rotate %select_n3A_3537 by %roll3A_3557 dim 1 : vector<128x128xi32>, i32 -> vector<128x128xi32>
    %select_n3A_3559 = arith.select %ne3A_3543, %roll3A_3556, %roll3A_3558 : vector<128x128xi1>, vector<128x128xi32>
    %gt3A_3560 = arith.cmpi sgt, %select_n3A_3536, %select_n3A_3554 : vector<128x128xi32>
    %eq3A_3561 = arith.cmpi eq, %select_n3A_3536, %select_n3A_3554 : vector<128x128xi32>
    %gt3A_3562 = arith.cmpi sgt, %select_n3A_3537, %select_n3A_3559 : vector<128x128xi32>
    %and3A_3563 = arith.andi %eq3A_3561, %gt3A_3562 : vector<128x128xi1>
    %or3A_3564 = arith.ori %gt3A_3560, %and3A_3563 : vector<128x128xi1>
    %eq3A_3565 = arith.xori %ne3A_3543, %eq3A_3549 : vector<128x128xi1>
    %eq3A_3566 = arith.constant dense<true> : vector<128x128xi1>
    %eq3A_3567 = arith.xori %eq3A_3565, %eq3A_3566 : vector<128x128xi1>
    %eq3A_3568 = arith.xori %or3A_3564, %eq3A_3567 : vector<128x128xi1>
    %eq3A_3569 = arith.constant dense<true> : vector<128x128xi1>
    %eq3A_3570 = arith.xori %eq3A_3568, %eq3A_3569 : vector<128x128xi1>
    %select_n3A_3571 = arith.select %eq3A_3570, %select_n3A_3536, %select_n3A_3554 : vector<128x128xi1>, vector<128x128xi32>
    %select_n3A_3572 = arith.select %eq3A_3570, %select_n3A_3537, %select_n3A_3559 : vector<128x128xi1>, vector<128x128xi32>
    %and3A_3573 = arith.constant 4 : i32
    %and3A_3574 = vector.broadcast %and3A_3573 : i32 to vector<128x128xi32>
    %and3A_3575 = arith.andi %add3A, %and3A_3574 : vector<128x128xi32>
    %ne3A_3576 = arith.constant 0 : i32
    %ne3A_3577 = vector.broadcast %ne3A_3576 : i32 to vector<128x128xi32>
    %ne3A_3578 = arith.cmpi ne, %and3A_3575, %ne3A_3577 : vector<128x128xi32>
    %and3A_3579 = arith.constant 16384 : i32
    %and3A_3580 = vector.broadcast %and3A_3579 : i32 to vector<128x128xi32>
    %and3A_3581 = arith.andi %add3A, %and3A_3580 : vector<128x128xi32>
    %eq3A_3582 = arith.constant 0 : i32
    %eq3A_3583 = vector.broadcast %eq3A_3582 : i32 to vector<128x128xi32>
    %eq3A_3584 = arith.cmpi eq, %and3A_3581, %eq3A_3583 : vector<128x128xi32>
    %roll3A_3585 = arith.constant 4 : i32
    %roll3A_3586 = tpu.dynamic_rotate %select_n3A_3571 by %roll3A_3585 dim 1 : vector<128x128xi32>, i32 -> vector<128x128xi32>
    %roll3A_3587 = arith.constant 124 : i32
    %roll3A_3588 = tpu.dynamic_rotate %select_n3A_3571 by %roll3A_3587 dim 1 : vector<128x128xi32>, i32 -> vector<128x128xi32>
    %select_n3A_3589 = arith.select %ne3A_3578, %roll3A_3586, %roll3A_3588 : vector<128x128xi1>, vector<128x128xi32>
    %roll3A_3590 = arith.constant 4 : i32
    %roll3A_3591 = tpu.dynamic_rotate %select_n3A_3572 by %roll3A_3590 dim 1 : vector<128x128xi32>, i32 -> vector<128x128xi32>
    %roll3A_3592 = arith.constant 124 : i32
    %roll3A_3593 = tpu.dynamic_rotate %select_n3A_3572 by %roll3A_3592 dim 1 : vector<128x128xi32>, i32 -> vector<128x128xi32>
    %select_n3A_3594 = arith.select %ne3A_3578, %roll3A_3591, %roll3A_3593 : vector<128x128xi1>, vector<128x128xi32>
    %gt3A_3595 = arith.cmpi sgt, %select_n3A_3571, %select_n3A_3589 : vector<128x128xi32>
    %eq3A_3596 = arith.cmpi eq, %select_n3A_3571, %select_n3A_3589 : vector<128x128xi32>
    %gt3A_3597 = arith.cmpi sgt, %select_n3A_3572, %select_n3A_3594 : vector<128x128xi32>
    %and3A_3598 = arith.andi %eq3A_3596, %gt3A_3597 : vector<128x128xi1>
    %or3A_3599 = arith.ori %gt3A_3595, %and3A_3598 : vector<128x128xi1>
    %eq3A_3600 = arith.xori %ne3A_3578, %eq3A_3584 : vector<128x128xi1>
    %eq3A_3601 = arith.constant dense<true> : vector<128x128xi1>
    %eq3A_3602 = arith.xori %eq3A_3600, %eq3A_3601 : vector<128x128xi1>
    %eq3A_3603 = arith.xori %or3A_3599, %eq3A_3602 : vector<128x128xi1>
    %eq3A_3604 = arith.constant dense<true> : vector<128x128xi1>
    %eq3A_3605 = arith.xori %eq3A_3603, %eq3A_3604 : vector<128x128xi1>
    %select_n3A_3606 = arith.select %eq3A_3605, %select_n3A_3571, %select_n3A_3589 : vector<128x128xi1>, vector<128x128xi32>
    %select_n3A_3607 = arith.select %eq3A_3605, %select_n3A_3572, %select_n3A_3594 : vector<128x128xi1>, vector<128x128xi32>
    %and3A_3608 = arith.constant 2 : i32
    %and3A_3609 = vector.broadcast %and3A_3608 : i32 to vector<128x128xi32>
    %and3A_3610 = arith.andi %add3A, %and3A_3609 : vector<128x128xi32>
    %ne3A_3611 = arith.constant 0 : i32
    %ne3A_3612 = vector.broadcast %ne3A_3611 : i32 to vector<128x128xi32>
    %ne3A_3613 = arith.cmpi ne, %and3A_3610, %ne3A_3612 : vector<128x128xi32>
    %and3A_3614 = arith.constant 16384 : i32
    %and3A_3615 = vector.broadcast %and3A_3614 : i32 to vector<128x128xi32>
    %and3A_3616 = arith.andi %add3A, %and3A_3615 : vector<128x128xi32>
    %eq3A_3617 = arith.constant 0 : i32
    %eq3A_3618 = vector.broadcast %eq3A_3617 : i32 to vector<128x128xi32>
    %eq3A_3619 = arith.cmpi eq, %and3A_3616, %eq3A_3618 : vector<128x128xi32>
    %roll3A_3620 = arith.constant 2 : i32
    %roll3A_3621 = tpu.dynamic_rotate %select_n3A_3606 by %roll3A_3620 dim 1 : vector<128x128xi32>, i32 -> vector<128x128xi32>
    %roll3A_3622 = arith.constant 126 : i32
    %roll3A_3623 = tpu.dynamic_rotate %select_n3A_3606 by %roll3A_3622 dim 1 : vector<128x128xi32>, i32 -> vector<128x128xi32>
    %select_n3A_3624 = arith.select %ne3A_3613, %roll3A_3621, %roll3A_3623 : vector<128x128xi1>, vector<128x128xi32>
    %roll3A_3625 = arith.constant 2 : i32
    %roll3A_3626 = tpu.dynamic_rotate %select_n3A_3607 by %roll3A_3625 dim 1 : vector<128x128xi32>, i32 -> vector<128x128xi32>
    %roll3A_3627 = arith.constant 126 : i32
    %roll3A_3628 = tpu.dynamic_rotate %select_n3A_3607 by %roll3A_3627 dim 1 : vector<128x128xi32>, i32 -> vector<128x128xi32>
    %select_n3A_3629 = arith.select %ne3A_3613, %roll3A_3626, %roll3A_3628 : vector<128x128xi1>, vector<128x128xi32>
    %gt3A_3630 = arith.cmpi sgt, %select_n3A_3606, %select_n3A_3624 : vector<128x128xi32>
    %eq3A_3631 = arith.cmpi eq, %select_n3A_3606, %select_n3A_3624 : vector<128x128xi32>
    %gt3A_3632 = arith.cmpi sgt, %select_n3A_3607, %select_n3A_3629 : vector<128x128xi32>
    %and3A_3633 = arith.andi %eq3A_3631, %gt3A_3632 : vector<128x128xi1>
    %or3A_3634 = arith.ori %gt3A_3630, %and3A_3633 : vector<128x128xi1>
    %eq3A_3635 = arith.xori %ne3A_3613, %eq3A_3619 : vector<128x128xi1>
    %eq3A_3636 = arith.constant dense<true> : vector<128x128xi1>
    %eq3A_3637 = arith.xori %eq3A_3635, %eq3A_3636 : vector<128x128xi1>
    %eq3A_3638 = arith.xori %or3A_3634, %eq3A_3637 : vector<128x128xi1>
    %eq3A_3639 = arith.constant dense<true> : vector<128x128xi1>
    %eq3A_3640 = arith.xori %eq3A_3638, %eq3A_3639 : vector<128x128xi1>
    %select_n3A_3641 = arith.select %eq3A_3640, %select_n3A_3606, %select_n3A_3624 : vector<128x128xi1>, vector<128x128xi32>
    %select_n3A_3642 = arith.select %eq3A_3640, %select_n3A_3607, %select_n3A_3629 : vector<128x128xi1>, vector<128x128xi32>
    %and3A_3643 = arith.constant 1 : i32
    %and3A_3644 = vector.broadcast %and3A_3643 : i32 to vector<128x128xi32>
    %and3A_3645 = arith.andi %add3A, %and3A_3644 : vector<128x128xi32>
    %ne3A_3646 = arith.constant 0 : i32
    %ne3A_3647 = vector.broadcast %ne3A_3646 : i32 to vector<128x128xi32>
    %ne3A_3648 = arith.cmpi ne, %and3A_3645, %ne3A_3647 : vector<128x128xi32>
    %and3A_3649 = arith.constant 16384 : i32
    %and3A_3650 = vector.broadcast %and3A_3649 : i32 to vector<128x128xi32>
    %and3A_3651 = arith.andi %add3A, %and3A_3650 : vector<128x128xi32>
    %eq3A_3652 = arith.constant 0 : i32
    %eq3A_3653 = vector.broadcast %eq3A_3652 : i32 to vector<128x128xi32>
    %eq3A_3654 = arith.cmpi eq, %and3A_3651, %eq3A_3653 : vector<128x128xi32>
    %roll3A_3655 = arith.constant 1 : i32
    %roll3A_3656 = tpu.dynamic_rotate %select_n3A_3641 by %roll3A_3655 dim 1 : vector<128x128xi32>, i32 -> vector<128x128xi32>
    %roll3A_3657 = arith.constant 127 : i32
    %roll3A_3658 = tpu.dynamic_rotate %select_n3A_3641 by %roll3A_3657 dim 1 : vector<128x128xi32>, i32 -> vector<128x128xi32>
    %select_n3A_3659 = arith.select %ne3A_3648, %roll3A_3656, %roll3A_3658 : vector<128x128xi1>, vector<128x128xi32>
    %roll3A_3660 = arith.constant 1 : i32
    %roll3A_3661 = tpu.dynamic_rotate %select_n3A_3642 by %roll3A_3660 dim 1 : vector<128x128xi32>, i32 -> vector<128x128xi32>
    %roll3A_3662 = arith.constant 127 : i32
    %roll3A_3663 = tpu.dynamic_rotate %select_n3A_3642 by %roll3A_3662 dim 1 : vector<128x128xi32>, i32 -> vector<128x128xi32>
    %select_n3A_3664 = arith.select %ne3A_3648, %roll3A_3661, %roll3A_3663 : vector<128x128xi1>, vector<128x128xi32>
    %gt3A_3665 = arith.cmpi sgt, %select_n3A_3641, %select_n3A_3659 : vector<128x128xi32>
    %eq3A_3666 = arith.cmpi eq, %select_n3A_3641, %select_n3A_3659 : vector<128x128xi32>
    %gt3A_3667 = arith.cmpi sgt, %select_n3A_3642, %select_n3A_3664 : vector<128x128xi32>
    %and3A_3668 = arith.andi %eq3A_3666, %gt3A_3667 : vector<128x128xi1>
    %or3A_3669 = arith.ori %gt3A_3665, %and3A_3668 : vector<128x128xi1>
    %eq3A_3670 = arith.xori %ne3A_3648, %eq3A_3654 : vector<128x128xi1>
    %eq3A_3671 = arith.constant dense<true> : vector<128x128xi1>
    %eq3A_3672 = arith.xori %eq3A_3670, %eq3A_3671 : vector<128x128xi1>
    %eq3A_3673 = arith.xori %or3A_3669, %eq3A_3672 : vector<128x128xi1>
    %eq3A_3674 = arith.constant dense<true> : vector<128x128xi1>
    %eq3A_3675 = arith.xori %eq3A_3673, %eq3A_3674 : vector<128x128xi1>
    %select_n3A_3676 = arith.select %eq3A_3675, %select_n3A_3641, %select_n3A_3659 : vector<128x128xi1>, vector<128x128xi32>
    %select_n3A_3677 = arith.select %eq3A_3675, %select_n3A_3642, %select_n3A_3664 : vector<128x128xi1>, vector<128x128xi32>
    %swap3A = arith.constant 0 : index
    %swap3A_3678 = arith.constant 0 : index
    %swap3A_3679 = vector.load %arg1[%swap3A, %swap3A_3678] : memref<128x128xi32, #tpu.memory_space<vmem>>, vector<128x128xi32>
    tpu.vector_store %arg1[%swap3A, %swap3A_3678], %select_n3A_3677 {strides = array<i32>} : memref<128x128xi32, #tpu.memory_space<vmem>>, vector<128x128xi32>,
    %slice3A = vector.extract_strided_slice %select_n3A_3676 {offsets = [31, 127], sizes = [1, 1], strides = [1, 1]} : vector<128x128xi32> to vector<1x1xi32>
    %slice3A_3680 = vector.extract_strided_slice %select_n3A_3677 {offsets = [31, 127], sizes = [1, 1], strides = [1, 1]} : vector<128x128xi32> to vector<1x1xi32>
    %get3A_3681 = arith.constant 0 : index
    %get3A_3682 = arith.constant 0 : index
    %get3A_3683 = vector.load %arg0[%get3A_3681, %get3A_3682] : memref<128x128xf32, #tpu.memory_space<vmem>>, vector<128x128xf32>
    %bitcast_convert_type3A_3684 = tpu.bitcast %get3A_3683 : vector<128x128xf32> -> vector<128x128xi32>
    %shift_right_arithmetic3A_3685 = arith.constant 31 : i32
    %shift_right_arithmetic3A_3686 = vector.broadcast %shift_right_arithmetic3A_3685 : i32 to vector<128x128xi32>
    %shift_right_arithmetic3A_3687 = arith.shrsi %bitcast_convert_type3A_3684, %shift_right_arithmetic3A_3686 : vector<128x128xi32>
    %and3A_3688 = arith.constant 2147483647 : i32
    %and3A_3689 = vector.broadcast %and3A_3688 : i32 to vector<128x128xi32>
    %and3A_3690 = arith.andi %shift_right_arithmetic3A_3687, %and3A_3689 : vector<128x128xi32>
    %xor3A_3691 = arith.xori %bitcast_convert_type3A_3684, %and3A_3690 : vector<128x128xi32>
    %lt3A = vector.broadcast %slice3A : vector<1x1xi32> to vector<128x128xi32>
    %lt3A_3692 = arith.cmpi slt, %xor3A_3691, %lt3A : vector<128x128xi32>
    %eq3A_3693 = vector.broadcast %slice3A : vector<1x1xi32> to vector<128x128xi32>
    %eq3A_3694 = arith.cmpi eq, %xor3A_3691, %eq3A_3693 : vector<128x128xi32>
    %le3A = vector.broadcast %slice3A_3680 : vector<1x1xi32> to vector<128x128xi32>
    %le3A_3695 = arith.cmpi sle, %add3A, %le3A : vector<128x128xi32>
    %and3A_3696 = arith.andi %eq3A_3694, %le3A_3695 : vector<128x128xi1>
    %or3A_3697 = arith.ori %lt3A_3692, %and3A_3696 : vector<128x128xi1>
    %get3A_3698 = arith.constant 0 : index
    %get3A_3699 = arith.constant 0 : index
    %get3A_3700 = vector.load %arg0[%get3A_3698, %get3A_3699] : memref<128x128xf32, #tpu.memory_space<vmem>>, vector<128x128xf32>
    %reduce_max3A = vector.shape_cast %get3A_3700 : vector<128x128xf32> to vector<1x128x128xf32>
    %reduce_max3A_3701 = arith.constant dense<0xFF800000> : vector<1xf32>
    %reduce_max3A_3702 = vector.multi_reduction <maximumf>, %reduce_max3A, %reduce_max3A_3701 [1, 2] : vector<1x128x128xf32> to vector<1xf32>
    %reduce_max3A_3703 = vector.shape_cast %reduce_max3A_3702 : vector<1xf32> to vector<1x1x1xf32>
    %reduce_max3A_3704 = vector.extract %reduce_max3A_3703[0, 0, 0] : f32 from vector<1x1x1xf32>
    %add3A_3705 = arith.constant 1.000000e+00 : f32
    %add3A_3706 = arith.addf %reduce_max3A_3704, %add3A_3705 : f32
    %broadcast_in_dim3A = vector.broadcast %add3A_3706 : f32 to vector<128x128xf32>
    %select_n3A_3707 = arith.select %or3A_3697, %broadcast_in_dim3A, %get3A_3700 : vector<128x128xi1>, vector<128x128xf32>
    %swap3A_3708 = arith.constant 0 : index
    %swap3A_3709 = arith.constant 0 : index
    %swap3A_3710 = vector.load %arg2[%swap3A_3708, %swap3A_3709] : memref<128x128xf32, #tpu.memory_space<vmem>>, vector<128x128xf32>
    tpu.vector_store %arg2[%swap3A_3708, %swap3A_3709], %select_n3A_3707 {strides = array<i32>} : memref<128x128xf32, #tpu.memory_space<vmem>>, vector<128x128xf32>,
    return
  }
}

</mosaic_0001>

<sc_bundles>
// kernel: kernel.5.cloned.1.call-start
scs
__scs_entry_jumppad:
0x0: {  	(pc) =	sbr.rel $0x88, $3  }
0x1: {  	(tag) =	ssettag $0x0;
	lr =	simm.s32 $0x1  }
0x2: {  	[smem:$0x3F96] =	sst lr;
	_ =	strace $0xD0000000  }
0x3: {  	_ = 	snop  }
0x4: {  	_ = 	snop  }
0x5: {  	_ = 	snop  }
0x6: {  	_ = 	snop  }
0x7: {  	_ = 	snop  }
__scs_overlays_trampoline_lowered:
0x8: {  	[smem:$0x3FA5] =	sst s0  }
0x9: {  	[smem:$0x3FA6] =	sst s1  }
0xa: {  	[smem:$0x3FA7] =	sst s2  }
0xb: {  	[smem:$0x3FA8] =	sst s3  }
0xc: {  	[smem:$0x3FA9] =	sst s4  }
0xd: {  	[smem:$0x3FAA] =	sst s5  }
0xe: {  	[smem:$0x3FAB] =	sst s6  }
0xf: {  	[smem:$0x3FAC] =	sst s7  }
0x10: {  	[smem:$0x3FAD] =	sst s8  }
0x11: {  	[smem:$0x3FAE] =	sst s9;
	s0 =	simm.s32 @!p0 $0x0  }
0x12: {  	s1 =	sld [smem:$0x3F94];
	s0 =	simm.s32 @p0 $0x1  }
0x13: {  	[smem:$0x3FAF] =	sst s0;
	s0 =	simm.s32 @!p1 $0x0  }
0x14: {  	s2 =	sld [smem:$0x3F93];
	s0 =	simm.s32 @p1 $0x1  }
0x15: {  	[smem:$0x3FB0] =	sst s0;
	s0 =	simm.s32 @!p2 $0x0  }
0x16: {  	s3 =	sld [smem:$0x3FDB];
	s0 =	simm.s32 @p2 $0x1  }
0x17: {  	s4 =	simm.s32 $0x1BF5;
	[smem:$0x3FB2] =	sst s0  }
0x18: {  	s0 =	sld [smem:$0x3F95];
	_ =	swait.ge [sflag:s4], $0x0  }
0x19: {  	s7 =	sld [smem:$0x3F96]  }
0x1a: {  	s8 =	sadd.s32 $0xFFFFE003, lr  }
0x1b: {  	s9 =	sadd.s32 $0xFFFFFEF7, lr;
	s5 =	simm.s32 $0xFFFFFFFF;
	p2 =	slt.u32 s8, $0xFFFFF086  }
0x1c: {  	p1 =	slt.u32 s9, $0xF7A;
	s5 =	simm.s32 @!p2 $0x0  }
0x1d: {  	s5 =	simm.s32 @p1 $0x1;
	p0 =	seq.s32 s7, s2  }
0x1e: {  	s7 =	smul.u32 @!p0 $0xF7A, s2;
	p2 =	seq.s32 @!p0 s5, $0x0  }
0x1f: {  	s9 =	smul.u32 $0xF7A, s1;
	s8 =	simm.s32 @!p0 $0x1BF5;
	p2 =	por !p2, p0  }
0x20: {  	[sflag:s8] =	ssyncset.s32 @!p0 $0xFFFFF086;
	s6 =	sadd.s32 @!p0 s3, s7;
	s7 =	simm.s32 @!p0 $0x108  }
0x21: {  	s3 =	sadd.s32 s3, s9;
	s6 =	sadd.s32 @!p0 $0x88, s6;
	s7 =	simm.s32 @p2 $0x1082  }
0x22: {  	[simem:s7], [sflag:s8] =	dma.local @!p0 [hbm:s6], $0xF7A  }
0x23: {  	s9 =	sor.u32 $0xD0000000, s2;
	s6 =	simm.s32 $0x108;
	_ =	swait.ge @!p0 [sflag:s8], $0x0  }
0x24: {  	s3 =	sadd.s32 $0x88, s3;
	s6 =	simm.s32 @!p1 $0x1082;
	[sflag:s4] =	ssyncset.s32 $0xFFFFF086  }
0x25: {  	[simem:s6], [sflag:s4] =	dma.local [hbm:s3], $0xF7A  }
0x26: {  	[smem:$0x3F96] =	sst s1;
	(tag) =	ssettag s2;
	_ =	strace s9  }
0x27: {  	s1 =	sld [smem:$0x3FA6]  }
0x28: {  	s2 =	sld [smem:$0x3FA7]  }
0x29: {  	s4 =	sld [smem:$0x3FA9]  }
0x2a: {  	p0 =	seq.s32 s5, $0x0;
	s5 =	sld [smem:$0x3FAA]  }
0x2b: {  	s6 =	sld [smem:$0x3FAB]  }
0x2c: {  	s7 =	sld [smem:$0x3FAC]  }
0x2d: {  	s3 =	simm.s32 $0x108;
	s8 =	sld [smem:$0x3FAD]  }
0x2e: {  	s3 =	simm.s32 @!p0 $0x1082;
	s9 =	sld [smem:$0x3FAE]  }
0x2f: {  	lr =	sadd.s32 s0, s3;
	s0 =	sld [smem:$0x3FA5]  }
0x30: {  	s3 =	sld [smem:$0x3FA8]  }
0x31: {  	[smem:$0x3FB1] =	sst s10  }
0x32: {  	s10 =	sld [smem:$0x3FAF];
	_ =	sdelay $0x3  }
0x33: {  	p0 =	seq.s32 s10, $0x1;
	s10 =	sld [smem:$0x3FB1];
	_ =	sdelay $0x3  }
0x34: {  	[smem:$0x3FB1] =	sst s10  }
0x35: {  	s10 =	sld [smem:$0x3FB0];
	_ =	sdelay $0x3  }
0x36: {  	p1 =	seq.s32 s10, $0x1;
	s10 =	sld [smem:$0x3FB1];
	_ =	sdelay $0x3  }
0x37: {  	[smem:$0x3FB1] =	sst s10  }
0x38: {  	s10 =	sld [smem:$0x3FB2]  }
0x39: {  	_ = 	snop;
	(pc) =	sbr.ind lr, $3  }
0x3a: {  	_ = 	snop  }
0x3b: {  	_ = 	snop  }
0x3c: {  	p2 =	seq.s32 s10, $0x1;
	s10 =	sld [smem:$0x3FB1]  }
0x3d: {  	_ =	shalt  }
0x3e: {  	_ =	shalt  }
0x3f: {  	_ =	shalt  }
0x40: {  	_ =	shalt  }
0x41: {  	_ =	shalt  }
0x42: {  	_ =	shalt  }
0x43: {  	_ =	shalt  }
0x44: {  	_ =	shalt  }
0x45: {  	_ =	shalt  }
0x46: {  	_ =	shalt  }
0x47: {  	_ =	shalt  }
0x48: {  	_ =	shalt  }
0x49: {  	_ =	shalt  }
0x4a: {  	_ =	shalt  }
0x4b: {  	_ =	shalt  }
0x4c: {  	_ =	shalt  }
0x4d: {  	_ =	shalt  }
0x4e: {  	_ =	shalt  }
0x4f: {  	_ =	shalt  }
0x50: {  	_ =	shalt  }
0x51: {  	_ =	shalt  }
0x52: {  	_ =	shalt  }
0x53: {  	_ =	shalt  }
0x54: {  	_ =	shalt  }
0x55: {  	_ =	shalt  }
0x56: {  	_ =	shalt  }
0x57: {  	_ =	shalt  }
0x58: {  	_ =	shalt  }
0x59: {  	_ =	shalt  }
0x5a: {  	_ =	shalt  }
0x5b: {  	_ =	shalt  }
0x5c: {  	_ =	shalt  }
0x5d: {  	_ =	shalt  }
0x5e: {  	_ =	shalt  }
0x5f: {  	_ =	shalt  }
0x60: {  	_ =	shalt  }
0x61: {  	_ =	shalt  }
0x62: {  	_ =	shalt  }
0x63: {  	_ =	shalt  }
0x64: {  	_ =	shalt  }
0x65: {  	_ =	shalt  }
0x66: {  	_ =	shalt  }
0x67: {  	_ =	shalt  }
0x68: {  	_ =	shalt  }
0x69: {  	_ =	shalt  }
0x6a: {  	_ =	shalt  }
0x6b: {  	_ =	shalt  }
0x6c: {  	_ =	shalt  }
0x6d: {  	_ =	shalt  }
0x6e: {  	_ =	shalt  }
0x6f: {  	_ =	shalt  }
0x70: {  	_ =	shalt  }
0x71: {  	_ =	shalt  }
0x72: {  	_ =	shalt  }
0x73: {  	_ =	shalt  }
0x74: {  	_ =	shalt  }
0x75: {  	_ =	shalt  }
0x76: {  	_ =	shalt  }
0x77: {  	_ =	shalt  }
0x78: {  	_ =	shalt  }
0x79: {  	_ =	shalt  }
0x7a: {  	_ =	shalt  }
0x7b: {  	_ =	shalt  }
0x7c: {  	_ =	shalt  }
0x7d: {  	_ =	shalt  }
0x7e: {  	_ =	shalt  }
0x7f: {  	_ =	shalt  }
0x80: {  	_ =	shalt  }
0x81: {  	_ =	shalt  }
0x82: {  	_ =	shalt  }
0x83: {  	_ =	shalt  }
0x84: {  	_ =	shalt  }
0x85: {  	_ =	shalt  }
0x86: {  	_ =	shalt  }
0x87: {  	_ =	shalt  }
.Lfunc_end0:
.L_simem_size_0:
called_computation_lowered:
.L_overlay_start_0:
0x88: {  	s2 =	sld [smem:$0x3FD9]  }
0x89: {  	s3 =	sld [smem:$0x3FFE];
	_ =	sdelay $0x1  }
0x8a: {  	s1 =	srdreg.scid  }
0x8b: {  	s0 =	sand.u32 $0x1, s1  }
0x8c: {  	s14 =	sshll.u32 s0, $0xA;
	s2 =	sadd.s32 s3, s2  }
0x8d: {  	s2 =	sadd.s32 s2, s14  }
0x8e: {  	[smem:$0x3FBD] =	sst s2  }
0x8f: {  	_ = 	snop  }
0x90: {  	s2 =	sld [smem:$0x3FD0];
	_ =	sdelay $0x1  }
0x91: {  	s15 =	sld [smem:$0x3FC9]  }
0x92: {  	s5 =	simm.s32 $0xA;
	s6 =	simm.s32 $0x10;
	s4 =	sld [smem:$0x3FC8]  }
0x93: {  	[smem:s6], [sflag:s5] =	dma.local [hbm:s2], $0x1  }
0x94: {  	_ =	swait.eq [sflag:s5], $0x1  }
0x95: {  	[sflag:s5] =	ssyncset.done $0x0  }
0x96: {  	[sflag:s5] =	ssyncadd.s32 $0xFFFFFFFF  }
0x97: {  	s16 =	sld [smem:$0x12];
	(tm) =	ssettm $0x1  }
0x98: {  	s17 =	sld [smem:$0x3FFB];
	_ =	sdelay $0x3  }
0x99: {  	_ =	strace s17  }
0x9a: {  	s5 =	sld [smem:$0x3FFC];
	_ =	sdelay $0x3  }
0x9b: {  	_ =	strace s5  }
0x9c: {  	s5 =	sld [smem:$0x3FFD];
	_ =	sdelay $0x3  }
0x9d: {  	_ =	strace s5  }
0x9e: {  	_ =	strace $0x8FFFFFFF  }
0x9f: {  	s18 =	sld [smem:$0x3FDB];
	_ =	sdelay $0x1  }
0xa0: {  	s19 =	simm.s32 $_scs_section_size  }
0xa1: {  	s7 =	simm.s32 $_size__tile_overlayer_lowered;
	s8 =	simm.s32 $_tile_overlayer_lowered  }
0xa2: {  	s22 =	simm.s32 $0x1BFF;
	s21 =	sshll.u32 s8, $0x1;
	s5 =	sadd.s32 s19, s18  }
0xa3: {  	s9 =	simm.s32 $0x0;
	s20 =	sshll.u32 s7, $0x1;
	s7 =	sadd.s32 s21, s5  }
0xa4: {  	[timem:s9], [sflag:s22] =	dma.local [hbm:s7], s20  }
0xa5: {  	_ =	swait.ge [sflag:s22], s20  }
0xa6: {  	s6 =	ssub.s32 $0x0, s20;
	[sflag:s22] =	ssyncset.done $0x0  }
0xa7: {  	[sflag:s22] =	ssyncadd.s32 s6;
	_ =	sdelay $0x1  }
0xa8: {  	s23 =	simm.s32 $0x1B8B  }
0xa9: {  	_ =	swait.ge [sflag:s23], $0x1  }
0xaa: {  	[sflag:s23] =	ssyncset.done $0x0  }
0xab: {  	s25 =	simm.s32 $0x1B8E;
	s24 =	sld [smem:$0x3FFE];
	[sflag:s23] =	ssyncadd.s32 $0xFFFFFFFF  }
0xac: {  	s26 =	simm.s32 $execute0_lowered;
	[smem:$0x3FD2] =	sst s25  }
0xad: {  	s7 =	sshll.u32 s26, $0x1;
	_ =	strace $0x80000046;
	[dreg:$0x1] =	wrdreg $0xFFFFFFFF  }
0xae: {  	s28 =	simm.s32 $_size_execute0_lowered;
	s5 =	sadd.s32 s5, s7;
	[dreg:$0x0] =	wrdreg $0x0  }
0xaf: {  	s7 =	sshll.u32 s28, $0x1;
	[dreg:$0x2] =	wrdreg s5  }
0xb0: {  	[dreg:$0x3] =	wrdreg s7  }
0xb1: {  	[dreg:$0x4] =	wrdreg $0xC0  }
0xb2: {  	_ =	task [dreg:s9], $0x5FFFF  }
0xb3: {  	[dreg:$0x1] =	wrdreg $0xFFFFFFFF  }
0xb4: {  	[dreg:$0x0] =	wrdreg $0x60  }
0xb5: {  	[dreg:$0x2] =	wrdreg s15  }
0xb6: {  	[dreg:$0x3] =	wrdreg s4  }
0xb7: {  	[dreg:$0x4] =	wrdreg s24  }
0xb8: {  	[dreg:$0x5] =	wrdreg s16  }
0xb9: {  	[dreg:$0x6] =	wrdreg $0x9  }
0xba: {  	_ =	task.clear_ibuf [dreg:s9], $0x7FFFF;
	_ =	strace $0x90000046  }
0xbb: {  	s29 =	simm.s32 $0x9;
	_ =	strace $0x80000048  }
0xbc: {  	_ =	swait.ge [sflag:s29], $0x1  }
0xbd: {  	[sflag:s29] =	ssyncadd.s32 $0xFFFFFFFF  }
0xbe: {  	_ =	strace $0x90000048  }
0xbf: {  	_ =	sfence  }
0xc0: {  	s30 =	sld [smem:$0x0];
	_ =	sdelay $0x2  }
0xc1: {  	s31 =	sshll.u32 s1, $0xD;
	s1 =	sshrl.u32 s1, $0x2  }
0xc2: {  	s3 =	sand.u32 $0x4000, s31;
	s1 =	sadd.s32 s1, s30  }
0xc3: {  	s0 =	sor.u32 s3, s0;
	s1 =	sshll.u32 s1, $0x11  }
0xc4: {  	s0 =	sor.u32 s1, s0  }
0xc5: {  	s0 =	sadd.s32 $0x8F2B, s0  }
0xc6: {  	[sflag:s0] =	ssyncadd.remote.s32 $0x1  }
0xc7: {  	_ =	sfence.sel $0xFFFF  }
0xc8: {  	[dreg:$0x0] =	wrdreg $0xFFFFFFFF;
	(pc) =	sbr.abs _section_cstart, $3  }
0xc9: {  	[dreg:$0x1] =	wrdreg $0xFFFFFFFF  }
0xca: {  	_ =	task.clear_ibuf [dreg:s9], $0x2FFFF;
	_ =	strace $0x9FFFFFFF  }
0xcb: {  	(tm) =	ssettm $0x7FFFFFFF  }
tec
execute0_lowered:
.L_overlay_start_1:
0x0: {  	(tag) =	ssettag $0x1  }
0x1: {  	s20 =	rddreg [dreg:$0x0]  }
0x2: {  	s2 =	rddreg [dreg:$0x1]  }
0x3: {  	s5 =	rddreg [dreg:$0x2]  }
0x4: {  	s3 =	rddreg [dreg:$0x3]  }
0x5: {  	s0 =	rddreg [dreg:$0x4];
	s6 =	srdreg.scid  }
0x6: {  	s4 =	simm.s32 $0x0;
	s1 =	stileid.u32;
	s21 =	sand.u32 $0x1, s6  }
0x7: {  	[smem:$0x7FF] =	sst s4;
	s22 =	sshll.u32 s1, $0xA;
	s6 =	sshll.u32 s21, $0x9  }
0x8: {  	s19 =	sadd.s32 $0x1000, s5;
	s29 =	sshll.u32 s1, $0x1;
	s6 =	sor.u32 s6, s22  }
0x9: {  	p0 =	sgt.u32 s1, $0x3;
	_ =	strace $0x80000047;
	s6 =	sshrl.u32 s6, $0x3  }
0xa: {  	s23 =	sor.u32 s21, s29;
	s5 =	sadd.s32 s19, s6;
	s6 =	simm.s32 $0x2  }
0xb: {  	[tilespmem:s4], [sflag:$0x2] =	stream.linear.gather [hbm4b:s5+s4], $0x80, $0x38;
	[tilespmem:$0x4080] =	vst v63  }
0xc: {  	s8 =	simm.s32 @p0 $0x0;
	s9 =	simm.s32 @p0 $0x80;
	_ =	swait.ge [sflag:s6], $0x80  }
0xd: {  	s10 =	simm.s32 @!p0 $0x0;
	s11 =	simm.s32 @!p0 $0x80;
	[sflag:s6] =	ssyncset.done $0x0  }
0xe: {  	s12 =	simm.s32 @!p0 $0x2;
	s7 =	sshll.u32 s23, $0xD;
	[sflag:s6] =	ssyncadd.s32 $0xFFFFFF80  }
0xf: {  	[tilespmem:s9], [sflag:$0x1] =	stream.indirect.gather @p0 [hbm4b:s2+s9], $0x80, s8, s9, $0xb8;
	[tilespmem:$0x4080] =	vst v63  }
0x10: {  	s17 =	sshll.u32 s23, $0x2;
	s12 =	simm.s32 @p0 $0x1;
	s7 =	sadd.s32 s20, s7  }
0x11: {  	[tilespmem:s11], [sflag:$0x2] =	stream.linear.gather @!p0 [hbm4b:s7+s10], $0x4000, $0x38;
	[tilespmem:$0x4080] =	vst v63  }
0x12: {  	s16 =	sor.u32 $0x1, s17;
	_ =	swait.ge [sflag:s12], $0x4000  }
0x13: {  	s14 =	simm.s32 $0x80;
	s13 =	sshll.u32 s16, $0x7;
	[sflag:s12] =	ssyncset.done $0x0  }
0x14: {  	s15 =	sand.u32 $0x280, s13;
	s13 =	simm.s32 $0x1;
	[sflag:s12] =	ssyncadd.s32 $0xFFFFC000  }
0x15: {  	[hbm4b:s3+s14] =	stream.indirect.scatter [tilespmem:s14], [sflag:$0x1], $0x80, s4, s14, $0xb8;
	[tilespmem:$0x4080] =	vst v63  }
0x16: {  	s15 =	sor.u32 s22, s15;
	_ =	swait.ge [sflag:s13], $0x4000  }
0x17: {  	s15 =	sshrl.u32 s15, $0x3;
	[sflag:s13] =	ssyncset.done $0x0  }
0x18: {  	s15 =	sadd.s32 s19, s15;
	[sflag:s13] =	ssyncadd.s32 $0xFFFFC000  }
0x19: {  	[tilespmem:s4], [sflag:$0x2] =	stream.linear.gather [hbm4b:s15+s4], $0x80, $0x38;
	[tilespmem:$0x4080] =	vst v63  }
0x1a: {  	_ =	swait.ge [sflag:s6], $0x80  }
0x1b: {  	[sflag:s6] =	ssyncset.done $0x0  }
0x1c: {  	s16 =	sshll.u32 s16, $0xB;
	[sflag:s6] =	ssyncadd.s32 $0xFFFFFF80  }
0x1d: {  	[tilespmem:s9], [sflag:$0x1] =	stream.indirect.gather @p0 [hbm4b:s2+s9], $0x80, s8, s9, $0xb8;
	[tilespmem:$0x4080] =	vst v63  }
0x1e: {  	s16 =	sadd.s32 s20, s16  }
0x1f: {  	[tilespmem:s11], [sflag:$0x2] =	stream.linear.gather @!p0 [hbm4b:s16+s10], $0x4000, $0x38;
	[tilespmem:$0x4080] =	vst v63  }
0x20: {  	s18 =	sor.u32 $0x2, s17;
	_ =	swait.ge [sflag:s12], $0x4000  }
0x21: {  	s17 =	sshll.u32 s18, $0x7;
	[sflag:s12] =	ssyncset.done $0x0  }
0x22: {  	s17 =	sand.u32 $0x300, s17;
	[sflag:s12] =	ssyncadd.s32 $0xFFFFC000  }
0x23: {  	[hbm4b:s3+s14] =	stream.indirect.scatter [tilespmem:s14], [sflag:$0x1], $0x80, s4, s14, $0xb8;
	[tilespmem:$0x4080] =	vst v63  }
0x24: {  	s17 =	sor.u32 s22, s17;
	_ =	swait.ge [sflag:s13], $0x4000  }
0x25: {  	s17 =	sshrl.u32 s17, $0x3;
	[sflag:s13] =	ssyncset.done $0x0  }
0x26: {  	s17 =	sadd.s32 s19, s17;
	[sflag:s13] =	ssyncadd.s32 $0xFFFFC000  }
0x27: {  	[tilespmem:s4], [sflag:$0x2] =	stream.linear.gather [hbm4b:s17+s4], $0x80, $0x38;
	[tilespmem:$0x4080] =	vst v63  }
0x28: {  	_ =	swait.ge [sflag:s6], $0x80  }
0x29: {  	[sflag:s6] =	ssyncset.done $0x0  }
0x2a: {  	s18 =	sshll.u32 s18, $0xB;
	[sflag:s6] =	ssyncadd.s32 $0xFFFFFF80  }
0x2b: {  	[tilespmem:s9], [sflag:$0x1] =	stream.indirect.gather @p0 [hbm4b:s2+s9], $0x80, s8, s9, $0xb8;
	[tilespmem:$0x4080] =	vst v63  }
0x2c: {  	s18 =	sadd.s32 s20, s18  }
0x2d: {  	[tilespmem:s11], [sflag:$0x2] =	stream.linear.gather @!p0 [hbm4b:s18+s10], $0x4000, $0x38;
	[tilespmem:$0x4080] =	vst v63  }
0x2e: {  	s23 =	sshllo.u32 s23, $0x2;
	_ =	swait.ge [sflag:s12], $0x4000  }
0x2f: {  	s24 =	sshll.u32 s23, $0x7;
	[sflag:s12] =	ssyncset.done $0x0  }
0x30: {  	s24 =	sand.u32 $0x380, s24;
	[sflag:s12] =	ssyncadd.s32 $0xFFFFC000  }
0x31: {  	[hbm4b:s3+s14] =	stream.indirect.scatter [tilespmem:s14], [sflag:$0x1], $0x80, s4, s14, $0xb8;
	[tilespmem:$0x4080] =	vst v63  }
0x32: {  	s22 =	sor.u32 s22, s24;
	_ =	swait.ge [sflag:s13], $0x4000  }
0x33: {  	s21 =	ssub.s32 $0x2, s21;
	s22 =	sshrl.u32 s22, $0x3;
	[sflag:s13] =	ssyncset.done $0x0  }
0x34: {  	s31 =	sshrl.u32 s21, $0x1;
	s19 =	sadd.s32 s19, s22;
	[sflag:s13] =	ssyncadd.s32 $0xFFFFC000  }
0x35: {  	[tilespmem:s4], [sflag:$0x2] =	stream.linear.gather [hbm4b:s19+s4], $0x80, $0x38;
	[tilespmem:$0x4080] =	vst v63  }
0x36: {  	s21 =	ssub.s32 s21, s31;
	_ =	swait.ge [sflag:s6], $0x80  }
0x37: {  	s21 =	smax.u32 s21, $0x1;
	[sflag:s6] =	ssyncset.done $0x0  }
0x38: {  	s30 =	sshll.u32 s23, $0xB;
	s21 =	sadd.s32 $0xFFFFFFFF, s21;
	[sflag:s6] =	ssyncadd.s32 $0xFFFFFF80  }
0x39: {  	[tilespmem:s9], [sflag:$0x1] =	stream.indirect.gather @p0 [hbm4b:s2+s9], $0x80, s8, s9, $0xb8;
	[tilespmem:$0x4080] =	vst v63  }
0x3a: {  	s20 =	sadd.s32 s20, s30;
	p1 =	sne.s32 s21, $0x0  }
0x3b: {  	[tilespmem:s11], [sflag:$0x2] =	stream.linear.gather @!p0 [hbm4b:s20+s10], $0x4000, $0x38;
	[tilespmem:$0x4080] =	vst v63  }
.Ltmp0:
0x3c: {  	_ =	swait.ge [sflag:s12], $0x4000;
	(pc) =	sbr.rel @!p1 .LBB2_2-.Ltmp0, $4  }
0x3d: {  	[sflag:s12] =	ssyncset.done $0x0  }
0x3e: {  	[sflag:s12] =	ssyncadd.s32 $0xFFFFC000  }
0x3f: {  	[hbm4b:s3+s14] =	stream.indirect.scatter [tilespmem:s14], [sflag:$0x1], $0x80, s4, s14, $0xb8;
	[tilespmem:$0x4080] =	vst v63  }
0x40: {  	_ =	swait.ge [sflag:s13], $0x4000  }
.LBB2_1:
0x41: {  	s21 =	sadd.s32 $0xFFFFFFFF, s21;
	[sflag:s13] =	ssyncset.done $0x0  }
0x42: {  	p1 =	sne.s32 s21, $0x0;
	[sflag:s13] =	ssyncadd.s32 $0xFFFFC000  }
0x43: {  	[tilespmem:s4], [sflag:$0x2] =	stream.linear.gather [hbm4b:s5+s4], $0x80, $0x38;
	[tilespmem:$0x4080] =	vst v63  }
0x44: {  	_ =	swait.ge [sflag:s6], $0x80  }
0x45: {  	[sflag:s6] =	ssyncset.done $0x0  }
0x46: {  	[sflag:s6] =	ssyncadd.s32 $0xFFFFFF80  }
0x47: {  	[tilespmem:s9], [sflag:$0x1] =	stream.indirect.gather @p0 [hbm4b:s2+s9], $0x80, s8, s9, $0xb8;
	[tilespmem:$0x4080] =	vst v63  }
0x48: {  	_ = 	snop  }
0x49: {  	[tilespmem:s11], [sflag:$0x2] =	stream.linear.gather @!p0 [hbm4b:s7+s10], $0x4000, $0x38;
	[tilespmem:$0x4080] =	vst v63  }
0x4a: {  	_ = 	snop  }
0x4b: {  	_ =	swait.ge [sflag:s12], $0x4000  }
0x4c: {  	[sflag:s12] =	ssyncset.done $0x0  }
0x4d: {  	[sflag:s12] =	ssyncadd.s32 $0xFFFFC000  }
0x4e: {  	[hbm4b:s3+s14] =	stream.indirect.scatter [tilespmem:s14], [sflag:$0x1], $0x80, s4, s14, $0xb8;
	[tilespmem:$0x4080] =	vst v63  }
0x4f: {  	_ =	swait.ge [sflag:s13], $0x4000  }
0x50: {  	[sflag:s13] =	ssyncset.done $0x0  }
0x51: {  	[sflag:s13] =	ssyncadd.s32 $0xFFFFC000  }
0x52: {  	[tilespmem:s4], [sflag:$0x2] =	stream.linear.gather [hbm4b:s15+s4], $0x80, $0x38;
	[tilespmem:$0x4080] =	vst v63  }
0x53: {  	_ =	swait.ge [sflag:s6], $0x80  }
0x54: {  	[sflag:s6] =	ssyncset.done $0x0  }
0x55: {  	[sflag:s6] =	ssyncadd.s32 $0xFFFFFF80  }
0x56: {  	[tilespmem:s9], [sflag:$0x1] =	stream.indirect.gather @p0 [hbm4b:s2+s9], $0x80, s8, s9, $0xb8;
	[tilespmem:$0x4080] =	vst v63  }
0x57: {  	_ = 	snop  }
0x58: {  	[tilespmem:s11], [sflag:$0x2] =	stream.linear.gather @!p0 [hbm4b:s16+s10], $0x4000, $0x38;
	[tilespmem:$0x4080] =	vst v63  }
0x59: {  	_ =	swait.ge [sflag:s12], $0x4000  }
0x5a: {  	[sflag:s12] =	ssyncset.done $0x0  }
0x5b: {  	[sflag:s12] =	ssyncadd.s32 $0xFFFFC000  }
0x5c: {  	[hbm4b:s3+s14] =	stream.indirect.scatter [tilespmem:s14], [sflag:$0x1], $0x80, s4, s14, $0xb8;
	[tilespmem:$0x4080] =	vst v63  }
0x5d: {  	_ =	swait.ge [sflag:s13], $0x4000  }
0x5e: {  	[sflag:s13] =	ssyncset.done $0x0  }
0x5f: {  	[sflag:s13] =	ssyncadd.s32 $0xFFFFC000  }
0x60: {  	[tilespmem:s4], [sflag:$0x2] =	stream.linear.gather [hbm4b:s17+s4], $0x80, $0x38;
	[tilespmem:$0x4080] =	vst v63  }
0x61: {  	_ =	swait.ge [sflag:s6], $0x80  }
0x62: {  	[sflag:s6] =	ssyncset.done $0x0  }
0x63: {  	[sflag:s6] =	ssyncadd.s32 $0xFFFFFF80  }
0x64: {  	[tilespmem:s9], [sflag:$0x1] =	stream.indirect.gather @p0 [hbm4b:s2+s9], $0x80, s8, s9, $0xb8;
	[tilespmem:$0x4080] =	vst v63  }
0x65: {  	_ = 	snop  }
0x66: {  	[tilespmem:s11], [sflag:$0x2] =	stream.linear.gather @!p0 [hbm4b:s18+s10], $0x4000, $0x38;
	[tilespmem:$0x4080] =	vst v63  }
0x67: {  	_ =	swait.ge [sflag:s12], $0x4000  }
0x68: {  	[sflag:s12] =	ssyncset.done $0x0  }
0x69: {  	[sflag:s12] =	ssyncadd.s32 $0xFFFFC000  }
0x6a: {  	[hbm4b:s3+s14] =	stream.indirect.scatter [tilespmem:s14], [sflag:$0x1], $0x80, s4, s14, $0xb8;
	[tilespmem:$0x4080] =	vst v63  }
0x6b: {  	_ =	swait.ge [sflag:s13], $0x4000  }
0x6c: {  	[sflag:s13] =	ssyncset.done $0x0  }
0x6d: {  	[sflag:s13] =	ssyncadd.s32 $0xFFFFC000  }
0x6e: {  	[tilespmem:s4], [sflag:$0x2] =	stream.linear.gather [hbm4b:s19+s4], $0x80, $0x38;
	[tilespmem:$0x4080] =	vst v63  }
0x6f: {  	_ =	swait.ge [sflag:s6], $0x80  }
0x70: {  	[sflag:s6] =	ssyncset.done $0x0  }
0x71: {  	[sflag:s6] =	ssyncadd.s32 $0xFFFFFF80  }
0x72: {  	[tilespmem:s9], [sflag:$0x1] =	stream.indirect.gather @p0 [hbm4b:s2+s9], $0x80, s8, s9, $0xb8;
	[tilespmem:$0x4080] =	vst v63  }
0x73: {  	_ = 	snop  }
0x74: {  	[tilespmem:s11], [sflag:$0x2] =	stream.linear.gather @!p0 [hbm4b:s20+s10], $0x4000, $0x38;
	[tilespmem:$0x4080] =	vst v63  }
.Ltmp1:
0x75: {  	_ =	swait.ge [sflag:s12], $0x4000;
	(pc) =	sbr.rel @p1 .LBB2_1-.Ltmp1, $4  }
0x76: {  	[sflag:s12] =	ssyncset.done $0x0  }
0x77: {  	[sflag:s12] =	ssyncadd.s32 $0xFFFFC000  }
0x78: {  	[hbm4b:s3+s14] =	stream.indirect.scatter [tilespmem:s14], [sflag:$0x1], $0x80, s4, s14, $0xb8;
	[tilespmem:$0x4080] =	vst v63  }
0x79: {  	_ =	swait.ge [sflag:s13], $0x4000  }
.LBB2_2:
0x7a: {  	[sflag:s13] =	ssyncset.done $0x0  }
0x7b: {  	[sflag:s13] =	ssyncadd.s32 $0xFFFFC000  }
0x7c: {  	_ =	sfence.sel $0x180000  }
0x7d: {  	[bflag:$0x0] =	sbarrier.arrive $0xFFFF  }
0x7e: {  	p0 =	sne.s32 s1, $0x0;
	_ =	strace $0x90000047  }
0x7f: {  	s0 =	sadd.s32 @!p0 $0x100000, s0;
	[bflag:$0x2] =	sbarrier.arrive $0xFFFF  }
0x80: {  	[sflag:s0] =	ssyncadd.tile.s32 @!p0 $0x1;
	_ =	shalt  }
.Lfunc_end2:
_tile_overlayer_lowered:
.L_overlay_start_2:
0x81: {  	(tag) =	ssettag $0x2  }
0x82: {  	s0 =	rddreg [dreg:$0x0];
	s2 =	stileid.u32  }
0x83: {  	s1 =	rddreg [dreg:$0x1];
	p0 =	sne.s32 s2, $0x0  }
0x84: {  	s3 =	rddreg [dreg:$0x2];
	[bflag:$0x3] =	sbarrier.arrive $0xFFFF;
	s2 =	simm.s32 @!p0 $0x1C02  }
0x85: {  	[timem:s3], [sflag:s2] =	dma.local @!p0 [hbm:s0], s1  }
0x86: {  	s0 =	simm.s32 @!p0 $0x2  }
0x87: {  	_ =	swait.ge @!p0 [sflag:s0], s1  }
0x88: {  	s1 =	ssub.s32 @!p0 $0x0, s1;
	[sflag:s0] =	ssyncset.done @!p0 $0x0  }
0x89: {  	[sflag:s0] =	ssyncadd.s32 @!p0 s1  }
0x8a: {  	[bflag:$0x3] =	sbarrier.arrive $0xFFFF  }
0x8b: {  	_ =	shalt  }

</sc_bundles>
